<compile_context>
chip_gen: v7x
topology: tpu7x:2x2x1
jax: 0.10.2.dev20260603
libtpu: 0.0.44.dev20260713+nightly
codegen_flags: <defaults>
</compile_context>

<pallas_src>
import functools

import jax
import jax.numpy as jnp
from jax import lax
from jax.experimental import pallas as pl
from jax.experimental.pallas import tpu as pltpu
from jax.experimental.pallas import tpu_sc as plsc

D_MODEL = 64
SCALE = 8.0

_NUM_CORES = 2
_NUM_SUBCORES = 16
_NW = _NUM_CORES * _NUM_SUBCORES
_R = 4


def _emb_body(n_chunks, rows_per_w, seq, x_hbm, tab_hbm, out_hbm,
              idx_a, idx_b, rows_a, rows_b, gsem_a, gsem_b, isem_a, isem_b):
    wid = lax.axis_index("s") * _NUM_CORES + lax.axis_index("c")
    base = wid * rows_per_w

    def off(g):
        return base + g * _R

    def gather_start(idx_v, rows_v, sem):
        for r in range(_R):
            pltpu.async_copy(tab_hbm.at[idx_v.at[r]], rows_v.at[r], sem)

    def gather_wait(idx_v, rows_v, sem):
        for r in range(_R):
            pltpu.make_async_copy(
                tab_hbm.at[idx_v.at[r]], rows_v.at[r], sem).wait()

    def scale(rows):
        for r in range(_R):
            @pl.loop(0, seq, unroll=8)
            def _(i):
                for k in range(D_MODEL // 16):
                    sl = pl.ds(k * 16, 16)
                    rows[r, i, sl] = rows[r, i, sl] * SCALE

    pltpu.sync_copy(x_hbm.at[pl.ds(off(0), _R)], idx_a)
    gather_start(idx_a, rows_a, gsem_a)
    pltpu.async_copy(x_hbm.at[pl.ds(off(1), _R)], idx_b, isem_b)

    @pl.loop(0, n_chunks, step=2)
    def chunk_loop(g):
        bufs = (
            (idx_a, rows_a, gsem_a, isem_a, idx_b, rows_b, gsem_b, isem_b),
            (idx_b, rows_b, gsem_b, isem_b, idx_a, rows_a, gsem_a, isem_a),
        )
        for j, (idx_c, rows_c, gsem_c, isem_c,
                idx_o, rows_o, gsem_o, isem_o) in enumerate(bufs):
            cg = g + j
            gather_wait(idx_c, rows_c, gsem_c)

            @pl.when(cg + 2 < n_chunks)
            def _():
                pltpu.async_copy(
                    x_hbm.at[pl.ds(off(cg + 2), _R)], idx_c, isem_c)

            @pl.when(cg + 1 < n_chunks)
            def _():
                pltpu.make_async_copy(
                    x_hbm.at[pl.ds(off(cg + 1), _R)], idx_o, isem_o).wait()
                gather_start(idx_o, rows_o, gsem_o)

            scale(rows_c)
            pltpu.sync_copy(rows_c, out_hbm.at[pl.ds(off(cg), _R)])


def kernel(x, table):
    s0, seq = x.shape
    rows_per_w = s0 // _NW
    n_chunks = rows_per_w // _R
    assert n_chunks % 2 == 0
    mesh = plsc.VectorSubcoreMesh(
        core_axis_name="c", subcore_axis_name="s",
        num_cores=_NUM_CORES, num_subcores=_NUM_SUBCORES)
    out = pl.kernel(
        functools.partial(_emb_body, n_chunks, rows_per_w, seq),
        out_type=jax.ShapeDtypeStruct((s0, seq, D_MODEL), jnp.float32),
        mesh=mesh,
        scratch_types=[
            pltpu.VMEM((_R, seq), jnp.int32),
            pltpu.VMEM((_R, seq), jnp.int32),
            pltpu.VMEM((_R, seq, D_MODEL), jnp.float32),
            pltpu.VMEM((_R, seq, D_MODEL), jnp.float32),
            pltpu.SemaphoreType.DMA,
            pltpu.SemaphoreType.DMA,
            pltpu.SemaphoreType.DMA,
            pltpu.SemaphoreType.DMA,
        ],
        compiler_params=pltpu.CompilerParams(use_tc_tiling_on_sc=False),
    )(x, table)
    return out

# --- scband reference (transcript-rebuilt; emitter-appended) ---
"""Pipeline reference for scband-embeddings-47691316854797 (READ-ONLY COPY).

The authoritative reference and input builder live on the scoring server;
editing this copy changes nothing except your own understanding.
"""

import jax, jax.numpy as jnp
import numpy as np
import math

D_MODEL = 64
VOCAB_SIZE = 1000000

def setup_inputs(seed: int = 0) -> dict:
    key = jax.random.key(seed)
    k1, k2 = jax.random.split(key)
    x = jax.random.randint(k1, (16384, 200), 0, VOCAB_SIZE, dtype=jnp.int64 if jax.config.jax_enable_x64 else jnp.int32)
    table = jax.random.normal(k2, (VOCAB_SIZE, D_MODEL), dtype=jnp.float32)
    return {"x": x, "table": table}

def reference(x, table):
    # nn.Embedding lookup followed by scaling with sqrt(d_model)
    emb = jnp.take(table, x, axis=0)
    return emb * math.sqrt(D_MODEL)

if __name__ == "__main__":
    import jax
    _d = setup_inputs()
    print(jax.jit(kernel)(*tuple(_d.values())))

</pallas_src>

<mosaic_0001>
#map = affine_map<(d0, d1) -> (0, 0)>
#map1 = affine_map<(d0, d1) -> (0, 0, 0)>
module attributes {stable_mosaic.version = 14 : i64} {
  func.func @_emb_body(%arg0: i32, %arg1: i32, %arg2: memref<16384x200xi32, #tpu.memory_space<hbm>>, %arg3: memref<1000000x64xf32, #tpu.memory_space<hbm>>, %arg4: memref<16384x200x64xf32, #tpu.memory_space<hbm>>, %arg5: memref<4x200xi32, #tpu.memory_space<vmem>>, %arg6: memref<4x200xi32, #tpu.memory_space<vmem>>, %arg7: memref<4x200x64xf32, #tpu.memory_space<vmem>>, %arg8: memref<4x200x64xf32, #tpu.memory_space<vmem>>, %arg9: memref<!tpu.dma_semaphore, #tpu.memory_space<semaphore_mem>>, %arg10: memref<!tpu.dma_semaphore, #tpu.memory_space<semaphore_mem>>, %arg11: memref<!tpu.dma_semaphore, #tpu.memory_space<semaphore_mem>>, %arg12: memref<!tpu.dma_semaphore, #tpu.memory_space<semaphore_mem>>) attributes {dimension_semantics = [#tpu.dimension_semantics<core_parallel>, #tpu.dimension_semantics<subcore_parallel>], iteration_bounds = array<i64: 2, 16>, scalar_prefetch = 0 : i64, scratch_operands = 8 : i64, tpu.core_type = #tpu.core_type<sc_vector_subcore>, window_params = [{transform_indices = #map}, {transform_indices = #map}, {transform_indices = #map1}]} {
    %mul3A = arith.constant 2 : i32
    %mul3A_0 = arith.muli %arg1, %mul3A : i32
    %add3A = arith.addi %mul3A_0, %arg0 : i32
    %mul3A_1 = arith.constant 512 : i32
    %mul3A_2 = arith.muli %add3A, %mul3A_1 : i32
    %add3A_3 = arith.constant 0 : i32
    %add3A_4 = arith.addi %mul3A_2, %add3A_3 : i32
    "tpu.region"() ({
      %run_scoped3A = tpu.sem_alloc : memref<!tpu.dma_semaphore, #tpu.memory_space<semaphore_mem>>
      %dma_start3A_62 = arith.constant 0 : i32
      %dma_start3A_63 = tpu.memref_slice %arg2[%add3A_4, %dma_start3A_62] : memref<16384x200xi32, #tpu.memory_space<hbm>> -> memref<4x200xi32, #tpu.memory_space<hbm>>
      %dma_start3A_64 = arith.constant 0 : i32
      %dma_start3A_65 = tpu.memref_slice %arg2[%add3A_4, %dma_start3A_64] : memref<16384x200xi32, #tpu.memory_space<hbm>> -> memref<4x200xi32, #tpu.memory_space<hbm>>
      tpu.enqueue_dma source(%dma_start3A_65 : memref<4x200xi32, #tpu.memory_space<hbm>>) target(%arg5 : memref<4x200xi32, #tpu.memory_space<vmem>>) target_semaphore(%run_scoped3A : memref<!tpu.dma_semaphore, #tpu.memory_space<semaphore_mem>>)
      %dma_wait3A = arith.constant 0 : i32
      %dma_wait3A_66 = tpu.memref_slice %arg2[%add3A_4, %dma_wait3A] : memref<16384x200xi32, #tpu.memory_space<hbm>> -> memref<4x200xi32, #tpu.memory_space<hbm>>
      %dma_wait3A_67 = arith.constant 0 : i32
      %dma_wait3A_68 = tpu.memref_slice %arg2[%add3A_4, %dma_wait3A_67] : memref<16384x200xi32, #tpu.memory_space<hbm>> -> memref<4x200xi32, #tpu.memory_space<hbm>>
      tpu.wait_dma2 semaphore(%run_scoped3A : memref<!tpu.dma_semaphore, #tpu.memory_space<semaphore_mem>>) src(%dma_wait3A_68 : memref<4x200xi32, #tpu.memory_space<hbm>>) dst(%arg5 : memref<4x200xi32, #tpu.memory_space<vmem>>)
      tpu.yield
    }) : () -> ()
    %dma_start3A = arith.constant 0 : i32
    %dma_start3A_5 = arith.constant 0 : i32
    %dma_start3A_6 = arith.constant 0 : i32
    %dma_start3A_7 = arith.constant 0 : i32
    %dma_start3A_8 = tpu.memref_slice %arg7[%dma_start3A_5, %dma_start3A_6, %dma_start3A_7] : memref<4x200x64xf32, #tpu.memory_space<vmem>> -> memref<1x200x64xf32, #tpu.memory_space<vmem>>
    %dma_start3A_9 = tpu.memref_squeeze %dma_start3A_8 : memref<1x200x64xf32, #tpu.memory_space<vmem>> -> memref<200x64xf32, #tpu.memory_space<vmem>>
    %dma_start3A_10 = arith.constant 0 : i32
    %dma_start3A_11 = tpu.memref_slice %arg5[%dma_start3A, %dma_start3A_10] : memref<4x200xi32, #tpu.memory_space<vmem>> -> memref<1x200xi32, #tpu.memory_space<vmem>>
    %dma_start3A_12 = tpu.memref_squeeze %dma_start3A_11 : memref<1x200xi32, #tpu.memory_space<vmem>> -> memref<200xi32, #tpu.memory_space<vmem>>
    %dma_start3A_13 = arith.constant 0 : i32
    %dma_start3A_14 = arith.constant 0 : i32
    %dma_start3A_15 = tpu.memref_slice %arg3[%dma_start3A_13, %dma_start3A_14] : memref<1000000x64xf32, #tpu.memory_space<hbm>> -> memref<1000000x64xf32, #tpu.memory_space<hbm>>
    tpu.enqueue_indirect_dma source(%dma_start3A_15 : memref<1000000x64xf32, #tpu.memory_space<hbm>>) target(%dma_start3A_9 : memref<200x64xf32, #tpu.memory_space<vmem>>) offsets(%dma_start3A_12 : memref<200xi32, #tpu.memory_space<vmem>>) semaphore(%arg9 : memref<!tpu.dma_semaphore, #tpu.memory_space<semaphore_mem>>)
    %dma_start3A_16 = arith.constant 1 : i32
    %dma_start3A_17 = arith.constant 1 : i32
    %dma_start3A_18 = arith.constant 0 : i32
    %dma_start3A_19 = arith.constant 0 : i32
    %dma_start3A_20 = tpu.memref_slice %arg7[%dma_start3A_17, %dma_start3A_18, %dma_start3A_19] : memref<4x200x64xf32, #tpu.memory_space<vmem>> -> memref<1x200x64xf32, #tpu.memory_space<vmem>>
    %dma_start3A_21 = tpu.memref_squeeze %dma_start3A_20 : memref<1x200x64xf32, #tpu.memory_space<vmem>> -> memref<200x64xf32, #tpu.memory_space<vmem>>
    %dma_start3A_22 = arith.constant 0 : i32
    %dma_start3A_23 = tpu.memref_slice %arg5[%dma_start3A_16, %dma_start3A_22] : memref<4x200xi32, #tpu.memory_space<vmem>> -> memref<1x200xi32, #tpu.memory_space<vmem>>
    %dma_start3A_24 = tpu.memref_squeeze %dma_start3A_23 : memref<1x200xi32, #tpu.memory_space<vmem>> -> memref<200xi32, #tpu.memory_space<vmem>>
    %dma_start3A_25 = arith.constant 0 : i32
    %dma_start3A_26 = arith.constant 0 : i32
    %dma_start3A_27 = tpu.memref_slice %arg3[%dma_start3A_25, %dma_start3A_26] : memref<1000000x64xf32, #tpu.memory_space<hbm>> -> memref<1000000x64xf32, #tpu.memory_space<hbm>>
    tpu.enqueue_indirect_dma source(%dma_start3A_27 : memref<1000000x64xf32, #tpu.memory_space<hbm>>) target(%dma_start3A_21 : memref<200x64xf32, #tpu.memory_space<vmem>>) offsets(%dma_start3A_24 : memref<200xi32, #tpu.memory_space<vmem>>) semaphore(%arg9 : memref<!tpu.dma_semaphore, #tpu.memory_space<semaphore_mem>>)
    %dma_start3A_28 = arith.constant 2 : i32
    %dma_start3A_29 = arith.constant 2 : i32
    %dma_start3A_30 = arith.constant 0 : i32
    %dma_start3A_31 = arith.constant 0 : i32
    %dma_start3A_32 = tpu.memref_slice %arg7[%dma_start3A_29, %dma_start3A_30, %dma_start3A_31] : memref<4x200x64xf32, #tpu.memory_space<vmem>> -> memref<1x200x64xf32, #tpu.memory_space<vmem>>
    %dma_start3A_33 = tpu.memref_squeeze %dma_start3A_32 : memref<1x200x64xf32, #tpu.memory_space<vmem>> -> memref<200x64xf32, #tpu.memory_space<vmem>>
    %dma_start3A_34 = arith.constant 0 : i32
    %dma_start3A_35 = tpu.memref_slice %arg5[%dma_start3A_28, %dma_start3A_34] : memref<4x200xi32, #tpu.memory_space<vmem>> -> memref<1x200xi32, #tpu.memory_space<vmem>>
    %dma_start3A_36 = tpu.memref_squeeze %dma_start3A_35 : memref<1x200xi32, #tpu.memory_space<vmem>> -> memref<200xi32, #tpu.memory_space<vmem>>
    %dma_start3A_37 = arith.constant 0 : i32
    %dma_start3A_38 = arith.constant 0 : i32
    %dma_start3A_39 = tpu.memref_slice %arg3[%dma_start3A_37, %dma_start3A_38] : memref<1000000x64xf32, #tpu.memory_space<hbm>> -> memref<1000000x64xf32, #tpu.memory_space<hbm>>
    tpu.enqueue_indirect_dma source(%dma_start3A_39 : memref<1000000x64xf32, #tpu.memory_space<hbm>>) target(%dma_start3A_33 : memref<200x64xf32, #tpu.memory_space<vmem>>) offsets(%dma_start3A_36 : memref<200xi32, #tpu.memory_space<vmem>>) semaphore(%arg9 : memref<!tpu.dma_semaphore, #tpu.memory_space<semaphore_mem>>)
    %dma_start3A_40 = arith.constant 3 : i32
    %dma_start3A_41 = arith.constant 3 : i32
    %dma_start3A_42 = arith.constant 0 : i32
    %dma_start3A_43 = arith.constant 0 : i32
    %dma_start3A_44 = tpu.memref_slice %arg7[%dma_start3A_41, %dma_start3A_42, %dma_start3A_43] : memref<4x200x64xf32, #tpu.memory_space<vmem>> -> memref<1x200x64xf32, #tpu.memory_space<vmem>>
    %dma_start3A_45 = tpu.memref_squeeze %dma_start3A_44 : memref<1x200x64xf32, #tpu.memory_space<vmem>> -> memref<200x64xf32, #tpu.memory_space<vmem>>
    %dma_start3A_46 = arith.constant 0 : i32
    %dma_start3A_47 = tpu.memref_slice %arg5[%dma_start3A_40, %dma_start3A_46] : memref<4x200xi32, #tpu.memory_space<vmem>> -> memref<1x200xi32, #tpu.memory_space<vmem>>
    %dma_start3A_48 = tpu.memref_squeeze %dma_start3A_47 : memref<1x200xi32, #tpu.memory_space<vmem>> -> memref<200xi32, #tpu.memory_space<vmem>>
    %dma_start3A_49 = arith.constant 0 : i32
    %dma_start3A_50 = arith.constant 0 : i32
    %dma_start3A_51 = tpu.memref_slice %arg3[%dma_start3A_49, %dma_start3A_50] : memref<1000000x64xf32, #tpu.memory_space<hbm>> -> memref<1000000x64xf32, #tpu.memory_space<hbm>>
    tpu.enqueue_indirect_dma source(%dma_start3A_51 : memref<1000000x64xf32, #tpu.memory_space<hbm>>) target(%dma_start3A_45 : memref<200x64xf32, #tpu.memory_space<vmem>>) offsets(%dma_start3A_48 : memref<200xi32, #tpu.memory_space<vmem>>) semaphore(%arg9 : memref<!tpu.dma_semaphore, #tpu.memory_space<semaphore_mem>>)
    %add3A_52 = arith.constant 4 : i32
    %add3A_53 = arith.addi %mul3A_2, %add3A_52 : i32
    %dma_start3A_54 = arith.constant 0 : i32
    %dma_start3A_55 = tpu.memref_slice %arg2[%add3A_53, %dma_start3A_54] : memref<16384x200xi32, #tpu.memory_space<hbm>> -> memref<4x200xi32, #tpu.memory_space<hbm>>
    %dma_start3A_56 = arith.constant 0 : i32
    %dma_start3A_57 = tpu.memref_slice %arg2[%add3A_53, %dma_start3A_56] : memref<16384x200xi32, #tpu.memory_space<hbm>> -> memref<4x200xi32, #tpu.memory_space<hbm>>
    tpu.enqueue_dma source(%dma_start3A_57 : memref<4x200xi32, #tpu.memory_space<hbm>>) target(%arg6 : memref<4x200xi32, #tpu.memory_space<vmem>>) target_semaphore(%arg12 : memref<!tpu.dma_semaphore, #tpu.memory_space<semaphore_mem>>)
    %scan3A = arith.constant 0 : i32
    %scan3A_58 = arith.constant 64 : i32
    %scan3A_59 = arith.addi %scan3A, %scan3A_58 : i32
    %scan3A_60 = arith.constant 1 : i32
    scf.for %scan3A_62 = %scan3A to %scan3A_59 step %scan3A_60  : i32 {
      %mul3A_63 = arith.constant 2 : i32
      %mul3A_64 = arith.muli %scan3A_62, %mul3A_63 : i32
      %add3A_65 = arith.constant 0 : i32
      %add3A_66 = arith.addi %add3A_65, %mul3A_64 : i32
      %add3A_67 = arith.constant 0 : i32
      %add3A_68 = arith.addi %add3A_66, %add3A_67 : i32
      %dma_wait3A = arith.constant 0 : i32
      %dma_wait3A_69 = arith.constant 0 : i32
      %dma_wait3A_70 = arith.constant 0 : i32
      %dma_wait3A_71 = arith.constant 0 : i32
      %dma_wait3A_72 = tpu.memref_slice %arg7[%dma_wait3A_69, %dma_wait3A_70, %dma_wait3A_71] : memref<4x200x64xf32, #tpu.memory_space<vmem>> -> memref<1x200x64xf32, #tpu.memory_space<vmem>>
      %dma_wait3A_73 = tpu.memref_squeeze %dma_wait3A_72 : memref<1x200x64xf32, #tpu.memory_space<vmem>> -> memref<200x64xf32, #tpu.memory_space<vmem>>
      %dma_wait3A_74 = arith.constant 0 : i32
      %dma_wait3A_75 = tpu.memref_slice %arg5[%dma_wait3A, %dma_wait3A_74] : memref<4x200xi32, #tpu.memory_space<vmem>> -> memref<1x200xi32, #tpu.memory_space<vmem>>
      %dma_wait3A_76 = tpu.memref_squeeze %dma_wait3A_75 : memref<1x200xi32, #tpu.memory_space<vmem>> -> memref<200xi32, #tpu.memory_space<vmem>>
      %dma_wait3A_77 = arith.constant 0 : i32
      %dma_wait3A_78 = arith.constant 0 : i32
      %dma_wait3A_79 = tpu.memref_slice %arg3[%dma_wait3A_77, %dma_wait3A_78] : memref<1000000x64xf32, #tpu.memory_space<hbm>> -> memref<1000000x64xf32, #tpu.memory_space<hbm>>
      tpu.wait_indirect_dma semaphore(%arg9 : memref<!tpu.dma_semaphore, #tpu.memory_space<semaphore_mem>>) src(%dma_wait3A_79 : memref<1000000x64xf32, #tpu.memory_space<hbm>>) dst(%dma_wait3A_73 : memref<200x64xf32, #tpu.memory_space<vmem>>)
      %dma_wait3A_80 = arith.constant 1 : i32
      %dma_wait3A_81 = arith.constant 1 : i32
      %dma_wait3A_82 = arith.constant 0 : i32
      %dma_wait3A_83 = arith.constant 0 : i32
      %dma_wait3A_84 = tpu.memref_slice %arg7[%dma_wait3A_81, %dma_wait3A_82, %dma_wait3A_83] : memref<4x200x64xf32, #tpu.memory_space<vmem>> -> memref<1x200x64xf32, #tpu.memory_space<vmem>>
      %dma_wait3A_85 = tpu.memref_squeeze %dma_wait3A_84 : memref<1x200x64xf32, #tpu.memory_space<vmem>> -> memref<200x64xf32, #tpu.memory_space<vmem>>
      %dma_wait3A_86 = arith.constant 0 : i32
      %dma_wait3A_87 = tpu.memref_slice %arg5[%dma_wait3A_80, %dma_wait3A_86] : memref<4x200xi32, #tpu.memory_space<vmem>> -> memref<1x200xi32, #tpu.memory_space<vmem>>
      %dma_wait3A_88 = tpu.memref_squeeze %dma_wait3A_87 : memref<1x200xi32, #tpu.memory_space<vmem>> -> memref<200xi32, #tpu.memory_space<vmem>>
      %dma_wait3A_89 = arith.constant 0 : i32
      %dma_wait3A_90 = arith.constant 0 : i32
      %dma_wait3A_91 = tpu.memref_slice %arg3[%dma_wait3A_89, %dma_wait3A_90] : memref<1000000x64xf32, #tpu.memory_space<hbm>> -> memref<1000000x64xf32, #tpu.memory_space<hbm>>
      tpu.wait_indirect_dma semaphore(%arg9 : memref<!tpu.dma_semaphore, #tpu.memory_space<semaphore_mem>>) src(%dma_wait3A_91 : memref<1000000x64xf32, #tpu.memory_space<hbm>>) dst(%dma_wait3A_85 : memref<200x64xf32, #tpu.memory_space<vmem>>)
      %dma_wait3A_92 = arith.constant 2 : i32
      %dma_wait3A_93 = arith.constant 2 : i32
      %dma_wait3A_94 = arith.constant 0 : i32
      %dma_wait3A_95 = arith.constant 0 : i32
      %dma_wait3A_96 = tpu.memref_slice %arg7[%dma_wait3A_93, %dma_wait3A_94, %dma_wait3A_95] : memref<4x200x64xf32, #tpu.memory_space<vmem>> -> memref<1x200x64xf32, #tpu.memory_space<vmem>>
      %dma_wait3A_97 = tpu.memref_squeeze %dma_wait3A_96 : memref<1x200x64xf32, #tpu.memory_space<vmem>> -> memref<200x64xf32, #tpu.memory_space<vmem>>
      %dma_wait3A_98 = arith.constant 0 : i32
      %dma_wait3A_99 = tpu.memref_slice %arg5[%dma_wait3A_92, %dma_wait3A_98] : memref<4x200xi32, #tpu.memory_space<vmem>> -> memref<1x200xi32, #tpu.memory_space<vmem>>
      %dma_wait3A_100 = tpu.memref_squeeze %dma_wait3A_99 : memref<1x200xi32, #tpu.memory_space<vmem>> -> memref<200xi32, #tpu.memory_space<vmem>>
      %dma_wait3A_101 = arith.constant 0 : i32
      %dma_wait3A_102 = arith.constant 0 : i32
      %dma_wait3A_103 = tpu.memref_slice %arg3[%dma_wait3A_101, %dma_wait3A_102] : memref<1000000x64xf32, #tpu.memory_space<hbm>> -> memref<1000000x64xf32, #tpu.memory_space<hbm>>
      tpu.wait_indirect_dma semaphore(%arg9 : memref<!tpu.dma_semaphore, #tpu.memory_space<semaphore_mem>>) src(%dma_wait3A_103 : memref<1000000x64xf32, #tpu.memory_space<hbm>>) dst(%dma_wait3A_97 : memref<200x64xf32, #tpu.memory_space<vmem>>)
      %dma_wait3A_104 = arith.constant 3 : i32
      %dma_wait3A_105 = arith.constant 3 : i32
      %dma_wait3A_106 = arith.constant 0 : i32
      %dma_wait3A_107 = arith.constant 0 : i32
      %dma_wait3A_108 = tpu.memref_slice %arg7[%dma_wait3A_105, %dma_wait3A_106, %dma_wait3A_107] : memref<4x200x64xf32, #tpu.memory_space<vmem>> -> memref<1x200x64xf32, #tpu.memory_space<vmem>>
      %dma_wait3A_109 = tpu.memref_squeeze %dma_wait3A_108 : memref<1x200x64xf32, #tpu.memory_space<vmem>> -> memref<200x64xf32, #tpu.memory_space<vmem>>
      %dma_wait3A_110 = arith.constant 0 : i32
      %dma_wait3A_111 = tpu.memref_slice %arg5[%dma_wait3A_104, %dma_wait3A_110] : memref<4x200xi32, #tpu.memory_space<vmem>> -> memref<1x200xi32, #tpu.memory_space<vmem>>
      %dma_wait3A_112 = tpu.memref_squeeze %dma_wait3A_111 : memref<1x200xi32, #tpu.memory_space<vmem>> -> memref<200xi32, #tpu.memory_space<vmem>>
      %dma_wait3A_113 = arith.constant 0 : i32
      %dma_wait3A_114 = arith.constant 0 : i32
      %dma_wait3A_115 = tpu.memref_slice %arg3[%dma_wait3A_113, %dma_wait3A_114] : memref<1000000x64xf32, #tpu.memory_space<hbm>> -> memref<1000000x64xf32, #tpu.memory_space<hbm>>
      tpu.wait_indirect_dma semaphore(%arg9 : memref<!tpu.dma_semaphore, #tpu.memory_space<semaphore_mem>>) src(%dma_wait3A_115 : memref<1000000x64xf32, #tpu.memory_space<hbm>>) dst(%dma_wait3A_109 : memref<200x64xf32, #tpu.memory_space<vmem>>)
      %add3A_116 = arith.constant 2 : i32
      %add3A_117 = arith.addi %add3A_68, %add3A_116 : i32
      %lt3A = arith.constant 128 : i32
      %lt3A_118 = arith.cmpi slt, %add3A_117, %lt3A : i32
      %convert_element_type3A = arith.extui %lt3A_118 : i1 to i32
      %cond3A = arith.constant 0 : i32
      %cond3A_119 = arith.cmpi ne, %convert_element_type3A, %cond3A : i32
      scf.if %cond3A_119 {
        %add3A_237 = arith.constant 2 : i32
        %add3A_238 = arith.addi %add3A_68, %add3A_237 : i32
        %mul3A_239 = arith.constant 4 : i32
        %mul3A_240 = arith.muli %add3A_238, %mul3A_239 : i32
        %add3A_241 = arith.addi %mul3A_2, %mul3A_240 : i32
        %dma_start3A_242 = arith.constant 0 : i32
        %dma_start3A_243 = tpu.memref_slice %arg2[%add3A_241, %dma_start3A_242] : memref<16384x200xi32, #tpu.memory_space<hbm>> -> memref<4x200xi32, #tpu.memory_space<hbm>>
        %dma_start3A_244 = arith.constant 0 : i32
        %dma_start3A_245 = tpu.memref_slice %arg2[%add3A_241, %dma_start3A_244] : memref<16384x200xi32, #tpu.memory_space<hbm>> -> memref<4x200xi32, #tpu.memory_space<hbm>>
        tpu.enqueue_dma source(%dma_start3A_245 : memref<4x200xi32, #tpu.memory_space<hbm>>) target(%arg5 : memref<4x200xi32, #tpu.memory_space<vmem>>) target_semaphore(%arg11 : memref<!tpu.dma_semaphore, #tpu.memory_space<semaphore_mem>>)
      } else {
      }
      %add3A_120 = arith.constant 1 : i32
      %add3A_121 = arith.addi %add3A_68, %add3A_120 : i32
      %lt3A_122 = arith.constant 128 : i32
      %lt3A_123 = arith.cmpi slt, %add3A_121, %lt3A_122 : i32
      %convert_element_type3A_124 = arith.extui %lt3A_123 : i1 to i32
      %cond3A_125 = arith.constant 0 : i32
      %cond3A_126 = arith.cmpi ne, %convert_element_type3A_124, %cond3A_125 : i32
      scf.if %cond3A_126 {
        %add3A_237 = arith.constant 1 : i32
        %add3A_238 = arith.addi %add3A_68, %add3A_237 : i32
        %mul3A_239 = arith.constant 4 : i32
        %mul3A_240 = arith.muli %add3A_238, %mul3A_239 : i32
        %add3A_241 = arith.addi %mul3A_2, %mul3A_240 : i32
        %dma_wait3A_242 = arith.constant 0 : i32
        %dma_wait3A_243 = tpu.memref_slice %arg2[%add3A_241, %dma_wait3A_242] : memref<16384x200xi32, #tpu.memory_space<hbm>> -> memref<4x200xi32, #tpu.memory_space<hbm>>
        %dma_wait3A_244 = arith.constant 0 : i32
        %dma_wait3A_245 = tpu.memref_slice %arg2[%add3A_241, %dma_wait3A_244] : memref<16384x200xi32, #tpu.memory_space<hbm>> -> memref<4x200xi32, #tpu.memory_space<hbm>>
        tpu.wait_dma2 semaphore(%arg12 : memref<!tpu.dma_semaphore, #tpu.memory_space<semaphore_mem>>) src(%dma_wait3A_245 : memref<4x200xi32, #tpu.memory_space<hbm>>) dst(%arg6 : memref<4x200xi32, #tpu.memory_space<vmem>>)
        %dma_start3A_246 = arith.constant 0 : i32
        %dma_start3A_247 = arith.constant 0 : i32
        %dma_start3A_248 = arith.constant 0 : i32
        %dma_start3A_249 = arith.constant 0 : i32
        %dma_start3A_250 = tpu.memref_slice %arg8[%dma_start3A_247, %dma_start3A_248, %dma_start3A_249] : memref<4x200x64xf32, #tpu.memory_space<vmem>> -> memref<1x200x64xf32, #tpu.memory_space<vmem>>
        %dma_start3A_251 = tpu.memref_squeeze %dma_start3A_250 : memref<1x200x64xf32, #tpu.memory_space<vmem>> -> memref<200x64xf32, #tpu.memory_space<vmem>>
        %dma_start3A_252 = arith.constant 0 : i32
        %dma_start3A_253 = tpu.memref_slice %arg6[%dma_start3A_246, %dma_start3A_252] : memref<4x200xi32, #tpu.memory_space<vmem>> -> memref<1x200xi32, #tpu.memory_space<vmem>>
        %dma_start3A_254 = tpu.memref_squeeze %dma_start3A_253 : memref<1x200xi32, #tpu.memory_space<vmem>> -> memref<200xi32, #tpu.memory_space<vmem>>
        %dma_start3A_255 = arith.constant 0 : i32
        %dma_start3A_256 = arith.constant 0 : i32
        %dma_start3A_257 = tpu.memref_slice %arg3[%dma_start3A_255, %dma_start3A_256] : memref<1000000x64xf32, #tpu.memory_space<hbm>> -> memref<1000000x64xf32, #tpu.memory_space<hbm>>
        tpu.enqueue_indirect_dma source(%dma_start3A_257 : memref<1000000x64xf32, #tpu.memory_space<hbm>>) target(%dma_start3A_251 : memref<200x64xf32, #tpu.memory_space<vmem>>) offsets(%dma_start3A_254 : memref<200xi32, #tpu.memory_space<vmem>>) semaphore(%arg10 : memref<!tpu.dma_semaphore, #tpu.memory_space<semaphore_mem>>)
        %dma_start3A_258 = arith.constant 1 : i32
        %dma_start3A_259 = arith.constant 1 : i32
        %dma_start3A_260 = arith.constant 0 : i32
        %dma_start3A_261 = arith.constant 0 : i32
        %dma_start3A_262 = tpu.memref_slice %arg8[%dma_start3A_259, %dma_start3A_260, %dma_start3A_261] : memref<4x200x64xf32, #tpu.memory_space<vmem>> -> memref<1x200x64xf32, #tpu.memory_space<vmem>>
        %dma_start3A_263 = tpu.memref_squeeze %dma_start3A_262 : memref<1x200x64xf32, #tpu.memory_space<vmem>> -> memref<200x64xf32, #tpu.memory_space<vmem>>
        %dma_start3A_264 = arith.constant 0 : i32
        %dma_start3A_265 = tpu.memref_slice %arg6[%dma_start3A_258, %dma_start3A_264] : memref<4x200xi32, #tpu.memory_space<vmem>> -> memref<1x200xi32, #tpu.memory_space<vmem>>
        %dma_start3A_266 = tpu.memref_squeeze %dma_start3A_265 : memref<1x200xi32, #tpu.memory_space<vmem>> -> memref<200xi32, #tpu.memory_space<vmem>>
        %dma_start3A_267 = arith.constant 0 : i32
        %dma_start3A_268 = arith.constant 0 : i32
        %dma_start3A_269 = tpu.memref_slice %arg3[%dma_start3A_267, %dma_start3A_268] : memref<1000000x64xf32, #tpu.memory_space<hbm>> -> memref<1000000x64xf32, #tpu.memory_space<hbm>>
        tpu.enqueue_indirect_dma source(%dma_start3A_269 : memref<1000000x64xf32, #tpu.memory_space<hbm>>) target(%dma_start3A_263 : memref<200x64xf32, #tpu.memory_space<vmem>>) offsets(%dma_start3A_266 : memref<200xi32, #tpu.memory_space<vmem>>) semaphore(%arg10 : memref<!tpu.dma_semaphore, #tpu.memory_space<semaphore_mem>>)
        %dma_start3A_270 = arith.constant 2 : i32
        %dma_start3A_271 = arith.constant 2 : i32
        %dma_start3A_272 = arith.constant 0 : i32
        %dma_start3A_273 = arith.constant 0 : i32
        %dma_start3A_274 = tpu.memref_slice %arg8[%dma_start3A_271, %dma_start3A_272, %dma_start3A_273] : memref<4x200x64xf32, #tpu.memory_space<vmem>> -> memref<1x200x64xf32, #tpu.memory_space<vmem>>
        %dma_start3A_275 = tpu.memref_squeeze %dma_start3A_274 : memref<1x200x64xf32, #tpu.memory_space<vmem>> -> memref<200x64xf32, #tpu.memory_space<vmem>>
        %dma_start3A_276 = arith.constant 0 : i32
        %dma_start3A_277 = tpu.memref_slice %arg6[%dma_start3A_270, %dma_start3A_276] : memref<4x200xi32, #tpu.memory_space<vmem>> -> memref<1x200xi32, #tpu.memory_space<vmem>>
        %dma_start3A_278 = tpu.memref_squeeze %dma_start3A_277 : memref<1x200xi32, #tpu.memory_space<vmem>> -> memref<200xi32, #tpu.memory_space<vmem>>
        %dma_start3A_279 = arith.constant 0 : i32
        %dma_start3A_280 = arith.constant 0 : i32
        %dma_start3A_281 = tpu.memref_slice %arg3[%dma_start3A_279, %dma_start3A_280] : memref<1000000x64xf32, #tpu.memory_space<hbm>> -> memref<1000000x64xf32, #tpu.memory_space<hbm>>
        tpu.enqueue_indirect_dma source(%dma_start3A_281 : memref<1000000x64xf32, #tpu.memory_space<hbm>>) target(%dma_start3A_275 : memref<200x64xf32, #tpu.memory_space<vmem>>) offsets(%dma_start3A_278 : memref<200xi32, #tpu.memory_space<vmem>>) semaphore(%arg10 : memref<!tpu.dma_semaphore, #tpu.memory_space<semaphore_mem>>)
        %dma_start3A_282 = arith.constant 3 : i32
        %dma_start3A_283 = arith.constant 3 : i32
        %dma_start3A_284 = arith.constant 0 : i32
        %dma_start3A_285 = arith.constant 0 : i32
        %dma_start3A_286 = tpu.memref_slice %arg8[%dma_start3A_283, %dma_start3A_284, %dma_start3A_285] : memref<4x200x64xf32, #tpu.memory_space<vmem>> -> memref<1x200x64xf32, #tpu.memory_space<vmem>>
        %dma_start3A_287 = tpu.memref_squeeze %dma_start3A_286 : memref<1x200x64xf32, #tpu.memory_space<vmem>> -> memref<200x64xf32, #tpu.memory_space<vmem>>
        %dma_start3A_288 = arith.constant 0 : i32
        %dma_start3A_289 = tpu.memref_slice %arg6[%dma_start3A_282, %dma_start3A_288] : memref<4x200xi32, #tpu.memory_space<vmem>> -> memref<1x200xi32, #tpu.memory_space<vmem>>
        %dma_start3A_290 = tpu.memref_squeeze %dma_start3A_289 : memref<1x200xi32, #tpu.memory_space<vmem>> -> memref<200xi32, #tpu.memory_space<vmem>>
        %dma_start3A_291 = arith.constant 0 : i32
        %dma_start3A_292 = arith.constant 0 : i32
        %dma_start3A_293 = tpu.memref_slice %arg3[%dma_start3A_291, %dma_start3A_292] : memref<1000000x64xf32, #tpu.memory_space<hbm>> -> memref<1000000x64xf32, #tpu.memory_space<hbm>>
        tpu.enqueue_indirect_dma source(%dma_start3A_293 : memref<1000000x64xf32, #tpu.memory_space<hbm>>) target(%dma_start3A_287 : memref<200x64xf32, #tpu.memory_space<vmem>>) offsets(%dma_start3A_290 : memref<200xi32, #tpu.memory_space<vmem>>) semaphore(%arg10 : memref<!tpu.dma_semaphore, #tpu.memory_space<semaphore_mem>>)
      } else {
      }
      %scan3A_127 = arith.constant 0 : i32
      %scan3A_128 = arith.constant 200 : i32
      %scan3A_129 = arith.addi %scan3A_127, %scan3A_128 : i32
      %scan3A_130 = arith.constant 8 : i32
      scf.for %scan3A_237 = %scan3A_127 to %scan3A_129 step %scan3A_130  : i32 {
        %mul3A_238 = arith.constant 1 : i32
        %mul3A_239 = arith.muli %scan3A_237, %mul3A_238 : i32
        %add3A_240 = arith.constant 0 : i32
        %add3A_241 = arith.addi %add3A_240, %mul3A_239 : i32
        %get3A = arith.constant 0 : i32
        %get3A_242 = arith.index_cast %get3A : i32 to index
        %get3A_243 = arith.index_cast %add3A_241 : i32 to index
        %get3A_244 = arith.constant 0 : index
        %get3A_245 = tpu.vector_load %arg7[%get3A_242, %get3A_243, %get3A_244] {strides = array<i32>} : memref<4x200x64xf32, #tpu.memory_space<vmem>>, vector<1x1x16xf32>,
        %get3A_246 = vector.shape_cast %get3A_245 : vector<1x1x16xf32> to vector<16xf32>
        %mul3A_247 = arith.constant 8.000000e+00 : f32
        %mul3A_248 = vector.broadcast %mul3A_247 : f32 to vector<16xf32>
        %mul3A_249 = arith.mulf %get3A_246, %mul3A_248 : vector<16xf32>
        %swap3A = arith.constant 0 : i32
        %swap3A_250 = arith.index_cast %swap3A : i32 to index
        %swap3A_251 = arith.index_cast %add3A_241 : i32 to index
        %swap3A_252 = arith.constant 0 : index
        %swap3A_253 = tpu.vector_load %arg7[%swap3A_250, %swap3A_251, %swap3A_252] {strides = array<i32>} : memref<4x200x64xf32, #tpu.memory_space<vmem>>, vector<1x1x16xf32>,
        %swap3A_254 = vector.shape_cast %swap3A_253 : vector<1x1x16xf32> to vector<16xf32>
        %swap3A_255 = vector.shape_cast %mul3A_249 : vector<16xf32> to vector<1x1x16xf32>
        tpu.vector_store %arg7[%swap3A_250, %swap3A_251, %swap3A_252], %swap3A_255 {strides = array<i32>} : memref<4x200x64xf32, #tpu.memory_space<vmem>>, vector<1x1x16xf32>,
        %get3A_256 = arith.constant 0 : i32
        %get3A_257 = arith.index_cast %get3A_256 : i32 to index
        %get3A_258 = arith.index_cast %add3A_241 : i32 to index
        %get3A_259 = arith.constant 16 : index
        %get3A_260 = tpu.vector_load %arg7[%get3A_257, %get3A_258, %get3A_259] {strides = array<i32>} : memref<4x200x64xf32, #tpu.memory_space<vmem>>, vector<1x1x16xf32>,
        %get3A_261 = vector.shape_cast %get3A_260 : vector<1x1x16xf32> to vector<16xf32>
        %mul3A_262 = arith.constant 8.000000e+00 : f32
        %mul3A_263 = vector.broadcast %mul3A_262 : f32 to vector<16xf32>
        %mul3A_264 = arith.mulf %get3A_261, %mul3A_263 : vector<16xf32>
        %swap3A_265 = arith.constant 0 : i32
        %swap3A_266 = arith.index_cast %swap3A_265 : i32 to index
        %swap3A_267 = arith.index_cast %add3A_241 : i32 to index
        %swap3A_268 = arith.constant 16 : index
        %swap3A_269 = tpu.vector_load %arg7[%swap3A_266, %swap3A_267, %swap3A_268] {strides = array<i32>} : memref<4x200x64xf32, #tpu.memory_space<vmem>>, vector<1x1x16xf32>,
        %swap3A_270 = vector.shape_cast %swap3A_269 : vector<1x1x16xf32> to vector<16xf32>
        %swap3A_271 = vector.shape_cast %mul3A_264 : vector<16xf32> to vector<1x1x16xf32>
        tpu.vector_store %arg7[%swap3A_266, %swap3A_267, %swap3A_268], %swap3A_271 {strides = array<i32>} : memref<4x200x64xf32, #tpu.memory_space<vmem>>, vector<1x1x16xf32>,
        %get3A_272 = arith.constant 0 : i32
        %get3A_273 = arith.index_cast %get3A_272 : i32 to index
        %get3A_274 = arith.index_cast %add3A_241 : i32 to index
        %get3A_275 = arith.constant 32 : index
        %get3A_276 = tpu.vector_load %arg7[%get3A_273, %get3A_274, %get3A_275] {strides = array<i32>} : memref<4x200x64xf32, #tpu.memory_space<vmem>>, vector<1x1x16xf32>,
        %get3A_277 = vector.shape_cast %get3A_276 : vector<1x1x16xf32> to vector<16xf32>
        %mul3A_278 = arith.constant 8.000000e+00 : f32
        %mul3A_279 = vector.broadcast %mul3A_278 : f32 to vector<16xf32>
        %mul3A_280 = arith.mulf %get3A_277, %mul3A_279 : vector<16xf32>
        %swap3A_281 = arith.constant 0 : i32
        %swap3A_282 = arith.index_cast %swap3A_281 : i32 to index
        %swap3A_283 = arith.index_cast %add3A_241 : i32 to index
        %swap3A_284 = arith.constant 32 : index
        %swap3A_285 = tpu.vector_load %arg7[%swap3A_282, %swap3A_283, %swap3A_284] {strides = array<i32>} : memref<4x200x64xf32, #tpu.memory_space<vmem>>, vector<1x1x16xf32>,
        %swap3A_286 = vector.shape_cast %swap3A_285 : vector<1x1x16xf32> to vector<16xf32>
        %swap3A_287 = vector.shape_cast %mul3A_280 : vector<16xf32> to vector<1x1x16xf32>
        tpu.vector_store %arg7[%swap3A_282, %swap3A_283, %swap3A_284], %swap3A_287 {strides = array<i32>} : memref<4x200x64xf32, #tpu.memory_space<vmem>>, vector<1x1x16xf32>,
        %get3A_288 = arith.constant 0 : i32
        %get3A_289 = arith.index_cast %get3A_288 : i32 to index
        %get3A_290 = arith.index_cast %add3A_241 : i32 to index
        %get3A_291 = arith.constant 48 : index
        %get3A_292 = tpu.vector_load %arg7[%get3A_289, %get3A_290, %get3A_291] {strides = array<i32>} : memref<4x200x64xf32, #tpu.memory_space<vmem>>, vector<1x1x16xf32>,
        %get3A_293 = vector.shape_cast %get3A_292 : vector<1x1x16xf32> to vector<16xf32>
        %mul3A_294 = arith.constant 8.000000e+00 : f32
        %mul3A_295 = vector.broadcast %mul3A_294 : f32 to vector<16xf32>
        %mul3A_296 = arith.mulf %get3A_293, %mul3A_295 : vector<16xf32>
        %swap3A_297 = arith.constant 0 : i32
        %swap3A_298 = arith.index_cast %swap3A_297 : i32 to index
        %swap3A_299 = arith.index_cast %add3A_241 : i32 to index
        %swap3A_300 = arith.constant 48 : index
        %swap3A_301 = tpu.vector_load %arg7[%swap3A_298, %swap3A_299, %swap3A_300] {strides = array<i32>} : memref<4x200x64xf32, #tpu.memory_space<vmem>>, vector<1x1x16xf32>,
        %swap3A_302 = vector.shape_cast %swap3A_301 : vector<1x1x16xf32> to vector<16xf32>
        %swap3A_303 = vector.shape_cast %mul3A_296 : vector<16xf32> to vector<1x1x16xf32>
        tpu.vector_store %arg7[%swap3A_298, %swap3A_299, %swap3A_300], %swap3A_303 {strides = array<i32>} : memref<4x200x64xf32, #tpu.memory_space<vmem>>, vector<1x1x16xf32>,
        %scan3A_304 = arith.constant 1 : i32
        %scan3A_305 = arith.addi %scan3A_237, %scan3A_304 : i32
        %mul3A_306 = arith.constant 1 : i32
        %mul3A_307 = arith.muli %scan3A_305, %mul3A_306 : i32
        %add3A_308 = arith.constant 0 : i32
        %add3A_309 = arith.addi %add3A_308, %mul3A_307 : i32
        %get3A_310 = arith.constant 0 : i32
        %get3A_311 = arith.index_cast %get3A_310 : i32 to index
        %get3A_312 = arith.index_cast %add3A_309 : i32 to index
        %get3A_313 = arith.constant 0 : index
        %get3A_314 = tpu.vector_load %arg7[%get3A_311, %get3A_312, %get3A_313] {strides = array<i32>} : memref<4x200x64xf32, #tpu.memory_space<vmem>>, vector<1x1x16xf32>,
        %get3A_315 = vector.shape_cast %get3A_314 : vector<1x1x16xf32> to vector<16xf32>
        %mul3A_316 = arith.constant 8.000000e+00 : f32
        %mul3A_317 = vector.broadcast %mul3A_316 : f32 to vector<16xf32>
        %mul3A_318 = arith.mulf %get3A_315, %mul3A_317 : vector<16xf32>
        %swap3A_319 = arith.constant 0 : i32
        %swap3A_320 = arith.index_cast %swap3A_319 : i32 to index
        %swap3A_321 = arith.index_cast %add3A_309 : i32 to index
        %swap3A_322 = arith.constant 0 : index
        %swap3A_323 = tpu.vector_load %arg7[%swap3A_320, %swap3A_321, %swap3A_322] {strides = array<i32>} : memref<4x200x64xf32, #tpu.memory_space<vmem>>, vector<1x1x16xf32>,
        %swap3A_324 = vector.shape_cast %swap3A_323 : vector<1x1x16xf32> to vector<16xf32>
        %swap3A_325 = vector.shape_cast %mul3A_318 : vector<16xf32> to vector<1x1x16xf32>
        tpu.vector_store %arg7[%swap3A_320, %swap3A_321, %swap3A_322], %swap3A_325 {strides = array<i32>} : memref<4x200x64xf32, #tpu.memory_space<vmem>>, vector<1x1x16xf32>,
        %get3A_326 = arith.constant 0 : i32
        %get3A_327 = arith.index_cast %get3A_326 : i32 to index
        %get3A_328 = arith.index_cast %add3A_309 : i32 to index
        %get3A_329 = arith.constant 16 : index
        %get3A_330 = tpu.vector_load %arg7[%get3A_327, %get3A_328, %get3A_329] {strides = array<i32>} : memref<4x200x64xf32, #tpu.memory_space<vmem>>, vector<1x1x16xf32>,
        %get3A_331 = vector.shape_cast %get3A_330 : vector<1x1x16xf32> to vector<16xf32>
        %mul3A_332 = arith.constant 8.000000e+00 : f32
        %mul3A_333 = vector.broadcast %mul3A_332 : f32 to vector<16xf32>
        %mul3A_334 = arith.mulf %get3A_331, %mul3A_333 : vector<16xf32>
        %swap3A_335 = arith.constant 0 : i32
        %swap3A_336 = arith.index_cast %swap3A_335 : i32 to index
        %swap3A_337 = arith.index_cast %add3A_309 : i32 to index
        %swap3A_338 = arith.constant 16 : index
        %swap3A_339 = tpu.vector_load %arg7[%swap3A_336, %swap3A_337, %swap3A_338] {strides = array<i32>} : memref<4x200x64xf32, #tpu.memory_space<vmem>>, vector<1x1x16xf32>,
        %swap3A_340 = vector.shape_cast %swap3A_339 : vector<1x1x16xf32> to vector<16xf32>
        %swap3A_341 = vector.shape_cast %mul3A_334 : vector<16xf32> to vector<1x1x16xf32>
        tpu.vector_store %arg7[%swap3A_336, %swap3A_337, %swap3A_338], %swap3A_341 {strides = array<i32>} : memref<4x200x64xf32, #tpu.memory_space<vmem>>, vector<1x1x16xf32>,
        %get3A_342 = arith.constant 0 : i32
        %get3A_343 = arith.index_cast %get3A_342 : i32 to index
        %get3A_344 = arith.index_cast %add3A_309 : i32 to index
        %get3A_345 = arith.constant 32 : index
        %get3A_346 = tpu.vector_load %arg7[%get3A_343, %get3A_344, %get3A_345] {strides = array<i32>} : memref<4x200x64xf32, #tpu.memory_space<vmem>>, vector<1x1x16xf32>,
        %get3A_347 = vector.shape_cast %get3A_346 : vector<1x1x16xf32> to vector<16xf32>
        %mul3A_348 = arith.constant 8.000000e+00 : f32
        %mul3A_349 = vector.broadcast %mul3A_348 : f32 to vector<16xf32>
        %mul3A_350 = arith.mulf %get3A_347, %mul3A_349 : vector<16xf32>
        %swap3A_351 = arith.constant 0 : i32
        %swap3A_352 = arith.index_cast %swap3A_351 : i32 to index
        %swap3A_353 = arith.index_cast %add3A_309 : i32 to index
        %swap3A_354 = arith.constant 32 : index
        %swap3A_355 = tpu.vector_load %arg7[%swap3A_352, %swap3A_353, %swap3A_354] {strides = array<i32>} : memref<4x200x64xf32, #tpu.memory_space<vmem>>, vector<1x1x16xf32>,
        %swap3A_356 = vector.shape_cast %swap3A_355 : vector<1x1x16xf32> to vector<16xf32>
        %swap3A_357 = vector.shape_cast %mul3A_350 : vector<16xf32> to vector<1x1x16xf32>
        tpu.vector_store %arg7[%swap3A_352, %swap3A_353, %swap3A_354], %swap3A_357 {strides = array<i32>} : memref<4x200x64xf32, #tpu.memory_space<vmem>>, vector<1x1x16xf32>,
        %get3A_358 = arith.constant 0 : i32
        %get3A_359 = arith.index_cast %get3A_358 : i32 to index
        %get3A_360 = arith.index_cast %add3A_309 : i32 to index
        %get3A_361 = arith.constant 48 : index
        %get3A_362 = tpu.vector_load %arg7[%get3A_359, %get3A_360, %get3A_361] {strides = array<i32>} : memref<4x200x64xf32, #tpu.memory_space<vmem>>, vector<1x1x16xf32>,
        %get3A_363 = vector.shape_cast %get3A_362 : vector<1x1x16xf32> to vector<16xf32>
        %mul3A_364 = arith.constant 8.000000e+00 : f32
        %mul3A_365 = vector.broadcast %mul3A_364 : f32 to vector<16xf32>
        %mul3A_366 = arith.mulf %get3A_363, %mul3A_365 : vector<16xf32>
        %swap3A_367 = arith.constant 0 : i32
        %swap3A_368 = arith.index_cast %swap3A_367 : i32 to index
        %swap3A_369 = arith.index_cast %add3A_309 : i32 to index
        %swap3A_370 = arith.constant 48 : index
        %swap3A_371 = tpu.vector_load %arg7[%swap3A_368, %swap3A_369, %swap3A_370] {strides = array<i32>} : memref<4x200x64xf32, #tpu.memory_space<vmem>>, vector<1x1x16xf32>,
        %swap3A_372 = vector.shape_cast %swap3A_371 : vector<1x1x16xf32> to vector<16xf32>
        %swap3A_373 = vector.shape_cast %mul3A_366 : vector<16xf32> to vector<1x1x16xf32>
        tpu.vector_store %arg7[%swap3A_368, %swap3A_369, %swap3A_370], %swap3A_373 {strides = array<i32>} : memref<4x200x64xf32, #tpu.memory_space<vmem>>, vector<1x1x16xf32>,
        %scan3A_374 = arith.constant 2 : i32
        %scan3A_375 = arith.addi %scan3A_237, %scan3A_374 : i32
        %mul3A_376 = arith.constant 1 : i32
        %mul3A_377 = arith.muli %scan3A_375, %mul3A_376 : i32
        %add3A_378 = arith.constant 0 : i32
        %add3A_379 = arith.addi %add3A_378, %mul3A_377 : i32
        %get3A_380 = arith.constant 0 : i32
        %get3A_381 = arith.index_cast %get3A_380 : i32 to index
        %get3A_382 = arith.index_cast %add3A_379 : i32 to index
        %get3A_383 = arith.constant 0 : index
        %get3A_384 = tpu.vector_load %arg7[%get3A_381, %get3A_382, %get3A_383] {strides = array<i32>} : memref<4x200x64xf32, #tpu.memory_space<vmem>>, vector<1x1x16xf32>,
        %get3A_385 = vector.shape_cast %get3A_384 : vector<1x1x16xf32> to vector<16xf32>
        %mul3A_386 = arith.constant 8.000000e+00 : f32
        %mul3A_387 = vector.broadcast %mul3A_386 : f32 to vector<16xf32>
        %mul3A_388 = arith.mulf %get3A_385, %mul3A_387 : vector<16xf32>
        %swap3A_389 = arith.constant 0 : i32
        %swap3A_390 = arith.index_cast %swap3A_389 : i32 to index
        %swap3A_391 = arith.index_cast %add3A_379 : i32 to index
        %swap3A_392 = arith.constant 0 : index
        %swap3A_393 = tpu.vector_load %arg7[%swap3A_390, %swap3A_391, %swap3A_392] {strides = array<i32>} : memref<4x200x64xf32, #tpu.memory_space<vmem>>, vector<1x1x16xf32>,
        %swap3A_394 = vector.shape_cast %swap3A_393 : vector<1x1x16xf32> to vector<16xf32>
        %swap3A_395 = vector.shape_cast %mul3A_388 : vector<16xf32> to vector<1x1x16xf32>
        tpu.vector_store %arg7[%swap3A_390, %swap3A_391, %swap3A_392], %swap3A_395 {strides = array<i32>} : memref<4x200x64xf32, #tpu.memory_space<vmem>>, vector<1x1x16xf32>,
        %get3A_396 = arith.constant 0 : i32
        %get3A_397 = arith.index_cast %get3A_396 : i32 to index
        %get3A_398 = arith.index_cast %add3A_379 : i32 to index
        %get3A_399 = arith.constant 16 : index
        %get3A_400 = tpu.vector_load %arg7[%get3A_397, %get3A_398, %get3A_399] {strides = array<i32>} : memref<4x200x64xf32, #tpu.memory_space<vmem>>, vector<1x1x16xf32>,
        %get3A_401 = vector.shape_cast %get3A_400 : vector<1x1x16xf32> to vector<16xf32>
        %mul3A_402 = arith.constant 8.000000e+00 : f32
        %mul3A_403 = vector.broadcast %mul3A_402 : f32 to vector<16xf32>
        %mul3A_404 = arith.mulf %get3A_401, %mul3A_403 : vector<16xf32>
        %swap3A_405 = arith.constant 0 : i32
        %swap3A_406 = arith.index_cast %swap3A_405 : i32 to index
        %swap3A_407 = arith.index_cast %add3A_379 : i32 to index
        %swap3A_408 = arith.constant 16 : index
        %swap3A_409 = tpu.vector_load %arg7[%swap3A_406, %swap3A_407, %swap3A_408] {strides = array<i32>} : memref<4x200x64xf32, #tpu.memory_space<vmem>>, vector<1x1x16xf32>,
        %swap3A_410 = vector.shape_cast %swap3A_409 : vector<1x1x16xf32> to vector<16xf32>
        %swap3A_411 = vector.shape_cast %mul3A_404 : vector<16xf32> to vector<1x1x16xf32>
        tpu.vector_store %arg7[%swap3A_406, %swap3A_407, %swap3A_408], %swap3A_411 {strides = array<i32>} : memref<4x200x64xf32, #tpu.memory_space<vmem>>, vector<1x1x16xf32>,
        %get3A_412 = arith.constant 0 : i32
        %get3A_413 = arith.index_cast %get3A_412 : i32 to index
        %get3A_414 = arith.index_cast %add3A_379 : i32 to index
        %get3A_415 = arith.constant 32 : index
        %get3A_416 = tpu.vector_load %arg7[%get3A_413, %get3A_414, %get3A_415] {strides = array<i32>} : memref<4x200x64xf32, #tpu.memory_space<vmem>>, vector<1x1x16xf32>,
        %get3A_417 = vector.shape_cast %get3A_416 : vector<1x1x16xf32> to vector<16xf32>
        %mul3A_418 = arith.constant 8.000000e+00 : f32
        %mul3A_419 = vector.broadcast %mul3A_418 : f32 to vector<16xf32>
        %mul3A_420 = arith.mulf %get3A_417, %mul3A_419 : vector<16xf32>
        %swap3A_421 = arith.constant 0 : i32
        %swap3A_422 = arith.index_cast %swap3A_421 : i32 to index
        %swap3A_423 = arith.index_cast %add3A_379 : i32 to index
        %swap3A_424 = arith.constant 32 : index
        %swap3A_425 = tpu.vector_load %arg7[%swap3A_422, %swap3A_423, %swap3A_424] {strides = array<i32>} : memref<4x200x64xf32, #tpu.memory_space<vmem>>, vector<1x1x16xf32>,
        %swap3A_426 = vector.shape_cast %swap3A_425 : vector<1x1x16xf32> to vector<16xf32>
        %swap3A_427 = vector.shape_cast %mul3A_420 : vector<16xf32> to vector<1x1x16xf32>
        tpu.vector_store %arg7[%swap3A_422, %swap3A_423, %swap3A_424], %swap3A_427 {strides = array<i32>} : memref<4x200x64xf32, #tpu.memory_space<vmem>>, vector<1x1x16xf32>,
        %get3A_428 = arith.constant 0 : i32
        %get3A_429 = arith.index_cast %get3A_428 : i32 to index
        %get3A_430 = arith.index_cast %add3A_379 : i32 to index
        %get3A_431 = arith.constant 48 : index
        %get3A_432 = tpu.vector_load %arg7[%get3A_429, %get3A_430, %get3A_431] {strides = array<i32>} : memref<4x200x64xf32, #tpu.memory_space<vmem>>, vector<1x1x16xf32>,
        %get3A_433 = vector.shape_cast %get3A_432 : vector<1x1x16xf32> to vector<16xf32>
        %mul3A_434 = arith.constant 8.000000e+00 : f32
        %mul3A_435 = vector.broadcast %mul3A_434 : f32 to vector<16xf32>
        %mul3A_436 = arith.mulf %get3A_433, %mul3A_435 : vector<16xf32>
        %swap3A_437 = arith.constant 0 : i32
        %swap3A_438 = arith.index_cast %swap3A_437 : i32 to index
        %swap3A_439 = arith.index_cast %add3A_379 : i32 to index
        %swap3A_440 = arith.constant 48 : index
        %swap3A_441 = tpu.vector_load %arg7[%swap3A_438, %swap3A_439, %swap3A_440] {strides = array<i32>} : memref<4x200x64xf32, #tpu.memory_space<vmem>>, vector<1x1x16xf32>,
        %swap3A_442 = vector.shape_cast %swap3A_441 : vector<1x1x16xf32> to vector<16xf32>
        %swap3A_443 = vector.shape_cast %mul3A_436 : vector<16xf32> to vector<1x1x16xf32>
        tpu.vector_store %arg7[%swap3A_438, %swap3A_439, %swap3A_440], %swap3A_443 {strides = array<i32>} : memref<4x200x64xf32, #tpu.memory_space<vmem>>, vector<1x1x16xf32>,
        %scan3A_444 = arith.constant 3 : i32
        %scan3A_445 = arith.addi %scan3A_237, %scan3A_444 : i32
        %mul3A_446 = arith.constant 1 : i32
        %mul3A_447 = arith.muli %scan3A_445, %mul3A_446 : i32
        %add3A_448 = arith.constant 0 : i32
        %add3A_449 = arith.addi %add3A_448, %mul3A_447 : i32
        %get3A_450 = arith.constant 0 : i32
        %get3A_451 = arith.index_cast %get3A_450 : i32 to index
        %get3A_452 = arith.index_cast %add3A_449 : i32 to index
        %get3A_453 = arith.constant 0 : index
        %get3A_454 = tpu.vector_load %arg7[%get3A_451, %get3A_452, %get3A_453] {strides = array<i32>} : memref<4x200x64xf32, #tpu.memory_space<vmem>>, vector<1x1x16xf32>,
        %get3A_455 = vector.shape_cast %get3A_454 : vector<1x1x16xf32> to vector<16xf32>
        %mul3A_456 = arith.constant 8.000000e+00 : f32
        %mul3A_457 = vector.broadcast %mul3A_456 : f32 to vector<16xf32>
        %mul3A_458 = arith.mulf %get3A_455, %mul3A_457 : vector<16xf32>
        %swap3A_459 = arith.constant 0 : i32
        %swap3A_460 = arith.index_cast %swap3A_459 : i32 to index
        %swap3A_461 = arith.index_cast %add3A_449 : i32 to index
        %swap3A_462 = arith.constant 0 : index
        %swap3A_463 = tpu.vector_load %arg7[%swap3A_460, %swap3A_461, %swap3A_462] {strides = array<i32>} : memref<4x200x64xf32, #tpu.memory_space<vmem>>, vector<1x1x16xf32>,
        %swap3A_464 = vector.shape_cast %swap3A_463 : vector<1x1x16xf32> to vector<16xf32>
        %swap3A_465 = vector.shape_cast %mul3A_458 : vector<16xf32> to vector<1x1x16xf32>
        tpu.vector_store %arg7[%swap3A_460, %swap3A_461, %swap3A_462], %swap3A_465 {strides = array<i32>} : memref<4x200x64xf32, #tpu.memory_space<vmem>>, vector<1x1x16xf32>,
        %get3A_466 = arith.constant 0 : i32
        %get3A_467 = arith.index_cast %get3A_466 : i32 to index
        %get3A_468 = arith.index_cast %add3A_449 : i32 to index
        %get3A_469 = arith.constant 16 : index
        %get3A_470 = tpu.vector_load %arg7[%get3A_467, %get3A_468, %get3A_469] {strides = array<i32>} : memref<4x200x64xf32, #tpu.memory_space<vmem>>, vector<1x1x16xf32>,
        %get3A_471 = vector.shape_cast %get3A_470 : vector<1x1x16xf32> to vector<16xf32>
        %mul3A_472 = arith.constant 8.000000e+00 : f32
        %mul3A_473 = vector.broadcast %mul3A_472 : f32 to vector<16xf32>
        %mul3A_474 = arith.mulf %get3A_471, %mul3A_473 : vector<16xf32>
        %swap3A_475 = arith.constant 0 : i32
        %swap3A_476 = arith.index_cast %swap3A_475 : i32 to index
        %swap3A_477 = arith.index_cast %add3A_449 : i32 to index
        %swap3A_478 = arith.constant 16 : index
        %swap3A_479 = tpu.vector_load %arg7[%swap3A_476, %swap3A_477, %swap3A_478] {strides = array<i32>} : memref<4x200x64xf32, #tpu.memory_space<vmem>>, vector<1x1x16xf32>,
        %swap3A_480 = vector.shape_cast %swap3A_479 : vector<1x1x16xf32> to vector<16xf32>
        %swap3A_481 = vector.shape_cast %mul3A_474 : vector<16xf32> to vector<1x1x16xf32>
        tpu.vector_store %arg7[%swap3A_476, %swap3A_477, %swap3A_478], %swap3A_481 {strides = array<i32>} : memref<4x200x64xf32, #tpu.memory_space<vmem>>, vector<1x1x16xf32>,
        %get3A_482 = arith.constant 0 : i32
        %get3A_483 = arith.index_cast %get3A_482 : i32 to index
        %get3A_484 = arith.index_cast %add3A_449 : i32 to index
        %get3A_485 = arith.constant 32 : index
        %get3A_486 = tpu.vector_load %arg7[%get3A_483, %get3A_484, %get3A_485] {strides = array<i32>} : memref<4x200x64xf32, #tpu.memory_space<vmem>>, vector<1x1x16xf32>,
        %get3A_487 = vector.shape_cast %get3A_486 : vector<1x1x16xf32> to vector<16xf32>
        %mul3A_488 = arith.constant 8.000000e+00 : f32
        %mul3A_489 = vector.broadcast %mul3A_488 : f32 to vector<16xf32>
        %mul3A_490 = arith.mulf %get3A_487, %mul3A_489 : vector<16xf32>
        %swap3A_491 = arith.constant 0 : i32
        %swap3A_492 = arith.index_cast %swap3A_491 : i32 to index
        %swap3A_493 = arith.index_cast %add3A_449 : i32 to index
        %swap3A_494 = arith.constant 32 : index
        %swap3A_495 = tpu.vector_load %arg7[%swap3A_492, %swap3A_493, %swap3A_494] {strides = array<i32>} : memref<4x200x64xf32, #tpu.memory_space<vmem>>, vector<1x1x16xf32>,
        %swap3A_496 = vector.shape_cast %swap3A_495 : vector<1x1x16xf32> to vector<16xf32>
        %swap3A_497 = vector.shape_cast %mul3A_490 : vector<16xf32> to vector<1x1x16xf32>
        tpu.vector_store %arg7[%swap3A_492, %swap3A_493, %swap3A_494], %swap3A_497 {strides = array<i32>} : memref<4x200x64xf32, #tpu.memory_space<vmem>>, vector<1x1x16xf32>,
        %get3A_498 = arith.constant 0 : i32
        %get3A_499 = arith.index_cast %get3A_498 : i32 to index
        %get3A_500 = arith.index_cast %add3A_449 : i32 to index
        %get3A_501 = arith.constant 48 : index
        %get3A_502 = tpu.vector_load %arg7[%get3A_499, %get3A_500, %get3A_501] {strides = array<i32>} : memref<4x200x64xf32, #tpu.memory_space<vmem>>, vector<1x1x16xf32>,
        %get3A_503 = vector.shape_cast %get3A_502 : vector<1x1x16xf32> to vector<16xf32>
        %mul3A_504 = arith.constant 8.000000e+00 : f32
        %mul3A_505 = vector.broadcast %mul3A_504 : f32 to vector<16xf32>
        %mul3A_506 = arith.mulf %get3A_503, %mul3A_505 : vector<16xf32>
        %swap3A_507 = arith.constant 0 : i32
        %swap3A_508 = arith.index_cast %swap3A_507 : i32 to index
        %swap3A_509 = arith.index_cast %add3A_449 : i32 to index
        %swap3A_510 = arith.constant 48 : index
        %swap3A_511 = tpu.vector_load %arg7[%swap3A_508, %swap3A_509, %swap3A_510] {strides = array<i32>} : memref<4x200x64xf32, #tpu.memory_space<vmem>>, vector<1x1x16xf32>,
        %swap3A_512 = vector.shape_cast %swap3A_511 : vector<1x1x16xf32> to vector<16xf32>
        %swap3A_513 = vector.shape_cast %mul3A_506 : vector<16xf32> to vector<1x1x16xf32>
        tpu.vector_store %arg7[%swap3A_508, %swap3A_509, %swap3A_510], %swap3A_513 {strides = array<i32>} : memref<4x200x64xf32, #tpu.memory_space<vmem>>, vector<1x1x16xf32>,
        %scan3A_514 = arith.constant 4 : i32
        %scan3A_515 = arith.addi %scan3A_237, %scan3A_514 : i32
        %mul3A_516 = arith.constant 1 : i32
        %mul3A_517 = arith.muli %scan3A_515, %mul3A_516 : i32
        %add3A_518 = arith.constant 0 : i32
        %add3A_519 = arith.addi %add3A_518, %mul3A_517 : i32
        %get3A_520 = arith.constant 0 : i32
        %get3A_521 = arith.index_cast %get3A_520 : i32 to index
        %get3A_522 = arith.index_cast %add3A_519 : i32 to index
        %get3A_523 = arith.constant 0 : index
        %get3A_524 = tpu.vector_load %arg7[%get3A_521, %get3A_522, %get3A_523] {strides = array<i32>} : memref<4x200x64xf32, #tpu.memory_space<vmem>>, vector<1x1x16xf32>,
        %get3A_525 = vector.shape_cast %get3A_524 : vector<1x1x16xf32> to vector<16xf32>
        %mul3A_526 = arith.constant 8.000000e+00 : f32
        %mul3A_527 = vector.broadcast %mul3A_526 : f32 to vector<16xf32>
        %mul3A_528 = arith.mulf %get3A_525, %mul3A_527 : vector<16xf32>
        %swap3A_529 = arith.constant 0 : i32
        %swap3A_530 = arith.index_cast %swap3A_529 : i32 to index
        %swap3A_531 = arith.index_cast %add3A_519 : i32 to index
        %swap3A_532 = arith.constant 0 : index
        %swap3A_533 = tpu.vector_load %arg7[%swap3A_530, %swap3A_531, %swap3A_532] {strides = array<i32>} : memref<4x200x64xf32, #tpu.memory_space<vmem>>, vector<1x1x16xf32>,
        %swap3A_534 = vector.shape_cast %swap3A_533 : vector<1x1x16xf32> to vector<16xf32>
        %swap3A_535 = vector.shape_cast %mul3A_528 : vector<16xf32> to vector<1x1x16xf32>
        tpu.vector_store %arg7[%swap3A_530, %swap3A_531, %swap3A_532], %swap3A_535 {strides = array<i32>} : memref<4x200x64xf32, #tpu.memory_space<vmem>>, vector<1x1x16xf32>,
        %get3A_536 = arith.constant 0 : i32
        %get3A_537 = arith.index_cast %get3A_536 : i32 to index
        %get3A_538 = arith.index_cast %add3A_519 : i32 to index
        %get3A_539 = arith.constant 16 : index
        %get3A_540 = tpu.vector_load %arg7[%get3A_537, %get3A_538, %get3A_539] {strides = array<i32>} : memref<4x200x64xf32, #tpu.memory_space<vmem>>, vector<1x1x16xf32>,
        %get3A_541 = vector.shape_cast %get3A_540 : vector<1x1x16xf32> to vector<16xf32>
        %mul3A_542 = arith.constant 8.000000e+00 : f32
        %mul3A_543 = vector.broadcast %mul3A_542 : f32 to vector<16xf32>
        %mul3A_544 = arith.mulf %get3A_541, %mul3A_543 : vector<16xf32>
        %swap3A_545 = arith.constant 0 : i32
        %swap3A_546 = arith.index_cast %swap3A_545 : i32 to index
        %swap3A_547 = arith.index_cast %add3A_519 : i32 to index
        %swap3A_548 = arith.constant 16 : index
        %swap3A_549 = tpu.vector_load %arg7[%swap3A_546, %swap3A_547, %swap3A_548] {strides = array<i32>} : memref<4x200x64xf32, #tpu.memory_space<vmem>>, vector<1x1x16xf32>,
        %swap3A_550 = vector.shape_cast %swap3A_549 : vector<1x1x16xf32> to vector<16xf32>
        %swap3A_551 = vector.shape_cast %mul3A_544 : vector<16xf32> to vector<1x1x16xf32>
        tpu.vector_store %arg7[%swap3A_546, %swap3A_547, %swap3A_548], %swap3A_551 {strides = array<i32>} : memref<4x200x64xf32, #tpu.memory_space<vmem>>, vector<1x1x16xf32>,
        %get3A_552 = arith.constant 0 : i32
        %get3A_553 = arith.index_cast %get3A_552 : i32 to index
        %get3A_554 = arith.index_cast %add3A_519 : i32 to index
        %get3A_555 = arith.constant 32 : index
        %get3A_556 = tpu.vector_load %arg7[%get3A_553, %get3A_554, %get3A_555] {strides = array<i32>} : memref<4x200x64xf32, #tpu.memory_space<vmem>>, vector<1x1x16xf32>,
        %get3A_557 = vector.shape_cast %get3A_556 : vector<1x1x16xf32> to vector<16xf32>
        %mul3A_558 = arith.constant 8.000000e+00 : f32
        %mul3A_559 = vector.broadcast %mul3A_558 : f32 to vector<16xf32>
        %mul3A_560 = arith.mulf %get3A_557, %mul3A_559 : vector<16xf32>
        %swap3A_561 = arith.constant 0 : i32
        %swap3A_562 = arith.index_cast %swap3A_561 : i32 to index
        %swap3A_563 = arith.index_cast %add3A_519 : i32 to index
        %swap3A_564 = arith.constant 32 : index
        %swap3A_565 = tpu.vector_load %arg7[%swap3A_562, %swap3A_563, %swap3A_564] {strides = array<i32>} : memref<4x200x64xf32, #tpu.memory_space<vmem>>, vector<1x1x16xf32>,
        %swap3A_566 = vector.shape_cast %swap3A_565 : vector<1x1x16xf32> to vector<16xf32>
        %swap3A_567 = vector.shape_cast %mul3A_560 : vector<16xf32> to vector<1x1x16xf32>
        tpu.vector_store %arg7[%swap3A_562, %swap3A_563, %swap3A_564], %swap3A_567 {strides = array<i32>} : memref<4x200x64xf32, #tpu.memory_space<vmem>>, vector<1x1x16xf32>,
        %get3A_568 = arith.constant 0 : i32
        %get3A_569 = arith.index_cast %get3A_568 : i32 to index
        %get3A_570 = arith.index_cast %add3A_519 : i32 to index
        %get3A_571 = arith.constant 48 : index
        %get3A_572 = tpu.vector_load %arg7[%get3A_569, %get3A_570, %get3A_571] {strides = array<i32>} : memref<4x200x64xf32, #tpu.memory_space<vmem>>, vector<1x1x16xf32>,
        %get3A_573 = vector.shape_cast %get3A_572 : vector<1x1x16xf32> to vector<16xf32>
        %mul3A_574 = arith.constant 8.000000e+00 : f32
        %mul3A_575 = vector.broadcast %mul3A_574 : f32 to vector<16xf32>
        %mul3A_576 = arith.mulf %get3A_573, %mul3A_575 : vector<16xf32>
        %swap3A_577 = arith.constant 0 : i32
        %swap3A_578 = arith.index_cast %swap3A_577 : i32 to index
        %swap3A_579 = arith.index_cast %add3A_519 : i32 to index
        %swap3A_580 = arith.constant 48 : index
        %swap3A_581 = tpu.vector_load %arg7[%swap3A_578, %swap3A_579, %swap3A_580] {strides = array<i32>} : memref<4x200x64xf32, #tpu.memory_space<vmem>>, vector<1x1x16xf32>,
        %swap3A_582 = vector.shape_cast %swap3A_581 : vector<1x1x16xf32> to vector<16xf32>
        %swap3A_583 = vector.shape_cast %mul3A_576 : vector<16xf32> to vector<1x1x16xf32>
        tpu.vector_store %arg7[%swap3A_578, %swap3A_579, %swap3A_580], %swap3A_583 {strides = array<i32>} : memref<4x200x64xf32, #tpu.memory_space<vmem>>, vector<1x1x16xf32>,
        %scan3A_584 = arith.constant 5 : i32
        %scan3A_585 = arith.addi %scan3A_237, %scan3A_584 : i32
        %mul3A_586 = arith.constant 1 : i32
        %mul3A_587 = arith.muli %scan3A_585, %mul3A_586 : i32
        %add3A_588 = arith.constant 0 : i32
        %add3A_589 = arith.addi %add3A_588, %mul3A_587 : i32
        %get3A_590 = arith.constant 0 : i32
        %get3A_591 = arith.index_cast %get3A_590 : i32 to index
        %get3A_592 = arith.index_cast %add3A_589 : i32 to index
        %get3A_593 = arith.constant 0 : index
        %get3A_594 = tpu.vector_load %arg7[%get3A_591, %get3A_592, %get3A_593] {strides = array<i32>} : memref<4x200x64xf32, #tpu.memory_space<vmem>>, vector<1x1x16xf32>,
        %get3A_595 = vector.shape_cast %get3A_594 : vector<1x1x16xf32> to vector<16xf32>
        %mul3A_596 = arith.constant 8.000000e+00 : f32
        %mul3A_597 = vector.broadcast %mul3A_596 : f32 to vector<16xf32>
        %mul3A_598 = arith.mulf %get3A_595, %mul3A_597 : vector<16xf32>
        %swap3A_599 = arith.constant 0 : i32
        %swap3A_600 = arith.index_cast %swap3A_599 : i32 to index
        %swap3A_601 = arith.index_cast %add3A_589 : i32 to index
        %swap3A_602 = arith.constant 0 : index
        %swap3A_603 = tpu.vector_load %arg7[%swap3A_600, %swap3A_601, %swap3A_602] {strides = array<i32>} : memref<4x200x64xf32, #tpu.memory_space<vmem>>, vector<1x1x16xf32>,
        %swap3A_604 = vector.shape_cast %swap3A_603 : vector<1x1x16xf32> to vector<16xf32>
        %swap3A_605 = vector.shape_cast %mul3A_598 : vector<16xf32> to vector<1x1x16xf32>
        tpu.vector_store %arg7[%swap3A_600, %swap3A_601, %swap3A_602], %swap3A_605 {strides = array<i32>} : memref<4x200x64xf32, #tpu.memory_space<vmem>>, vector<1x1x16xf32>,
        %get3A_606 = arith.constant 0 : i32
        %get3A_607 = arith.index_cast %get3A_606 : i32 to index
        %get3A_608 = arith.index_cast %add3A_589 : i32 to index
        %get3A_609 = arith.constant 16 : index
        %get3A_610 = tpu.vector_load %arg7[%get3A_607, %get3A_608, %get3A_609] {strides = array<i32>} : memref<4x200x64xf32, #tpu.memory_space<vmem>>, vector<1x1x16xf32>,
        %get3A_611 = vector.shape_cast %get3A_610 : vector<1x1x16xf32> to vector<16xf32>
        %mul3A_612 = arith.constant 8.000000e+00 : f32
        %mul3A_613 = vector.broadcast %mul3A_612 : f32 to vector<16xf32>
        %mul3A_614 = arith.mulf %get3A_611, %mul3A_613 : vector<16xf32>
        %swap3A_615 = arith.constant 0 : i32
        %swap3A_616 = arith.index_cast %swap3A_615 : i32 to index
        %swap3A_617 = arith.index_cast %add3A_589 : i32 to index
        %swap3A_618 = arith.constant 16 : index
        %swap3A_619 = tpu.vector_load %arg7[%swap3A_616, %swap3A_617, %swap3A_618] {strides = array<i32>} : memref<4x200x64xf32, #tpu.memory_space<vmem>>, vector<1x1x16xf32>,
        %swap3A_620 = vector.shape_cast %swap3A_619 : vector<1x1x16xf32> to vector<16xf32>
        %swap3A_621 = vector.shape_cast %mul3A_614 : vector<16xf32> to vector<1x1x16xf32>
        tpu.vector_store %arg7[%swap3A_616, %swap3A_617, %swap3A_618], %swap3A_621 {strides = array<i32>} : memref<4x200x64xf32, #tpu.memory_space<vmem>>, vector<1x1x16xf32>,
        %get3A_622 = arith.constant 0 : i32
        %get3A_623 = arith.index_cast %get3A_622 : i32 to index
        %get3A_624 = arith.index_cast %add3A_589 : i32 to index
        %get3A_625 = arith.constant 32 : index
        %get3A_626 = tpu.vector_load %arg7[%get3A_623, %get3A_624, %get3A_625] {strides = array<i32>} : memref<4x200x64xf32, #tpu.memory_space<vmem>>, vector<1x1x16xf32>,
        %get3A_627 = vector.shape_cast %get3A_626 : vector<1x1x16xf32> to vector<16xf32>
        %mul3A_628 = arith.constant 8.000000e+00 : f32
        %mul3A_629 = vector.broadcast %mul3A_628 : f32 to vector<16xf32>
        %mul3A_630 = arith.mulf %get3A_627, %mul3A_629 : vector<16xf32>
        %swap3A_631 = arith.constant 0 : i32
        %swap3A_632 = arith.index_cast %swap3A_631 : i32 to index
        %swap3A_633 = arith.index_cast %add3A_589 : i32 to index
        %swap3A_634 = arith.constant 32 : index
        %swap3A_635 = tpu.vector_load %arg7[%swap3A_632, %swap3A_633, %swap3A_634] {strides = array<i32>} : memref<4x200x64xf32, #tpu.memory_space<vmem>>, vector<1x1x16xf32>,
        %swap3A_636 = vector.shape_cast %swap3A_635 : vector<1x1x16xf32> to vector<16xf32>
        %swap3A_637 = vector.shape_cast %mul3A_630 : vector<16xf32> to vector<1x1x16xf32>
        tpu.vector_store %arg7[%swap3A_632, %swap3A_633, %swap3A_634], %swap3A_637 {strides = array<i32>} : memref<4x200x64xf32, #tpu.memory_space<vmem>>, vector<1x1x16xf32>,
        %get3A_638 = arith.constant 0 : i32
        %get3A_639 = arith.index_cast %get3A_638 : i32 to index
        %get3A_640 = arith.index_cast %add3A_589 : i32 to index
        %get3A_641 = arith.constant 48 : index
        %get3A_642 = tpu.vector_load %arg7[%get3A_639, %get3A_640, %get3A_641] {strides = array<i32>} : memref<4x200x64xf32, #tpu.memory_space<vmem>>, vector<1x1x16xf32>,
        %get3A_643 = vector.shape_cast %get3A_642 : vector<1x1x16xf32> to vector<16xf32>
        %mul3A_644 = arith.constant 8.000000e+00 : f32
        %mul3A_645 = vector.broadcast %mul3A_644 : f32 to vector<16xf32>
        %mul3A_646 = arith.mulf %get3A_643, %mul3A_645 : vector<16xf32>
        %swap3A_647 = arith.constant 0 : i32
        %swap3A_648 = arith.index_cast %swap3A_647 : i32 to index
        %swap3A_649 = arith.index_cast %add3A_589 : i32 to index
        %swap3A_650 = arith.constant 48 : index
        %swap3A_651 = tpu.vector_load %arg7[%swap3A_648, %swap3A_649, %swap3A_650] {strides = array<i32>} : memref<4x200x64xf32, #tpu.memory_space<vmem>>, vector<1x1x16xf32>,
        %swap3A_652 = vector.shape_cast %swap3A_651 : vector<1x1x16xf32> to vector<16xf32>
        %swap3A_653 = vector.shape_cast %mul3A_646 : vector<16xf32> to vector<1x1x16xf32>
        tpu.vector_store %arg7[%swap3A_648, %swap3A_649, %swap3A_650], %swap3A_653 {strides = array<i32>} : memref<4x200x64xf32, #tpu.memory_space<vmem>>, vector<1x1x16xf32>,
        %scan3A_654 = arith.constant 6 : i32
        %scan3A_655 = arith.addi %scan3A_237, %scan3A_654 : i32
        %mul3A_656 = arith.constant 1 : i32
        %mul3A_657 = arith.muli %scan3A_655, %mul3A_656 : i32
        %add3A_658 = arith.constant 0 : i32
        %add3A_659 = arith.addi %add3A_658, %mul3A_657 : i32
        %get3A_660 = arith.constant 0 : i32
        %get3A_661 = arith.index_cast %get3A_660 : i32 to index
        %get3A_662 = arith.index_cast %add3A_659 : i32 to index
        %get3A_663 = arith.constant 0 : index
        %get3A_664 = tpu.vector_load %arg7[%get3A_661, %get3A_662, %get3A_663] {strides = array<i32>} : memref<4x200x64xf32, #tpu.memory_space<vmem>>, vector<1x1x16xf32>,
        %get3A_665 = vector.shape_cast %get3A_664 : vector<1x1x16xf32> to vector<16xf32>
        %mul3A_666 = arith.constant 8.000000e+00 : f32
        %mul3A_667 = vector.broadcast %mul3A_666 : f32 to vector<16xf32>
        %mul3A_668 = arith.mulf %get3A_665, %mul3A_667 : vector<16xf32>
        %swap3A_669 = arith.constant 0 : i32
        %swap3A_670 = arith.index_cast %swap3A_669 : i32 to index
        %swap3A_671 = arith.index_cast %add3A_659 : i32 to index
        %swap3A_672 = arith.constant 0 : index
        %swap3A_673 = tpu.vector_load %arg7[%swap3A_670, %swap3A_671, %swap3A_672] {strides = array<i32>} : memref<4x200x64xf32, #tpu.memory_space<vmem>>, vector<1x1x16xf32>,
        %swap3A_674 = vector.shape_cast %swap3A_673 : vector<1x1x16xf32> to vector<16xf32>
        %swap3A_675 = vector.shape_cast %mul3A_668 : vector<16xf32> to vector<1x1x16xf32>
        tpu.vector_store %arg7[%swap3A_670, %swap3A_671, %swap3A_672], %swap3A_675 {strides = array<i32>} : memref<4x200x64xf32, #tpu.memory_space<vmem>>, vector<1x1x16xf32>,
        %get3A_676 = arith.constant 0 : i32
        %get3A_677 = arith.index_cast %get3A_676 : i32 to index
        %get3A_678 = arith.index_cast %add3A_659 : i32 to index
        %get3A_679 = arith.constant 16 : index
        %get3A_680 = tpu.vector_load %arg7[%get3A_677, %get3A_678, %get3A_679] {strides = array<i32>} : memref<4x200x64xf32, #tpu.memory_space<vmem>>, vector<1x1x16xf32>,
        %get3A_681 = vector.shape_cast %get3A_680 : vector<1x1x16xf32> to vector<16xf32>
        %mul3A_682 = arith.constant 8.000000e+00 : f32
        %mul3A_683 = vector.broadcast %mul3A_682 : f32 to vector<16xf32>
        %mul3A_684 = arith.mulf %get3A_681, %mul3A_683 : vector<16xf32>
        %swap3A_685 = arith.constant 0 : i32
        %swap3A_686 = arith.index_cast %swap3A_685 : i32 to index
        %swap3A_687 = arith.index_cast %add3A_659 : i32 to index
        %swap3A_688 = arith.constant 16 : index
        %swap3A_689 = tpu.vector_load %arg7[%swap3A_686, %swap3A_687, %swap3A_688] {strides = array<i32>} : memref<4x200x64xf32, #tpu.memory_space<vmem>>, vector<1x1x16xf32>,
        %swap3A_690 = vector.shape_cast %swap3A_689 : vector<1x1x16xf32> to vector<16xf32>
        %swap3A_691 = vector.shape_cast %mul3A_684 : vector<16xf32> to vector<1x1x16xf32>
        tpu.vector_store %arg7[%swap3A_686, %swap3A_687, %swap3A_688], %swap3A_691 {strides = array<i32>} : memref<4x200x64xf32, #tpu.memory_space<vmem>>, vector<1x1x16xf32>,
        %get3A_692 = arith.constant 0 : i32
        %get3A_693 = arith.index_cast %get3A_692 : i32 to index
        %get3A_694 = arith.index_cast %add3A_659 : i32 to index
        %get3A_695 = arith.constant 32 : index
        %get3A_696 = tpu.vector_load %arg7[%get3A_693, %get3A_694, %get3A_695] {strides = array<i32>} : memref<4x200x64xf32, #tpu.memory_space<vmem>>, vector<1x1x16xf32>,
        %get3A_697 = vector.shape_cast %get3A_696 : vector<1x1x16xf32> to vector<16xf32>
        %mul3A_698 = arith.constant 8.000000e+00 : f32
        %mul3A_699 = vector.broadcast %mul3A_698 : f32 to vector<16xf32>
        %mul3A_700 = arith.mulf %get3A_697, %mul3A_699 : vector<16xf32>
        %swap3A_701 = arith.constant 0 : i32
        %swap3A_702 = arith.index_cast %swap3A_701 : i32 to index
        %swap3A_703 = arith.index_cast %add3A_659 : i32 to index
        %swap3A_704 = arith.constant 32 : index
        %swap3A_705 = tpu.vector_load %arg7[%swap3A_702, %swap3A_703, %swap3A_704] {strides = array<i32>} : memref<4x200x64xf32, #tpu.memory_space<vmem>>, vector<1x1x16xf32>,
        %swap3A_706 = vector.shape_cast %swap3A_705 : vector<1x1x16xf32> to vector<16xf32>
        %swap3A_707 = vector.shape_cast %mul3A_700 : vector<16xf32> to vector<1x1x16xf32>
        tpu.vector_store %arg7[%swap3A_702, %swap3A_703, %swap3A_704], %swap3A_707 {strides = array<i32>} : memref<4x200x64xf32, #tpu.memory_space<vmem>>, vector<1x1x16xf32>,
        %get3A_708 = arith.constant 0 : i32
        %get3A_709 = arith.index_cast %get3A_708 : i32 to index
        %get3A_710 = arith.index_cast %add3A_659 : i32 to index
        %get3A_711 = arith.constant 48 : index
        %get3A_712 = tpu.vector_load %arg7[%get3A_709, %get3A_710, %get3A_711] {strides = array<i32>} : memref<4x200x64xf32, #tpu.memory_space<vmem>>, vector<1x1x16xf32>,
        %get3A_713 = vector.shape_cast %get3A_712 : vector<1x1x16xf32> to vector<16xf32>
        %mul3A_714 = arith.constant 8.000000e+00 : f32
        %mul3A_715 = vector.broadcast %mul3A_714 : f32 to vector<16xf32>
        %mul3A_716 = arith.mulf %get3A_713, %mul3A_715 : vector<16xf32>
        %swap3A_717 = arith.constant 0 : i32
        %swap3A_718 = arith.index_cast %swap3A_717 : i32 to index
        %swap3A_719 = arith.index_cast %add3A_659 : i32 to index
        %swap3A_720 = arith.constant 48 : index
        %swap3A_721 = tpu.vector_load %arg7[%swap3A_718, %swap3A_719, %swap3A_720] {strides = array<i32>} : memref<4x200x64xf32, #tpu.memory_space<vmem>>, vector<1x1x16xf32>,
        %swap3A_722 = vector.shape_cast %swap3A_721 : vector<1x1x16xf32> to vector<16xf32>
        %swap3A_723 = vector.shape_cast %mul3A_716 : vector<16xf32> to vector<1x1x16xf32>
        tpu.vector_store %arg7[%swap3A_718, %swap3A_719, %swap3A_720], %swap3A_723 {strides = array<i32>} : memref<4x200x64xf32, #tpu.memory_space<vmem>>, vector<1x1x16xf32>,
        %scan3A_724 = arith.constant 7 : i32
        %scan3A_725 = arith.addi %scan3A_237, %scan3A_724 : i32
        %mul3A_726 = arith.constant 1 : i32
        %mul3A_727 = arith.muli %scan3A_725, %mul3A_726 : i32
        %add3A_728 = arith.constant 0 : i32
        %add3A_729 = arith.addi %add3A_728, %mul3A_727 : i32
        %get3A_730 = arith.constant 0 : i32
        %get3A_731 = arith.index_cast %get3A_730 : i32 to index
        %get3A_732 = arith.index_cast %add3A_729 : i32 to index
        %get3A_733 = arith.constant 0 : index
        %get3A_734 = tpu.vector_load %arg7[%get3A_731, %get3A_732, %get3A_733] {strides = array<i32>} : memref<4x200x64xf32, #tpu.memory_space<vmem>>, vector<1x1x16xf32>,
        %get3A_735 = vector.shape_cast %get3A_734 : vector<1x1x16xf32> to vector<16xf32>
        %mul3A_736 = arith.constant 8.000000e+00 : f32
        %mul3A_737 = vector.broadcast %mul3A_736 : f32 to vector<16xf32>
        %mul3A_738 = arith.mulf %get3A_735, %mul3A_737 : vector<16xf32>
        %swap3A_739 = arith.constant 0 : i32
        %swap3A_740 = arith.index_cast %swap3A_739 : i32 to index
        %swap3A_741 = arith.index_cast %add3A_729 : i32 to index
        %swap3A_742 = arith.constant 0 : index
        %swap3A_743 = tpu.vector_load %arg7[%swap3A_740, %swap3A_741, %swap3A_742] {strides = array<i32>} : memref<4x200x64xf32, #tpu.memory_space<vmem>>, vector<1x1x16xf32>,
        %swap3A_744 = vector.shape_cast %swap3A_743 : vector<1x1x16xf32> to vector<16xf32>
        %swap3A_745 = vector.shape_cast %mul3A_738 : vector<16xf32> to vector<1x1x16xf32>
        tpu.vector_store %arg7[%swap3A_740, %swap3A_741, %swap3A_742], %swap3A_745 {strides = array<i32>} : memref<4x200x64xf32, #tpu.memory_space<vmem>>, vector<1x1x16xf32>,
        %get3A_746 = arith.constant 0 : i32
        %get3A_747 = arith.index_cast %get3A_746 : i32 to index
        %get3A_748 = arith.index_cast %add3A_729 : i32 to index
        %get3A_749 = arith.constant 16 : index
        %get3A_750 = tpu.vector_load %arg7[%get3A_747, %get3A_748, %get3A_749] {strides = array<i32>} : memref<4x200x64xf32, #tpu.memory_space<vmem>>, vector<1x1x16xf32>,
        %get3A_751 = vector.shape_cast %get3A_750 : vector<1x1x16xf32> to vector<16xf32>
        %mul3A_752 = arith.constant 8.000000e+00 : f32
        %mul3A_753 = vector.broadcast %mul3A_752 : f32 to vector<16xf32>
        %mul3A_754 = arith.mulf %get3A_751, %mul3A_753 : vector<16xf32>
        %swap3A_755 = arith.constant 0 : i32
        %swap3A_756 = arith.index_cast %swap3A_755 : i32 to index
        %swap3A_757 = arith.index_cast %add3A_729 : i32 to index
        %swap3A_758 = arith.constant 16 : index
        %swap3A_759 = tpu.vector_load %arg7[%swap3A_756, %swap3A_757, %swap3A_758] {strides = array<i32>} : memref<4x200x64xf32, #tpu.memory_space<vmem>>, vector<1x1x16xf32>,
        %swap3A_760 = vector.shape_cast %swap3A_759 : vector<1x1x16xf32> to vector<16xf32>
        %swap3A_761 = vector.shape_cast %mul3A_754 : vector<16xf32> to vector<1x1x16xf32>
        tpu.vector_store %arg7[%swap3A_756, %swap3A_757, %swap3A_758], %swap3A_761 {strides = array<i32>} : memref<4x200x64xf32, #tpu.memory_space<vmem>>, vector<1x1x16xf32>,
        %get3A_762 = arith.constant 0 : i32
        %get3A_763 = arith.index_cast %get3A_762 : i32 to index
        %get3A_764 = arith.index_cast %add3A_729 : i32 to index
        %get3A_765 = arith.constant 32 : index
        %get3A_766 = tpu.vector_load %arg7[%get3A_763, %get3A_764, %get3A_765] {strides = array<i32>} : memref<4x200x64xf32, #tpu.memory_space<vmem>>, vector<1x1x16xf32>,
        %get3A_767 = vector.shape_cast %get3A_766 : vector<1x1x16xf32> to vector<16xf32>
        %mul3A_768 = arith.constant 8.000000e+00 : f32
        %mul3A_769 = vector.broadcast %mul3A_768 : f32 to vector<16xf32>
        %mul3A_770 = arith.mulf %get3A_767, %mul3A_769 : vector<16xf32>
        %swap3A_771 = arith.constant 0 : i32
        %swap3A_772 = arith.index_cast %swap3A_771 : i32 to index
        %swap3A_773 = arith.index_cast %add3A_729 : i32 to index
        %swap3A_774 = arith.constant 32 : index
        %swap3A_775 = tpu.vector_load %arg7[%swap3A_772, %swap3A_773, %swap3A_774] {strides = array<i32>} : memref<4x200x64xf32, #tpu.memory_space<vmem>>, vector<1x1x16xf32>,
        %swap3A_776 = vector.shape_cast %swap3A_775 : vector<1x1x16xf32> to vector<16xf32>
        %swap3A_777 = vector.shape_cast %mul3A_770 : vector<16xf32> to vector<1x1x16xf32>
        tpu.vector_store %arg7[%swap3A_772, %swap3A_773, %swap3A_774], %swap3A_777 {strides = array<i32>} : memref<4x200x64xf32, #tpu.memory_space<vmem>>, vector<1x1x16xf32>,
        %get3A_778 = arith.constant 0 : i32
        %get3A_779 = arith.index_cast %get3A_778 : i32 to index
        %get3A_780 = arith.index_cast %add3A_729 : i32 to index
        %get3A_781 = arith.constant 48 : index
        %get3A_782 = tpu.vector_load %arg7[%get3A_779, %get3A_780, %get3A_781] {strides = array<i32>} : memref<4x200x64xf32, #tpu.memory_space<vmem>>, vector<1x1x16xf32>,
        %get3A_783 = vector.shape_cast %get3A_782 : vector<1x1x16xf32> to vector<16xf32>
        %mul3A_784 = arith.constant 8.000000e+00 : f32
        %mul3A_785 = vector.broadcast %mul3A_784 : f32 to vector<16xf32>
        %mul3A_786 = arith.mulf %get3A_783, %mul3A_785 : vector<16xf32>
        %swap3A_787 = arith.constant 0 : i32
        %swap3A_788 = arith.index_cast %swap3A_787 : i32 to index
        %swap3A_789 = arith.index_cast %add3A_729 : i32 to index
        %swap3A_790 = arith.constant 48 : index
        %swap3A_791 = tpu.vector_load %arg7[%swap3A_788, %swap3A_789, %swap3A_790] {strides = array<i32>} : memref<4x200x64xf32, #tpu.memory_space<vmem>>, vector<1x1x16xf32>,
        %swap3A_792 = vector.shape_cast %swap3A_791 : vector<1x1x16xf32> to vector<16xf32>
        %swap3A_793 = vector.shape_cast %mul3A_786 : vector<16xf32> to vector<1x1x16xf32>
        tpu.vector_store %arg7[%swap3A_788, %swap3A_789, %swap3A_790], %swap3A_793 {strides = array<i32>} : memref<4x200x64xf32, #tpu.memory_space<vmem>>, vector<1x1x16xf32>,
      }
      %scan3A_131 = arith.constant 200 : i32
      %scan3A_132 = arith.constant 0 : i32
      %scan3A_133 = arith.constant 200 : i32
      %scan3A_134 = arith.addi %scan3A_132, %scan3A_133 : i32
      %scan3A_135 = arith.constant 8 : i32
      scf.for %scan3A_237 = %scan3A_132 to %scan3A_134 step %scan3A_135  : i32 {
        %mul3A_238 = arith.constant 1 : i32
        %mul3A_239 = arith.muli %scan3A_237, %mul3A_238 : i32
        %add3A_240 = arith.constant 0 : i32
        %add3A_241 = arith.addi %add3A_240, %mul3A_239 : i32
        %get3A = arith.constant 1 : i32
        %get3A_242 = arith.index_cast %get3A : i32 to index
        %get3A_243 = arith.index_cast %add3A_241 : i32 to index
        %get3A_244 = arith.constant 0 : index
        %get3A_245 = tpu.vector_load %arg7[%get3A_242, %get3A_243, %get3A_244] {strides = array<i32>} : memref<4x200x64xf32, #tpu.memory_space<vmem>>, vector<1x1x16xf32>,
        %get3A_246 = vector.shape_cast %get3A_245 : vector<1x1x16xf32> to vector<16xf32>
        %mul3A_247 = arith.constant 8.000000e+00 : f32
        %mul3A_248 = vector.broadcast %mul3A_247 : f32 to vector<16xf32>
        %mul3A_249 = arith.mulf %get3A_246, %mul3A_248 : vector<16xf32>
        %swap3A = arith.constant 1 : i32
        %swap3A_250 = arith.index_cast %swap3A : i32 to index
        %swap3A_251 = arith.index_cast %add3A_241 : i32 to index
        %swap3A_252 = arith.constant 0 : index
        %swap3A_253 = tpu.vector_load %arg7[%swap3A_250, %swap3A_251, %swap3A_252] {strides = array<i32>} : memref<4x200x64xf32, #tpu.memory_space<vmem>>, vector<1x1x16xf32>,
        %swap3A_254 = vector.shape_cast %swap3A_253 : vector<1x1x16xf32> to vector<16xf32>
        %swap3A_255 = vector.shape_cast %mul3A_249 : vector<16xf32> to vector<1x1x16xf32>
        tpu.vector_store %arg7[%swap3A_250, %swap3A_251, %swap3A_252], %swap3A_255 {strides = array<i32>} : memref<4x200x64xf32, #tpu.memory_space<vmem>>, vector<1x1x16xf32>,
        %get3A_256 = arith.constant 1 : i32
        %get3A_257 = arith.index_cast %get3A_256 : i32 to index
        %get3A_258 = arith.index_cast %add3A_241 : i32 to index
        %get3A_259 = arith.constant 16 : index
        %get3A_260 = tpu.vector_load %arg7[%get3A_257, %get3A_258, %get3A_259] {strides = array<i32>} : memref<4x200x64xf32, #tpu.memory_space<vmem>>, vector<1x1x16xf32>,
        %get3A_261 = vector.shape_cast %get3A_260 : vector<1x1x16xf32> to vector<16xf32>
        %mul3A_262 = arith.constant 8.000000e+00 : f32
        %mul3A_263 = vector.broadcast %mul3A_262 : f32 to vector<16xf32>
        %mul3A_264 = arith.mulf %get3A_261, %mul3A_263 : vector<16xf32>
        %swap3A_265 = arith.constant 1 : i32
        %swap3A_266 = arith.index_cast %swap3A_265 : i32 to index
        %swap3A_267 = arith.index_cast %add3A_241 : i32 to index
        %swap3A_268 = arith.constant 16 : index
        %swap3A_269 = tpu.vector_load %arg7[%swap3A_266, %swap3A_267, %swap3A_268] {strides = array<i32>} : memref<4x200x64xf32, #tpu.memory_space<vmem>>, vector<1x1x16xf32>,
        %swap3A_270 = vector.shape_cast %swap3A_269 : vector<1x1x16xf32> to vector<16xf32>
        %swap3A_271 = vector.shape_cast %mul3A_264 : vector<16xf32> to vector<1x1x16xf32>
        tpu.vector_store %arg7[%swap3A_266, %swap3A_267, %swap3A_268], %swap3A_271 {strides = array<i32>} : memref<4x200x64xf32, #tpu.memory_space<vmem>>, vector<1x1x16xf32>,
        %get3A_272 = arith.constant 1 : i32
        %get3A_273 = arith.index_cast %get3A_272 : i32 to index
        %get3A_274 = arith.index_cast %add3A_241 : i32 to index
        %get3A_275 = arith.constant 32 : index
        %get3A_276 = tpu.vector_load %arg7[%get3A_273, %get3A_274, %get3A_275] {strides = array<i32>} : memref<4x200x64xf32, #tpu.memory_space<vmem>>, vector<1x1x16xf32>,
        %get3A_277 = vector.shape_cast %get3A_276 : vector<1x1x16xf32> to vector<16xf32>
        %mul3A_278 = arith.constant 8.000000e+00 : f32
        %mul3A_279 = vector.broadcast %mul3A_278 : f32 to vector<16xf32>
        %mul3A_280 = arith.mulf %get3A_277, %mul3A_279 : vector<16xf32>
        %swap3A_281 = arith.constant 1 : i32
        %swap3A_282 = arith.index_cast %swap3A_281 : i32 to index
        %swap3A_283 = arith.index_cast %add3A_241 : i32 to index
        %swap3A_284 = arith.constant 32 : index
        %swap3A_285 = tpu.vector_load %arg7[%swap3A_282, %swap3A_283, %swap3A_284] {strides = array<i32>} : memref<4x200x64xf32, #tpu.memory_space<vmem>>, vector<1x1x16xf32>,
        %swap3A_286 = vector.shape_cast %swap3A_285 : vector<1x1x16xf32> to vector<16xf32>
        %swap3A_287 = vector.shape_cast %mul3A_280 : vector<16xf32> to vector<1x1x16xf32>
        tpu.vector_store %arg7[%swap3A_282, %swap3A_283, %swap3A_284], %swap3A_287 {strides = array<i32>} : memref<4x200x64xf32, #tpu.memory_space<vmem>>, vector<1x1x16xf32>,
        %get3A_288 = arith.constant 1 : i32
        %get3A_289 = arith.index_cast %get3A_288 : i32 to index
        %get3A_290 = arith.index_cast %add3A_241 : i32 to index
        %get3A_291 = arith.constant 48 : index
        %get3A_292 = tpu.vector_load %arg7[%get3A_289, %get3A_290, %get3A_291] {strides = array<i32>} : memref<4x200x64xf32, #tpu.memory_space<vmem>>, vector<1x1x16xf32>,
        %get3A_293 = vector.shape_cast %get3A_292 : vector<1x1x16xf32> to vector<16xf32>
        %mul3A_294 = arith.constant 8.000000e+00 : f32
        %mul3A_295 = vector.broadcast %mul3A_294 : f32 to vector<16xf32>
        %mul3A_296 = arith.mulf %get3A_293, %mul3A_295 : vector<16xf32>
        %swap3A_297 = arith.constant 1 : i32
        %swap3A_298 = arith.index_cast %swap3A_297 : i32 to index
        %swap3A_299 = arith.index_cast %add3A_241 : i32 to index
        %swap3A_300 = arith.constant 48 : index
        %swap3A_301 = tpu.vector_load %arg7[%swap3A_298, %swap3A_299, %swap3A_300] {strides = array<i32>} : memref<4x200x64xf32, #tpu.memory_space<vmem>>, vector<1x1x16xf32>,
        %swap3A_302 = vector.shape_cast %swap3A_301 : vector<1x1x16xf32> to vector<16xf32>
        %swap3A_303 = vector.shape_cast %mul3A_296 : vector<16xf32> to vector<1x1x16xf32>
        tpu.vector_store %arg7[%swap3A_298, %swap3A_299, %swap3A_300], %swap3A_303 {strides = array<i32>} : memref<4x200x64xf32, #tpu.memory_space<vmem>>, vector<1x1x16xf32>,
        %scan3A_304 = arith.constant 1 : i32
        %scan3A_305 = arith.addi %scan3A_237, %scan3A_304 : i32
        %mul3A_306 = arith.constant 1 : i32
        %mul3A_307 = arith.muli %scan3A_305, %mul3A_306 : i32
        %add3A_308 = arith.constant 0 : i32
        %add3A_309 = arith.addi %add3A_308, %mul3A_307 : i32
        %get3A_310 = arith.constant 1 : i32
        %get3A_311 = arith.index_cast %get3A_310 : i32 to index
        %get3A_312 = arith.index_cast %add3A_309 : i32 to index
        %get3A_313 = arith.constant 0 : index
        %get3A_314 = tpu.vector_load %arg7[%get3A_311, %get3A_312, %get3A_313] {strides = array<i32>} : memref<4x200x64xf32, #tpu.memory_space<vmem>>, vector<1x1x16xf32>,
        %get3A_315 = vector.shape_cast %get3A_314 : vector<1x1x16xf32> to vector<16xf32>
        %mul3A_316 = arith.constant 8.000000e+00 : f32
        %mul3A_317 = vector.broadcast %mul3A_316 : f32 to vector<16xf32>
        %mul3A_318 = arith.mulf %get3A_315, %mul3A_317 : vector<16xf32>
        %swap3A_319 = arith.constant 1 : i32
        %swap3A_320 = arith.index_cast %swap3A_319 : i32 to index
        %swap3A_321 = arith.index_cast %add3A_309 : i32 to index
        %swap3A_322 = arith.constant 0 : index
        %swap3A_323 = tpu.vector_load %arg7[%swap3A_320, %swap3A_321, %swap3A_322] {strides = array<i32>} : memref<4x200x64xf32, #tpu.memory_space<vmem>>, vector<1x1x16xf32>,
        %swap3A_324 = vector.shape_cast %swap3A_323 : vector<1x1x16xf32> to vector<16xf32>
        %swap3A_325 = vector.shape_cast %mul3A_318 : vector<16xf32> to vector<1x1x16xf32>
        tpu.vector_store %arg7[%swap3A_320, %swap3A_321, %swap3A_322], %swap3A_325 {strides = array<i32>} : memref<4x200x64xf32, #tpu.memory_space<vmem>>, vector<1x1x16xf32>,
        %get3A_326 = arith.constant 1 : i32
        %get3A_327 = arith.index_cast %get3A_326 : i32 to index
        %get3A_328 = arith.index_cast %add3A_309 : i32 to index
        %get3A_329 = arith.constant 16 : index
        %get3A_330 = tpu.vector_load %arg7[%get3A_327, %get3A_328, %get3A_329] {strides = array<i32>} : memref<4x200x64xf32, #tpu.memory_space<vmem>>, vector<1x1x16xf32>,
        %get3A_331 = vector.shape_cast %get3A_330 : vector<1x1x16xf32> to vector<16xf32>
        %mul3A_332 = arith.constant 8.000000e+00 : f32
        %mul3A_333 = vector.broadcast %mul3A_332 : f32 to vector<16xf32>
        %mul3A_334 = arith.mulf %get3A_331, %mul3A_333 : vector<16xf32>
        %swap3A_335 = arith.constant 1 : i32
        %swap3A_336 = arith.index_cast %swap3A_335 : i32 to index
        %swap3A_337 = arith.index_cast %add3A_309 : i32 to index
        %swap3A_338 = arith.constant 16 : index
        %swap3A_339 = tpu.vector_load %arg7[%swap3A_336, %swap3A_337, %swap3A_338] {strides = array<i32>} : memref<4x200x64xf32, #tpu.memory_space<vmem>>, vector<1x1x16xf32>,
        %swap3A_340 = vector.shape_cast %swap3A_339 : vector<1x1x16xf32> to vector<16xf32>
        %swap3A_341 = vector.shape_cast %mul3A_334 : vector<16xf32> to vector<1x1x16xf32>
        tpu.vector_store %arg7[%swap3A_336, %swap3A_337, %swap3A_338], %swap3A_341 {strides = array<i32>} : memref<4x200x64xf32, #tpu.memory_space<vmem>>, vector<1x1x16xf32>,
        %get3A_342 = arith.constant 1 : i32
        %get3A_343 = arith.index_cast %get3A_342 : i32 to index
        %get3A_344 = arith.index_cast %add3A_309 : i32 to index
        %get3A_345 = arith.constant 32 : index
        %get3A_346 = tpu.vector_load %arg7[%get3A_343, %get3A_344, %get3A_345] {strides = array<i32>} : memref<4x200x64xf32, #tpu.memory_space<vmem>>, vector<1x1x16xf32>,
        %get3A_347 = vector.shape_cast %get3A_346 : vector<1x1x16xf32> to vector<16xf32>
        %mul3A_348 = arith.constant 8.000000e+00 : f32
        %mul3A_349 = vector.broadcast %mul3A_348 : f32 to vector<16xf32>
        %mul3A_350 = arith.mulf %get3A_347, %mul3A_349 : vector<16xf32>
        %swap3A_351 = arith.constant 1 : i32
        %swap3A_352 = arith.index_cast %swap3A_351 : i32 to index
        %swap3A_353 = arith.index_cast %add3A_309 : i32 to index
        %swap3A_354 = arith.constant 32 : index
        %swap3A_355 = tpu.vector_load %arg7[%swap3A_352, %swap3A_353, %swap3A_354] {strides = array<i32>} : memref<4x200x64xf32, #tpu.memory_space<vmem>>, vector<1x1x16xf32>,
        %swap3A_356 = vector.shape_cast %swap3A_355 : vector<1x1x16xf32> to vector<16xf32>
        %swap3A_357 = vector.shape_cast %mul3A_350 : vector<16xf32> to vector<1x1x16xf32>
        tpu.vector_store %arg7[%swap3A_352, %swap3A_353, %swap3A_354], %swap3A_357 {strides = array<i32>} : memref<4x200x64xf32, #tpu.memory_space<vmem>>, vector<1x1x16xf32>,
        %get3A_358 = arith.constant 1 : i32
        %get3A_359 = arith.index_cast %get3A_358 : i32 to index
        %get3A_360 = arith.index_cast %add3A_309 : i32 to index
        %get3A_361 = arith.constant 48 : index
        %get3A_362 = tpu.vector_load %arg7[%get3A_359, %get3A_360, %get3A_361] {strides = array<i32>} : memref<4x200x64xf32, #tpu.memory_space<vmem>>, vector<1x1x16xf32>,
        %get3A_363 = vector.shape_cast %get3A_362 : vector<1x1x16xf32> to vector<16xf32>
        %mul3A_364 = arith.constant 8.000000e+00 : f32
        %mul3A_365 = vector.broadcast %mul3A_364 : f32 to vector<16xf32>
        %mul3A_366 = arith.mulf %get3A_363, %mul3A_365 : vector<16xf32>
        %swap3A_367 = arith.constant 1 : i32
        %swap3A_368 = arith.index_cast %swap3A_367 : i32 to index
        %swap3A_369 = arith.index_cast %add3A_309 : i32 to index
        %swap3A_370 = arith.constant 48 : index
        %swap3A_371 = tpu.vector_load %arg7[%swap3A_368, %swap3A_369, %swap3A_370] {strides = array<i32>} : memref<4x200x64xf32, #tpu.memory_space<vmem>>, vector<1x1x16xf32>,
        %swap3A_372 = vector.shape_cast %swap3A_371 : vector<1x1x16xf32> to vector<16xf32>
        %swap3A_373 = vector.shape_cast %mul3A_366 : vector<16xf32> to vector<1x1x16xf32>
        tpu.vector_store %arg7[%swap3A_368, %swap3A_369, %swap3A_370], %swap3A_373 {strides = array<i32>} : memref<4x200x64xf32, #tpu.memory_space<vmem>>, vector<1x1x16xf32>,
        %scan3A_374 = arith.constant 2 : i32
        %scan3A_375 = arith.addi %scan3A_237, %scan3A_374 : i32
        %mul3A_376 = arith.constant 1 : i32
        %mul3A_377 = arith.muli %scan3A_375, %mul3A_376 : i32
        %add3A_378 = arith.constant 0 : i32
        %add3A_379 = arith.addi %add3A_378, %mul3A_377 : i32
        %get3A_380 = arith.constant 1 : i32
        %get3A_381 = arith.index_cast %get3A_380 : i32 to index
        %get3A_382 = arith.index_cast %add3A_379 : i32 to index
        %get3A_383 = arith.constant 0 : index
        %get3A_384 = tpu.vector_load %arg7[%get3A_381, %get3A_382, %get3A_383] {strides = array<i32>} : memref<4x200x64xf32, #tpu.memory_space<vmem>>, vector<1x1x16xf32>,
        %get3A_385 = vector.shape_cast %get3A_384 : vector<1x1x16xf32> to vector<16xf32>
        %mul3A_386 = arith.constant 8.000000e+00 : f32
        %mul3A_387 = vector.broadcast %mul3A_386 : f32 to vector<16xf32>
        %mul3A_388 = arith.mulf %get3A_385, %mul3A_387 : vector<16xf32>
        %swap3A_389 = arith.constant 1 : i32
        %swap3A_390 = arith.index_cast %swap3A_389 : i32 to index
        %swap3A_391 = arith.index_cast %add3A_379 : i32 to index
        %swap3A_392 = arith.constant 0 : index
        %swap3A_393 = tpu.vector_load %arg7[%swap3A_390, %swap3A_391, %swap3A_392] {strides = array<i32>} : memref<4x200x64xf32, #tpu.memory_space<vmem>>, vector<1x1x16xf32>,
        %swap3A_394 = vector.shape_cast %swap3A_393 : vector<1x1x16xf32> to vector<16xf32>
        %swap3A_395 = vector.shape_cast %mul3A_388 : vector<16xf32> to vector<1x1x16xf32>
        tpu.vector_store %arg7[%swap3A_390, %swap3A_391, %swap3A_392], %swap3A_395 {strides = array<i32>} : memref<4x200x64xf32, #tpu.memory_space<vmem>>, vector<1x1x16xf32>,
        %get3A_396 = arith.constant 1 : i32
        %get3A_397 = arith.index_cast %get3A_396 : i32 to index
        %get3A_398 = arith.index_cast %add3A_379 : i32 to index
        %get3A_399 = arith.constant 16 : index
        %get3A_400 = tpu.vector_load %arg7[%get3A_397, %get3A_398, %get3A_399] {strides = array<i32>} : memref<4x200x64xf32, #tpu.memory_space<vmem>>, vector<1x1x16xf32>,
        %get3A_401 = vector.shape_cast %get3A_400 : vector<1x1x16xf32> to vector<16xf32>
        %mul3A_402 = arith.constant 8.000000e+00 : f32
        %mul3A_403 = vector.broadcast %mul3A_402 : f32 to vector<16xf32>
        %mul3A_404 = arith.mulf %get3A_401, %mul3A_403 : vector<16xf32>
        %swap3A_405 = arith.constant 1 : i32
        %swap3A_406 = arith.index_cast %swap3A_405 : i32 to index
        %swap3A_407 = arith.index_cast %add3A_379 : i32 to index
        %swap3A_408 = arith.constant 16 : index
        %swap3A_409 = tpu.vector_load %arg7[%swap3A_406, %swap3A_407, %swap3A_408] {strides = array<i32>} : memref<4x200x64xf32, #tpu.memory_space<vmem>>, vector<1x1x16xf32>,
        %swap3A_410 = vector.shape_cast %swap3A_409 : vector<1x1x16xf32> to vector<16xf32>
        %swap3A_411 = vector.shape_cast %mul3A_404 : vector<16xf32> to vector<1x1x16xf32>
        tpu.vector_store %arg7[%swap3A_406, %swap3A_407, %swap3A_408], %swap3A_411 {strides = array<i32>} : memref<4x200x64xf32, #tpu.memory_space<vmem>>, vector<1x1x16xf32>,
        %get3A_412 = arith.constant 1 : i32
        %get3A_413 = arith.index_cast %get3A_412 : i32 to index
        %get3A_414 = arith.index_cast %add3A_379 : i32 to index
        %get3A_415 = arith.constant 32 : index
        %get3A_416 = tpu.vector_load %arg7[%get3A_413, %get3A_414, %get3A_415] {strides = array<i32>} : memref<4x200x64xf32, #tpu.memory_space<vmem>>, vector<1x1x16xf32>,
        %get3A_417 = vector.shape_cast %get3A_416 : vector<1x1x16xf32> to vector<16xf32>
        %mul3A_418 = arith.constant 8.000000e+00 : f32
        %mul3A_419 = vector.broadcast %mul3A_418 : f32 to vector<16xf32>
        %mul3A_420 = arith.mulf %get3A_417, %mul3A_419 : vector<16xf32>
        %swap3A_421 = arith.constant 1 : i32
        %swap3A_422 = arith.index_cast %swap3A_421 : i32 to index
        %swap3A_423 = arith.index_cast %add3A_379 : i32 to index
        %swap3A_424 = arith.constant 32 : index
        %swap3A_425 = tpu.vector_load %arg7[%swap3A_422, %swap3A_423, %swap3A_424] {strides = array<i32>} : memref<4x200x64xf32, #tpu.memory_space<vmem>>, vector<1x1x16xf32>,
        %swap3A_426 = vector.shape_cast %swap3A_425 : vector<1x1x16xf32> to vector<16xf32>
        %swap3A_427 = vector.shape_cast %mul3A_420 : vector<16xf32> to vector<1x1x16xf32>
        tpu.vector_store %arg7[%swap3A_422, %swap3A_423, %swap3A_424], %swap3A_427 {strides = array<i32>} : memref<4x200x64xf32, #tpu.memory_space<vmem>>, vector<1x1x16xf32>,
        %get3A_428 = arith.constant 1 : i32
        %get3A_429 = arith.index_cast %get3A_428 : i32 to index
        %get3A_430 = arith.index_cast %add3A_379 : i32 to index
        %get3A_431 = arith.constant 48 : index
        %get3A_432 = tpu.vector_load %arg7[%get3A_429, %get3A_430, %get3A_431] {strides = array<i32>} : memref<4x200x64xf32, #tpu.memory_space<vmem>>, vector<1x1x16xf32>,
        %get3A_433 = vector.shape_cast %get3A_432 : vector<1x1x16xf32> to vector<16xf32>
        %mul3A_434 = arith.constant 8.000000e+00 : f32
        %mul3A_435 = vector.broadcast %mul3A_434 : f32 to vector<16xf32>
        %mul3A_436 = arith.mulf %get3A_433, %mul3A_435 : vector<16xf32>
        %swap3A_437 = arith.constant 1 : i32
        %swap3A_438 = arith.index_cast %swap3A_437 : i32 to index
        %swap3A_439 = arith.index_cast %add3A_379 : i32 to index
        %swap3A_440 = arith.constant 48 : index
        %swap3A_441 = tpu.vector_load %arg7[%swap3A_438, %swap3A_439, %swap3A_440] {strides = array<i32>} : memref<4x200x64xf32, #tpu.memory_space<vmem>>, vector<1x1x16xf32>,
        %swap3A_442 = vector.shape_cast %swap3A_441 : vector<1x1x16xf32> to vector<16xf32>
        %swap3A_443 = vector.shape_cast %mul3A_436 : vector<16xf32> to vector<1x1x16xf32>
        tpu.vector_store %arg7[%swap3A_438, %swap3A_439, %swap3A_440], %swap3A_443 {strides = array<i32>} : memref<4x200x64xf32, #tpu.memory_space<vmem>>, vector<1x1x16xf32>,
        %scan3A_444 = arith.constant 3 : i32
        %scan3A_445 = arith.addi %scan3A_237, %scan3A_444 : i32
        %mul3A_446 = arith.constant 1 : i32
        %mul3A_447 = arith.muli %scan3A_445, %mul3A_446 : i32
        %add3A_448 = arith.constant 0 : i32
        %add3A_449 = arith.addi %add3A_448, %mul3A_447 : i32
        %get3A_450 = arith.constant 1 : i32
        %get3A_451 = arith.index_cast %get3A_450 : i32 to index
        %get3A_452 = arith.index_cast %add3A_449 : i32 to index
        %get3A_453 = arith.constant 0 : index
        %get3A_454 = tpu.vector_load %arg7[%get3A_451, %get3A_452, %get3A_453] {strides = array<i32>} : memref<4x200x64xf32, #tpu.memory_space<vmem>>, vector<1x1x16xf32>,
        %get3A_455 = vector.shape_cast %get3A_454 : vector<1x1x16xf32> to vector<16xf32>
        %mul3A_456 = arith.constant 8.000000e+00 : f32
        %mul3A_457 = vector.broadcast %mul3A_456 : f32 to vector<16xf32>
        %mul3A_458 = arith.mulf %get3A_455, %mul3A_457 : vector<16xf32>
        %swap3A_459 = arith.constant 1 : i32
        %swap3A_460 = arith.index_cast %swap3A_459 : i32 to index
        %swap3A_461 = arith.index_cast %add3A_449 : i32 to index
        %swap3A_462 = arith.constant 0 : index
        %swap3A_463 = tpu.vector_load %arg7[%swap3A_460, %swap3A_461, %swap3A_462] {strides = array<i32>} : memref<4x200x64xf32, #tpu.memory_space<vmem>>, vector<1x1x16xf32>,
        %swap3A_464 = vector.shape_cast %swap3A_463 : vector<1x1x16xf32> to vector<16xf32>
        %swap3A_465 = vector.shape_cast %mul3A_458 : vector<16xf32> to vector<1x1x16xf32>
        tpu.vector_store %arg7[%swap3A_460, %swap3A_461, %swap3A_462], %swap3A_465 {strides = array<i32>} : memref<4x200x64xf32, #tpu.memory_space<vmem>>, vector<1x1x16xf32>,
        %get3A_466 = arith.constant 1 : i32
        %get3A_467 = arith.index_cast %get3A_466 : i32 to index
        %get3A_468 = arith.index_cast %add3A_449 : i32 to index
        %get3A_469 = arith.constant 16 : index
        %get3A_470 = tpu.vector_load %arg7[%get3A_467, %get3A_468, %get3A_469] {strides = array<i32>} : memref<4x200x64xf32, #tpu.memory_space<vmem>>, vector<1x1x16xf32>,
        %get3A_471 = vector.shape_cast %get3A_470 : vector<1x1x16xf32> to vector<16xf32>
        %mul3A_472 = arith.constant 8.000000e+00 : f32
        %mul3A_473 = vector.broadcast %mul3A_472 : f32 to vector<16xf32>
        %mul3A_474 = arith.mulf %get3A_471, %mul3A_473 : vector<16xf32>
        %swap3A_475 = arith.constant 1 : i32
        %swap3A_476 = arith.index_cast %swap3A_475 : i32 to index
        %swap3A_477 = arith.index_cast %add3A_449 : i32 to index
        %swap3A_478 = arith.constant 16 : index
        %swap3A_479 = tpu.vector_load %arg7[%swap3A_476, %swap3A_477, %swap3A_478] {strides = array<i32>} : memref<4x200x64xf32, #tpu.memory_space<vmem>>, vector<1x1x16xf32>,
        %swap3A_480 = vector.shape_cast %swap3A_479 : vector<1x1x16xf32> to vector<16xf32>
        %swap3A_481 = vector.shape_cast %mul3A_474 : vector<16xf32> to vector<1x1x16xf32>
        tpu.vector_store %arg7[%swap3A_476, %swap3A_477, %swap3A_478], %swap3A_481 {strides = array<i32>} : memref<4x200x64xf32, #tpu.memory_space<vmem>>, vector<1x1x16xf32>,
        %get3A_482 = arith.constant 1 : i32
        %get3A_483 = arith.index_cast %get3A_482 : i32 to index
        %get3A_484 = arith.index_cast %add3A_449 : i32 to index
        %get3A_485 = arith.constant 32 : index
        %get3A_486 = tpu.vector_load %arg7[%get3A_483, %get3A_484, %get3A_485] {strides = array<i32>} : memref<4x200x64xf32, #tpu.memory_space<vmem>>, vector<1x1x16xf32>,
        %get3A_487 = vector.shape_cast %get3A_486 : vector<1x1x16xf32> to vector<16xf32>
        %mul3A_488 = arith.constant 8.000000e+00 : f32
        %mul3A_489 = vector.broadcast %mul3A_488 : f32 to vector<16xf32>
        %mul3A_490 = arith.mulf %get3A_487, %mul3A_489 : vector<16xf32>
        %swap3A_491 = arith.constant 1 : i32
        %swap3A_492 = arith.index_cast %swap3A_491 : i32 to index
        %swap3A_493 = arith.index_cast %add3A_449 : i32 to index
        %swap3A_494 = arith.constant 32 : index
        %swap3A_495 = tpu.vector_load %arg7[%swap3A_492, %swap3A_493, %swap3A_494] {strides = array<i32>} : memref<4x200x64xf32, #tpu.memory_space<vmem>>, vector<1x1x16xf32>,
        %swap3A_496 = vector.shape_cast %swap3A_495 : vector<1x1x16xf32> to vector<16xf32>
        %swap3A_497 = vector.shape_cast %mul3A_490 : vector<16xf32> to vector<1x1x16xf32>
        tpu.vector_store %arg7[%swap3A_492, %swap3A_493, %swap3A_494], %swap3A_497 {strides = array<i32>} : memref<4x200x64xf32, #tpu.memory_space<vmem>>, vector<1x1x16xf32>,
        %get3A_498 = arith.constant 1 : i32
        %get3A_499 = arith.index_cast %get3A_498 : i32 to index
        %get3A_500 = arith.index_cast %add3A_449 : i32 to index
        %get3A_501 = arith.constant 48 : index
        %get3A_502 = tpu.vector_load %arg7[%get3A_499, %get3A_500, %get3A_501] {strides = array<i32>} : memref<4x200x64xf32, #tpu.memory_space<vmem>>, vector<1x1x16xf32>,
        %get3A_503 = vector.shape_cast %get3A_502 : vector<1x1x16xf32> to vector<16xf32>
        %mul3A_504 = arith.constant 8.000000e+00 : f32
        %mul3A_505 = vector.broadcast %mul3A_504 : f32 to vector<16xf32>
        %mul3A_506 = arith.mulf %get3A_503, %mul3A_505 : vector<16xf32>
        %swap3A_507 = arith.constant 1 : i32
        %swap3A_508 = arith.index_cast %swap3A_507 : i32 to index
        %swap3A_509 = arith.index_cast %add3A_449 : i32 to index
        %swap3A_510 = arith.constant 48 : index
        %swap3A_511 = tpu.vector_load %arg7[%swap3A_508, %swap3A_509, %swap3A_510] {strides = array<i32>} : memref<4x200x64xf32, #tpu.memory_space<vmem>>, vector<1x1x16xf32>,
        %swap3A_512 = vector.shape_cast %swap3A_511 : vector<1x1x16xf32> to vector<16xf32>
        %swap3A_513 = vector.shape_cast %mul3A_506 : vector<16xf32> to vector<1x1x16xf32>
        tpu.vector_store %arg7[%swap3A_508, %swap3A_509, %swap3A_510], %swap3A_513 {strides = array<i32>} : memref<4x200x64xf32, #tpu.memory_space<vmem>>, vector<1x1x16xf32>,
        %scan3A_514 = arith.constant 4 : i32
        %scan3A_515 = arith.addi %scan3A_237, %scan3A_514 : i32
        %mul3A_516 = arith.constant 1 : i32
        %mul3A_517 = arith.muli %scan3A_515, %mul3A_516 : i32
        %add3A_518 = arith.constant 0 : i32
        %add3A_519 = arith.addi %add3A_518, %mul3A_517 : i32
        %get3A_520 = arith.constant 1 : i32
        %get3A_521 = arith.index_cast %get3A_520 : i32 to index
        %get3A_522 = arith.index_cast %add3A_519 : i32 to index
        %get3A_523 = arith.constant 0 : index
        %get3A_524 = tpu.vector_load %arg7[%get3A_521, %get3A_522, %get3A_523] {strides = array<i32>} : memref<4x200x64xf32, #tpu.memory_space<vmem>>, vector<1x1x16xf32>,
        %get3A_525 = vector.shape_cast %get3A_524 : vector<1x1x16xf32> to vector<16xf32>
        %mul3A_526 = arith.constant 8.000000e+00 : f32
        %mul3A_527 = vector.broadcast %mul3A_526 : f32 to vector<16xf32>
        %mul3A_528 = arith.mulf %get3A_525, %mul3A_527 : vector<16xf32>
        %swap3A_529 = arith.constant 1 : i32
        %swap3A_530 = arith.index_cast %swap3A_529 : i32 to index
        %swap3A_531 = arith.index_cast %add3A_519 : i32 to index
        %swap3A_532 = arith.constant 0 : index
        %swap3A_533 = tpu.vector_load %arg7[%swap3A_530, %swap3A_531, %swap3A_532] {strides = array<i32>} : memref<4x200x64xf32, #tpu.memory_space<vmem>>, vector<1x1x16xf32>,
        %swap3A_534 = vector.shape_cast %swap3A_533 : vector<1x1x16xf32> to vector<16xf32>
        %swap3A_535 = vector.shape_cast %mul3A_528 : vector<16xf32> to vector<1x1x16xf32>
        tpu.vector_store %arg7[%swap3A_530, %swap3A_531, %swap3A_532], %swap3A_535 {strides = array<i32>} : memref<4x200x64xf32, #tpu.memory_space<vmem>>, vector<1x1x16xf32>,
        %get3A_536 = arith.constant 1 : i32
        %get3A_537 = arith.index_cast %get3A_536 : i32 to index
        %get3A_538 = arith.index_cast %add3A_519 : i32 to index
        %get3A_539 = arith.constant 16 : index
        %get3A_540 = tpu.vector_load %arg7[%get3A_537, %get3A_538, %get3A_539] {strides = array<i32>} : memref<4x200x64xf32, #tpu.memory_space<vmem>>, vector<1x1x16xf32>,
        %get3A_541 = vector.shape_cast %get3A_540 : vector<1x1x16xf32> to vector<16xf32>
        %mul3A_542 = arith.constant 8.000000e+00 : f32
        %mul3A_543 = vector.broadcast %mul3A_542 : f32 to vector<16xf32>
        %mul3A_544 = arith.mulf %get3A_541, %mul3A_543 : vector<16xf32>
        %swap3A_545 = arith.constant 1 : i32
        %swap3A_546 = arith.index_cast %swap3A_545 : i32 to index
        %swap3A_547 = arith.index_cast %add3A_519 : i32 to index
        %swap3A_548 = arith.constant 16 : index
        %swap3A_549 = tpu.vector_load %arg7[%swap3A_546, %swap3A_547, %swap3A_548] {strides = array<i32>} : memref<4x200x64xf32, #tpu.memory_space<vmem>>, vector<1x1x16xf32>,
        %swap3A_550 = vector.shape_cast %swap3A_549 : vector<1x1x16xf32> to vector<16xf32>
        %swap3A_551 = vector.shape_cast %mul3A_544 : vector<16xf32> to vector<1x1x16xf32>
        tpu.vector_store %arg7[%swap3A_546, %swap3A_547, %swap3A_548], %swap3A_551 {strides = array<i32>} : memref<4x200x64xf32, #tpu.memory_space<vmem>>, vector<1x1x16xf32>,
        %get3A_552 = arith.constant 1 : i32
        %get3A_553 = arith.index_cast %get3A_552 : i32 to index
        %get3A_554 = arith.index_cast %add3A_519 : i32 to index
        %get3A_555 = arith.constant 32 : index
        %get3A_556 = tpu.vector_load %arg7[%get3A_553, %get3A_554, %get3A_555] {strides = array<i32>} : memref<4x200x64xf32, #tpu.memory_space<vmem>>, vector<1x1x16xf32>,
        %get3A_557 = vector.shape_cast %get3A_556 : vector<1x1x16xf32> to vector<16xf32>
        %mul3A_558 = arith.constant 8.000000e+00 : f32
        %mul3A_559 = vector.broadcast %mul3A_558 : f32 to vector<16xf32>
        %mul3A_560 = arith.mulf %get3A_557, %mul3A_559 : vector<16xf32>
        %swap3A_561 = arith.constant 1 : i32
        %swap3A_562 = arith.index_cast %swap3A_561 : i32 to index
        %swap3A_563 = arith.index_cast %add3A_519 : i32 to index
        %swap3A_564 = arith.constant 32 : index
        %swap3A_565 = tpu.vector_load %arg7[%swap3A_562, %swap3A_563, %swap3A_564] {strides = array<i32>} : memref<4x200x64xf32, #tpu.memory_space<vmem>>, vector<1x1x16xf32>,
        %swap3A_566 = vector.shape_cast %swap3A_565 : vector<1x1x16xf32> to vector<16xf32>
        %swap3A_567 = vector.shape_cast %mul3A_560 : vector<16xf32> to vector<1x1x16xf32>
        tpu.vector_store %arg7[%swap3A_562, %swap3A_563, %swap3A_564], %swap3A_567 {strides = array<i32>} : memref<4x200x64xf32, #tpu.memory_space<vmem>>, vector<1x1x16xf32>,
        %get3A_568 = arith.constant 1 : i32
        %get3A_569 = arith.index_cast %get3A_568 : i32 to index
        %get3A_570 = arith.index_cast %add3A_519 : i32 to index
        %get3A_571 = arith.constant 48 : index
        %get3A_572 = tpu.vector_load %arg7[%get3A_569, %get3A_570, %get3A_571] {strides = array<i32>} : memref<4x200x64xf32, #tpu.memory_space<vmem>>, vector<1x1x16xf32>,
        %get3A_573 = vector.shape_cast %get3A_572 : vector<1x1x16xf32> to vector<16xf32>
        %mul3A_574 = arith.constant 8.000000e+00 : f32
        %mul3A_575 = vector.broadcast %mul3A_574 : f32 to vector<16xf32>
        %mul3A_576 = arith.mulf %get3A_573, %mul3A_575 : vector<16xf32>
        %swap3A_577 = arith.constant 1 : i32
        %swap3A_578 = arith.index_cast %swap3A_577 : i32 to index
        %swap3A_579 = arith.index_cast %add3A_519 : i32 to index
        %swap3A_580 = arith.constant 48 : index
        %swap3A_581 = tpu.vector_load %arg7[%swap3A_578, %swap3A_579, %swap3A_580] {strides = array<i32>} : memref<4x200x64xf32, #tpu.memory_space<vmem>>, vector<1x1x16xf32>,
        %swap3A_582 = vector.shape_cast %swap3A_581 : vector<1x1x16xf32> to vector<16xf32>
        %swap3A_583 = vector.shape_cast %mul3A_576 : vector<16xf32> to vector<1x1x16xf32>
        tpu.vector_store %arg7[%swap3A_578, %swap3A_579, %swap3A_580], %swap3A_583 {strides = array<i32>} : memref<4x200x64xf32, #tpu.memory_space<vmem>>, vector<1x1x16xf32>,
        %scan3A_584 = arith.constant 5 : i32
        %scan3A_585 = arith.addi %scan3A_237, %scan3A_584 : i32
        %mul3A_586 = arith.constant 1 : i32
        %mul3A_587 = arith.muli %scan3A_585, %mul3A_586 : i32
        %add3A_588 = arith.constant 0 : i32
        %add3A_589 = arith.addi %add3A_588, %mul3A_587 : i32
        %get3A_590 = arith.constant 1 : i32
        %get3A_591 = arith.index_cast %get3A_590 : i32 to index
        %get3A_592 = arith.index_cast %add3A_589 : i32 to index
        %get3A_593 = arith.constant 0 : index
        %get3A_594 = tpu.vector_load %arg7[%get3A_591, %get3A_592, %get3A_593] {strides = array<i32>} : memref<4x200x64xf32, #tpu.memory_space<vmem>>, vector<1x1x16xf32>,
        %get3A_595 = vector.shape_cast %get3A_594 : vector<1x1x16xf32> to vector<16xf32>
        %mul3A_596 = arith.constant 8.000000e+00 : f32
        %mul3A_597 = vector.broadcast %mul3A_596 : f32 to vector<16xf32>
        %mul3A_598 = arith.mulf %get3A_595, %mul3A_597 : vector<16xf32>
        %swap3A_599 = arith.constant 1 : i32
        %swap3A_600 = arith.index_cast %swap3A_599 : i32 to index
        %swap3A_601 = arith.index_cast %add3A_589 : i32 to index
        %swap3A_602 = arith.constant 0 : index
        %swap3A_603 = tpu.vector_load %arg7[%swap3A_600, %swap3A_601, %swap3A_602] {strides = array<i32>} : memref<4x200x64xf32, #tpu.memory_space<vmem>>, vector<1x1x16xf32>,
        %swap3A_604 = vector.shape_cast %swap3A_603 : vector<1x1x16xf32> to vector<16xf32>
        %swap3A_605 = vector.shape_cast %mul3A_598 : vector<16xf32> to vector<1x1x16xf32>
        tpu.vector_store %arg7[%swap3A_600, %swap3A_601, %swap3A_602], %swap3A_605 {strides = array<i32>} : memref<4x200x64xf32, #tpu.memory_space<vmem>>, vector<1x1x16xf32>,
        %get3A_606 = arith.constant 1 : i32
        %get3A_607 = arith.index_cast %get3A_606 : i32 to index
        %get3A_608 = arith.index_cast %add3A_589 : i32 to index
        %get3A_609 = arith.constant 16 : index
        %get3A_610 = tpu.vector_load %arg7[%get3A_607, %get3A_608, %get3A_609] {strides = array<i32>} : memref<4x200x64xf32, #tpu.memory_space<vmem>>, vector<1x1x16xf32>,
        %get3A_611 = vector.shape_cast %get3A_610 : vector<1x1x16xf32> to vector<16xf32>
        %mul3A_612 = arith.constant 8.000000e+00 : f32
        %mul3A_613 = vector.broadcast %mul3A_612 : f32 to vector<16xf32>
        %mul3A_614 = arith.mulf %get3A_611, %mul3A_613 : vector<16xf32>
        %swap3A_615 = arith.constant 1 : i32
        %swap3A_616 = arith.index_cast %swap3A_615 : i32 to index
        %swap3A_617 = arith.index_cast %add3A_589 : i32 to index
        %swap3A_618 = arith.constant 16 : index
        %swap3A_619 = tpu.vector_load %arg7[%swap3A_616, %swap3A_617, %swap3A_618] {strides = array<i32>} : memref<4x200x64xf32, #tpu.memory_space<vmem>>, vector<1x1x16xf32>,
        %swap3A_620 = vector.shape_cast %swap3A_619 : vector<1x1x16xf32> to vector<16xf32>
        %swap3A_621 = vector.shape_cast %mul3A_614 : vector<16xf32> to vector<1x1x16xf32>
        tpu.vector_store %arg7[%swap3A_616, %swap3A_617, %swap3A_618], %swap3A_621 {strides = array<i32>} : memref<4x200x64xf32, #tpu.memory_space<vmem>>, vector<1x1x16xf32>,
        %get3A_622 = arith.constant 1 : i32
        %get3A_623 = arith.index_cast %get3A_622 : i32 to index
        %get3A_624 = arith.index_cast %add3A_589 : i32 to index
        %get3A_625 = arith.constant 32 : index
        %get3A_626 = tpu.vector_load %arg7[%get3A_623, %get3A_624, %get3A_625] {strides = array<i32>} : memref<4x200x64xf32, #tpu.memory_space<vmem>>, vector<1x1x16xf32>,
        %get3A_627 = vector.shape_cast %get3A_626 : vector<1x1x16xf32> to vector<16xf32>
        %mul3A_628 = arith.constant 8.000000e+00 : f32
        %mul3A_629 = vector.broadcast %mul3A_628 : f32 to vector<16xf32>
        %mul3A_630 = arith.mulf %get3A_627, %mul3A_629 : vector<16xf32>
        %swap3A_631 = arith.constant 1 : i32
        %swap3A_632 = arith.index_cast %swap3A_631 : i32 to index
        %swap3A_633 = arith.index_cast %add3A_589 : i32 to index
        %swap3A_634 = arith.constant 32 : index
        %swap3A_635 = tpu.vector_load %arg7[%swap3A_632, %swap3A_633, %swap3A_634] {strides = array<i32>} : memref<4x200x64xf32, #tpu.memory_space<vmem>>, vector<1x1x16xf32>,
        %swap3A_636 = vector.shape_cast %swap3A_635 : vector<1x1x16xf32> to vector<16xf32>
        %swap3A_637 = vector.shape_cast %mul3A_630 : vector<16xf32> to vector<1x1x16xf32>
        tpu.vector_store %arg7[%swap3A_632, %swap3A_633, %swap3A_634], %swap3A_637 {strides = array<i32>} : memref<4x200x64xf32, #tpu.memory_space<vmem>>, vector<1x1x16xf32>,
        %get3A_638 = arith.constant 1 : i32
        %get3A_639 = arith.index_cast %get3A_638 : i32 to index
        %get3A_640 = arith.index_cast %add3A_589 : i32 to index
        %get3A_641 = arith.constant 48 : index
        %get3A_642 = tpu.vector_load %arg7[%get3A_639, %get3A_640, %get3A_641] {strides = array<i32>} : memref<4x200x64xf32, #tpu.memory_space<vmem>>, vector<1x1x16xf32>,
        %get3A_643 = vector.shape_cast %get3A_642 : vector<1x1x16xf32> to vector<16xf32>
        %mul3A_644 = arith.constant 8.000000e+00 : f32
        %mul3A_645 = vector.broadcast %mul3A_644 : f32 to vector<16xf32>
        %mul3A_646 = arith.mulf %get3A_643, %mul3A_645 : vector<16xf32>
        %swap3A_647 = arith.constant 1 : i32
        %swap3A_648 = arith.index_cast %swap3A_647 : i32 to index
        %swap3A_649 = arith.index_cast %add3A_589 : i32 to index
        %swap3A_650 = arith.constant 48 : index
        %swap3A_651 = tpu.vector_load %arg7[%swap3A_648, %swap3A_649, %swap3A_650] {strides = array<i32>} : memref<4x200x64xf32, #tpu.memory_space<vmem>>, vector<1x1x16xf32>,
        %swap3A_652 = vector.shape_cast %swap3A_651 : vector<1x1x16xf32> to vector<16xf32>
        %swap3A_653 = vector.shape_cast %mul3A_646 : vector<16xf32> to vector<1x1x16xf32>
        tpu.vector_store %arg7[%swap3A_648, %swap3A_649, %swap3A_650], %swap3A_653 {strides = array<i32>} : memref<4x200x64xf32, #tpu.memory_space<vmem>>, vector<1x1x16xf32>,
        %scan3A_654 = arith.constant 6 : i32
        %scan3A_655 = arith.addi %scan3A_237, %scan3A_654 : i32
        %mul3A_656 = arith.constant 1 : i32
        %mul3A_657 = arith.muli %scan3A_655, %mul3A_656 : i32
        %add3A_658 = arith.constant 0 : i32
        %add3A_659 = arith.addi %add3A_658, %mul3A_657 : i32
        %get3A_660 = arith.constant 1 : i32
        %get3A_661 = arith.index_cast %get3A_660 : i32 to index
        %get3A_662 = arith.index_cast %add3A_659 : i32 to index
        %get3A_663 = arith.constant 0 : index
        %get3A_664 = tpu.vector_load %arg7[%get3A_661, %get3A_662, %get3A_663] {strides = array<i32>} : memref<4x200x64xf32, #tpu.memory_space<vmem>>, vector<1x1x16xf32>,
        %get3A_665 = vector.shape_cast %get3A_664 : vector<1x1x16xf32> to vector<16xf32>
        %mul3A_666 = arith.constant 8.000000e+00 : f32
        %mul3A_667 = vector.broadcast %mul3A_666 : f32 to vector<16xf32>
        %mul3A_668 = arith.mulf %get3A_665, %mul3A_667 : vector<16xf32>
        %swap3A_669 = arith.constant 1 : i32
        %swap3A_670 = arith.index_cast %swap3A_669 : i32 to index
        %swap3A_671 = arith.index_cast %add3A_659 : i32 to index
        %swap3A_672 = arith.constant 0 : index
        %swap3A_673 = tpu.vector_load %arg7[%swap3A_670, %swap3A_671, %swap3A_672] {strides = array<i32>} : memref<4x200x64xf32, #tpu.memory_space<vmem>>, vector<1x1x16xf32>,
        %swap3A_674 = vector.shape_cast %swap3A_673 : vector<1x1x16xf32> to vector<16xf32>
        %swap3A_675 = vector.shape_cast %mul3A_668 : vector<16xf32> to vector<1x1x16xf32>
        tpu.vector_store %arg7[%swap3A_670, %swap3A_671, %swap3A_672], %swap3A_675 {strides = array<i32>} : memref<4x200x64xf32, #tpu.memory_space<vmem>>, vector<1x1x16xf32>,
        %get3A_676 = arith.constant 1 : i32
        %get3A_677 = arith.index_cast %get3A_676 : i32 to index
        %get3A_678 = arith.index_cast %add3A_659 : i32 to index
        %get3A_679 = arith.constant 16 : index
        %get3A_680 = tpu.vector_load %arg7[%get3A_677, %get3A_678, %get3A_679] {strides = array<i32>} : memref<4x200x64xf32, #tpu.memory_space<vmem>>, vector<1x1x16xf32>,
        %get3A_681 = vector.shape_cast %get3A_680 : vector<1x1x16xf32> to vector<16xf32>
        %mul3A_682 = arith.constant 8.000000e+00 : f32
        %mul3A_683 = vector.broadcast %mul3A_682 : f32 to vector<16xf32>
        %mul3A_684 = arith.mulf %get3A_681, %mul3A_683 : vector<16xf32>
        %swap3A_685 = arith.constant 1 : i32
        %swap3A_686 = arith.index_cast %swap3A_685 : i32 to index
        %swap3A_687 = arith.index_cast %add3A_659 : i32 to index
        %swap3A_688 = arith.constant 16 : index
        %swap3A_689 = tpu.vector_load %arg7[%swap3A_686, %swap3A_687, %swap3A_688] {strides = array<i32>} : memref<4x200x64xf32, #tpu.memory_space<vmem>>, vector<1x1x16xf32>,
        %swap3A_690 = vector.shape_cast %swap3A_689 : vector<1x1x16xf32> to vector<16xf32>
        %swap3A_691 = vector.shape_cast %mul3A_684 : vector<16xf32> to vector<1x1x16xf32>
        tpu.vector_store %arg7[%swap3A_686, %swap3A_687, %swap3A_688], %swap3A_691 {strides = array<i32>} : memref<4x200x64xf32, #tpu.memory_space<vmem>>, vector<1x1x16xf32>,
        %get3A_692 = arith.constant 1 : i32
        %get3A_693 = arith.index_cast %get3A_692 : i32 to index
        %get3A_694 = arith.index_cast %add3A_659 : i32 to index
        %get3A_695 = arith.constant 32 : index
        %get3A_696 = tpu.vector_load %arg7[%get3A_693, %get3A_694, %get3A_695] {strides = array<i32>} : memref<4x200x64xf32, #tpu.memory_space<vmem>>, vector<1x1x16xf32>,
        %get3A_697 = vector.shape_cast %get3A_696 : vector<1x1x16xf32> to vector<16xf32>
        %mul3A_698 = arith.constant 8.000000e+00 : f32
        %mul3A_699 = vector.broadcast %mul3A_698 : f32 to vector<16xf32>
        %mul3A_700 = arith.mulf %get3A_697, %mul3A_699 : vector<16xf32>
        %swap3A_701 = arith.constant 1 : i32
        %swap3A_702 = arith.index_cast %swap3A_701 : i32 to index
        %swap3A_703 = arith.index_cast %add3A_659 : i32 to index
        %swap3A_704 = arith.constant 32 : index
        %swap3A_705 = tpu.vector_load %arg7[%swap3A_702, %swap3A_703, %swap3A_704] {strides = array<i32>} : memref<4x200x64xf32, #tpu.memory_space<vmem>>, vector<1x1x16xf32>,
        %swap3A_706 = vector.shape_cast %swap3A_705 : vector<1x1x16xf32> to vector<16xf32>
        %swap3A_707 = vector.shape_cast %mul3A_700 : vector<16xf32> to vector<1x1x16xf32>
        tpu.vector_store %arg7[%swap3A_702, %swap3A_703, %swap3A_704], %swap3A_707 {strides = array<i32>} : memref<4x200x64xf32, #tpu.memory_space<vmem>>, vector<1x1x16xf32>,
        %get3A_708 = arith.constant 1 : i32
        %get3A_709 = arith.index_cast %get3A_708 : i32 to index
        %get3A_710 = arith.index_cast %add3A_659 : i32 to index
        %get3A_711 = arith.constant 48 : index
        %get3A_712 = tpu.vector_load %arg7[%get3A_709, %get3A_710, %get3A_711] {strides = array<i32>} : memref<4x200x64xf32, #tpu.memory_space<vmem>>, vector<1x1x16xf32>,
        %get3A_713 = vector.shape_cast %get3A_712 : vector<1x1x16xf32> to vector<16xf32>
        %mul3A_714 = arith.constant 8.000000e+00 : f32
        %mul3A_715 = vector.broadcast %mul3A_714 : f32 to vector<16xf32>
        %mul3A_716 = arith.mulf %get3A_713, %mul3A_715 : vector<16xf32>
        %swap3A_717 = arith.constant 1 : i32
        %swap3A_718 = arith.index_cast %swap3A_717 : i32 to index
        %swap3A_719 = arith.index_cast %add3A_659 : i32 to index
        %swap3A_720 = arith.constant 48 : index
        %swap3A_721 = tpu.vector_load %arg7[%swap3A_718, %swap3A_719, %swap3A_720] {strides = array<i32>} : memref<4x200x64xf32, #tpu.memory_space<vmem>>, vector<1x1x16xf32>,
        %swap3A_722 = vector.shape_cast %swap3A_721 : vector<1x1x16xf32> to vector<16xf32>
        %swap3A_723 = vector.shape_cast %mul3A_716 : vector<16xf32> to vector<1x1x16xf32>
        tpu.vector_store %arg7[%swap3A_718, %swap3A_719, %swap3A_720], %swap3A_723 {strides = array<i32>} : memref<4x200x64xf32, #tpu.memory_space<vmem>>, vector<1x1x16xf32>,
        %scan3A_724 = arith.constant 7 : i32
        %scan3A_725 = arith.addi %scan3A_237, %scan3A_724 : i32
        %mul3A_726 = arith.constant 1 : i32
        %mul3A_727 = arith.muli %scan3A_725, %mul3A_726 : i32
        %add3A_728 = arith.constant 0 : i32
        %add3A_729 = arith.addi %add3A_728, %mul3A_727 : i32
        %get3A_730 = arith.constant 1 : i32
        %get3A_731 = arith.index_cast %get3A_730 : i32 to index
        %get3A_732 = arith.index_cast %add3A_729 : i32 to index
        %get3A_733 = arith.constant 0 : index
        %get3A_734 = tpu.vector_load %arg7[%get3A_731, %get3A_732, %get3A_733] {strides = array<i32>} : memref<4x200x64xf32, #tpu.memory_space<vmem>>, vector<1x1x16xf32>,
        %get3A_735 = vector.shape_cast %get3A_734 : vector<1x1x16xf32> to vector<16xf32>
        %mul3A_736 = arith.constant 8.000000e+00 : f32
        %mul3A_737 = vector.broadcast %mul3A_736 : f32 to vector<16xf32>
        %mul3A_738 = arith.mulf %get3A_735, %mul3A_737 : vector<16xf32>
        %swap3A_739 = arith.constant 1 : i32
        %swap3A_740 = arith.index_cast %swap3A_739 : i32 to index
        %swap3A_741 = arith.index_cast %add3A_729 : i32 to index
        %swap3A_742 = arith.constant 0 : index
        %swap3A_743 = tpu.vector_load %arg7[%swap3A_740, %swap3A_741, %swap3A_742] {strides = array<i32>} : memref<4x200x64xf32, #tpu.memory_space<vmem>>, vector<1x1x16xf32>,
        %swap3A_744 = vector.shape_cast %swap3A_743 : vector<1x1x16xf32> to vector<16xf32>
        %swap3A_745 = vector.shape_cast %mul3A_738 : vector<16xf32> to vector<1x1x16xf32>
        tpu.vector_store %arg7[%swap3A_740, %swap3A_741, %swap3A_742], %swap3A_745 {strides = array<i32>} : memref<4x200x64xf32, #tpu.memory_space<vmem>>, vector<1x1x16xf32>,
        %get3A_746 = arith.constant 1 : i32
        %get3A_747 = arith.index_cast %get3A_746 : i32 to index
        %get3A_748 = arith.index_cast %add3A_729 : i32 to index
        %get3A_749 = arith.constant 16 : index
        %get3A_750 = tpu.vector_load %arg7[%get3A_747, %get3A_748, %get3A_749] {strides = array<i32>} : memref<4x200x64xf32, #tpu.memory_space<vmem>>, vector<1x1x16xf32>,
        %get3A_751 = vector.shape_cast %get3A_750 : vector<1x1x16xf32> to vector<16xf32>
        %mul3A_752 = arith.constant 8.000000e+00 : f32
        %mul3A_753 = vector.broadcast %mul3A_752 : f32 to vector<16xf32>
        %mul3A_754 = arith.mulf %get3A_751, %mul3A_753 : vector<16xf32>
        %swap3A_755 = arith.constant 1 : i32
        %swap3A_756 = arith.index_cast %swap3A_755 : i32 to index
        %swap3A_757 = arith.index_cast %add3A_729 : i32 to index
        %swap3A_758 = arith.constant 16 : index
        %swap3A_759 = tpu.vector_load %arg7[%swap3A_756, %swap3A_757, %swap3A_758] {strides = array<i32>} : memref<4x200x64xf32, #tpu.memory_space<vmem>>, vector<1x1x16xf32>,
        %swap3A_760 = vector.shape_cast %swap3A_759 : vector<1x1x16xf32> to vector<16xf32>
        %swap3A_761 = vector.shape_cast %mul3A_754 : vector<16xf32> to vector<1x1x16xf32>
        tpu.vector_store %arg7[%swap3A_756, %swap3A_757, %swap3A_758], %swap3A_761 {strides = array<i32>} : memref<4x200x64xf32, #tpu.memory_space<vmem>>, vector<1x1x16xf32>,
        %get3A_762 = arith.constant 1 : i32
        %get3A_763 = arith.index_cast %get3A_762 : i32 to index
        %get3A_764 = arith.index_cast %add3A_729 : i32 to index
        %get3A_765 = arith.constant 32 : index
        %get3A_766 = tpu.vector_load %arg7[%get3A_763, %get3A_764, %get3A_765] {strides = array<i32>} : memref<4x200x64xf32, #tpu.memory_space<vmem>>, vector<1x1x16xf32>,
        %get3A_767 = vector.shape_cast %get3A_766 : vector<1x1x16xf32> to vector<16xf32>
        %mul3A_768 = arith.constant 8.000000e+00 : f32
        %mul3A_769 = vector.broadcast %mul3A_768 : f32 to vector<16xf32>
        %mul3A_770 = arith.mulf %get3A_767, %mul3A_769 : vector<16xf32>
        %swap3A_771 = arith.constant 1 : i32
        %swap3A_772 = arith.index_cast %swap3A_771 : i32 to index
        %swap3A_773 = arith.index_cast %add3A_729 : i32 to index
        %swap3A_774 = arith.constant 32 : index
        %swap3A_775 = tpu.vector_load %arg7[%swap3A_772, %swap3A_773, %swap3A_774] {strides = array<i32>} : memref<4x200x64xf32, #tpu.memory_space<vmem>>, vector<1x1x16xf32>,
        %swap3A_776 = vector.shape_cast %swap3A_775 : vector<1x1x16xf32> to vector<16xf32>
        %swap3A_777 = vector.shape_cast %mul3A_770 : vector<16xf32> to vector<1x1x16xf32>
        tpu.vector_store %arg7[%swap3A_772, %swap3A_773, %swap3A_774], %swap3A_777 {strides = array<i32>} : memref<4x200x64xf32, #tpu.memory_space<vmem>>, vector<1x1x16xf32>,
        %get3A_778 = arith.constant 1 : i32
        %get3A_779 = arith.index_cast %get3A_778 : i32 to index
        %get3A_780 = arith.index_cast %add3A_729 : i32 to index
        %get3A_781 = arith.constant 48 : index
        %get3A_782 = tpu.vector_load %arg7[%get3A_779, %get3A_780, %get3A_781] {strides = array<i32>} : memref<4x200x64xf32, #tpu.memory_space<vmem>>, vector<1x1x16xf32>,
        %get3A_783 = vector.shape_cast %get3A_782 : vector<1x1x16xf32> to vector<16xf32>
        %mul3A_784 = arith.constant 8.000000e+00 : f32
        %mul3A_785 = vector.broadcast %mul3A_784 : f32 to vector<16xf32>
        %mul3A_786 = arith.mulf %get3A_783, %mul3A_785 : vector<16xf32>
        %swap3A_787 = arith.constant 1 : i32
        %swap3A_788 = arith.index_cast %swap3A_787 : i32 to index
        %swap3A_789 = arith.index_cast %add3A_729 : i32 to index
        %swap3A_790 = arith.constant 48 : index
        %swap3A_791 = tpu.vector_load %arg7[%swap3A_788, %swap3A_789, %swap3A_790] {strides = array<i32>} : memref<4x200x64xf32, #tpu.memory_space<vmem>>, vector<1x1x16xf32>,
        %swap3A_792 = vector.shape_cast %swap3A_791 : vector<1x1x16xf32> to vector<16xf32>
        %swap3A_793 = vector.shape_cast %mul3A_786 : vector<16xf32> to vector<1x1x16xf32>
        tpu.vector_store %arg7[%swap3A_788, %swap3A_789, %swap3A_790], %swap3A_793 {strides = array<i32>} : memref<4x200x64xf32, #tpu.memory_space<vmem>>, vector<1x1x16xf32>,
      }
      %scan3A_136 = arith.constant 200 : i32
      %scan3A_137 = arith.constant 0 : i32
      %scan3A_138 = arith.constant 200 : i32
      %scan3A_139 = arith.addi %scan3A_137, %scan3A_138 : i32
      %scan3A_140 = arith.constant 8 : i32
      scf.for %scan3A_237 = %scan3A_137 to %scan3A_139 step %scan3A_140  : i32 {
        %mul3A_238 = arith.constant 1 : i32
        %mul3A_239 = arith.muli %scan3A_237, %mul3A_238 : i32
        %add3A_240 = arith.constant 0 : i32
        %add3A_241 = arith.addi %add3A_240, %mul3A_239 : i32
        %get3A = arith.constant 2 : i32
        %get3A_242 = arith.index_cast %get3A : i32 to index
        %get3A_243 = arith.index_cast %add3A_241 : i32 to index
        %get3A_244 = arith.constant 0 : index
        %get3A_245 = tpu.vector_load %arg7[%get3A_242, %get3A_243, %get3A_244] {strides = array<i32>} : memref<4x200x64xf32, #tpu.memory_space<vmem>>, vector<1x1x16xf32>,
        %get3A_246 = vector.shape_cast %get3A_245 : vector<1x1x16xf32> to vector<16xf32>
        %mul3A_247 = arith.constant 8.000000e+00 : f32
        %mul3A_248 = vector.broadcast %mul3A_247 : f32 to vector<16xf32>
        %mul3A_249 = arith.mulf %get3A_246, %mul3A_248 : vector<16xf32>
        %swap3A = arith.constant 2 : i32
        %swap3A_250 = arith.index_cast %swap3A : i32 to index
        %swap3A_251 = arith.index_cast %add3A_241 : i32 to index
        %swap3A_252 = arith.constant 0 : index
        %swap3A_253 = tpu.vector_load %arg7[%swap3A_250, %swap3A_251, %swap3A_252] {strides = array<i32>} : memref<4x200x64xf32, #tpu.memory_space<vmem>>, vector<1x1x16xf32>,
        %swap3A_254 = vector.shape_cast %swap3A_253 : vector<1x1x16xf32> to vector<16xf32>
        %swap3A_255 = vector.shape_cast %mul3A_249 : vector<16xf32> to vector<1x1x16xf32>
        tpu.vector_store %arg7[%swap3A_250, %swap3A_251, %swap3A_252], %swap3A_255 {strides = array<i32>} : memref<4x200x64xf32, #tpu.memory_space<vmem>>, vector<1x1x16xf32>,
        %get3A_256 = arith.constant 2 : i32
        %get3A_257 = arith.index_cast %get3A_256 : i32 to index
        %get3A_258 = arith.index_cast %add3A_241 : i32 to index
        %get3A_259 = arith.constant 16 : index
        %get3A_260 = tpu.vector_load %arg7[%get3A_257, %get3A_258, %get3A_259] {strides = array<i32>} : memref<4x200x64xf32, #tpu.memory_space<vmem>>, vector<1x1x16xf32>,
        %get3A_261 = vector.shape_cast %get3A_260 : vector<1x1x16xf32> to vector<16xf32>
        %mul3A_262 = arith.constant 8.000000e+00 : f32
        %mul3A_263 = vector.broadcast %mul3A_262 : f32 to vector<16xf32>
        %mul3A_264 = arith.mulf %get3A_261, %mul3A_263 : vector<16xf32>
        %swap3A_265 = arith.constant 2 : i32
        %swap3A_266 = arith.index_cast %swap3A_265 : i32 to index
        %swap3A_267 = arith.index_cast %add3A_241 : i32 to index
        %swap3A_268 = arith.constant 16 : index
        %swap3A_269 = tpu.vector_load %arg7[%swap3A_266, %swap3A_267, %swap3A_268] {strides = array<i32>} : memref<4x200x64xf32, #tpu.memory_space<vmem>>, vector<1x1x16xf32>,
        %swap3A_270 = vector.shape_cast %swap3A_269 : vector<1x1x16xf32> to vector<16xf32>
        %swap3A_271 = vector.shape_cast %mul3A_264 : vector<16xf32> to vector<1x1x16xf32>
        tpu.vector_store %arg7[%swap3A_266, %swap3A_267, %swap3A_268], %swap3A_271 {strides = array<i32>} : memref<4x200x64xf32, #tpu.memory_space<vmem>>, vector<1x1x16xf32>,
        %get3A_272 = arith.constant 2 : i32
        %get3A_273 = arith.index_cast %get3A_272 : i32 to index
        %get3A_274 = arith.index_cast %add3A_241 : i32 to index
        %get3A_275 = arith.constant 32 : index
        %get3A_276 = tpu.vector_load %arg7[%get3A_273, %get3A_274, %get3A_275] {strides = array<i32>} : memref<4x200x64xf32, #tpu.memory_space<vmem>>, vector<1x1x16xf32>,
        %get3A_277 = vector.shape_cast %get3A_276 : vector<1x1x16xf32> to vector<16xf32>
        %mul3A_278 = arith.constant 8.000000e+00 : f32
        %mul3A_279 = vector.broadcast %mul3A_278 : f32 to vector<16xf32>
        %mul3A_280 = arith.mulf %get3A_277, %mul3A_279 : vector<16xf32>
        %swap3A_281 = arith.constant 2 : i32
        %swap3A_282 = arith.index_cast %swap3A_281 : i32 to index
        %swap3A_283 = arith.index_cast %add3A_241 : i32 to index
        %swap3A_284 = arith.constant 32 : index
        %swap3A_285 = tpu.vector_load %arg7[%swap3A_282, %swap3A_283, %swap3A_284] {strides = array<i32>} : memref<4x200x64xf32, #tpu.memory_space<vmem>>, vector<1x1x16xf32>,
        %swap3A_286 = vector.shape_cast %swap3A_285 : vector<1x1x16xf32> to vector<16xf32>
        %swap3A_287 = vector.shape_cast %mul3A_280 : vector<16xf32> to vector<1x1x16xf32>
        tpu.vector_store %arg7[%swap3A_282, %swap3A_283, %swap3A_284], %swap3A_287 {strides = array<i32>} : memref<4x200x64xf32, #tpu.memory_space<vmem>>, vector<1x1x16xf32>,
        %get3A_288 = arith.constant 2 : i32
        %get3A_289 = arith.index_cast %get3A_288 : i32 to index
        %get3A_290 = arith.index_cast %add3A_241 : i32 to index
        %get3A_291 = arith.constant 48 : index
        %get3A_292 = tpu.vector_load %arg7[%get3A_289, %get3A_290, %get3A_291] {strides = array<i32>} : memref<4x200x64xf32, #tpu.memory_space<vmem>>, vector<1x1x16xf32>,
        %get3A_293 = vector.shape_cast %get3A_292 : vector<1x1x16xf32> to vector<16xf32>
        %mul3A_294 = arith.constant 8.000000e+00 : f32
        %mul3A_295 = vector.broadcast %mul3A_294 : f32 to vector<16xf32>
        %mul3A_296 = arith.mulf %get3A_293, %mul3A_295 : vector<16xf32>
        %swap3A_297 = arith.constant 2 : i32
        %swap3A_298 = arith.index_cast %swap3A_297 : i32 to index
        %swap3A_299 = arith.index_cast %add3A_241 : i32 to index
        %swap3A_300 = arith.constant 48 : index
        %swap3A_301 = tpu.vector_load %arg7[%swap3A_298, %swap3A_299, %swap3A_300] {strides = array<i32>} : memref<4x200x64xf32, #tpu.memory_space<vmem>>, vector<1x1x16xf32>,
        %swap3A_302 = vector.shape_cast %swap3A_301 : vector<1x1x16xf32> to vector<16xf32>
        %swap3A_303 = vector.shape_cast %mul3A_296 : vector<16xf32> to vector<1x1x16xf32>
        tpu.vector_store %arg7[%swap3A_298, %swap3A_299, %swap3A_300], %swap3A_303 {strides = array<i32>} : memref<4x200x64xf32, #tpu.memory_space<vmem>>, vector<1x1x16xf32>,
        %scan3A_304 = arith.constant 1 : i32
        %scan3A_305 = arith.addi %scan3A_237, %scan3A_304 : i32
        %mul3A_306 = arith.constant 1 : i32
        %mul3A_307 = arith.muli %scan3A_305, %mul3A_306 : i32
        %add3A_308 = arith.constant 0 : i32
        %add3A_309 = arith.addi %add3A_308, %mul3A_307 : i32
        %get3A_310 = arith.constant 2 : i32
        %get3A_311 = arith.index_cast %get3A_310 : i32 to index
        %get3A_312 = arith.index_cast %add3A_309 : i32 to index
        %get3A_313 = arith.constant 0 : index
        %get3A_314 = tpu.vector_load %arg7[%get3A_311, %get3A_312, %get3A_313] {strides = array<i32>} : memref<4x200x64xf32, #tpu.memory_space<vmem>>, vector<1x1x16xf32>,
        %get3A_315 = vector.shape_cast %get3A_314 : vector<1x1x16xf32> to vector<16xf32>
        %mul3A_316 = arith.constant 8.000000e+00 : f32
        %mul3A_317 = vector.broadcast %mul3A_316 : f32 to vector<16xf32>
        %mul3A_318 = arith.mulf %get3A_315, %mul3A_317 : vector<16xf32>
        %swap3A_319 = arith.constant 2 : i32
        %swap3A_320 = arith.index_cast %swap3A_319 : i32 to index
        %swap3A_321 = arith.index_cast %add3A_309 : i32 to index
        %swap3A_322 = arith.constant 0 : index
        %swap3A_323 = tpu.vector_load %arg7[%swap3A_320, %swap3A_321, %swap3A_322] {strides = array<i32>} : memref<4x200x64xf32, #tpu.memory_space<vmem>>, vector<1x1x16xf32>,
        %swap3A_324 = vector.shape_cast %swap3A_323 : vector<1x1x16xf32> to vector<16xf32>
        %swap3A_325 = vector.shape_cast %mul3A_318 : vector<16xf32> to vector<1x1x16xf32>
        tpu.vector_store %arg7[%swap3A_320, %swap3A_321, %swap3A_322], %swap3A_325 {strides = array<i32>} : memref<4x200x64xf32, #tpu.memory_space<vmem>>, vector<1x1x16xf32>,
        %get3A_326 = arith.constant 2 : i32
        %get3A_327 = arith.index_cast %get3A_326 : i32 to index
        %get3A_328 = arith.index_cast %add3A_309 : i32 to index
        %get3A_329 = arith.constant 16 : index
        %get3A_330 = tpu.vector_load %arg7[%get3A_327, %get3A_328, %get3A_329] {strides = array<i32>} : memref<4x200x64xf32, #tpu.memory_space<vmem>>, vector<1x1x16xf32>,
        %get3A_331 = vector.shape_cast %get3A_330 : vector<1x1x16xf32> to vector<16xf32>
        %mul3A_332 = arith.constant 8.000000e+00 : f32
        %mul3A_333 = vector.broadcast %mul3A_332 : f32 to vector<16xf32>
        %mul3A_334 = arith.mulf %get3A_331, %mul3A_333 : vector<16xf32>
        %swap3A_335 = arith.constant 2 : i32
        %swap3A_336 = arith.index_cast %swap3A_335 : i32 to index
        %swap3A_337 = arith.index_cast %add3A_309 : i32 to index
        %swap3A_338 = arith.constant 16 : index
        %swap3A_339 = tpu.vector_load %arg7[%swap3A_336, %swap3A_337, %swap3A_338] {strides = array<i32>} : memref<4x200x64xf32, #tpu.memory_space<vmem>>, vector<1x1x16xf32>,
        %swap3A_340 = vector.shape_cast %swap3A_339 : vector<1x1x16xf32> to vector<16xf32>
        %swap3A_341 = vector.shape_cast %mul3A_334 : vector<16xf32> to vector<1x1x16xf32>
        tpu.vector_store %arg7[%swap3A_336, %swap3A_337, %swap3A_338], %swap3A_341 {strides = array<i32>} : memref<4x200x64xf32, #tpu.memory_space<vmem>>, vector<1x1x16xf32>,
        %get3A_342 = arith.constant 2 : i32
        %get3A_343 = arith.index_cast %get3A_342 : i32 to index
        %get3A_344 = arith.index_cast %add3A_309 : i32 to index
        %get3A_345 = arith.constant 32 : index
        %get3A_346 = tpu.vector_load %arg7[%get3A_343, %get3A_344, %get3A_345] {strides = array<i32>} : memref<4x200x64xf32, #tpu.memory_space<vmem>>, vector<1x1x16xf32>,
        %get3A_347 = vector.shape_cast %get3A_346 : vector<1x1x16xf32> to vector<16xf32>
        %mul3A_348 = arith.constant 8.000000e+00 : f32
        %mul3A_349 = vector.broadcast %mul3A_348 : f32 to vector<16xf32>
        %mul3A_350 = arith.mulf %get3A_347, %mul3A_349 : vector<16xf32>
        %swap3A_351 = arith.constant 2 : i32
        %swap3A_352 = arith.index_cast %swap3A_351 : i32 to index
        %swap3A_353 = arith.index_cast %add3A_309 : i32 to index
        %swap3A_354 = arith.constant 32 : index
        %swap3A_355 = tpu.vector_load %arg7[%swap3A_352, %swap3A_353, %swap3A_354] {strides = array<i32>} : memref<4x200x64xf32, #tpu.memory_space<vmem>>, vector<1x1x16xf32>,
        %swap3A_356 = vector.shape_cast %swap3A_355 : vector<1x1x16xf32> to vector<16xf32>
        %swap3A_357 = vector.shape_cast %mul3A_350 : vector<16xf32> to vector<1x1x16xf32>
        tpu.vector_store %arg7[%swap3A_352, %swap3A_353, %swap3A_354], %swap3A_357 {strides = array<i32>} : memref<4x200x64xf32, #tpu.memory_space<vmem>>, vector<1x1x16xf32>,
        %get3A_358 = arith.constant 2 : i32
        %get3A_359 = arith.index_cast %get3A_358 : i32 to index
        %get3A_360 = arith.index_cast %add3A_309 : i32 to index
        %get3A_361 = arith.constant 48 : index
        %get3A_362 = tpu.vector_load %arg7[%get3A_359, %get3A_360, %get3A_361] {strides = array<i32>} : memref<4x200x64xf32, #tpu.memory_space<vmem>>, vector<1x1x16xf32>,
        %get3A_363 = vector.shape_cast %get3A_362 : vector<1x1x16xf32> to vector<16xf32>
        %mul3A_364 = arith.constant 8.000000e+00 : f32
        %mul3A_365 = vector.broadcast %mul3A_364 : f32 to vector<16xf32>
        %mul3A_366 = arith.mulf %get3A_363, %mul3A_365 : vector<16xf32>
        %swap3A_367 = arith.constant 2 : i32
        %swap3A_368 = arith.index_cast %swap3A_367 : i32 to index
        %swap3A_369 = arith.index_cast %add3A_309 : i32 to index
        %swap3A_370 = arith.constant 48 : index
        %swap3A_371 = tpu.vector_load %arg7[%swap3A_368, %swap3A_369, %swap3A_370] {strides = array<i32>} : memref<4x200x64xf32, #tpu.memory_space<vmem>>, vector<1x1x16xf32>,
        %swap3A_372 = vector.shape_cast %swap3A_371 : vector<1x1x16xf32> to vector<16xf32>
        %swap3A_373 = vector.shape_cast %mul3A_366 : vector<16xf32> to vector<1x1x16xf32>
        tpu.vector_store %arg7[%swap3A_368, %swap3A_369, %swap3A_370], %swap3A_373 {strides = array<i32>} : memref<4x200x64xf32, #tpu.memory_space<vmem>>, vector<1x1x16xf32>,
        %scan3A_374 = arith.constant 2 : i32
        %scan3A_375 = arith.addi %scan3A_237, %scan3A_374 : i32
        %mul3A_376 = arith.constant 1 : i32
        %mul3A_377 = arith.muli %scan3A_375, %mul3A_376 : i32
        %add3A_378 = arith.constant 0 : i32
        %add3A_379 = arith.addi %add3A_378, %mul3A_377 : i32
        %get3A_380 = arith.constant 2 : i32
        %get3A_381 = arith.index_cast %get3A_380 : i32 to index
        %get3A_382 = arith.index_cast %add3A_379 : i32 to index
        %get3A_383 = arith.constant 0 : index
        %get3A_384 = tpu.vector_load %arg7[%get3A_381, %get3A_382, %get3A_383] {strides = array<i32>} : memref<4x200x64xf32, #tpu.memory_space<vmem>>, vector<1x1x16xf32>,
        %get3A_385 = vector.shape_cast %get3A_384 : vector<1x1x16xf32> to vector<16xf32>
        %mul3A_386 = arith.constant 8.000000e+00 : f32
        %mul3A_387 = vector.broadcast %mul3A_386 : f32 to vector<16xf32>
        %mul3A_388 = arith.mulf %get3A_385, %mul3A_387 : vector<16xf32>
        %swap3A_389 = arith.constant 2 : i32
        %swap3A_390 = arith.index_cast %swap3A_389 : i32 to index
        %swap3A_391 = arith.index_cast %add3A_379 : i32 to index
        %swap3A_392 = arith.constant 0 : index
        %swap3A_393 = tpu.vector_load %arg7[%swap3A_390, %swap3A_391, %swap3A_392] {strides = array<i32>} : memref<4x200x64xf32, #tpu.memory_space<vmem>>, vector<1x1x16xf32>,
        %swap3A_394 = vector.shape_cast %swap3A_393 : vector<1x1x16xf32> to vector<16xf32>
        %swap3A_395 = vector.shape_cast %mul3A_388 : vector<16xf32> to vector<1x1x16xf32>
        tpu.vector_store %arg7[%swap3A_390, %swap3A_391, %swap3A_392], %swap3A_395 {strides = array<i32>} : memref<4x200x64xf32, #tpu.memory_space<vmem>>, vector<1x1x16xf32>,
        %get3A_396 = arith.constant 2 : i32
        %get3A_397 = arith.index_cast %get3A_396 : i32 to index
        %get3A_398 = arith.index_cast %add3A_379 : i32 to index
        %get3A_399 = arith.constant 16 : index
        %get3A_400 = tpu.vector_load %arg7[%get3A_397, %get3A_398, %get3A_399] {strides = array<i32>} : memref<4x200x64xf32, #tpu.memory_space<vmem>>, vector<1x1x16xf32>,
        %get3A_401 = vector.shape_cast %get3A_400 : vector<1x1x16xf32> to vector<16xf32>
        %mul3A_402 = arith.constant 8.000000e+00 : f32
        %mul3A_403 = vector.broadcast %mul3A_402 : f32 to vector<16xf32>
        %mul3A_404 = arith.mulf %get3A_401, %mul3A_403 : vector<16xf32>
        %swap3A_405 = arith.constant 2 : i32
        %swap3A_406 = arith.index_cast %swap3A_405 : i32 to index
        %swap3A_407 = arith.index_cast %add3A_379 : i32 to index
        %swap3A_408 = arith.constant 16 : index
        %swap3A_409 = tpu.vector_load %arg7[%swap3A_406, %swap3A_407, %swap3A_408] {strides = array<i32>} : memref<4x200x64xf32, #tpu.memory_space<vmem>>, vector<1x1x16xf32>,
        %swap3A_410 = vector.shape_cast %swap3A_409 : vector<1x1x16xf32> to vector<16xf32>
        %swap3A_411 = vector.shape_cast %mul3A_404 : vector<16xf32> to vector<1x1x16xf32>
        tpu.vector_store %arg7[%swap3A_406, %swap3A_407, %swap3A_408], %swap3A_411 {strides = array<i32>} : memref<4x200x64xf32, #tpu.memory_space<vmem>>, vector<1x1x16xf32>,
        %get3A_412 = arith.constant 2 : i32
        %get3A_413 = arith.index_cast %get3A_412 : i32 to index
        %get3A_414 = arith.index_cast %add3A_379 : i32 to index
        %get3A_415 = arith.constant 32 : index
        %get3A_416 = tpu.vector_load %arg7[%get3A_413, %get3A_414, %get3A_415] {strides = array<i32>} : memref<4x200x64xf32, #tpu.memory_space<vmem>>, vector<1x1x16xf32>,
        %get3A_417 = vector.shape_cast %get3A_416 : vector<1x1x16xf32> to vector<16xf32>
        %mul3A_418 = arith.constant 8.000000e+00 : f32
        %mul3A_419 = vector.broadcast %mul3A_418 : f32 to vector<16xf32>
        %mul3A_420 = arith.mulf %get3A_417, %mul3A_419 : vector<16xf32>
        %swap3A_421 = arith.constant 2 : i32
        %swap3A_422 = arith.index_cast %swap3A_421 : i32 to index
        %swap3A_423 = arith.index_cast %add3A_379 : i32 to index
        %swap3A_424 = arith.constant 32 : index
        %swap3A_425 = tpu.vector_load %arg7[%swap3A_422, %swap3A_423, %swap3A_424] {strides = array<i32>} : memref<4x200x64xf32, #tpu.memory_space<vmem>>, vector<1x1x16xf32>,
        %swap3A_426 = vector.shape_cast %swap3A_425 : vector<1x1x16xf32> to vector<16xf32>
        %swap3A_427 = vector.shape_cast %mul3A_420 : vector<16xf32> to vector<1x1x16xf32>
        tpu.vector_store %arg7[%swap3A_422, %swap3A_423, %swap3A_424], %swap3A_427 {strides = array<i32>} : memref<4x200x64xf32, #tpu.memory_space<vmem>>, vector<1x1x16xf32>,
        %get3A_428 = arith.constant 2 : i32
        %get3A_429 = arith.index_cast %get3A_428 : i32 to index
        %get3A_430 = arith.index_cast %add3A_379 : i32 to index
        %get3A_431 = arith.constant 48 : index
        %get3A_432 = tpu.vector_load %arg7[%get3A_429, %get3A_430, %get3A_431] {strides = array<i32>} : memref<4x200x64xf32, #tpu.memory_space<vmem>>, vector<1x1x16xf32>,
        %get3A_433 = vector.shape_cast %get3A_432 : vector<1x1x16xf32> to vector<16xf32>
        %mul3A_434 = arith.constant 8.000000e+00 : f32
        %mul3A_435 = vector.broadcast %mul3A_434 : f32 to vector<16xf32>
        %mul3A_436 = arith.mulf %get3A_433, %mul3A_435 : vector<16xf32>
        %swap3A_437 = arith.constant 2 : i32
        %swap3A_438 = arith.index_cast %swap3A_437 : i32 to index
        %swap3A_439 = arith.index_cast %add3A_379 : i32 to index
        %swap3A_440 = arith.constant 48 : index
        %swap3A_441 = tpu.vector_load %arg7[%swap3A_438, %swap3A_439, %swap3A_440] {strides = array<i32>} : memref<4x200x64xf32, #tpu.memory_space<vmem>>, vector<1x1x16xf32>,
        %swap3A_442 = vector.shape_cast %swap3A_441 : vector<1x1x16xf32> to vector<16xf32>
        %swap3A_443 = vector.shape_cast %mul3A_436 : vector<16xf32> to vector<1x1x16xf32>
        tpu.vector_store %arg7[%swap3A_438, %swap3A_439, %swap3A_440], %swap3A_443 {strides = array<i32>} : memref<4x200x64xf32, #tpu.memory_space<vmem>>, vector<1x1x16xf32>,
        %scan3A_444 = arith.constant 3 : i32
        %scan3A_445 = arith.addi %scan3A_237, %scan3A_444 : i32
        %mul3A_446 = arith.constant 1 : i32
        %mul3A_447 = arith.muli %scan3A_445, %mul3A_446 : i32
        %add3A_448 = arith.constant 0 : i32
        %add3A_449 = arith.addi %add3A_448, %mul3A_447 : i32
        %get3A_450 = arith.constant 2 : i32
        %get3A_451 = arith.index_cast %get3A_450 : i32 to index
        %get3A_452 = arith.index_cast %add3A_449 : i32 to index
        %get3A_453 = arith.constant 0 : index
        %get3A_454 = tpu.vector_load %arg7[%get3A_451, %get3A_452, %get3A_453] {strides = array<i32>} : memref<4x200x64xf32, #tpu.memory_space<vmem>>, vector<1x1x16xf32>,
        %get3A_455 = vector.shape_cast %get3A_454 : vector<1x1x16xf32> to vector<16xf32>
        %mul3A_456 = arith.constant 8.000000e+00 : f32
        %mul3A_457 = vector.broadcast %mul3A_456 : f32 to vector<16xf32>
        %mul3A_458 = arith.mulf %get3A_455, %mul3A_457 : vector<16xf32>
        %swap3A_459 = arith.constant 2 : i32
        %swap3A_460 = arith.index_cast %swap3A_459 : i32 to index
        %swap3A_461 = arith.index_cast %add3A_449 : i32 to index
        %swap3A_462 = arith.constant 0 : index
        %swap3A_463 = tpu.vector_load %arg7[%swap3A_460, %swap3A_461, %swap3A_462] {strides = array<i32>} : memref<4x200x64xf32, #tpu.memory_space<vmem>>, vector<1x1x16xf32>,
        %swap3A_464 = vector.shape_cast %swap3A_463 : vector<1x1x16xf32> to vector<16xf32>
        %swap3A_465 = vector.shape_cast %mul3A_458 : vector<16xf32> to vector<1x1x16xf32>
        tpu.vector_store %arg7[%swap3A_460, %swap3A_461, %swap3A_462], %swap3A_465 {strides = array<i32>} : memref<4x200x64xf32, #tpu.memory_space<vmem>>, vector<1x1x16xf32>,
        %get3A_466 = arith.constant 2 : i32
        %get3A_467 = arith.index_cast %get3A_466 : i32 to index
        %get3A_468 = arith.index_cast %add3A_449 : i32 to index
        %get3A_469 = arith.constant 16 : index
        %get3A_470 = tpu.vector_load %arg7[%get3A_467, %get3A_468, %get3A_469] {strides = array<i32>} : memref<4x200x64xf32, #tpu.memory_space<vmem>>, vector<1x1x16xf32>,
        %get3A_471 = vector.shape_cast %get3A_470 : vector<1x1x16xf32> to vector<16xf32>
        %mul3A_472 = arith.constant 8.000000e+00 : f32
        %mul3A_473 = vector.broadcast %mul3A_472 : f32 to vector<16xf32>
        %mul3A_474 = arith.mulf %get3A_471, %mul3A_473 : vector<16xf32>
        %swap3A_475 = arith.constant 2 : i32
        %swap3A_476 = arith.index_cast %swap3A_475 : i32 to index
        %swap3A_477 = arith.index_cast %add3A_449 : i32 to index
        %swap3A_478 = arith.constant 16 : index
        %swap3A_479 = tpu.vector_load %arg7[%swap3A_476, %swap3A_477, %swap3A_478] {strides = array<i32>} : memref<4x200x64xf32, #tpu.memory_space<vmem>>, vector<1x1x16xf32>,
        %swap3A_480 = vector.shape_cast %swap3A_479 : vector<1x1x16xf32> to vector<16xf32>
        %swap3A_481 = vector.shape_cast %mul3A_474 : vector<16xf32> to vector<1x1x16xf32>
        tpu.vector_store %arg7[%swap3A_476, %swap3A_477, %swap3A_478], %swap3A_481 {strides = array<i32>} : memref<4x200x64xf32, #tpu.memory_space<vmem>>, vector<1x1x16xf32>,
        %get3A_482 = arith.constant 2 : i32
        %get3A_483 = arith.index_cast %get3A_482 : i32 to index
        %get3A_484 = arith.index_cast %add3A_449 : i32 to index
        %get3A_485 = arith.constant 32 : index
        %get3A_486 = tpu.vector_load %arg7[%get3A_483, %get3A_484, %get3A_485] {strides = array<i32>} : memref<4x200x64xf32, #tpu.memory_space<vmem>>, vector<1x1x16xf32>,
        %get3A_487 = vector.shape_cast %get3A_486 : vector<1x1x16xf32> to vector<16xf32>
        %mul3A_488 = arith.constant 8.000000e+00 : f32
        %mul3A_489 = vector.broadcast %mul3A_488 : f32 to vector<16xf32>
        %mul3A_490 = arith.mulf %get3A_487, %mul3A_489 : vector<16xf32>
        %swap3A_491 = arith.constant 2 : i32
        %swap3A_492 = arith.index_cast %swap3A_491 : i32 to index
        %swap3A_493 = arith.index_cast %add3A_449 : i32 to index
        %swap3A_494 = arith.constant 32 : index
        %swap3A_495 = tpu.vector_load %arg7[%swap3A_492, %swap3A_493, %swap3A_494] {strides = array<i32>} : memref<4x200x64xf32, #tpu.memory_space<vmem>>, vector<1x1x16xf32>,
        %swap3A_496 = vector.shape_cast %swap3A_495 : vector<1x1x16xf32> to vector<16xf32>
        %swap3A_497 = vector.shape_cast %mul3A_490 : vector<16xf32> to vector<1x1x16xf32>
        tpu.vector_store %arg7[%swap3A_492, %swap3A_493, %swap3A_494], %swap3A_497 {strides = array<i32>} : memref<4x200x64xf32, #tpu.memory_space<vmem>>, vector<1x1x16xf32>,
        %get3A_498 = arith.constant 2 : i32
        %get3A_499 = arith.index_cast %get3A_498 : i32 to index
        %get3A_500 = arith.index_cast %add3A_449 : i32 to index
        %get3A_501 = arith.constant 48 : index
        %get3A_502 = tpu.vector_load %arg7[%get3A_499, %get3A_500, %get3A_501] {strides = array<i32>} : memref<4x200x64xf32, #tpu.memory_space<vmem>>, vector<1x1x16xf32>,
        %get3A_503 = vector.shape_cast %get3A_502 : vector<1x1x16xf32> to vector<16xf32>
        %mul3A_504 = arith.constant 8.000000e+00 : f32
        %mul3A_505 = vector.broadcast %mul3A_504 : f32 to vector<16xf32>
        %mul3A_506 = arith.mulf %get3A_503, %mul3A_505 : vector<16xf32>
        %swap3A_507 = arith.constant 2 : i32
        %swap3A_508 = arith.index_cast %swap3A_507 : i32 to index
        %swap3A_509 = arith.index_cast %add3A_449 : i32 to index
        %swap3A_510 = arith.constant 48 : index
        %swap3A_511 = tpu.vector_load %arg7[%swap3A_508, %swap3A_509, %swap3A_510] {strides = array<i32>} : memref<4x200x64xf32, #tpu.memory_space<vmem>>, vector<1x1x16xf32>,
        %swap3A_512 = vector.shape_cast %swap3A_511 : vector<1x1x16xf32> to vector<16xf32>
        %swap3A_513 = vector.shape_cast %mul3A_506 : vector<16xf32> to vector<1x1x16xf32>
        tpu.vector_store %arg7[%swap3A_508, %swap3A_509, %swap3A_510], %swap3A_513 {strides = array<i32>} : memref<4x200x64xf32, #tpu.memory_space<vmem>>, vector<1x1x16xf32>,
        %scan3A_514 = arith.constant 4 : i32
        %scan3A_515 = arith.addi %scan3A_237, %scan3A_514 : i32
        %mul3A_516 = arith.constant 1 : i32
        %mul3A_517 = arith.muli %scan3A_515, %mul3A_516 : i32
        %add3A_518 = arith.constant 0 : i32
        %add3A_519 = arith.addi %add3A_518, %mul3A_517 : i32
        %get3A_520 = arith.constant 2 : i32
        %get3A_521 = arith.index_cast %get3A_520 : i32 to index
        %get3A_522 = arith.index_cast %add3A_519 : i32 to index
        %get3A_523 = arith.constant 0 : index
        %get3A_524 = tpu.vector_load %arg7[%get3A_521, %get3A_522, %get3A_523] {strides = array<i32>} : memref<4x200x64xf32, #tpu.memory_space<vmem>>, vector<1x1x16xf32>,
        %get3A_525 = vector.shape_cast %get3A_524 : vector<1x1x16xf32> to vector<16xf32>
        %mul3A_526 = arith.constant 8.000000e+00 : f32
        %mul3A_527 = vector.broadcast %mul3A_526 : f32 to vector<16xf32>
        %mul3A_528 = arith.mulf %get3A_525, %mul3A_527 : vector<16xf32>
        %swap3A_529 = arith.constant 2 : i32
        %swap3A_530 = arith.index_cast %swap3A_529 : i32 to index
        %swap3A_531 = arith.index_cast %add3A_519 : i32 to index
        %swap3A_532 = arith.constant 0 : index
        %swap3A_533 = tpu.vector_load %arg7[%swap3A_530, %swap3A_531, %swap3A_532] {strides = array<i32>} : memref<4x200x64xf32, #tpu.memory_space<vmem>>, vector<1x1x16xf32>,
        %swap3A_534 = vector.shape_cast %swap3A_533 : vector<1x1x16xf32> to vector<16xf32>
        %swap3A_535 = vector.shape_cast %mul3A_528 : vector<16xf32> to vector<1x1x16xf32>
        tpu.vector_store %arg7[%swap3A_530, %swap3A_531, %swap3A_532], %swap3A_535 {strides = array<i32>} : memref<4x200x64xf32, #tpu.memory_space<vmem>>, vector<1x1x16xf32>,
        %get3A_536 = arith.constant 2 : i32
        %get3A_537 = arith.index_cast %get3A_536 : i32 to index
        %get3A_538 = arith.index_cast %add3A_519 : i32 to index
        %get3A_539 = arith.constant 16 : index
        %get3A_540 = tpu.vector_load %arg7[%get3A_537, %get3A_538, %get3A_539] {strides = array<i32>} : memref<4x200x64xf32, #tpu.memory_space<vmem>>, vector<1x1x16xf32>,
        %get3A_541 = vector.shape_cast %get3A_540 : vector<1x1x16xf32> to vector<16xf32>
        %mul3A_542 = arith.constant 8.000000e+00 : f32
        %mul3A_543 = vector.broadcast %mul3A_542 : f32 to vector<16xf32>
        %mul3A_544 = arith.mulf %get3A_541, %mul3A_543 : vector<16xf32>
        %swap3A_545 = arith.constant 2 : i32
        %swap3A_546 = arith.index_cast %swap3A_545 : i32 to index
        %swap3A_547 = arith.index_cast %add3A_519 : i32 to index
        %swap3A_548 = arith.constant 16 : index
        %swap3A_549 = tpu.vector_load %arg7[%swap3A_546, %swap3A_547, %swap3A_548] {strides = array<i32>} : memref<4x200x64xf32, #tpu.memory_space<vmem>>, vector<1x1x16xf32>,
        %swap3A_550 = vector.shape_cast %swap3A_549 : vector<1x1x16xf32> to vector<16xf32>
        %swap3A_551 = vector.shape_cast %mul3A_544 : vector<16xf32> to vector<1x1x16xf32>
        tpu.vector_store %arg7[%swap3A_546, %swap3A_547, %swap3A_548], %swap3A_551 {strides = array<i32>} : memref<4x200x64xf32, #tpu.memory_space<vmem>>, vector<1x1x16xf32>,
        %get3A_552 = arith.constant 2 : i32
        %get3A_553 = arith.index_cast %get3A_552 : i32 to index
        %get3A_554 = arith.index_cast %add3A_519 : i32 to index
        %get3A_555 = arith.constant 32 : index
        %get3A_556 = tpu.vector_load %arg7[%get3A_553, %get3A_554, %get3A_555] {strides = array<i32>} : memref<4x200x64xf32, #tpu.memory_space<vmem>>, vector<1x1x16xf32>,
        %get3A_557 = vector.shape_cast %get3A_556 : vector<1x1x16xf32> to vector<16xf32>
        %mul3A_558 = arith.constant 8.000000e+00 : f32
        %mul3A_559 = vector.broadcast %mul3A_558 : f32 to vector<16xf32>
        %mul3A_560 = arith.mulf %get3A_557, %mul3A_559 : vector<16xf32>
        %swap3A_561 = arith.constant 2 : i32
        %swap3A_562 = arith.index_cast %swap3A_561 : i32 to index
        %swap3A_563 = arith.index_cast %add3A_519 : i32 to index
        %swap3A_564 = arith.constant 32 : index
        %swap3A_565 = tpu.vector_load %arg7[%swap3A_562, %swap3A_563, %swap3A_564] {strides = array<i32>} : memref<4x200x64xf32, #tpu.memory_space<vmem>>, vector<1x1x16xf32>,
        %swap3A_566 = vector.shape_cast %swap3A_565 : vector<1x1x16xf32> to vector<16xf32>
        %swap3A_567 = vector.shape_cast %mul3A_560 : vector<16xf32> to vector<1x1x16xf32>
        tpu.vector_store %arg7[%swap3A_562, %swap3A_563, %swap3A_564], %swap3A_567 {strides = array<i32>} : memref<4x200x64xf32, #tpu.memory_space<vmem>>, vector<1x1x16xf32>,
        %get3A_568 = arith.constant 2 : i32
        %get3A_569 = arith.index_cast %get3A_568 : i32 to index
        %get3A_570 = arith.index_cast %add3A_519 : i32 to index
        %get3A_571 = arith.constant 48 : index
        %get3A_572 = tpu.vector_load %arg7[%get3A_569, %get3A_570, %get3A_571] {strides = array<i32>} : memref<4x200x64xf32, #tpu.memory_space<vmem>>, vector<1x1x16xf32>,
        %get3A_573 = vector.shape_cast %get3A_572 : vector<1x1x16xf32> to vector<16xf32>
        %mul3A_574 = arith.constant 8.000000e+00 : f32
        %mul3A_575 = vector.broadcast %mul3A_574 : f32 to vector<16xf32>
        %mul3A_576 = arith.mulf %get3A_573, %mul3A_575 : vector<16xf32>
        %swap3A_577 = arith.constant 2 : i32
        %swap3A_578 = arith.index_cast %swap3A_577 : i32 to index
        %swap3A_579 = arith.index_cast %add3A_519 : i32 to index
        %swap3A_580 = arith.constant 48 : index
        %swap3A_581 = tpu.vector_load %arg7[%swap3A_578, %swap3A_579, %swap3A_580] {strides = array<i32>} : memref<4x200x64xf32, #tpu.memory_space<vmem>>, vector<1x1x16xf32>,
        %swap3A_582 = vector.shape_cast %swap3A_581 : vector<1x1x16xf32> to vector<16xf32>
        %swap3A_583 = vector.shape_cast %mul3A_576 : vector<16xf32> to vector<1x1x16xf32>
        tpu.vector_store %arg7[%swap3A_578, %swap3A_579, %swap3A_580], %swap3A_583 {strides = array<i32>} : memref<4x200x64xf32, #tpu.memory_space<vmem>>, vector<1x1x16xf32>,
        %scan3A_584 = arith.constant 5 : i32
        %scan3A_585 = arith.addi %scan3A_237, %scan3A_584 : i32
        %mul3A_586 = arith.constant 1 : i32
        %mul3A_587 = arith.muli %scan3A_585, %mul3A_586 : i32
        %add3A_588 = arith.constant 0 : i32
        %add3A_589 = arith.addi %add3A_588, %mul3A_587 : i32
        %get3A_590 = arith.constant 2 : i32
        %get3A_591 = arith.index_cast %get3A_590 : i32 to index
        %get3A_592 = arith.index_cast %add3A_589 : i32 to index
        %get3A_593 = arith.constant 0 : index
        %get3A_594 = tpu.vector_load %arg7[%get3A_591, %get3A_592, %get3A_593] {strides = array<i32>} : memref<4x200x64xf32, #tpu.memory_space<vmem>>, vector<1x1x16xf32>,
        %get3A_595 = vector.shape_cast %get3A_594 : vector<1x1x16xf32> to vector<16xf32>
        %mul3A_596 = arith.constant 8.000000e+00 : f32
        %mul3A_597 = vector.broadcast %mul3A_596 : f32 to vector<16xf32>
        %mul3A_598 = arith.mulf %get3A_595, %mul3A_597 : vector<16xf32>
        %swap3A_599 = arith.constant 2 : i32
        %swap3A_600 = arith.index_cast %swap3A_599 : i32 to index
        %swap3A_601 = arith.index_cast %add3A_589 : i32 to index
        %swap3A_602 = arith.constant 0 : index
        %swap3A_603 = tpu.vector_load %arg7[%swap3A_600, %swap3A_601, %swap3A_602] {strides = array<i32>} : memref<4x200x64xf32, #tpu.memory_space<vmem>>, vector<1x1x16xf32>,
        %swap3A_604 = vector.shape_cast %swap3A_603 : vector<1x1x16xf32> to vector<16xf32>
        %swap3A_605 = vector.shape_cast %mul3A_598 : vector<16xf32> to vector<1x1x16xf32>
        tpu.vector_store %arg7[%swap3A_600, %swap3A_601, %swap3A_602], %swap3A_605 {strides = array<i32>} : memref<4x200x64xf32, #tpu.memory_space<vmem>>, vector<1x1x16xf32>,
        %get3A_606 = arith.constant 2 : i32
        %get3A_607 = arith.index_cast %get3A_606 : i32 to index
        %get3A_608 = arith.index_cast %add3A_589 : i32 to index
        %get3A_609 = arith.constant 16 : index
        %get3A_610 = tpu.vector_load %arg7[%get3A_607, %get3A_608, %get3A_609] {strides = array<i32>} : memref<4x200x64xf32, #tpu.memory_space<vmem>>, vector<1x1x16xf32>,
        %get3A_611 = vector.shape_cast %get3A_610 : vector<1x1x16xf32> to vector<16xf32>
        %mul3A_612 = arith.constant 8.000000e+00 : f32
        %mul3A_613 = vector.broadcast %mul3A_612 : f32 to vector<16xf32>
        %mul3A_614 = arith.mulf %get3A_611, %mul3A_613 : vector<16xf32>
        %swap3A_615 = arith.constant 2 : i32
        %swap3A_616 = arith.index_cast %swap3A_615 : i32 to index
        %swap3A_617 = arith.index_cast %add3A_589 : i32 to index
        %swap3A_618 = arith.constant 16 : index
        %swap3A_619 = tpu.vector_load %arg7[%swap3A_616, %swap3A_617, %swap3A_618] {strides = array<i32>} : memref<4x200x64xf32, #tpu.memory_space<vmem>>, vector<1x1x16xf32>,
        %swap3A_620 = vector.shape_cast %swap3A_619 : vector<1x1x16xf32> to vector<16xf32>
        %swap3A_621 = vector.shape_cast %mul3A_614 : vector<16xf32> to vector<1x1x16xf32>
        tpu.vector_store %arg7[%swap3A_616, %swap3A_617, %swap3A_618], %swap3A_621 {strides = array<i32>} : memref<4x200x64xf32, #tpu.memory_space<vmem>>, vector<1x1x16xf32>,
        %get3A_622 = arith.constant 2 : i32
        %get3A_623 = arith.index_cast %get3A_622 : i32 to index
        %get3A_624 = arith.index_cast %add3A_589 : i32 to index
        %get3A_625 = arith.constant 32 : index
        %get3A_626 = tpu.vector_load %arg7[%get3A_623, %get3A_624, %get3A_625] {strides = array<i32>} : memref<4x200x64xf32, #tpu.memory_space<vmem>>, vector<1x1x16xf32>,
        %get3A_627 = vector.shape_cast %get3A_626 : vector<1x1x16xf32> to vector<16xf32>
        %mul3A_628 = arith.constant 8.000000e+00 : f32
        %mul3A_629 = vector.broadcast %mul3A_628 : f32 to vector<16xf32>
        %mul3A_630 = arith.mulf %get3A_627, %mul3A_629 : vector<16xf32>
        %swap3A_631 = arith.constant 2 : i32
        %swap3A_632 = arith.index_cast %swap3A_631 : i32 to index
        %swap3A_633 = arith.index_cast %add3A_589 : i32 to index
        %swap3A_634 = arith.constant 32 : index
        %swap3A_635 = tpu.vector_load %arg7[%swap3A_632, %swap3A_633, %swap3A_634] {strides = array<i32>} : memref<4x200x64xf32, #tpu.memory_space<vmem>>, vector<1x1x16xf32>,
        %swap3A_636 = vector.shape_cast %swap3A_635 : vector<1x1x16xf32> to vector<16xf32>
        %swap3A_637 = vector.shape_cast %mul3A_630 : vector<16xf32> to vector<1x1x16xf32>
        tpu.vector_store %arg7[%swap3A_632, %swap3A_633, %swap3A_634], %swap3A_637 {strides = array<i32>} : memref<4x200x64xf32, #tpu.memory_space<vmem>>, vector<1x1x16xf32>,
        %get3A_638 = arith.constant 2 : i32
        %get3A_639 = arith.index_cast %get3A_638 : i32 to index
        %get3A_640 = arith.index_cast %add3A_589 : i32 to index
        %get3A_641 = arith.constant 48 : index
        %get3A_642 = tpu.vector_load %arg7[%get3A_639, %get3A_640, %get3A_641] {strides = array<i32>} : memref<4x200x64xf32, #tpu.memory_space<vmem>>, vector<1x1x16xf32>,
        %get3A_643 = vector.shape_cast %get3A_642 : vector<1x1x16xf32> to vector<16xf32>
        %mul3A_644 = arith.constant 8.000000e+00 : f32
        %mul3A_645 = vector.broadcast %mul3A_644 : f32 to vector<16xf32>
        %mul3A_646 = arith.mulf %get3A_643, %mul3A_645 : vector<16xf32>
        %swap3A_647 = arith.constant 2 : i32
        %swap3A_648 = arith.index_cast %swap3A_647 : i32 to index
        %swap3A_649 = arith.index_cast %add3A_589 : i32 to index
        %swap3A_650 = arith.constant 48 : index
        %swap3A_651 = tpu.vector_load %arg7[%swap3A_648, %swap3A_649, %swap3A_650] {strides = array<i32>} : memref<4x200x64xf32, #tpu.memory_space<vmem>>, vector<1x1x16xf32>,
        %swap3A_652 = vector.shape_cast %swap3A_651 : vector<1x1x16xf32> to vector<16xf32>
        %swap3A_653 = vector.shape_cast %mul3A_646 : vector<16xf32> to vector<1x1x16xf32>
        tpu.vector_store %arg7[%swap3A_648, %swap3A_649, %swap3A_650], %swap3A_653 {strides = array<i32>} : memref<4x200x64xf32, #tpu.memory_space<vmem>>, vector<1x1x16xf32>,
        %scan3A_654 = arith.constant 6 : i32
        %scan3A_655 = arith.addi %scan3A_237, %scan3A_654 : i32
        %mul3A_656 = arith.constant 1 : i32
        %mul3A_657 = arith.muli %scan3A_655, %mul3A_656 : i32
        %add3A_658 = arith.constant 0 : i32
        %add3A_659 = arith.addi %add3A_658, %mul3A_657 : i32
        %get3A_660 = arith.constant 2 : i32
        %get3A_661 = arith.index_cast %get3A_660 : i32 to index
        %get3A_662 = arith.index_cast %add3A_659 : i32 to index
        %get3A_663 = arith.constant 0 : index
        %get3A_664 = tpu.vector_load %arg7[%get3A_661, %get3A_662, %get3A_663] {strides = array<i32>} : memref<4x200x64xf32, #tpu.memory_space<vmem>>, vector<1x1x16xf32>,
        %get3A_665 = vector.shape_cast %get3A_664 : vector<1x1x16xf32> to vector<16xf32>
        %mul3A_666 = arith.constant 8.000000e+00 : f32
        %mul3A_667 = vector.broadcast %mul3A_666 : f32 to vector<16xf32>
        %mul3A_668 = arith.mulf %get3A_665, %mul3A_667 : vector<16xf32>
        %swap3A_669 = arith.constant 2 : i32
        %swap3A_670 = arith.index_cast %swap3A_669 : i32 to index
        %swap3A_671 = arith.index_cast %add3A_659 : i32 to index
        %swap3A_672 = arith.constant 0 : index
        %swap3A_673 = tpu.vector_load %arg7[%swap3A_670, %swap3A_671, %swap3A_672] {strides = array<i32>} : memref<4x200x64xf32, #tpu.memory_space<vmem>>, vector<1x1x16xf32>,
        %swap3A_674 = vector.shape_cast %swap3A_673 : vector<1x1x16xf32> to vector<16xf32>
        %swap3A_675 = vector.shape_cast %mul3A_668 : vector<16xf32> to vector<1x1x16xf32>
        tpu.vector_store %arg7[%swap3A_670, %swap3A_671, %swap3A_672], %swap3A_675 {strides = array<i32>} : memref<4x200x64xf32, #tpu.memory_space<vmem>>, vector<1x1x16xf32>,
        %get3A_676 = arith.constant 2 : i32
        %get3A_677 = arith.index_cast %get3A_676 : i32 to index
        %get3A_678 = arith.index_cast %add3A_659 : i32 to index
        %get3A_679 = arith.constant 16 : index
        %get3A_680 = tpu.vector_load %arg7[%get3A_677, %get3A_678, %get3A_679] {strides = array<i32>} : memref<4x200x64xf32, #tpu.memory_space<vmem>>, vector<1x1x16xf32>,
        %get3A_681 = vector.shape_cast %get3A_680 : vector<1x1x16xf32> to vector<16xf32>
        %mul3A_682 = arith.constant 8.000000e+00 : f32
        %mul3A_683 = vector.broadcast %mul3A_682 : f32 to vector<16xf32>
        %mul3A_684 = arith.mulf %get3A_681, %mul3A_683 : vector<16xf32>
        %swap3A_685 = arith.constant 2 : i32
        %swap3A_686 = arith.index_cast %swap3A_685 : i32 to index
        %swap3A_687 = arith.index_cast %add3A_659 : i32 to index
        %swap3A_688 = arith.constant 16 : index
        %swap3A_689 = tpu.vector_load %arg7[%swap3A_686, %swap3A_687, %swap3A_688] {strides = array<i32>} : memref<4x200x64xf32, #tpu.memory_space<vmem>>, vector<1x1x16xf32>,
        %swap3A_690 = vector.shape_cast %swap3A_689 : vector<1x1x16xf32> to vector<16xf32>
        %swap3A_691 = vector.shape_cast %mul3A_684 : vector<16xf32> to vector<1x1x16xf32>
        tpu.vector_store %arg7[%swap3A_686, %swap3A_687, %swap3A_688], %swap3A_691 {strides = array<i32>} : memref<4x200x64xf32, #tpu.memory_space<vmem>>, vector<1x1x16xf32>,
        %get3A_692 = arith.constant 2 : i32
        %get3A_693 = arith.index_cast %get3A_692 : i32 to index
        %get3A_694 = arith.index_cast %add3A_659 : i32 to index
        %get3A_695 = arith.constant 32 : index
        %get3A_696 = tpu.vector_load %arg7[%get3A_693, %get3A_694, %get3A_695] {strides = array<i32>} : memref<4x200x64xf32, #tpu.memory_space<vmem>>, vector<1x1x16xf32>,
        %get3A_697 = vector.shape_cast %get3A_696 : vector<1x1x16xf32> to vector<16xf32>
        %mul3A_698 = arith.constant 8.000000e+00 : f32
        %mul3A_699 = vector.broadcast %mul3A_698 : f32 to vector<16xf32>
        %mul3A_700 = arith.mulf %get3A_697, %mul3A_699 : vector<16xf32>
        %swap3A_701 = arith.constant 2 : i32
        %swap3A_702 = arith.index_cast %swap3A_701 : i32 to index
        %swap3A_703 = arith.index_cast %add3A_659 : i32 to index
        %swap3A_704 = arith.constant 32 : index
        %swap3A_705 = tpu.vector_load %arg7[%swap3A_702, %swap3A_703, %swap3A_704] {strides = array<i32>} : memref<4x200x64xf32, #tpu.memory_space<vmem>>, vector<1x1x16xf32>,
        %swap3A_706 = vector.shape_cast %swap3A_705 : vector<1x1x16xf32> to vector<16xf32>
        %swap3A_707 = vector.shape_cast %mul3A_700 : vector<16xf32> to vector<1x1x16xf32>
        tpu.vector_store %arg7[%swap3A_702, %swap3A_703, %swap3A_704], %swap3A_707 {strides = array<i32>} : memref<4x200x64xf32, #tpu.memory_space<vmem>>, vector<1x1x16xf32>,
        %get3A_708 = arith.constant 2 : i32
        %get3A_709 = arith.index_cast %get3A_708 : i32 to index
        %get3A_710 = arith.index_cast %add3A_659 : i32 to index
        %get3A_711 = arith.constant 48 : index
        %get3A_712 = tpu.vector_load %arg7[%get3A_709, %get3A_710, %get3A_711] {strides = array<i32>} : memref<4x200x64xf32, #tpu.memory_space<vmem>>, vector<1x1x16xf32>,
        %get3A_713 = vector.shape_cast %get3A_712 : vector<1x1x16xf32> to vector<16xf32>
        %mul3A_714 = arith.constant 8.000000e+00 : f32
        %mul3A_715 = vector.broadcast %mul3A_714 : f32 to vector<16xf32>
        %mul3A_716 = arith.mulf %get3A_713, %mul3A_715 : vector<16xf32>
        %swap3A_717 = arith.constant 2 : i32
        %swap3A_718 = arith.index_cast %swap3A_717 : i32 to index
        %swap3A_719 = arith.index_cast %add3A_659 : i32 to index
        %swap3A_720 = arith.constant 48 : index
        %swap3A_721 = tpu.vector_load %arg7[%swap3A_718, %swap3A_719, %swap3A_720] {strides = array<i32>} : memref<4x200x64xf32, #tpu.memory_space<vmem>>, vector<1x1x16xf32>,
        %swap3A_722 = vector.shape_cast %swap3A_721 : vector<1x1x16xf32> to vector<16xf32>
        %swap3A_723 = vector.shape_cast %mul3A_716 : vector<16xf32> to vector<1x1x16xf32>
        tpu.vector_store %arg7[%swap3A_718, %swap3A_719, %swap3A_720], %swap3A_723 {strides = array<i32>} : memref<4x200x64xf32, #tpu.memory_space<vmem>>, vector<1x1x16xf32>,
        %scan3A_724 = arith.constant 7 : i32
        %scan3A_725 = arith.addi %scan3A_237, %scan3A_724 : i32
        %mul3A_726 = arith.constant 1 : i32
        %mul3A_727 = arith.muli %scan3A_725, %mul3A_726 : i32
        %add3A_728 = arith.constant 0 : i32
        %add3A_729 = arith.addi %add3A_728, %mul3A_727 : i32
        %get3A_730 = arith.constant 2 : i32
        %get3A_731 = arith.index_cast %get3A_730 : i32 to index
        %get3A_732 = arith.index_cast %add3A_729 : i32 to index
        %get3A_733 = arith.constant 0 : index
        %get3A_734 = tpu.vector_load %arg7[%get3A_731, %get3A_732, %get3A_733] {strides = array<i32>} : memref<4x200x64xf32, #tpu.memory_space<vmem>>, vector<1x1x16xf32>,
        %get3A_735 = vector.shape_cast %get3A_734 : vector<1x1x16xf32> to vector<16xf32>
        %mul3A_736 = arith.constant 8.000000e+00 : f32
        %mul3A_737 = vector.broadcast %mul3A_736 : f32 to vector<16xf32>
        %mul3A_738 = arith.mulf %get3A_735, %mul3A_737 : vector<16xf32>
        %swap3A_739 = arith.constant 2 : i32
        %swap3A_740 = arith.index_cast %swap3A_739 : i32 to index
        %swap3A_741 = arith.index_cast %add3A_729 : i32 to index
        %swap3A_742 = arith.constant 0 : index
        %swap3A_743 = tpu.vector_load %arg7[%swap3A_740, %swap3A_741, %swap3A_742] {strides = array<i32>} : memref<4x200x64xf32, #tpu.memory_space<vmem>>, vector<1x1x16xf32>,
        %swap3A_744 = vector.shape_cast %swap3A_743 : vector<1x1x16xf32> to vector<16xf32>
        %swap3A_745 = vector.shape_cast %mul3A_738 : vector<16xf32> to vector<1x1x16xf32>
        tpu.vector_store %arg7[%swap3A_740, %swap3A_741, %swap3A_742], %swap3A_745 {strides = array<i32>} : memref<4x200x64xf32, #tpu.memory_space<vmem>>, vector<1x1x16xf32>,
        %get3A_746 = arith.constant 2 : i32
        %get3A_747 = arith.index_cast %get3A_746 : i32 to index
        %get3A_748 = arith.index_cast %add3A_729 : i32 to index
        %get3A_749 = arith.constant 16 : index
        %get3A_750 = tpu.vector_load %arg7[%get3A_747, %get3A_748, %get3A_749] {strides = array<i32>} : memref<4x200x64xf32, #tpu.memory_space<vmem>>, vector<1x1x16xf32>,
        %get3A_751 = vector.shape_cast %get3A_750 : vector<1x1x16xf32> to vector<16xf32>
        %mul3A_752 = arith.constant 8.000000e+00 : f32
        %mul3A_753 = vector.broadcast %mul3A_752 : f32 to vector<16xf32>
        %mul3A_754 = arith.mulf %get3A_751, %mul3A_753 : vector<16xf32>
        %swap3A_755 = arith.constant 2 : i32
        %swap3A_756 = arith.index_cast %swap3A_755 : i32 to index
        %swap3A_757 = arith.index_cast %add3A_729 : i32 to index
        %swap3A_758 = arith.constant 16 : index
        %swap3A_759 = tpu.vector_load %arg7[%swap3A_756, %swap3A_757, %swap3A_758] {strides = array<i32>} : memref<4x200x64xf32, #tpu.memory_space<vmem>>, vector<1x1x16xf32>,
        %swap3A_760 = vector.shape_cast %swap3A_759 : vector<1x1x16xf32> to vector<16xf32>
        %swap3A_761 = vector.shape_cast %mul3A_754 : vector<16xf32> to vector<1x1x16xf32>
        tpu.vector_store %arg7[%swap3A_756, %swap3A_757, %swap3A_758], %swap3A_761 {strides = array<i32>} : memref<4x200x64xf32, #tpu.memory_space<vmem>>, vector<1x1x16xf32>,
        %get3A_762 = arith.constant 2 : i32
        %get3A_763 = arith.index_cast %get3A_762 : i32 to index
        %get3A_764 = arith.index_cast %add3A_729 : i32 to index
        %get3A_765 = arith.constant 32 : index
        %get3A_766 = tpu.vector_load %arg7[%get3A_763, %get3A_764, %get3A_765] {strides = array<i32>} : memref<4x200x64xf32, #tpu.memory_space<vmem>>, vector<1x1x16xf32>,
        %get3A_767 = vector.shape_cast %get3A_766 : vector<1x1x16xf32> to vector<16xf32>
        %mul3A_768 = arith.constant 8.000000e+00 : f32
        %mul3A_769 = vector.broadcast %mul3A_768 : f32 to vector<16xf32>
        %mul3A_770 = arith.mulf %get3A_767, %mul3A_769 : vector<16xf32>
        %swap3A_771 = arith.constant 2 : i32
        %swap3A_772 = arith.index_cast %swap3A_771 : i32 to index
        %swap3A_773 = arith.index_cast %add3A_729 : i32 to index
        %swap3A_774 = arith.constant 32 : index
        %swap3A_775 = tpu.vector_load %arg7[%swap3A_772, %swap3A_773, %swap3A_774] {strides = array<i32>} : memref<4x200x64xf32, #tpu.memory_space<vmem>>, vector<1x1x16xf32>,
        %swap3A_776 = vector.shape_cast %swap3A_775 : vector<1x1x16xf32> to vector<16xf32>
        %swap3A_777 = vector.shape_cast %mul3A_770 : vector<16xf32> to vector<1x1x16xf32>
        tpu.vector_store %arg7[%swap3A_772, %swap3A_773, %swap3A_774], %swap3A_777 {strides = array<i32>} : memref<4x200x64xf32, #tpu.memory_space<vmem>>, vector<1x1x16xf32>,
        %get3A_778 = arith.constant 2 : i32
        %get3A_779 = arith.index_cast %get3A_778 : i32 to index
        %get3A_780 = arith.index_cast %add3A_729 : i32 to index
        %get3A_781 = arith.constant 48 : index
        %get3A_782 = tpu.vector_load %arg7[%get3A_779, %get3A_780, %get3A_781] {strides = array<i32>} : memref<4x200x64xf32, #tpu.memory_space<vmem>>, vector<1x1x16xf32>,
        %get3A_783 = vector.shape_cast %get3A_782 : vector<1x1x16xf32> to vector<16xf32>
        %mul3A_784 = arith.constant 8.000000e+00 : f32
        %mul3A_785 = vector.broadcast %mul3A_784 : f32 to vector<16xf32>
        %mul3A_786 = arith.mulf %get3A_783, %mul3A_785 : vector<16xf32>
        %swap3A_787 = arith.constant 2 : i32
        %swap3A_788 = arith.index_cast %swap3A_787 : i32 to index
        %swap3A_789 = arith.index_cast %add3A_729 : i32 to index
        %swap3A_790 = arith.constant 48 : index
        %swap3A_791 = tpu.vector_load %arg7[%swap3A_788, %swap3A_789, %swap3A_790] {strides = array<i32>} : memref<4x200x64xf32, #tpu.memory_space<vmem>>, vector<1x1x16xf32>,
        %swap3A_792 = vector.shape_cast %swap3A_791 : vector<1x1x16xf32> to vector<16xf32>
        %swap3A_793 = vector.shape_cast %mul3A_786 : vector<16xf32> to vector<1x1x16xf32>
        tpu.vector_store %arg7[%swap3A_788, %swap3A_789, %swap3A_790], %swap3A_793 {strides = array<i32>} : memref<4x200x64xf32, #tpu.memory_space<vmem>>, vector<1x1x16xf32>,
      }
      %scan3A_141 = arith.constant 200 : i32
      %scan3A_142 = arith.constant 0 : i32
      %scan3A_143 = arith.constant 200 : i32
      %scan3A_144 = arith.addi %scan3A_142, %scan3A_143 : i32
      %scan3A_145 = arith.constant 8 : i32
      scf.for %scan3A_237 = %scan3A_142 to %scan3A_144 step %scan3A_145  : i32 {
        %mul3A_238 = arith.constant 1 : i32
        %mul3A_239 = arith.muli %scan3A_237, %mul3A_238 : i32
        %add3A_240 = arith.constant 0 : i32
        %add3A_241 = arith.addi %add3A_240, %mul3A_239 : i32
        %get3A = arith.constant 3 : i32
        %get3A_242 = arith.index_cast %get3A : i32 to index
        %get3A_243 = arith.index_cast %add3A_241 : i32 to index
        %get3A_244 = arith.constant 0 : index
        %get3A_245 = tpu.vector_load %arg7[%get3A_242, %get3A_243, %get3A_244] {strides = array<i32>} : memref<4x200x64xf32, #tpu.memory_space<vmem>>, vector<1x1x16xf32>,
        %get3A_246 = vector.shape_cast %get3A_245 : vector<1x1x16xf32> to vector<16xf32>
        %mul3A_247 = arith.constant 8.000000e+00 : f32
        %mul3A_248 = vector.broadcast %mul3A_247 : f32 to vector<16xf32>
        %mul3A_249 = arith.mulf %get3A_246, %mul3A_248 : vector<16xf32>
        %swap3A = arith.constant 3 : i32
        %swap3A_250 = arith.index_cast %swap3A : i32 to index
        %swap3A_251 = arith.index_cast %add3A_241 : i32 to index
        %swap3A_252 = arith.constant 0 : index
        %swap3A_253 = tpu.vector_load %arg7[%swap3A_250, %swap3A_251, %swap3A_252] {strides = array<i32>} : memref<4x200x64xf32, #tpu.memory_space<vmem>>, vector<1x1x16xf32>,
        %swap3A_254 = vector.shape_cast %swap3A_253 : vector<1x1x16xf32> to vector<16xf32>
        %swap3A_255 = vector.shape_cast %mul3A_249 : vector<16xf32> to vector<1x1x16xf32>
        tpu.vector_store %arg7[%swap3A_250, %swap3A_251, %swap3A_252], %swap3A_255 {strides = array<i32>} : memref<4x200x64xf32, #tpu.memory_space<vmem>>, vector<1x1x16xf32>,
        %get3A_256 = arith.constant 3 : i32
        %get3A_257 = arith.index_cast %get3A_256 : i32 to index
        %get3A_258 = arith.index_cast %add3A_241 : i32 to index
        %get3A_259 = arith.constant 16 : index
        %get3A_260 = tpu.vector_load %arg7[%get3A_257, %get3A_258, %get3A_259] {strides = array<i32>} : memref<4x200x64xf32, #tpu.memory_space<vmem>>, vector<1x1x16xf32>,
        %get3A_261 = vector.shape_cast %get3A_260 : vector<1x1x16xf32> to vector<16xf32>
        %mul3A_262 = arith.constant 8.000000e+00 : f32
        %mul3A_263 = vector.broadcast %mul3A_262 : f32 to vector<16xf32>
        %mul3A_264 = arith.mulf %get3A_261, %mul3A_263 : vector<16xf32>
        %swap3A_265 = arith.constant 3 : i32
        %swap3A_266 = arith.index_cast %swap3A_265 : i32 to index
        %swap3A_267 = arith.index_cast %add3A_241 : i32 to index
        %swap3A_268 = arith.constant 16 : index
        %swap3A_269 = tpu.vector_load %arg7[%swap3A_266, %swap3A_267, %swap3A_268] {strides = array<i32>} : memref<4x200x64xf32, #tpu.memory_space<vmem>>, vector<1x1x16xf32>,
        %swap3A_270 = vector.shape_cast %swap3A_269 : vector<1x1x16xf32> to vector<16xf32>
        %swap3A_271 = vector.shape_cast %mul3A_264 : vector<16xf32> to vector<1x1x16xf32>
        tpu.vector_store %arg7[%swap3A_266, %swap3A_267, %swap3A_268], %swap3A_271 {strides = array<i32>} : memref<4x200x64xf32, #tpu.memory_space<vmem>>, vector<1x1x16xf32>,
        %get3A_272 = arith.constant 3 : i32
        %get3A_273 = arith.index_cast %get3A_272 : i32 to index
        %get3A_274 = arith.index_cast %add3A_241 : i32 to index
        %get3A_275 = arith.constant 32 : index
        %get3A_276 = tpu.vector_load %arg7[%get3A_273, %get3A_274, %get3A_275] {strides = array<i32>} : memref<4x200x64xf32, #tpu.memory_space<vmem>>, vector<1x1x16xf32>,
        %get3A_277 = vector.shape_cast %get3A_276 : vector<1x1x16xf32> to vector<16xf32>
        %mul3A_278 = arith.constant 8.000000e+00 : f32
        %mul3A_279 = vector.broadcast %mul3A_278 : f32 to vector<16xf32>
        %mul3A_280 = arith.mulf %get3A_277, %mul3A_279 : vector<16xf32>
        %swap3A_281 = arith.constant 3 : i32
        %swap3A_282 = arith.index_cast %swap3A_281 : i32 to index
        %swap3A_283 = arith.index_cast %add3A_241 : i32 to index
        %swap3A_284 = arith.constant 32 : index
        %swap3A_285 = tpu.vector_load %arg7[%swap3A_282, %swap3A_283, %swap3A_284] {strides = array<i32>} : memref<4x200x64xf32, #tpu.memory_space<vmem>>, vector<1x1x16xf32>,
        %swap3A_286 = vector.shape_cast %swap3A_285 : vector<1x1x16xf32> to vector<16xf32>
        %swap3A_287 = vector.shape_cast %mul3A_280 : vector<16xf32> to vector<1x1x16xf32>
        tpu.vector_store %arg7[%swap3A_282, %swap3A_283, %swap3A_284], %swap3A_287 {strides = array<i32>} : memref<4x200x64xf32, #tpu.memory_space<vmem>>, vector<1x1x16xf32>,
        %get3A_288 = arith.constant 3 : i32
        %get3A_289 = arith.index_cast %get3A_288 : i32 to index
        %get3A_290 = arith.index_cast %add3A_241 : i32 to index
        %get3A_291 = arith.constant 48 : index
        %get3A_292 = tpu.vector_load %arg7[%get3A_289, %get3A_290, %get3A_291] {strides = array<i32>} : memref<4x200x64xf32, #tpu.memory_space<vmem>>, vector<1x1x16xf32>,
        %get3A_293 = vector.shape_cast %get3A_292 : vector<1x1x16xf32> to vector<16xf32>
        %mul3A_294 = arith.constant 8.000000e+00 : f32
        %mul3A_295 = vector.broadcast %mul3A_294 : f32 to vector<16xf32>
        %mul3A_296 = arith.mulf %get3A_293, %mul3A_295 : vector<16xf32>
        %swap3A_297 = arith.constant 3 : i32
        %swap3A_298 = arith.index_cast %swap3A_297 : i32 to index
        %swap3A_299 = arith.index_cast %add3A_241 : i32 to index
        %swap3A_300 = arith.constant 48 : index
        %swap3A_301 = tpu.vector_load %arg7[%swap3A_298, %swap3A_299, %swap3A_300] {strides = array<i32>} : memref<4x200x64xf32, #tpu.memory_space<vmem>>, vector<1x1x16xf32>,
        %swap3A_302 = vector.shape_cast %swap3A_301 : vector<1x1x16xf32> to vector<16xf32>
        %swap3A_303 = vector.shape_cast %mul3A_296 : vector<16xf32> to vector<1x1x16xf32>
        tpu.vector_store %arg7[%swap3A_298, %swap3A_299, %swap3A_300], %swap3A_303 {strides = array<i32>} : memref<4x200x64xf32, #tpu.memory_space<vmem>>, vector<1x1x16xf32>,
        %scan3A_304 = arith.constant 1 : i32
        %scan3A_305 = arith.addi %scan3A_237, %scan3A_304 : i32
        %mul3A_306 = arith.constant 1 : i32
        %mul3A_307 = arith.muli %scan3A_305, %mul3A_306 : i32
        %add3A_308 = arith.constant 0 : i32
        %add3A_309 = arith.addi %add3A_308, %mul3A_307 : i32
        %get3A_310 = arith.constant 3 : i32
        %get3A_311 = arith.index_cast %get3A_310 : i32 to index
        %get3A_312 = arith.index_cast %add3A_309 : i32 to index
        %get3A_313 = arith.constant 0 : index
        %get3A_314 = tpu.vector_load %arg7[%get3A_311, %get3A_312, %get3A_313] {strides = array<i32>} : memref<4x200x64xf32, #tpu.memory_space<vmem>>, vector<1x1x16xf32>,
        %get3A_315 = vector.shape_cast %get3A_314 : vector<1x1x16xf32> to vector<16xf32>
        %mul3A_316 = arith.constant 8.000000e+00 : f32
        %mul3A_317 = vector.broadcast %mul3A_316 : f32 to vector<16xf32>
        %mul3A_318 = arith.mulf %get3A_315, %mul3A_317 : vector<16xf32>
        %swap3A_319 = arith.constant 3 : i32
        %swap3A_320 = arith.index_cast %swap3A_319 : i32 to index
        %swap3A_321 = arith.index_cast %add3A_309 : i32 to index
        %swap3A_322 = arith.constant 0 : index
        %swap3A_323 = tpu.vector_load %arg7[%swap3A_320, %swap3A_321, %swap3A_322] {strides = array<i32>} : memref<4x200x64xf32, #tpu.memory_space<vmem>>, vector<1x1x16xf32>,
        %swap3A_324 = vector.shape_cast %swap3A_323 : vector<1x1x16xf32> to vector<16xf32>
        %swap3A_325 = vector.shape_cast %mul3A_318 : vector<16xf32> to vector<1x1x16xf32>
        tpu.vector_store %arg7[%swap3A_320, %swap3A_321, %swap3A_322], %swap3A_325 {strides = array<i32>} : memref<4x200x64xf32, #tpu.memory_space<vmem>>, vector<1x1x16xf32>,
        %get3A_326 = arith.constant 3 : i32
        %get3A_327 = arith.index_cast %get3A_326 : i32 to index
        %get3A_328 = arith.index_cast %add3A_309 : i32 to index
        %get3A_329 = arith.constant 16 : index
        %get3A_330 = tpu.vector_load %arg7[%get3A_327, %get3A_328, %get3A_329] {strides = array<i32>} : memref<4x200x64xf32, #tpu.memory_space<vmem>>, vector<1x1x16xf32>,
        %get3A_331 = vector.shape_cast %get3A_330 : vector<1x1x16xf32> to vector<16xf32>
        %mul3A_332 = arith.constant 8.000000e+00 : f32
        %mul3A_333 = vector.broadcast %mul3A_332 : f32 to vector<16xf32>
        %mul3A_334 = arith.mulf %get3A_331, %mul3A_333 : vector<16xf32>
        %swap3A_335 = arith.constant 3 : i32
        %swap3A_336 = arith.index_cast %swap3A_335 : i32 to index
        %swap3A_337 = arith.index_cast %add3A_309 : i32 to index
        %swap3A_338 = arith.constant 16 : index
        %swap3A_339 = tpu.vector_load %arg7[%swap3A_336, %swap3A_337, %swap3A_338] {strides = array<i32>} : memref<4x200x64xf32, #tpu.memory_space<vmem>>, vector<1x1x16xf32>,
        %swap3A_340 = vector.shape_cast %swap3A_339 : vector<1x1x16xf32> to vector<16xf32>
        %swap3A_341 = vector.shape_cast %mul3A_334 : vector<16xf32> to vector<1x1x16xf32>
        tpu.vector_store %arg7[%swap3A_336, %swap3A_337, %swap3A_338], %swap3A_341 {strides = array<i32>} : memref<4x200x64xf32, #tpu.memory_space<vmem>>, vector<1x1x16xf32>,
        %get3A_342 = arith.constant 3 : i32
        %get3A_343 = arith.index_cast %get3A_342 : i32 to index
        %get3A_344 = arith.index_cast %add3A_309 : i32 to index
        %get3A_345 = arith.constant 32 : index
        %get3A_346 = tpu.vector_load %arg7[%get3A_343, %get3A_344, %get3A_345] {strides = array<i32>} : memref<4x200x64xf32, #tpu.memory_space<vmem>>, vector<1x1x16xf32>,
        %get3A_347 = vector.shape_cast %get3A_346 : vector<1x1x16xf32> to vector<16xf32>
        %mul3A_348 = arith.constant 8.000000e+00 : f32
        %mul3A_349 = vector.broadcast %mul3A_348 : f32 to vector<16xf32>
        %mul3A_350 = arith.mulf %get3A_347, %mul3A_349 : vector<16xf32>
        %swap3A_351 = arith.constant 3 : i32
        %swap3A_352 = arith.index_cast %swap3A_351 : i32 to index
        %swap3A_353 = arith.index_cast %add3A_309 : i32 to index
        %swap3A_354 = arith.constant 32 : index
        %swap3A_355 = tpu.vector_load %arg7[%swap3A_352, %swap3A_353, %swap3A_354] {strides = array<i32>} : memref<4x200x64xf32, #tpu.memory_space<vmem>>, vector<1x1x16xf32>,
        %swap3A_356 = vector.shape_cast %swap3A_355 : vector<1x1x16xf32> to vector<16xf32>
        %swap3A_357 = vector.shape_cast %mul3A_350 : vector<16xf32> to vector<1x1x16xf32>
        tpu.vector_store %arg7[%swap3A_352, %swap3A_353, %swap3A_354], %swap3A_357 {strides = array<i32>} : memref<4x200x64xf32, #tpu.memory_space<vmem>>, vector<1x1x16xf32>,
        %get3A_358 = arith.constant 3 : i32
        %get3A_359 = arith.index_cast %get3A_358 : i32 to index
        %get3A_360 = arith.index_cast %add3A_309 : i32 to index
        %get3A_361 = arith.constant 48 : index
        %get3A_362 = tpu.vector_load %arg7[%get3A_359, %get3A_360, %get3A_361] {strides = array<i32>} : memref<4x200x64xf32, #tpu.memory_space<vmem>>, vector<1x1x16xf32>,
        %get3A_363 = vector.shape_cast %get3A_362 : vector<1x1x16xf32> to vector<16xf32>
        %mul3A_364 = arith.constant 8.000000e+00 : f32
        %mul3A_365 = vector.broadcast %mul3A_364 : f32 to vector<16xf32>
        %mul3A_366 = arith.mulf %get3A_363, %mul3A_365 : vector<16xf32>
        %swap3A_367 = arith.constant 3 : i32
        %swap3A_368 = arith.index_cast %swap3A_367 : i32 to index
        %swap3A_369 = arith.index_cast %add3A_309 : i32 to index
        %swap3A_370 = arith.constant 48 : index
        %swap3A_371 = tpu.vector_load %arg7[%swap3A_368, %swap3A_369, %swap3A_370] {strides = array<i32>} : memref<4x200x64xf32, #tpu.memory_space<vmem>>, vector<1x1x16xf32>,
        %swap3A_372 = vector.shape_cast %swap3A_371 : vector<1x1x16xf32> to vector<16xf32>
        %swap3A_373 = vector.shape_cast %mul3A_366 : vector<16xf32> to vector<1x1x16xf32>
        tpu.vector_store %arg7[%swap3A_368, %swap3A_369, %swap3A_370], %swap3A_373 {strides = array<i32>} : memref<4x200x64xf32, #tpu.memory_space<vmem>>, vector<1x1x16xf32>,
        %scan3A_374 = arith.constant 2 : i32
        %scan3A_375 = arith.addi %scan3A_237, %scan3A_374 : i32
        %mul3A_376 = arith.constant 1 : i32
        %mul3A_377 = arith.muli %scan3A_375, %mul3A_376 : i32
        %add3A_378 = arith.constant 0 : i32
        %add3A_379 = arith.addi %add3A_378, %mul3A_377 : i32
        %get3A_380 = arith.constant 3 : i32
        %get3A_381 = arith.index_cast %get3A_380 : i32 to index
        %get3A_382 = arith.index_cast %add3A_379 : i32 to index
        %get3A_383 = arith.constant 0 : index
        %get3A_384 = tpu.vector_load %arg7[%get3A_381, %get3A_382, %get3A_383] {strides = array<i32>} : memref<4x200x64xf32, #tpu.memory_space<vmem>>, vector<1x1x16xf32>,
        %get3A_385 = vector.shape_cast %get3A_384 : vector<1x1x16xf32> to vector<16xf32>
        %mul3A_386 = arith.constant 8.000000e+00 : f32
        %mul3A_387 = vector.broadcast %mul3A_386 : f32 to vector<16xf32>
        %mul3A_388 = arith.mulf %get3A_385, %mul3A_387 : vector<16xf32>
        %swap3A_389 = arith.constant 3 : i32
        %swap3A_390 = arith.index_cast %swap3A_389 : i32 to index
        %swap3A_391 = arith.index_cast %add3A_379 : i32 to index
        %swap3A_392 = arith.constant 0 : index
        %swap3A_393 = tpu.vector_load %arg7[%swap3A_390, %swap3A_391, %swap3A_392] {strides = array<i32>} : memref<4x200x64xf32, #tpu.memory_space<vmem>>, vector<1x1x16xf32>,
        %swap3A_394 = vector.shape_cast %swap3A_393 : vector<1x1x16xf32> to vector<16xf32>
        %swap3A_395 = vector.shape_cast %mul3A_388 : vector<16xf32> to vector<1x1x16xf32>
        tpu.vector_store %arg7[%swap3A_390, %swap3A_391, %swap3A_392], %swap3A_395 {strides = array<i32>} : memref<4x200x64xf32, #tpu.memory_space<vmem>>, vector<1x1x16xf32>,
        %get3A_396 = arith.constant 3 : i32
        %get3A_397 = arith.index_cast %get3A_396 : i32 to index
        %get3A_398 = arith.index_cast %add3A_379 : i32 to index
        %get3A_399 = arith.constant 16 : index
        %get3A_400 = tpu.vector_load %arg7[%get3A_397, %get3A_398, %get3A_399] {strides = array<i32>} : memref<4x200x64xf32, #tpu.memory_space<vmem>>, vector<1x1x16xf32>,
        %get3A_401 = vector.shape_cast %get3A_400 : vector<1x1x16xf32> to vector<16xf32>
        %mul3A_402 = arith.constant 8.000000e+00 : f32
        %mul3A_403 = vector.broadcast %mul3A_402 : f32 to vector<16xf32>
        %mul3A_404 = arith.mulf %get3A_401, %mul3A_403 : vector<16xf32>
        %swap3A_405 = arith.constant 3 : i32
        %swap3A_406 = arith.index_cast %swap3A_405 : i32 to index
        %swap3A_407 = arith.index_cast %add3A_379 : i32 to index
        %swap3A_408 = arith.constant 16 : index
        %swap3A_409 = tpu.vector_load %arg7[%swap3A_406, %swap3A_407, %swap3A_408] {strides = array<i32>} : memref<4x200x64xf32, #tpu.memory_space<vmem>>, vector<1x1x16xf32>,
        %swap3A_410 = vector.shape_cast %swap3A_409 : vector<1x1x16xf32> to vector<16xf32>
        %swap3A_411 = vector.shape_cast %mul3A_404 : vector<16xf32> to vector<1x1x16xf32>
        tpu.vector_store %arg7[%swap3A_406, %swap3A_407, %swap3A_408], %swap3A_411 {strides = array<i32>} : memref<4x200x64xf32, #tpu.memory_space<vmem>>, vector<1x1x16xf32>,
        %get3A_412 = arith.constant 3 : i32
        %get3A_413 = arith.index_cast %get3A_412 : i32 to index
        %get3A_414 = arith.index_cast %add3A_379 : i32 to index
        %get3A_415 = arith.constant 32 : index
        %get3A_416 = tpu.vector_load %arg7[%get3A_413, %get3A_414, %get3A_415] {strides = array<i32>} : memref<4x200x64xf32, #tpu.memory_space<vmem>>, vector<1x1x16xf32>,
        %get3A_417 = vector.shape_cast %get3A_416 : vector<1x1x16xf32> to vector<16xf32>
        %mul3A_418 = arith.constant 8.000000e+00 : f32
        %mul3A_419 = vector.broadcast %mul3A_418 : f32 to vector<16xf32>
        %mul3A_420 = arith.mulf %get3A_417, %mul3A_419 : vector<16xf32>
        %swap3A_421 = arith.constant 3 : i32
        %swap3A_422 = arith.index_cast %swap3A_421 : i32 to index
        %swap3A_423 = arith.index_cast %add3A_379 : i32 to index
        %swap3A_424 = arith.constant 32 : index
        %swap3A_425 = tpu.vector_load %arg7[%swap3A_422, %swap3A_423, %swap3A_424] {strides = array<i32>} : memref<4x200x64xf32, #tpu.memory_space<vmem>>, vector<1x1x16xf32>,
        %swap3A_426 = vector.shape_cast %swap3A_425 : vector<1x1x16xf32> to vector<16xf32>
        %swap3A_427 = vector.shape_cast %mul3A_420 : vector<16xf32> to vector<1x1x16xf32>
        tpu.vector_store %arg7[%swap3A_422, %swap3A_423, %swap3A_424], %swap3A_427 {strides = array<i32>} : memref<4x200x64xf32, #tpu.memory_space<vmem>>, vector<1x1x16xf32>,
        %get3A_428 = arith.constant 3 : i32
        %get3A_429 = arith.index_cast %get3A_428 : i32 to index
        %get3A_430 = arith.index_cast %add3A_379 : i32 to index
        %get3A_431 = arith.constant 48 : index
        %get3A_432 = tpu.vector_load %arg7[%get3A_429, %get3A_430, %get3A_431] {strides = array<i32>} : memref<4x200x64xf32, #tpu.memory_space<vmem>>, vector<1x1x16xf32>,
        %get3A_433 = vector.shape_cast %get3A_432 : vector<1x1x16xf32> to vector<16xf32>
        %mul3A_434 = arith.constant 8.000000e+00 : f32
        %mul3A_435 = vector.broadcast %mul3A_434 : f32 to vector<16xf32>
        %mul3A_436 = arith.mulf %get3A_433, %mul3A_435 : vector<16xf32>
        %swap3A_437 = arith.constant 3 : i32
        %swap3A_438 = arith.index_cast %swap3A_437 : i32 to index
        %swap3A_439 = arith.index_cast %add3A_379 : i32 to index
        %swap3A_440 = arith.constant 48 : index
        %swap3A_441 = tpu.vector_load %arg7[%swap3A_438, %swap3A_439, %swap3A_440] {strides = array<i32>} : memref<4x200x64xf32, #tpu.memory_space<vmem>>, vector<1x1x16xf32>,
        %swap3A_442 = vector.shape_cast %swap3A_441 : vector<1x1x16xf32> to vector<16xf32>
        %swap3A_443 = vector.shape_cast %mul3A_436 : vector<16xf32> to vector<1x1x16xf32>
        tpu.vector_store %arg7[%swap3A_438, %swap3A_439, %swap3A_440], %swap3A_443 {strides = array<i32>} : memref<4x200x64xf32, #tpu.memory_space<vmem>>, vector<1x1x16xf32>,
        %scan3A_444 = arith.constant 3 : i32
        %scan3A_445 = arith.addi %scan3A_237, %scan3A_444 : i32
        %mul3A_446 = arith.constant 1 : i32
        %mul3A_447 = arith.muli %scan3A_445, %mul3A_446 : i32
        %add3A_448 = arith.constant 0 : i32
        %add3A_449 = arith.addi %add3A_448, %mul3A_447 : i32
        %get3A_450 = arith.constant 3 : i32
        %get3A_451 = arith.index_cast %get3A_450 : i32 to index
        %get3A_452 = arith.index_cast %add3A_449 : i32 to index
        %get3A_453 = arith.constant 0 : index
        %get3A_454 = tpu.vector_load %arg7[%get3A_451, %get3A_452, %get3A_453] {strides = array<i32>} : memref<4x200x64xf32, #tpu.memory_space<vmem>>, vector<1x1x16xf32>,
        %get3A_455 = vector.shape_cast %get3A_454 : vector<1x1x16xf32> to vector<16xf32>
        %mul3A_456 = arith.constant 8.000000e+00 : f32
        %mul3A_457 = vector.broadcast %mul3A_456 : f32 to vector<16xf32>
        %mul3A_458 = arith.mulf %get3A_455, %mul3A_457 : vector<16xf32>
        %swap3A_459 = arith.constant 3 : i32
        %swap3A_460 = arith.index_cast %swap3A_459 : i32 to index
        %swap3A_461 = arith.index_cast %add3A_449 : i32 to index
        %swap3A_462 = arith.constant 0 : index
        %swap3A_463 = tpu.vector_load %arg7[%swap3A_460, %swap3A_461, %swap3A_462] {strides = array<i32>} : memref<4x200x64xf32, #tpu.memory_space<vmem>>, vector<1x1x16xf32>,
        %swap3A_464 = vector.shape_cast %swap3A_463 : vector<1x1x16xf32> to vector<16xf32>
        %swap3A_465 = vector.shape_cast %mul3A_458 : vector<16xf32> to vector<1x1x16xf32>
        tpu.vector_store %arg7[%swap3A_460, %swap3A_461, %swap3A_462], %swap3A_465 {strides = array<i32>} : memref<4x200x64xf32, #tpu.memory_space<vmem>>, vector<1x1x16xf32>,
        %get3A_466 = arith.constant 3 : i32
        %get3A_467 = arith.index_cast %get3A_466 : i32 to index
        %get3A_468 = arith.index_cast %add3A_449 : i32 to index
        %get3A_469 = arith.constant 16 : index
        %get3A_470 = tpu.vector_load %arg7[%get3A_467, %get3A_468, %get3A_469] {strides = array<i32>} : memref<4x200x64xf32, #tpu.memory_space<vmem>>, vector<1x1x16xf32>,
        %get3A_471 = vector.shape_cast %get3A_470 : vector<1x1x16xf32> to vector<16xf32>
        %mul3A_472 = arith.constant 8.000000e+00 : f32
        %mul3A_473 = vector.broadcast %mul3A_472 : f32 to vector<16xf32>
        %mul3A_474 = arith.mulf %get3A_471, %mul3A_473 : vector<16xf32>
        %swap3A_475 = arith.constant 3 : i32
        %swap3A_476 = arith.index_cast %swap3A_475 : i32 to index
        %swap3A_477 = arith.index_cast %add3A_449 : i32 to index
        %swap3A_478 = arith.constant 16 : index
        %swap3A_479 = tpu.vector_load %arg7[%swap3A_476, %swap3A_477, %swap3A_478] {strides = array<i32>} : memref<4x200x64xf32, #tpu.memory_space<vmem>>, vector<1x1x16xf32>,
        %swap3A_480 = vector.shape_cast %swap3A_479 : vector<1x1x16xf32> to vector<16xf32>
        %swap3A_481 = vector.shape_cast %mul3A_474 : vector<16xf32> to vector<1x1x16xf32>
        tpu.vector_store %arg7[%swap3A_476, %swap3A_477, %swap3A_478], %swap3A_481 {strides = array<i32>} : memref<4x200x64xf32, #tpu.memory_space<vmem>>, vector<1x1x16xf32>,
        %get3A_482 = arith.constant 3 : i32
        %get3A_483 = arith.index_cast %get3A_482 : i32 to index
        %get3A_484 = arith.index_cast %add3A_449 : i32 to index
        %get3A_485 = arith.constant 32 : index
        %get3A_486 = tpu.vector_load %arg7[%get3A_483, %get3A_484, %get3A_485] {strides = array<i32>} : memref<4x200x64xf32, #tpu.memory_space<vmem>>, vector<1x1x16xf32>,
        %get3A_487 = vector.shape_cast %get3A_486 : vector<1x1x16xf32> to vector<16xf32>
        %mul3A_488 = arith.constant 8.000000e+00 : f32
        %mul3A_489 = vector.broadcast %mul3A_488 : f32 to vector<16xf32>
        %mul3A_490 = arith.mulf %get3A_487, %mul3A_489 : vector<16xf32>
        %swap3A_491 = arith.constant 3 : i32
        %swap3A_492 = arith.index_cast %swap3A_491 : i32 to index
        %swap3A_493 = arith.index_cast %add3A_449 : i32 to index
        %swap3A_494 = arith.constant 32 : index
        %swap3A_495 = tpu.vector_load %arg7[%swap3A_492, %swap3A_493, %swap3A_494] {strides = array<i32>} : memref<4x200x64xf32, #tpu.memory_space<vmem>>, vector<1x1x16xf32>,
        %swap3A_496 = vector.shape_cast %swap3A_495 : vector<1x1x16xf32> to vector<16xf32>
        %swap3A_497 = vector.shape_cast %mul3A_490 : vector<16xf32> to vector<1x1x16xf32>
        tpu.vector_store %arg7[%swap3A_492, %swap3A_493, %swap3A_494], %swap3A_497 {strides = array<i32>} : memref<4x200x64xf32, #tpu.memory_space<vmem>>, vector<1x1x16xf32>,
        %get3A_498 = arith.constant 3 : i32
        %get3A_499 = arith.index_cast %get3A_498 : i32 to index
        %get3A_500 = arith.index_cast %add3A_449 : i32 to index
        %get3A_501 = arith.constant 48 : index
        %get3A_502 = tpu.vector_load %arg7[%get3A_499, %get3A_500, %get3A_501] {strides = array<i32>} : memref<4x200x64xf32, #tpu.memory_space<vmem>>, vector<1x1x16xf32>,
        %get3A_503 = vector.shape_cast %get3A_502 : vector<1x1x16xf32> to vector<16xf32>
        %mul3A_504 = arith.constant 8.000000e+00 : f32
        %mul3A_505 = vector.broadcast %mul3A_504 : f32 to vector<16xf32>
        %mul3A_506 = arith.mulf %get3A_503, %mul3A_505 : vector<16xf32>
        %swap3A_507 = arith.constant 3 : i32
        %swap3A_508 = arith.index_cast %swap3A_507 : i32 to index
        %swap3A_509 = arith.index_cast %add3A_449 : i32 to index
        %swap3A_510 = arith.constant 48 : index
        %swap3A_511 = tpu.vector_load %arg7[%swap3A_508, %swap3A_509, %swap3A_510] {strides = array<i32>} : memref<4x200x64xf32, #tpu.memory_space<vmem>>, vector<1x1x16xf32>,
        %swap3A_512 = vector.shape_cast %swap3A_511 : vector<1x1x16xf32> to vector<16xf32>
        %swap3A_513 = vector.shape_cast %mul3A_506 : vector<16xf32> to vector<1x1x16xf32>
        tpu.vector_store %arg7[%swap3A_508, %swap3A_509, %swap3A_510], %swap3A_513 {strides = array<i32>} : memref<4x200x64xf32, #tpu.memory_space<vmem>>, vector<1x1x16xf32>,
        %scan3A_514 = arith.constant 4 : i32
        %scan3A_515 = arith.addi %scan3A_237, %scan3A_514 : i32
        %mul3A_516 = arith.constant 1 : i32
        %mul3A_517 = arith.muli %scan3A_515, %mul3A_516 : i32
        %add3A_518 = arith.constant 0 : i32
        %add3A_519 = arith.addi %add3A_518, %mul3A_517 : i32
        %get3A_520 = arith.constant 3 : i32
        %get3A_521 = arith.index_cast %get3A_520 : i32 to index
        %get3A_522 = arith.index_cast %add3A_519 : i32 to index
        %get3A_523 = arith.constant 0 : index
        %get3A_524 = tpu.vector_load %arg7[%get3A_521, %get3A_522, %get3A_523] {strides = array<i32>} : memref<4x200x64xf32, #tpu.memory_space<vmem>>, vector<1x1x16xf32>,
        %get3A_525 = vector.shape_cast %get3A_524 : vector<1x1x16xf32> to vector<16xf32>
        %mul3A_526 = arith.constant 8.000000e+00 : f32
        %mul3A_527 = vector.broadcast %mul3A_526 : f32 to vector<16xf32>
        %mul3A_528 = arith.mulf %get3A_525, %mul3A_527 : vector<16xf32>
        %swap3A_529 = arith.constant 3 : i32
        %swap3A_530 = arith.index_cast %swap3A_529 : i32 to index
        %swap3A_531 = arith.index_cast %add3A_519 : i32 to index
        %swap3A_532 = arith.constant 0 : index
        %swap3A_533 = tpu.vector_load %arg7[%swap3A_530, %swap3A_531, %swap3A_532] {strides = array<i32>} : memref<4x200x64xf32, #tpu.memory_space<vmem>>, vector<1x1x16xf32>,
        %swap3A_534 = vector.shape_cast %swap3A_533 : vector<1x1x16xf32> to vector<16xf32>
        %swap3A_535 = vector.shape_cast %mul3A_528 : vector<16xf32> to vector<1x1x16xf32>
        tpu.vector_store %arg7[%swap3A_530, %swap3A_531, %swap3A_532], %swap3A_535 {strides = array<i32>} : memref<4x200x64xf32, #tpu.memory_space<vmem>>, vector<1x1x16xf32>,
        %get3A_536 = arith.constant 3 : i32
        %get3A_537 = arith.index_cast %get3A_536 : i32 to index
        %get3A_538 = arith.index_cast %add3A_519 : i32 to index
        %get3A_539 = arith.constant 16 : index
        %get3A_540 = tpu.vector_load %arg7[%get3A_537, %get3A_538, %get3A_539] {strides = array<i32>} : memref<4x200x64xf32, #tpu.memory_space<vmem>>, vector<1x1x16xf32>,
        %get3A_541 = vector.shape_cast %get3A_540 : vector<1x1x16xf32> to vector<16xf32>
        %mul3A_542 = arith.constant 8.000000e+00 : f32
        %mul3A_543 = vector.broadcast %mul3A_542 : f32 to vector<16xf32>
        %mul3A_544 = arith.mulf %get3A_541, %mul3A_543 : vector<16xf32>
        %swap3A_545 = arith.constant 3 : i32
        %swap3A_546 = arith.index_cast %swap3A_545 : i32 to index
        %swap3A_547 = arith.index_cast %add3A_519 : i32 to index
        %swap3A_548 = arith.constant 16 : index
        %swap3A_549 = tpu.vector_load %arg7[%swap3A_546, %swap3A_547, %swap3A_548] {strides = array<i32>} : memref<4x200x64xf32, #tpu.memory_space<vmem>>, vector<1x1x16xf32>,
        %swap3A_550 = vector.shape_cast %swap3A_549 : vector<1x1x16xf32> to vector<16xf32>
        %swap3A_551 = vector.shape_cast %mul3A_544 : vector<16xf32> to vector<1x1x16xf32>
        tpu.vector_store %arg7[%swap3A_546, %swap3A_547, %swap3A_548], %swap3A_551 {strides = array<i32>} : memref<4x200x64xf32, #tpu.memory_space<vmem>>, vector<1x1x16xf32>,
        %get3A_552 = arith.constant 3 : i32
        %get3A_553 = arith.index_cast %get3A_552 : i32 to index
        %get3A_554 = arith.index_cast %add3A_519 : i32 to index
        %get3A_555 = arith.constant 32 : index
        %get3A_556 = tpu.vector_load %arg7[%get3A_553, %get3A_554, %get3A_555] {strides = array<i32>} : memref<4x200x64xf32, #tpu.memory_space<vmem>>, vector<1x1x16xf32>,
        %get3A_557 = vector.shape_cast %get3A_556 : vector<1x1x16xf32> to vector<16xf32>
        %mul3A_558 = arith.constant 8.000000e+00 : f32
        %mul3A_559 = vector.broadcast %mul3A_558 : f32 to vector<16xf32>
        %mul3A_560 = arith.mulf %get3A_557, %mul3A_559 : vector<16xf32>
        %swap3A_561 = arith.constant 3 : i32
        %swap3A_562 = arith.index_cast %swap3A_561 : i32 to index
        %swap3A_563 = arith.index_cast %add3A_519 : i32 to index
        %swap3A_564 = arith.constant 32 : index
        %swap3A_565 = tpu.vector_load %arg7[%swap3A_562, %swap3A_563, %swap3A_564] {strides = array<i32>} : memref<4x200x64xf32, #tpu.memory_space<vmem>>, vector<1x1x16xf32>,
        %swap3A_566 = vector.shape_cast %swap3A_565 : vector<1x1x16xf32> to vector<16xf32>
        %swap3A_567 = vector.shape_cast %mul3A_560 : vector<16xf32> to vector<1x1x16xf32>
        tpu.vector_store %arg7[%swap3A_562, %swap3A_563, %swap3A_564], %swap3A_567 {strides = array<i32>} : memref<4x200x64xf32, #tpu.memory_space<vmem>>, vector<1x1x16xf32>,
        %get3A_568 = arith.constant 3 : i32
        %get3A_569 = arith.index_cast %get3A_568 : i32 to index
        %get3A_570 = arith.index_cast %add3A_519 : i32 to index
        %get3A_571 = arith.constant 48 : index
        %get3A_572 = tpu.vector_load %arg7[%get3A_569, %get3A_570, %get3A_571] {strides = array<i32>} : memref<4x200x64xf32, #tpu.memory_space<vmem>>, vector<1x1x16xf32>,
        %get3A_573 = vector.shape_cast %get3A_572 : vector<1x1x16xf32> to vector<16xf32>
        %mul3A_574 = arith.constant 8.000000e+00 : f32
        %mul3A_575 = vector.broadcast %mul3A_574 : f32 to vector<16xf32>
        %mul3A_576 = arith.mulf %get3A_573, %mul3A_575 : vector<16xf32>
        %swap3A_577 = arith.constant 3 : i32
        %swap3A_578 = arith.index_cast %swap3A_577 : i32 to index
        %swap3A_579 = arith.index_cast %add3A_519 : i32 to index
        %swap3A_580 = arith.constant 48 : index
        %swap3A_581 = tpu.vector_load %arg7[%swap3A_578, %swap3A_579, %swap3A_580] {strides = array<i32>} : memref<4x200x64xf32, #tpu.memory_space<vmem>>, vector<1x1x16xf32>,
        %swap3A_582 = vector.shape_cast %swap3A_581 : vector<1x1x16xf32> to vector<16xf32>
        %swap3A_583 = vector.shape_cast %mul3A_576 : vector<16xf32> to vector<1x1x16xf32>
        tpu.vector_store %arg7[%swap3A_578, %swap3A_579, %swap3A_580], %swap3A_583 {strides = array<i32>} : memref<4x200x64xf32, #tpu.memory_space<vmem>>, vector<1x1x16xf32>,
        %scan3A_584 = arith.constant 5 : i32
        %scan3A_585 = arith.addi %scan3A_237, %scan3A_584 : i32
        %mul3A_586 = arith.constant 1 : i32
        %mul3A_587 = arith.muli %scan3A_585, %mul3A_586 : i32
        %add3A_588 = arith.constant 0 : i32
        %add3A_589 = arith.addi %add3A_588, %mul3A_587 : i32
        %get3A_590 = arith.constant 3 : i32
        %get3A_591 = arith.index_cast %get3A_590 : i32 to index
        %get3A_592 = arith.index_cast %add3A_589 : i32 to index
        %get3A_593 = arith.constant 0 : index
        %get3A_594 = tpu.vector_load %arg7[%get3A_591, %get3A_592, %get3A_593] {strides = array<i32>} : memref<4x200x64xf32, #tpu.memory_space<vmem>>, vector<1x1x16xf32>,
        %get3A_595 = vector.shape_cast %get3A_594 : vector<1x1x16xf32> to vector<16xf32>
        %mul3A_596 = arith.constant 8.000000e+00 : f32
        %mul3A_597 = vector.broadcast %mul3A_596 : f32 to vector<16xf32>
        %mul3A_598 = arith.mulf %get3A_595, %mul3A_597 : vector<16xf32>
        %swap3A_599 = arith.constant 3 : i32
        %swap3A_600 = arith.index_cast %swap3A_599 : i32 to index
        %swap3A_601 = arith.index_cast %add3A_589 : i32 to index
        %swap3A_602 = arith.constant 0 : index
        %swap3A_603 = tpu.vector_load %arg7[%swap3A_600, %swap3A_601, %swap3A_602] {strides = array<i32>} : memref<4x200x64xf32, #tpu.memory_space<vmem>>, vector<1x1x16xf32>,
        %swap3A_604 = vector.shape_cast %swap3A_603 : vector<1x1x16xf32> to vector<16xf32>
        %swap3A_605 = vector.shape_cast %mul3A_598 : vector<16xf32> to vector<1x1x16xf32>
        tpu.vector_store %arg7[%swap3A_600, %swap3A_601, %swap3A_602], %swap3A_605 {strides = array<i32>} : memref<4x200x64xf32, #tpu.memory_space<vmem>>, vector<1x1x16xf32>,
        %get3A_606 = arith.constant 3 : i32
        %get3A_607 = arith.index_cast %get3A_606 : i32 to index
        %get3A_608 = arith.index_cast %add3A_589 : i32 to index
        %get3A_609 = arith.constant 16 : index
        %get3A_610 = tpu.vector_load %arg7[%get3A_607, %get3A_608, %get3A_609] {strides = array<i32>} : memref<4x200x64xf32, #tpu.memory_space<vmem>>, vector<1x1x16xf32>,
        %get3A_611 = vector.shape_cast %get3A_610 : vector<1x1x16xf32> to vector<16xf32>
        %mul3A_612 = arith.constant 8.000000e+00 : f32
        %mul3A_613 = vector.broadcast %mul3A_612 : f32 to vector<16xf32>
        %mul3A_614 = arith.mulf %get3A_611, %mul3A_613 : vector<16xf32>
        %swap3A_615 = arith.constant 3 : i32
        %swap3A_616 = arith.index_cast %swap3A_615 : i32 to index
        %swap3A_617 = arith.index_cast %add3A_589 : i32 to index
        %swap3A_618 = arith.constant 16 : index
        %swap3A_619 = tpu.vector_load %arg7[%swap3A_616, %swap3A_617, %swap3A_618] {strides = array<i32>} : memref<4x200x64xf32, #tpu.memory_space<vmem>>, vector<1x1x16xf32>,
        %swap3A_620 = vector.shape_cast %swap3A_619 : vector<1x1x16xf32> to vector<16xf32>
        %swap3A_621 = vector.shape_cast %mul3A_614 : vector<16xf32> to vector<1x1x16xf32>
        tpu.vector_store %arg7[%swap3A_616, %swap3A_617, %swap3A_618], %swap3A_621 {strides = array<i32>} : memref<4x200x64xf32, #tpu.memory_space<vmem>>, vector<1x1x16xf32>,
        %get3A_622 = arith.constant 3 : i32
        %get3A_623 = arith.index_cast %get3A_622 : i32 to index
        %get3A_624 = arith.index_cast %add3A_589 : i32 to index
        %get3A_625 = arith.constant 32 : index
        %get3A_626 = tpu.vector_load %arg7[%get3A_623, %get3A_624, %get3A_625] {strides = array<i32>} : memref<4x200x64xf32, #tpu.memory_space<vmem>>, vector<1x1x16xf32>,
        %get3A_627 = vector.shape_cast %get3A_626 : vector<1x1x16xf32> to vector<16xf32>
        %mul3A_628 = arith.constant 8.000000e+00 : f32
        %mul3A_629 = vector.broadcast %mul3A_628 : f32 to vector<16xf32>
        %mul3A_630 = arith.mulf %get3A_627, %mul3A_629 : vector<16xf32>
        %swap3A_631 = arith.constant 3 : i32
        %swap3A_632 = arith.index_cast %swap3A_631 : i32 to index
        %swap3A_633 = arith.index_cast %add3A_589 : i32 to index
        %swap3A_634 = arith.constant 32 : index
        %swap3A_635 = tpu.vector_load %arg7[%swap3A_632, %swap3A_633, %swap3A_634] {strides = array<i32>} : memref<4x200x64xf32, #tpu.memory_space<vmem>>, vector<1x1x16xf32>,
        %swap3A_636 = vector.shape_cast %swap3A_635 : vector<1x1x16xf32> to vector<16xf32>
        %swap3A_637 = vector.shape_cast %mul3A_630 : vector<16xf32> to vector<1x1x16xf32>
        tpu.vector_store %arg7[%swap3A_632, %swap3A_633, %swap3A_634], %swap3A_637 {strides = array<i32>} : memref<4x200x64xf32, #tpu.memory_space<vmem>>, vector<1x1x16xf32>,
        %get3A_638 = arith.constant 3 : i32
        %get3A_639 = arith.index_cast %get3A_638 : i32 to index
        %get3A_640 = arith.index_cast %add3A_589 : i32 to index
        %get3A_641 = arith.constant 48 : index
        %get3A_642 = tpu.vector_load %arg7[%get3A_639, %get3A_640, %get3A_641] {strides = array<i32>} : memref<4x200x64xf32, #tpu.memory_space<vmem>>, vector<1x1x16xf32>,
        %get3A_643 = vector.shape_cast %get3A_642 : vector<1x1x16xf32> to vector<16xf32>
        %mul3A_644 = arith.constant 8.000000e+00 : f32
        %mul3A_645 = vector.broadcast %mul3A_644 : f32 to vector<16xf32>
        %mul3A_646 = arith.mulf %get3A_643, %mul3A_645 : vector<16xf32>
        %swap3A_647 = arith.constant 3 : i32
        %swap3A_648 = arith.index_cast %swap3A_647 : i32 to index
        %swap3A_649 = arith.index_cast %add3A_589 : i32 to index
        %swap3A_650 = arith.constant 48 : index
        %swap3A_651 = tpu.vector_load %arg7[%swap3A_648, %swap3A_649, %swap3A_650] {strides = array<i32>} : memref<4x200x64xf32, #tpu.memory_space<vmem>>, vector<1x1x16xf32>,
        %swap3A_652 = vector.shape_cast %swap3A_651 : vector<1x1x16xf32> to vector<16xf32>
        %swap3A_653 = vector.shape_cast %mul3A_646 : vector<16xf32> to vector<1x1x16xf32>
        tpu.vector_store %arg7[%swap3A_648, %swap3A_649, %swap3A_650], %swap3A_653 {strides = array<i32>} : memref<4x200x64xf32, #tpu.memory_space<vmem>>, vector<1x1x16xf32>,
        %scan3A_654 = arith.constant 6 : i32
        %scan3A_655 = arith.addi %scan3A_237, %scan3A_654 : i32
        %mul3A_656 = arith.constant 1 : i32
        %mul3A_657 = arith.muli %scan3A_655, %mul3A_656 : i32
        %add3A_658 = arith.constant 0 : i32
        %add3A_659 = arith.addi %add3A_658, %mul3A_657 : i32
        %get3A_660 = arith.constant 3 : i32
        %get3A_661 = arith.index_cast %get3A_660 : i32 to index
        %get3A_662 = arith.index_cast %add3A_659 : i32 to index
        %get3A_663 = arith.constant 0 : index
        %get3A_664 = tpu.vector_load %arg7[%get3A_661, %get3A_662, %get3A_663] {strides = array<i32>} : memref<4x200x64xf32, #tpu.memory_space<vmem>>, vector<1x1x16xf32>,
        %get3A_665 = vector.shape_cast %get3A_664 : vector<1x1x16xf32> to vector<16xf32>
        %mul3A_666 = arith.constant 8.000000e+00 : f32
        %mul3A_667 = vector.broadcast %mul3A_666 : f32 to vector<16xf32>
        %mul3A_668 = arith.mulf %get3A_665, %mul3A_667 : vector<16xf32>
        %swap3A_669 = arith.constant 3 : i32
        %swap3A_670 = arith.index_cast %swap3A_669 : i32 to index
        %swap3A_671 = arith.index_cast %add3A_659 : i32 to index
        %swap3A_672 = arith.constant 0 : index
        %swap3A_673 = tpu.vector_load %arg7[%swap3A_670, %swap3A_671, %swap3A_672] {strides = array<i32>} : memref<4x200x64xf32, #tpu.memory_space<vmem>>, vector<1x1x16xf32>,
        %swap3A_674 = vector.shape_cast %swap3A_673 : vector<1x1x16xf32> to vector<16xf32>
        %swap3A_675 = vector.shape_cast %mul3A_668 : vector<16xf32> to vector<1x1x16xf32>
        tpu.vector_store %arg7[%swap3A_670, %swap3A_671, %swap3A_672], %swap3A_675 {strides = array<i32>} : memref<4x200x64xf32, #tpu.memory_space<vmem>>, vector<1x1x16xf32>,
        %get3A_676 = arith.constant 3 : i32
        %get3A_677 = arith.index_cast %get3A_676 : i32 to index
        %get3A_678 = arith.index_cast %add3A_659 : i32 to index
        %get3A_679 = arith.constant 16 : index
        %get3A_680 = tpu.vector_load %arg7[%get3A_677, %get3A_678, %get3A_679] {strides = array<i32>} : memref<4x200x64xf32, #tpu.memory_space<vmem>>, vector<1x1x16xf32>,
        %get3A_681 = vector.shape_cast %get3A_680 : vector<1x1x16xf32> to vector<16xf32>
        %mul3A_682 = arith.constant 8.000000e+00 : f32
        %mul3A_683 = vector.broadcast %mul3A_682 : f32 to vector<16xf32>
        %mul3A_684 = arith.mulf %get3A_681, %mul3A_683 : vector<16xf32>
        %swap3A_685 = arith.constant 3 : i32
        %swap3A_686 = arith.index_cast %swap3A_685 : i32 to index
        %swap3A_687 = arith.index_cast %add3A_659 : i32 to index
        %swap3A_688 = arith.constant 16 : index
        %swap3A_689 = tpu.vector_load %arg7[%swap3A_686, %swap3A_687, %swap3A_688] {strides = array<i32>} : memref<4x200x64xf32, #tpu.memory_space<vmem>>, vector<1x1x16xf32>,
        %swap3A_690 = vector.shape_cast %swap3A_689 : vector<1x1x16xf32> to vector<16xf32>
        %swap3A_691 = vector.shape_cast %mul3A_684 : vector<16xf32> to vector<1x1x16xf32>
        tpu.vector_store %arg7[%swap3A_686, %swap3A_687, %swap3A_688], %swap3A_691 {strides = array<i32>} : memref<4x200x64xf32, #tpu.memory_space<vmem>>, vector<1x1x16xf32>,
        %get3A_692 = arith.constant 3 : i32
        %get3A_693 = arith.index_cast %get3A_692 : i32 to index
        %get3A_694 = arith.index_cast %add3A_659 : i32 to index
        %get3A_695 = arith.constant 32 : index
        %get3A_696 = tpu.vector_load %arg7[%get3A_693, %get3A_694, %get3A_695] {strides = array<i32>} : memref<4x200x64xf32, #tpu.memory_space<vmem>>, vector<1x1x16xf32>,
        %get3A_697 = vector.shape_cast %get3A_696 : vector<1x1x16xf32> to vector<16xf32>
        %mul3A_698 = arith.constant 8.000000e+00 : f32
        %mul3A_699 = vector.broadcast %mul3A_698 : f32 to vector<16xf32>
        %mul3A_700 = arith.mulf %get3A_697, %mul3A_699 : vector<16xf32>
        %swap3A_701 = arith.constant 3 : i32
        %swap3A_702 = arith.index_cast %swap3A_701 : i32 to index
        %swap3A_703 = arith.index_cast %add3A_659 : i32 to index
        %swap3A_704 = arith.constant 32 : index
        %swap3A_705 = tpu.vector_load %arg7[%swap3A_702, %swap3A_703, %swap3A_704] {strides = array<i32>} : memref<4x200x64xf32, #tpu.memory_space<vmem>>, vector<1x1x16xf32>,
        %swap3A_706 = vector.shape_cast %swap3A_705 : vector<1x1x16xf32> to vector<16xf32>
        %swap3A_707 = vector.shape_cast %mul3A_700 : vector<16xf32> to vector<1x1x16xf32>
        tpu.vector_store %arg7[%swap3A_702, %swap3A_703, %swap3A_704], %swap3A_707 {strides = array<i32>} : memref<4x200x64xf32, #tpu.memory_space<vmem>>, vector<1x1x16xf32>,
        %get3A_708 = arith.constant 3 : i32
        %get3A_709 = arith.index_cast %get3A_708 : i32 to index
        %get3A_710 = arith.index_cast %add3A_659 : i32 to index
        %get3A_711 = arith.constant 48 : index
        %get3A_712 = tpu.vector_load %arg7[%get3A_709, %get3A_710, %get3A_711] {strides = array<i32>} : memref<4x200x64xf32, #tpu.memory_space<vmem>>, vector<1x1x16xf32>,
        %get3A_713 = vector.shape_cast %get3A_712 : vector<1x1x16xf32> to vector<16xf32>
        %mul3A_714 = arith.constant 8.000000e+00 : f32
        %mul3A_715 = vector.broadcast %mul3A_714 : f32 to vector<16xf32>
        %mul3A_716 = arith.mulf %get3A_713, %mul3A_715 : vector<16xf32>
        %swap3A_717 = arith.constant 3 : i32
        %swap3A_718 = arith.index_cast %swap3A_717 : i32 to index
        %swap3A_719 = arith.index_cast %add3A_659 : i32 to index
        %swap3A_720 = arith.constant 48 : index
        %swap3A_721 = tpu.vector_load %arg7[%swap3A_718, %swap3A_719, %swap3A_720] {strides = array<i32>} : memref<4x200x64xf32, #tpu.memory_space<vmem>>, vector<1x1x16xf32>,
        %swap3A_722 = vector.shape_cast %swap3A_721 : vector<1x1x16xf32> to vector<16xf32>
        %swap3A_723 = vector.shape_cast %mul3A_716 : vector<16xf32> to vector<1x1x16xf32>
        tpu.vector_store %arg7[%swap3A_718, %swap3A_719, %swap3A_720], %swap3A_723 {strides = array<i32>} : memref<4x200x64xf32, #tpu.memory_space<vmem>>, vector<1x1x16xf32>,
        %scan3A_724 = arith.constant 7 : i32
        %scan3A_725 = arith.addi %scan3A_237, %scan3A_724 : i32
        %mul3A_726 = arith.constant 1 : i32
        %mul3A_727 = arith.muli %scan3A_725, %mul3A_726 : i32
        %add3A_728 = arith.constant 0 : i32
        %add3A_729 = arith.addi %add3A_728, %mul3A_727 : i32
        %get3A_730 = arith.constant 3 : i32
        %get3A_731 = arith.index_cast %get3A_730 : i32 to index
        %get3A_732 = arith.index_cast %add3A_729 : i32 to index
        %get3A_733 = arith.constant 0 : index
        %get3A_734 = tpu.vector_load %arg7[%get3A_731, %get3A_732, %get3A_733] {strides = array<i32>} : memref<4x200x64xf32, #tpu.memory_space<vmem>>, vector<1x1x16xf32>,
        %get3A_735 = vector.shape_cast %get3A_734 : vector<1x1x16xf32> to vector<16xf32>
        %mul3A_736 = arith.constant 8.000000e+00 : f32
        %mul3A_737 = vector.broadcast %mul3A_736 : f32 to vector<16xf32>
        %mul3A_738 = arith.mulf %get3A_735, %mul3A_737 : vector<16xf32>
        %swap3A_739 = arith.constant 3 : i32
        %swap3A_740 = arith.index_cast %swap3A_739 : i32 to index
        %swap3A_741 = arith.index_cast %add3A_729 : i32 to index
        %swap3A_742 = arith.constant 0 : index
        %swap3A_743 = tpu.vector_load %arg7[%swap3A_740, %swap3A_741, %swap3A_742] {strides = array<i32>} : memref<4x200x64xf32, #tpu.memory_space<vmem>>, vector<1x1x16xf32>,
        %swap3A_744 = vector.shape_cast %swap3A_743 : vector<1x1x16xf32> to vector<16xf32>
        %swap3A_745 = vector.shape_cast %mul3A_738 : vector<16xf32> to vector<1x1x16xf32>
        tpu.vector_store %arg7[%swap3A_740, %swap3A_741, %swap3A_742], %swap3A_745 {strides = array<i32>} : memref<4x200x64xf32, #tpu.memory_space<vmem>>, vector<1x1x16xf32>,
        %get3A_746 = arith.constant 3 : i32
        %get3A_747 = arith.index_cast %get3A_746 : i32 to index
        %get3A_748 = arith.index_cast %add3A_729 : i32 to index
        %get3A_749 = arith.constant 16 : index
        %get3A_750 = tpu.vector_load %arg7[%get3A_747, %get3A_748, %get3A_749] {strides = array<i32>} : memref<4x200x64xf32, #tpu.memory_space<vmem>>, vector<1x1x16xf32>,
        %get3A_751 = vector.shape_cast %get3A_750 : vector<1x1x16xf32> to vector<16xf32>
        %mul3A_752 = arith.constant 8.000000e+00 : f32
        %mul3A_753 = vector.broadcast %mul3A_752 : f32 to vector<16xf32>
        %mul3A_754 = arith.mulf %get3A_751, %mul3A_753 : vector<16xf32>
        %swap3A_755 = arith.constant 3 : i32
        %swap3A_756 = arith.index_cast %swap3A_755 : i32 to index
        %swap3A_757 = arith.index_cast %add3A_729 : i32 to index
        %swap3A_758 = arith.constant 16 : index
        %swap3A_759 = tpu.vector_load %arg7[%swap3A_756, %swap3A_757, %swap3A_758] {strides = array<i32>} : memref<4x200x64xf32, #tpu.memory_space<vmem>>, vector<1x1x16xf32>,
        %swap3A_760 = vector.shape_cast %swap3A_759 : vector<1x1x16xf32> to vector<16xf32>
        %swap3A_761 = vector.shape_cast %mul3A_754 : vector<16xf32> to vector<1x1x16xf32>
        tpu.vector_store %arg7[%swap3A_756, %swap3A_757, %swap3A_758], %swap3A_761 {strides = array<i32>} : memref<4x200x64xf32, #tpu.memory_space<vmem>>, vector<1x1x16xf32>,
        %get3A_762 = arith.constant 3 : i32
        %get3A_763 = arith.index_cast %get3A_762 : i32 to index
        %get3A_764 = arith.index_cast %add3A_729 : i32 to index
        %get3A_765 = arith.constant 32 : index
        %get3A_766 = tpu.vector_load %arg7[%get3A_763, %get3A_764, %get3A_765] {strides = array<i32>} : memref<4x200x64xf32, #tpu.memory_space<vmem>>, vector<1x1x16xf32>,
        %get3A_767 = vector.shape_cast %get3A_766 : vector<1x1x16xf32> to vector<16xf32>
        %mul3A_768 = arith.constant 8.000000e+00 : f32
        %mul3A_769 = vector.broadcast %mul3A_768 : f32 to vector<16xf32>
        %mul3A_770 = arith.mulf %get3A_767, %mul3A_769 : vector<16xf32>
        %swap3A_771 = arith.constant 3 : i32
        %swap3A_772 = arith.index_cast %swap3A_771 : i32 to index
        %swap3A_773 = arith.index_cast %add3A_729 : i32 to index
        %swap3A_774 = arith.constant 32 : index
        %swap3A_775 = tpu.vector_load %arg7[%swap3A_772, %swap3A_773, %swap3A_774] {strides = array<i32>} : memref<4x200x64xf32, #tpu.memory_space<vmem>>, vector<1x1x16xf32>,
        %swap3A_776 = vector.shape_cast %swap3A_775 : vector<1x1x16xf32> to vector<16xf32>
        %swap3A_777 = vector.shape_cast %mul3A_770 : vector<16xf32> to vector<1x1x16xf32>
        tpu.vector_store %arg7[%swap3A_772, %swap3A_773, %swap3A_774], %swap3A_777 {strides = array<i32>} : memref<4x200x64xf32, #tpu.memory_space<vmem>>, vector<1x1x16xf32>,
        %get3A_778 = arith.constant 3 : i32
        %get3A_779 = arith.index_cast %get3A_778 : i32 to index
        %get3A_780 = arith.index_cast %add3A_729 : i32 to index
        %get3A_781 = arith.constant 48 : index
        %get3A_782 = tpu.vector_load %arg7[%get3A_779, %get3A_780, %get3A_781] {strides = array<i32>} : memref<4x200x64xf32, #tpu.memory_space<vmem>>, vector<1x1x16xf32>,
        %get3A_783 = vector.shape_cast %get3A_782 : vector<1x1x16xf32> to vector<16xf32>
        %mul3A_784 = arith.constant 8.000000e+00 : f32
        %mul3A_785 = vector.broadcast %mul3A_784 : f32 to vector<16xf32>
        %mul3A_786 = arith.mulf %get3A_783, %mul3A_785 : vector<16xf32>
        %swap3A_787 = arith.constant 3 : i32
        %swap3A_788 = arith.index_cast %swap3A_787 : i32 to index
        %swap3A_789 = arith.index_cast %add3A_729 : i32 to index
        %swap3A_790 = arith.constant 48 : index
        %swap3A_791 = tpu.vector_load %arg7[%swap3A_788, %swap3A_789, %swap3A_790] {strides = array<i32>} : memref<4x200x64xf32, #tpu.memory_space<vmem>>, vector<1x1x16xf32>,
        %swap3A_792 = vector.shape_cast %swap3A_791 : vector<1x1x16xf32> to vector<16xf32>
        %swap3A_793 = vector.shape_cast %mul3A_786 : vector<16xf32> to vector<1x1x16xf32>
        tpu.vector_store %arg7[%swap3A_788, %swap3A_789, %swap3A_790], %swap3A_793 {strides = array<i32>} : memref<4x200x64xf32, #tpu.memory_space<vmem>>, vector<1x1x16xf32>,
      }
      %scan3A_146 = arith.constant 200 : i32
      %mul3A_147 = arith.constant 4 : i32
      %mul3A_148 = arith.muli %add3A_68, %mul3A_147 : i32
      %add3A_149 = arith.addi %mul3A_2, %mul3A_148 : i32
      "tpu.region"() ({
        %run_scoped3A = tpu.sem_alloc : memref<!tpu.dma_semaphore, #tpu.memory_space<semaphore_mem>>
        %dma_start3A_237 = arith.constant 0 : i32
        %dma_start3A_238 = arith.constant 0 : i32
        %dma_start3A_239 = tpu.memref_slice %arg4[%add3A_149, %dma_start3A_237, %dma_start3A_238] : memref<16384x200x64xf32, #tpu.memory_space<hbm>> -> memref<4x200x64xf32, #tpu.memory_space<hbm>>
        %dma_start3A_240 = arith.constant 0 : i32
        %dma_start3A_241 = arith.constant 0 : i32
        %dma_start3A_242 = tpu.memref_slice %arg4[%add3A_149, %dma_start3A_240, %dma_start3A_241] : memref<16384x200x64xf32, #tpu.memory_space<hbm>> -> memref<4x200x64xf32, #tpu.memory_space<hbm>>
        tpu.enqueue_dma source(%arg7 : memref<4x200x64xf32, #tpu.memory_space<vmem>>) target(%dma_start3A_242 : memref<4x200x64xf32, #tpu.memory_space<hbm>>) target_semaphore(%run_scoped3A : memref<!tpu.dma_semaphore, #tpu.memory_space<semaphore_mem>>)
        %dma_wait3A_243 = arith.constant 0 : i32
        %dma_wait3A_244 = arith.constant 0 : i32
        %dma_wait3A_245 = tpu.memref_slice %arg4[%add3A_149, %dma_wait3A_243, %dma_wait3A_244] : memref<16384x200x64xf32, #tpu.memory_space<hbm>> -> memref<4x200x64xf32, #tpu.memory_space<hbm>>
        %dma_wait3A_246 = arith.constant 0 : i32
        %dma_wait3A_247 = arith.constant 0 : i32
        %dma_wait3A_248 = tpu.memref_slice %arg4[%add3A_149, %dma_wait3A_246, %dma_wait3A_247] : memref<16384x200x64xf32, #tpu.memory_space<hbm>> -> memref<4x200x64xf32, #tpu.memory_space<hbm>>
        tpu.wait_dma2 semaphore(%run_scoped3A : memref<!tpu.dma_semaphore, #tpu.memory_space<semaphore_mem>>) src(%arg7 : memref<4x200x64xf32, #tpu.memory_space<vmem>>) dst(%dma_wait3A_248 : memref<4x200x64xf32, #tpu.memory_space<hbm>>)
        tpu.yield
      }) : () -> ()
      %add3A_150 = arith.constant 1 : i32
      %add3A_151 = arith.addi %add3A_66, %add3A_150 : i32
      %dma_wait3A_152 = arith.constant 0 : i32
      %dma_wait3A_153 = arith.constant 0 : i32
      %dma_wait3A_154 = arith.constant 0 : i32
      %dma_wait3A_155 = arith.constant 0 : i32
      %dma_wait3A_156 = tpu.memref_slice %arg8[%dma_wait3A_153, %dma_wait3A_154, %dma_wait3A_155] : memref<4x200x64xf32, #tpu.memory_space<vmem>> -> memref<1x200x64xf32, #tpu.memory_space<vmem>>
      %dma_wait3A_157 = tpu.memref_squeeze %dma_wait3A_156 : memref<1x200x64xf32, #tpu.memory_space<vmem>> -> memref<200x64xf32, #tpu.memory_space<vmem>>
      %dma_wait3A_158 = arith.constant 0 : i32
      %dma_wait3A_159 = tpu.memref_slice %arg6[%dma_wait3A_152, %dma_wait3A_158] : memref<4x200xi32, #tpu.memory_space<vmem>> -> memref<1x200xi32, #tpu.memory_space<vmem>>
      %dma_wait3A_160 = tpu.memref_squeeze %dma_wait3A_159 : memref<1x200xi32, #tpu.memory_space<vmem>> -> memref<200xi32, #tpu.memory_space<vmem>>
      %dma_wait3A_161 = arith.constant 0 : i32
      %dma_wait3A_162 = arith.constant 0 : i32
      %dma_wait3A_163 = tpu.memref_slice %arg3[%dma_wait3A_161, %dma_wait3A_162] : memref<1000000x64xf32, #tpu.memory_space<hbm>> -> memref<1000000x64xf32, #tpu.memory_space<hbm>>
      tpu.wait_indirect_dma semaphore(%arg10 : memref<!tpu.dma_semaphore, #tpu.memory_space<semaphore_mem>>) src(%dma_wait3A_163 : memref<1000000x64xf32, #tpu.memory_space<hbm>>) dst(%dma_wait3A_157 : memref<200x64xf32, #tpu.memory_space<vmem>>)
      %dma_wait3A_164 = arith.constant 1 : i32
      %dma_wait3A_165 = arith.constant 1 : i32
      %dma_wait3A_166 = arith.constant 0 : i32
      %dma_wait3A_167 = arith.constant 0 : i32
      %dma_wait3A_168 = tpu.memref_slice %arg8[%dma_wait3A_165, %dma_wait3A_166, %dma_wait3A_167] : memref<4x200x64xf32, #tpu.memory_space<vmem>> -> memref<1x200x64xf32, #tpu.memory_space<vmem>>
      %dma_wait3A_169 = tpu.memref_squeeze %dma_wait3A_168 : memref<1x200x64xf32, #tpu.memory_space<vmem>> -> memref<200x64xf32, #tpu.memory_space<vmem>>
      %dma_wait3A_170 = arith.constant 0 : i32
      %dma_wait3A_171 = tpu.memref_slice %arg6[%dma_wait3A_164, %dma_wait3A_170] : memref<4x200xi32, #tpu.memory_space<vmem>> -> memref<1x200xi32, #tpu.memory_space<vmem>>
      %dma_wait3A_172 = tpu.memref_squeeze %dma_wait3A_171 : memref<1x200xi32, #tpu.memory_space<vmem>> -> memref<200xi32, #tpu.memory_space<vmem>>
      %dma_wait3A_173 = arith.constant 0 : i32
      %dma_wait3A_174 = arith.constant 0 : i32
      %dma_wait3A_175 = tpu.memref_slice %arg3[%dma_wait3A_173, %dma_wait3A_174] : memref<1000000x64xf32, #tpu.memory_space<hbm>> -> memref<1000000x64xf32, #tpu.memory_space<hbm>>
      tpu.wait_indirect_dma semaphore(%arg10 : memref<!tpu.dma_semaphore, #tpu.memory_space<semaphore_mem>>) src(%dma_wait3A_175 : memref<1000000x64xf32, #tpu.memory_space<hbm>>) dst(%dma_wait3A_169 : memref<200x64xf32, #tpu.memory_space<vmem>>)
      %dma_wait3A_176 = arith.constant 2 : i32
      %dma_wait3A_177 = arith.constant 2 : i32
      %dma_wait3A_178 = arith.constant 0 : i32
      %dma_wait3A_179 = arith.constant 0 : i32
      %dma_wait3A_180 = tpu.memref_slice %arg8[%dma_wait3A_177, %dma_wait3A_178, %dma_wait3A_179] : memref<4x200x64xf32, #tpu.memory_space<vmem>> -> memref<1x200x64xf32, #tpu.memory_space<vmem>>
      %dma_wait3A_181 = tpu.memref_squeeze %dma_wait3A_180 : memref<1x200x64xf32, #tpu.memory_space<vmem>> -> memref<200x64xf32, #tpu.memory_space<vmem>>
      %dma_wait3A_182 = arith.constant 0 : i32
      %dma_wait3A_183 = tpu.memref_slice %arg6[%dma_wait3A_176, %dma_wait3A_182] : memref<4x200xi32, #tpu.memory_space<vmem>> -> memref<1x200xi32, #tpu.memory_space<vmem>>
      %dma_wait3A_184 = tpu.memref_squeeze %dma_wait3A_183 : memref<1x200xi32, #tpu.memory_space<vmem>> -> memref<200xi32, #tpu.memory_space<vmem>>
      %dma_wait3A_185 = arith.constant 0 : i32
      %dma_wait3A_186 = arith.constant 0 : i32
      %dma_wait3A_187 = tpu.memref_slice %arg3[%dma_wait3A_185, %dma_wait3A_186] : memref<1000000x64xf32, #tpu.memory_space<hbm>> -> memref<1000000x64xf32, #tpu.memory_space<hbm>>
      tpu.wait_indirect_dma semaphore(%arg10 : memref<!tpu.dma_semaphore, #tpu.memory_space<semaphore_mem>>) src(%dma_wait3A_187 : memref<1000000x64xf32, #tpu.memory_space<hbm>>) dst(%dma_wait3A_181 : memref<200x64xf32, #tpu.memory_space<vmem>>)
      %dma_wait3A_188 = arith.constant 3 : i32
      %dma_wait3A_189 = arith.constant 3 : i32
      %dma_wait3A_190 = arith.constant 0 : i32
      %dma_wait3A_191 = arith.constant 0 : i32
      %dma_wait3A_192 = tpu.memref_slice %arg8[%dma_wait3A_189, %dma_wait3A_190, %dma_wait3A_191] : memref<4x200x64xf32, #tpu.memory_space<vmem>> -> memref<1x200x64xf32, #tpu.memory_space<vmem>>
      %dma_wait3A_193 = tpu.memref_squeeze %dma_wait3A_192 : memref<1x200x64xf32, #tpu.memory_space<vmem>> -> memref<200x64xf32, #tpu.memory_space<vmem>>
      %dma_wait3A_194 = arith.constant 0 : i32
      %dma_wait3A_195 = tpu.memref_slice %arg6[%dma_wait3A_188, %dma_wait3A_194] : memref<4x200xi32, #tpu.memory_space<vmem>> -> memref<1x200xi32, #tpu.memory_space<vmem>>
      %dma_wait3A_196 = tpu.memref_squeeze %dma_wait3A_195 : memref<1x200xi32, #tpu.memory_space<vmem>> -> memref<200xi32, #tpu.memory_space<vmem>>
      %dma_wait3A_197 = arith.constant 0 : i32
      %dma_wait3A_198 = arith.constant 0 : i32
      %dma_wait3A_199 = tpu.memref_slice %arg3[%dma_wait3A_197, %dma_wait3A_198] : memref<1000000x64xf32, #tpu.memory_space<hbm>> -> memref<1000000x64xf32, #tpu.memory_space<hbm>>
      tpu.wait_indirect_dma semaphore(%arg10 : memref<!tpu.dma_semaphore, #tpu.memory_space<semaphore_mem>>) src(%dma_wait3A_199 : memref<1000000x64xf32, #tpu.memory_space<hbm>>) dst(%dma_wait3A_193 : memref<200x64xf32, #tpu.memory_space<vmem>>)
      %add3A_200 = arith.constant 2 : i32
      %add3A_201 = arith.addi %add3A_151, %add3A_200 : i32
      %lt3A_202 = arith.constant 128 : i32
      %lt3A_203 = arith.cmpi slt, %add3A_201, %lt3A_202 : i32
      %convert_element_type3A_204 = arith.extui %lt3A_203 : i1 to i32
      %cond3A_205 = arith.constant 0 : i32
      %cond3A_206 = arith.cmpi ne, %convert_element_type3A_204, %cond3A_205 : i32
      scf.if %cond3A_206 {
        %add3A_237 = arith.constant 2 : i32
        %add3A_238 = arith.addi %add3A_151, %add3A_237 : i32
        %mul3A_239 = arith.constant 4 : i32
        %mul3A_240 = arith.muli %add3A_238, %mul3A_239 : i32
        %add3A_241 = arith.addi %mul3A_2, %mul3A_240 : i32
        %dma_start3A_242 = arith.constant 0 : i32
        %dma_start3A_243 = tpu.memref_slice %arg2[%add3A_241, %dma_start3A_242] : memref<16384x200xi32, #tpu.memory_space<hbm>> -> memref<4x200xi32, #tpu.memory_space<hbm>>
        %dma_start3A_244 = arith.constant 0 : i32
        %dma_start3A_245 = tpu.memref_slice %arg2[%add3A_241, %dma_start3A_244] : memref<16384x200xi32, #tpu.memory_space<hbm>> -> memref<4x200xi32, #tpu.memory_space<hbm>>
        tpu.enqueue_dma source(%dma_start3A_245 : memref<4x200xi32, #tpu.memory_space<hbm>>) target(%arg6 : memref<4x200xi32, #tpu.memory_space<vmem>>) target_semaphore(%arg12 : memref<!tpu.dma_semaphore, #tpu.memory_space<semaphore_mem>>)
      } else {
      }
      %add3A_207 = arith.constant 1 : i32
      %add3A_208 = arith.addi %add3A_151, %add3A_207 : i32
      %lt3A_209 = arith.constant 128 : i32
      %lt3A_210 = arith.cmpi slt, %add3A_208, %lt3A_209 : i32
      %convert_element_type3A_211 = arith.extui %lt3A_210 : i1 to i32
      %cond3A_212 = arith.constant 0 : i32
      %cond3A_213 = arith.cmpi ne, %convert_element_type3A_211, %cond3A_212 : i32
      scf.if %cond3A_213 {
        %add3A_237 = arith.constant 1 : i32
        %add3A_238 = arith.addi %add3A_151, %add3A_237 : i32
        %mul3A_239 = arith.constant 4 : i32
        %mul3A_240 = arith.muli %add3A_238, %mul3A_239 : i32
        %add3A_241 = arith.addi %mul3A_2, %mul3A_240 : i32
        %dma_wait3A_242 = arith.constant 0 : i32
        %dma_wait3A_243 = tpu.memref_slice %arg2[%add3A_241, %dma_wait3A_242] : memref<16384x200xi32, #tpu.memory_space<hbm>> -> memref<4x200xi32, #tpu.memory_space<hbm>>
        %dma_wait3A_244 = arith.constant 0 : i32
        %dma_wait3A_245 = tpu.memref_slice %arg2[%add3A_241, %dma_wait3A_244] : memref<16384x200xi32, #tpu.memory_space<hbm>> -> memref<4x200xi32, #tpu.memory_space<hbm>>
        tpu.wait_dma2 semaphore(%arg11 : memref<!tpu.dma_semaphore, #tpu.memory_space<semaphore_mem>>) src(%dma_wait3A_245 : memref<4x200xi32, #tpu.memory_space<hbm>>) dst(%arg5 : memref<4x200xi32, #tpu.memory_space<vmem>>)
        %dma_start3A_246 = arith.constant 0 : i32
        %dma_start3A_247 = arith.constant 0 : i32
        %dma_start3A_248 = arith.constant 0 : i32
        %dma_start3A_249 = arith.constant 0 : i32
        %dma_start3A_250 = tpu.memref_slice %arg7[%dma_start3A_247, %dma_start3A_248, %dma_start3A_249] : memref<4x200x64xf32, #tpu.memory_space<vmem>> -> memref<1x200x64xf32, #tpu.memory_space<vmem>>
        %dma_start3A_251 = tpu.memref_squeeze %dma_start3A_250 : memref<1x200x64xf32, #tpu.memory_space<vmem>> -> memref<200x64xf32, #tpu.memory_space<vmem>>
        %dma_start3A_252 = arith.constant 0 : i32
        %dma_start3A_253 = tpu.memref_slice %arg5[%dma_start3A_246, %dma_start3A_252] : memref<4x200xi32, #tpu.memory_space<vmem>> -> memref<1x200xi32, #tpu.memory_space<vmem>>
        %dma_start3A_254 = tpu.memref_squeeze %dma_start3A_253 : memref<1x200xi32, #tpu.memory_space<vmem>> -> memref<200xi32, #tpu.memory_space<vmem>>
        %dma_start3A_255 = arith.constant 0 : i32
        %dma_start3A_256 = arith.constant 0 : i32
        %dma_start3A_257 = tpu.memref_slice %arg3[%dma_start3A_255, %dma_start3A_256] : memref<1000000x64xf32, #tpu.memory_space<hbm>> -> memref<1000000x64xf32, #tpu.memory_space<hbm>>
        tpu.enqueue_indirect_dma source(%dma_start3A_257 : memref<1000000x64xf32, #tpu.memory_space<hbm>>) target(%dma_start3A_251 : memref<200x64xf32, #tpu.memory_space<vmem>>) offsets(%dma_start3A_254 : memref<200xi32, #tpu.memory_space<vmem>>) semaphore(%arg9 : memref<!tpu.dma_semaphore, #tpu.memory_space<semaphore_mem>>)
        %dma_start3A_258 = arith.constant 1 : i32
        %dma_start3A_259 = arith.constant 1 : i32
        %dma_start3A_260 = arith.constant 0 : i32
        %dma_start3A_261 = arith.constant 0 : i32
        %dma_start3A_262 = tpu.memref_slice %arg7[%dma_start3A_259, %dma_start3A_260, %dma_start3A_261] : memref<4x200x64xf32, #tpu.memory_space<vmem>> -> memref<1x200x64xf32, #tpu.memory_space<vmem>>
        %dma_start3A_263 = tpu.memref_squeeze %dma_start3A_262 : memref<1x200x64xf32, #tpu.memory_space<vmem>> -> memref<200x64xf32, #tpu.memory_space<vmem>>
        %dma_start3A_264 = arith.constant 0 : i32
        %dma_start3A_265 = tpu.memref_slice %arg5[%dma_start3A_258, %dma_start3A_264] : memref<4x200xi32, #tpu.memory_space<vmem>> -> memref<1x200xi32, #tpu.memory_space<vmem>>
        %dma_start3A_266 = tpu.memref_squeeze %dma_start3A_265 : memref<1x200xi32, #tpu.memory_space<vmem>> -> memref<200xi32, #tpu.memory_space<vmem>>
        %dma_start3A_267 = arith.constant 0 : i32
        %dma_start3A_268 = arith.constant 0 : i32
        %dma_start3A_269 = tpu.memref_slice %arg3[%dma_start3A_267, %dma_start3A_268] : memref<1000000x64xf32, #tpu.memory_space<hbm>> -> memref<1000000x64xf32, #tpu.memory_space<hbm>>
        tpu.enqueue_indirect_dma source(%dma_start3A_269 : memref<1000000x64xf32, #tpu.memory_space<hbm>>) target(%dma_start3A_263 : memref<200x64xf32, #tpu.memory_space<vmem>>) offsets(%dma_start3A_266 : memref<200xi32, #tpu.memory_space<vmem>>) semaphore(%arg9 : memref<!tpu.dma_semaphore, #tpu.memory_space<semaphore_mem>>)
        %dma_start3A_270 = arith.constant 2 : i32
        %dma_start3A_271 = arith.constant 2 : i32
        %dma_start3A_272 = arith.constant 0 : i32
        %dma_start3A_273 = arith.constant 0 : i32
        %dma_start3A_274 = tpu.memref_slice %arg7[%dma_start3A_271, %dma_start3A_272, %dma_start3A_273] : memref<4x200x64xf32, #tpu.memory_space<vmem>> -> memref<1x200x64xf32, #tpu.memory_space<vmem>>
        %dma_start3A_275 = tpu.memref_squeeze %dma_start3A_274 : memref<1x200x64xf32, #tpu.memory_space<vmem>> -> memref<200x64xf32, #tpu.memory_space<vmem>>
        %dma_start3A_276 = arith.constant 0 : i32
        %dma_start3A_277 = tpu.memref_slice %arg5[%dma_start3A_270, %dma_start3A_276] : memref<4x200xi32, #tpu.memory_space<vmem>> -> memref<1x200xi32, #tpu.memory_space<vmem>>
        %dma_start3A_278 = tpu.memref_squeeze %dma_start3A_277 : memref<1x200xi32, #tpu.memory_space<vmem>> -> memref<200xi32, #tpu.memory_space<vmem>>
        %dma_start3A_279 = arith.constant 0 : i32
        %dma_start3A_280 = arith.constant 0 : i32
        %dma_start3A_281 = tpu.memref_slice %arg3[%dma_start3A_279, %dma_start3A_280] : memref<1000000x64xf32, #tpu.memory_space<hbm>> -> memref<1000000x64xf32, #tpu.memory_space<hbm>>
        tpu.enqueue_indirect_dma source(%dma_start3A_281 : memref<1000000x64xf32, #tpu.memory_space<hbm>>) target(%dma_start3A_275 : memref<200x64xf32, #tpu.memory_space<vmem>>) offsets(%dma_start3A_278 : memref<200xi32, #tpu.memory_space<vmem>>) semaphore(%arg9 : memref<!tpu.dma_semaphore, #tpu.memory_space<semaphore_mem>>)
        %dma_start3A_282 = arith.constant 3 : i32
        %dma_start3A_283 = arith.constant 3 : i32
        %dma_start3A_284 = arith.constant 0 : i32
        %dma_start3A_285 = arith.constant 0 : i32
        %dma_start3A_286 = tpu.memref_slice %arg7[%dma_start3A_283, %dma_start3A_284, %dma_start3A_285] : memref<4x200x64xf32, #tpu.memory_space<vmem>> -> memref<1x200x64xf32, #tpu.memory_space<vmem>>
        %dma_start3A_287 = tpu.memref_squeeze %dma_start3A_286 : memref<1x200x64xf32, #tpu.memory_space<vmem>> -> memref<200x64xf32, #tpu.memory_space<vmem>>
        %dma_start3A_288 = arith.constant 0 : i32
        %dma_start3A_289 = tpu.memref_slice %arg5[%dma_start3A_282, %dma_start3A_288] : memref<4x200xi32, #tpu.memory_space<vmem>> -> memref<1x200xi32, #tpu.memory_space<vmem>>
        %dma_start3A_290 = tpu.memref_squeeze %dma_start3A_289 : memref<1x200xi32, #tpu.memory_space<vmem>> -> memref<200xi32, #tpu.memory_space<vmem>>
        %dma_start3A_291 = arith.constant 0 : i32
        %dma_start3A_292 = arith.constant 0 : i32
        %dma_start3A_293 = tpu.memref_slice %arg3[%dma_start3A_291, %dma_start3A_292] : memref<1000000x64xf32, #tpu.memory_space<hbm>> -> memref<1000000x64xf32, #tpu.memory_space<hbm>>
        tpu.enqueue_indirect_dma source(%dma_start3A_293 : memref<1000000x64xf32, #tpu.memory_space<hbm>>) target(%dma_start3A_287 : memref<200x64xf32, #tpu.memory_space<vmem>>) offsets(%dma_start3A_290 : memref<200xi32, #tpu.memory_space<vmem>>) semaphore(%arg9 : memref<!tpu.dma_semaphore, #tpu.memory_space<semaphore_mem>>)
      } else {
      }
      %scan3A_214 = arith.constant 0 : i32
      %scan3A_215 = arith.constant 200 : i32
      %scan3A_216 = arith.addi %scan3A_214, %scan3A_215 : i32
      %scan3A_217 = arith.constant 8 : i32
      scf.for %scan3A_237 = %scan3A_214 to %scan3A_216 step %scan3A_217  : i32 {
        %mul3A_238 = arith.constant 1 : i32
        %mul3A_239 = arith.muli %scan3A_237, %mul3A_238 : i32
        %add3A_240 = arith.constant 0 : i32
        %add3A_241 = arith.addi %add3A_240, %mul3A_239 : i32
        %get3A = arith.constant 0 : i32
        %get3A_242 = arith.index_cast %get3A : i32 to index
        %get3A_243 = arith.index_cast %add3A_241 : i32 to index
        %get3A_244 = arith.constant 0 : index
        %get3A_245 = tpu.vector_load %arg8[%get3A_242, %get3A_243, %get3A_244] {strides = array<i32>} : memref<4x200x64xf32, #tpu.memory_space<vmem>>, vector<1x1x16xf32>,
        %get3A_246 = vector.shape_cast %get3A_245 : vector<1x1x16xf32> to vector<16xf32>
        %mul3A_247 = arith.constant 8.000000e+00 : f32
        %mul3A_248 = vector.broadcast %mul3A_247 : f32 to vector<16xf32>
        %mul3A_249 = arith.mulf %get3A_246, %mul3A_248 : vector<16xf32>
        %swap3A = arith.constant 0 : i32
        %swap3A_250 = arith.index_cast %swap3A : i32 to index
        %swap3A_251 = arith.index_cast %add3A_241 : i32 to index
        %swap3A_252 = arith.constant 0 : index
        %swap3A_253 = tpu.vector_load %arg8[%swap3A_250, %swap3A_251, %swap3A_252] {strides = array<i32>} : memref<4x200x64xf32, #tpu.memory_space<vmem>>, vector<1x1x16xf32>,
        %swap3A_254 = vector.shape_cast %swap3A_253 : vector<1x1x16xf32> to vector<16xf32>
        %swap3A_255 = vector.shape_cast %mul3A_249 : vector<16xf32> to vector<1x1x16xf32>
        tpu.vector_store %arg8[%swap3A_250, %swap3A_251, %swap3A_252], %swap3A_255 {strides = array<i32>} : memref<4x200x64xf32, #tpu.memory_space<vmem>>, vector<1x1x16xf32>,
        %get3A_256 = arith.constant 0 : i32
        %get3A_257 = arith.index_cast %get3A_256 : i32 to index
        %get3A_258 = arith.index_cast %add3A_241 : i32 to index
        %get3A_259 = arith.constant 16 : index
        %get3A_260 = tpu.vector_load %arg8[%get3A_257, %get3A_258, %get3A_259] {strides = array<i32>} : memref<4x200x64xf32, #tpu.memory_space<vmem>>, vector<1x1x16xf32>,
        %get3A_261 = vector.shape_cast %get3A_260 : vector<1x1x16xf32> to vector<16xf32>
        %mul3A_262 = arith.constant 8.000000e+00 : f32
        %mul3A_263 = vector.broadcast %mul3A_262 : f32 to vector<16xf32>
        %mul3A_264 = arith.mulf %get3A_261, %mul3A_263 : vector<16xf32>
        %swap3A_265 = arith.constant 0 : i32
        %swap3A_266 = arith.index_cast %swap3A_265 : i32 to index
        %swap3A_267 = arith.index_cast %add3A_241 : i32 to index
        %swap3A_268 = arith.constant 16 : index
        %swap3A_269 = tpu.vector_load %arg8[%swap3A_266, %swap3A_267, %swap3A_268] {strides = array<i32>} : memref<4x200x64xf32, #tpu.memory_space<vmem>>, vector<1x1x16xf32>,
        %swap3A_270 = vector.shape_cast %swap3A_269 : vector<1x1x16xf32> to vector<16xf32>
        %swap3A_271 = vector.shape_cast %mul3A_264 : vector<16xf32> to vector<1x1x16xf32>
        tpu.vector_store %arg8[%swap3A_266, %swap3A_267, %swap3A_268], %swap3A_271 {strides = array<i32>} : memref<4x200x64xf32, #tpu.memory_space<vmem>>, vector<1x1x16xf32>,
        %get3A_272 = arith.constant 0 : i32
        %get3A_273 = arith.index_cast %get3A_272 : i32 to index
        %get3A_274 = arith.index_cast %add3A_241 : i32 to index
        %get3A_275 = arith.constant 32 : index
        %get3A_276 = tpu.vector_load %arg8[%get3A_273, %get3A_274, %get3A_275] {strides = array<i32>} : memref<4x200x64xf32, #tpu.memory_space<vmem>>, vector<1x1x16xf32>,
        %get3A_277 = vector.shape_cast %get3A_276 : vector<1x1x16xf32> to vector<16xf32>
        %mul3A_278 = arith.constant 8.000000e+00 : f32
        %mul3A_279 = vector.broadcast %mul3A_278 : f32 to vector<16xf32>
        %mul3A_280 = arith.mulf %get3A_277, %mul3A_279 : vector<16xf32>
        %swap3A_281 = arith.constant 0 : i32
        %swap3A_282 = arith.index_cast %swap3A_281 : i32 to index
        %swap3A_283 = arith.index_cast %add3A_241 : i32 to index
        %swap3A_284 = arith.constant 32 : index
        %swap3A_285 = tpu.vector_load %arg8[%swap3A_282, %swap3A_283, %swap3A_284] {strides = array<i32>} : memref<4x200x64xf32, #tpu.memory_space<vmem>>, vector<1x1x16xf32>,
        %swap3A_286 = vector.shape_cast %swap3A_285 : vector<1x1x16xf32> to vector<16xf32>
        %swap3A_287 = vector.shape_cast %mul3A_280 : vector<16xf32> to vector<1x1x16xf32>
        tpu.vector_store %arg8[%swap3A_282, %swap3A_283, %swap3A_284], %swap3A_287 {strides = array<i32>} : memref<4x200x64xf32, #tpu.memory_space<vmem>>, vector<1x1x16xf32>,
        %get3A_288 = arith.constant 0 : i32
        %get3A_289 = arith.index_cast %get3A_288 : i32 to index
        %get3A_290 = arith.index_cast %add3A_241 : i32 to index
        %get3A_291 = arith.constant 48 : index
        %get3A_292 = tpu.vector_load %arg8[%get3A_289, %get3A_290, %get3A_291] {strides = array<i32>} : memref<4x200x64xf32, #tpu.memory_space<vmem>>, vector<1x1x16xf32>,
        %get3A_293 = vector.shape_cast %get3A_292 : vector<1x1x16xf32> to vector<16xf32>
        %mul3A_294 = arith.constant 8.000000e+00 : f32
        %mul3A_295 = vector.broadcast %mul3A_294 : f32 to vector<16xf32>
        %mul3A_296 = arith.mulf %get3A_293, %mul3A_295 : vector<16xf32>
        %swap3A_297 = arith.constant 0 : i32
        %swap3A_298 = arith.index_cast %swap3A_297 : i32 to index
        %swap3A_299 = arith.index_cast %add3A_241 : i32 to index
        %swap3A_300 = arith.constant 48 : index
        %swap3A_301 = tpu.vector_load %arg8[%swap3A_298, %swap3A_299, %swap3A_300] {strides = array<i32>} : memref<4x200x64xf32, #tpu.memory_space<vmem>>, vector<1x1x16xf32>,
        %swap3A_302 = vector.shape_cast %swap3A_301 : vector<1x1x16xf32> to vector<16xf32>
        %swap3A_303 = vector.shape_cast %mul3A_296 : vector<16xf32> to vector<1x1x16xf32>
        tpu.vector_store %arg8[%swap3A_298, %swap3A_299, %swap3A_300], %swap3A_303 {strides = array<i32>} : memref<4x200x64xf32, #tpu.memory_space<vmem>>, vector<1x1x16xf32>,
        %scan3A_304 = arith.constant 1 : i32
        %scan3A_305 = arith.addi %scan3A_237, %scan3A_304 : i32
        %mul3A_306 = arith.constant 1 : i32
        %mul3A_307 = arith.muli %scan3A_305, %mul3A_306 : i32
        %add3A_308 = arith.constant 0 : i32
        %add3A_309 = arith.addi %add3A_308, %mul3A_307 : i32
        %get3A_310 = arith.constant 0 : i32
        %get3A_311 = arith.index_cast %get3A_310 : i32 to index
        %get3A_312 = arith.index_cast %add3A_309 : i32 to index
        %get3A_313 = arith.constant 0 : index
        %get3A_314 = tpu.vector_load %arg8[%get3A_311, %get3A_312, %get3A_313] {strides = array<i32>} : memref<4x200x64xf32, #tpu.memory_space<vmem>>, vector<1x1x16xf32>,
        %get3A_315 = vector.shape_cast %get3A_314 : vector<1x1x16xf32> to vector<16xf32>
        %mul3A_316 = arith.constant 8.000000e+00 : f32
        %mul3A_317 = vector.broadcast %mul3A_316 : f32 to vector<16xf32>
        %mul3A_318 = arith.mulf %get3A_315, %mul3A_317 : vector<16xf32>
        %swap3A_319 = arith.constant 0 : i32
        %swap3A_320 = arith.index_cast %swap3A_319 : i32 to index
        %swap3A_321 = arith.index_cast %add3A_309 : i32 to index
        %swap3A_322 = arith.constant 0 : index
        %swap3A_323 = tpu.vector_load %arg8[%swap3A_320, %swap3A_321, %swap3A_322] {strides = array<i32>} : memref<4x200x64xf32, #tpu.memory_space<vmem>>, vector<1x1x16xf32>,
        %swap3A_324 = vector.shape_cast %swap3A_323 : vector<1x1x16xf32> to vector<16xf32>
        %swap3A_325 = vector.shape_cast %mul3A_318 : vector<16xf32> to vector<1x1x16xf32>
        tpu.vector_store %arg8[%swap3A_320, %swap3A_321, %swap3A_322], %swap3A_325 {strides = array<i32>} : memref<4x200x64xf32, #tpu.memory_space<vmem>>, vector<1x1x16xf32>,
        %get3A_326 = arith.constant 0 : i32
        %get3A_327 = arith.index_cast %get3A_326 : i32 to index
        %get3A_328 = arith.index_cast %add3A_309 : i32 to index
        %get3A_329 = arith.constant 16 : index
        %get3A_330 = tpu.vector_load %arg8[%get3A_327, %get3A_328, %get3A_329] {strides = array<i32>} : memref<4x200x64xf32, #tpu.memory_space<vmem>>, vector<1x1x16xf32>,
        %get3A_331 = vector.shape_cast %get3A_330 : vector<1x1x16xf32> to vector<16xf32>
        %mul3A_332 = arith.constant 8.000000e+00 : f32
        %mul3A_333 = vector.broadcast %mul3A_332 : f32 to vector<16xf32>
        %mul3A_334 = arith.mulf %get3A_331, %mul3A_333 : vector<16xf32>
        %swap3A_335 = arith.constant 0 : i32
        %swap3A_336 = arith.index_cast %swap3A_335 : i32 to index
        %swap3A_337 = arith.index_cast %add3A_309 : i32 to index
        %swap3A_338 = arith.constant 16 : index
        %swap3A_339 = tpu.vector_load %arg8[%swap3A_336, %swap3A_337, %swap3A_338] {strides = array<i32>} : memref<4x200x64xf32, #tpu.memory_space<vmem>>, vector<1x1x16xf32>,
        %swap3A_340 = vector.shape_cast %swap3A_339 : vector<1x1x16xf32> to vector<16xf32>
        %swap3A_341 = vector.shape_cast %mul3A_334 : vector<16xf32> to vector<1x1x16xf32>
        tpu.vector_store %arg8[%swap3A_336, %swap3A_337, %swap3A_338], %swap3A_341 {strides = array<i32>} : memref<4x200x64xf32, #tpu.memory_space<vmem>>, vector<1x1x16xf32>,
        %get3A_342 = arith.constant 0 : i32
        %get3A_343 = arith.index_cast %get3A_342 : i32 to index
        %get3A_344 = arith.index_cast %add3A_309 : i32 to index
        %get3A_345 = arith.constant 32 : index
        %get3A_346 = tpu.vector_load %arg8[%get3A_343, %get3A_344, %get3A_345] {strides = array<i32>} : memref<4x200x64xf32, #tpu.memory_space<vmem>>, vector<1x1x16xf32>,
        %get3A_347 = vector.shape_cast %get3A_346 : vector<1x1x16xf32> to vector<16xf32>
        %mul3A_348 = arith.constant 8.000000e+00 : f32
        %mul3A_349 = vector.broadcast %mul3A_348 : f32 to vector<16xf32>
        %mul3A_350 = arith.mulf %get3A_347, %mul3A_349 : vector<16xf32>
        %swap3A_351 = arith.constant 0 : i32
        %swap3A_352 = arith.index_cast %swap3A_351 : i32 to index
        %swap3A_353 = arith.index_cast %add3A_309 : i32 to index
        %swap3A_354 = arith.constant 32 : index
        %swap3A_355 = tpu.vector_load %arg8[%swap3A_352, %swap3A_353, %swap3A_354] {strides = array<i32>} : memref<4x200x64xf32, #tpu.memory_space<vmem>>, vector<1x1x16xf32>,
        %swap3A_356 = vector.shape_cast %swap3A_355 : vector<1x1x16xf32> to vector<16xf32>
        %swap3A_357 = vector.shape_cast %mul3A_350 : vector<16xf32> to vector<1x1x16xf32>
        tpu.vector_store %arg8[%swap3A_352, %swap3A_353, %swap3A_354], %swap3A_357 {strides = array<i32>} : memref<4x200x64xf32, #tpu.memory_space<vmem>>, vector<1x1x16xf32>,
        %get3A_358 = arith.constant 0 : i32
        %get3A_359 = arith.index_cast %get3A_358 : i32 to index
        %get3A_360 = arith.index_cast %add3A_309 : i32 to index
        %get3A_361 = arith.constant 48 : index
        %get3A_362 = tpu.vector_load %arg8[%get3A_359, %get3A_360, %get3A_361] {strides = array<i32>} : memref<4x200x64xf32, #tpu.memory_space<vmem>>, vector<1x1x16xf32>,
        %get3A_363 = vector.shape_cast %get3A_362 : vector<1x1x16xf32> to vector<16xf32>
        %mul3A_364 = arith.constant 8.000000e+00 : f32
        %mul3A_365 = vector.broadcast %mul3A_364 : f32 to vector<16xf32>
        %mul3A_366 = arith.mulf %get3A_363, %mul3A_365 : vector<16xf32>
        %swap3A_367 = arith.constant 0 : i32
        %swap3A_368 = arith.index_cast %swap3A_367 : i32 to index
        %swap3A_369 = arith.index_cast %add3A_309 : i32 to index
        %swap3A_370 = arith.constant 48 : index
        %swap3A_371 = tpu.vector_load %arg8[%swap3A_368, %swap3A_369, %swap3A_370] {strides = array<i32>} : memref<4x200x64xf32, #tpu.memory_space<vmem>>, vector<1x1x16xf32>,
        %swap3A_372 = vector.shape_cast %swap3A_371 : vector<1x1x16xf32> to vector<16xf32>
        %swap3A_373 = vector.shape_cast %mul3A_366 : vector<16xf32> to vector<1x1x16xf32>
        tpu.vector_store %arg8[%swap3A_368, %swap3A_369, %swap3A_370], %swap3A_373 {strides = array<i32>} : memref<4x200x64xf32, #tpu.memory_space<vmem>>, vector<1x1x16xf32>,
        %scan3A_374 = arith.constant 2 : i32
        %scan3A_375 = arith.addi %scan3A_237, %scan3A_374 : i32
        %mul3A_376 = arith.constant 1 : i32
        %mul3A_377 = arith.muli %scan3A_375, %mul3A_376 : i32
        %add3A_378 = arith.constant 0 : i32
        %add3A_379 = arith.addi %add3A_378, %mul3A_377 : i32
        %get3A_380 = arith.constant 0 : i32
        %get3A_381 = arith.index_cast %get3A_380 : i32 to index
        %get3A_382 = arith.index_cast %add3A_379 : i32 to index
        %get3A_383 = arith.constant 0 : index
        %get3A_384 = tpu.vector_load %arg8[%get3A_381, %get3A_382, %get3A_383] {strides = array<i32>} : memref<4x200x64xf32, #tpu.memory_space<vmem>>, vector<1x1x16xf32>,
        %get3A_385 = vector.shape_cast %get3A_384 : vector<1x1x16xf32> to vector<16xf32>
        %mul3A_386 = arith.constant 8.000000e+00 : f32
        %mul3A_387 = vector.broadcast %mul3A_386 : f32 to vector<16xf32>
        %mul3A_388 = arith.mulf %get3A_385, %mul3A_387 : vector<16xf32>
        %swap3A_389 = arith.constant 0 : i32
        %swap3A_390 = arith.index_cast %swap3A_389 : i32 to index
        %swap3A_391 = arith.index_cast %add3A_379 : i32 to index
        %swap3A_392 = arith.constant 0 : index
        %swap3A_393 = tpu.vector_load %arg8[%swap3A_390, %swap3A_391, %swap3A_392] {strides = array<i32>} : memref<4x200x64xf32, #tpu.memory_space<vmem>>, vector<1x1x16xf32>,
        %swap3A_394 = vector.shape_cast %swap3A_393 : vector<1x1x16xf32> to vector<16xf32>
        %swap3A_395 = vector.shape_cast %mul3A_388 : vector<16xf32> to vector<1x1x16xf32>
        tpu.vector_store %arg8[%swap3A_390, %swap3A_391, %swap3A_392], %swap3A_395 {strides = array<i32>} : memref<4x200x64xf32, #tpu.memory_space<vmem>>, vector<1x1x16xf32>,
        %get3A_396 = arith.constant 0 : i32
        %get3A_397 = arith.index_cast %get3A_396 : i32 to index
        %get3A_398 = arith.index_cast %add3A_379 : i32 to index
        %get3A_399 = arith.constant 16 : index
        %get3A_400 = tpu.vector_load %arg8[%get3A_397, %get3A_398, %get3A_399] {strides = array<i32>} : memref<4x200x64xf32, #tpu.memory_space<vmem>>, vector<1x1x16xf32>,
        %get3A_401 = vector.shape_cast %get3A_400 : vector<1x1x16xf32> to vector<16xf32>
        %mul3A_402 = arith.constant 8.000000e+00 : f32
        %mul3A_403 = vector.broadcast %mul3A_402 : f32 to vector<16xf32>
        %mul3A_404 = arith.mulf %get3A_401, %mul3A_403 : vector<16xf32>
        %swap3A_405 = arith.constant 0 : i32
        %swap3A_406 = arith.index_cast %swap3A_405 : i32 to index
        %swap3A_407 = arith.index_cast %add3A_379 : i32 to index
        %swap3A_408 = arith.constant 16 : index
        %swap3A_409 = tpu.vector_load %arg8[%swap3A_406, %swap3A_407, %swap3A_408] {strides = array<i32>} : memref<4x200x64xf32, #tpu.memory_space<vmem>>, vector<1x1x16xf32>,
        %swap3A_410 = vector.shape_cast %swap3A_409 : vector<1x1x16xf32> to vector<16xf32>
        %swap3A_411 = vector.shape_cast %mul3A_404 : vector<16xf32> to vector<1x1x16xf32>
        tpu.vector_store %arg8[%swap3A_406, %swap3A_407, %swap3A_408], %swap3A_411 {strides = array<i32>} : memref<4x200x64xf32, #tpu.memory_space<vmem>>, vector<1x1x16xf32>,
        %get3A_412 = arith.constant 0 : i32
        %get3A_413 = arith.index_cast %get3A_412 : i32 to index
        %get3A_414 = arith.index_cast %add3A_379 : i32 to index
        %get3A_415 = arith.constant 32 : index
        %get3A_416 = tpu.vector_load %arg8[%get3A_413, %get3A_414, %get3A_415] {strides = array<i32>} : memref<4x200x64xf32, #tpu.memory_space<vmem>>, vector<1x1x16xf32>,
        %get3A_417 = vector.shape_cast %get3A_416 : vector<1x1x16xf32> to vector<16xf32>
        %mul3A_418 = arith.constant 8.000000e+00 : f32
        %mul3A_419 = vector.broadcast %mul3A_418 : f32 to vector<16xf32>
        %mul3A_420 = arith.mulf %get3A_417, %mul3A_419 : vector<16xf32>
        %swap3A_421 = arith.constant 0 : i32
        %swap3A_422 = arith.index_cast %swap3A_421 : i32 to index
        %swap3A_423 = arith.index_cast %add3A_379 : i32 to index
        %swap3A_424 = arith.constant 32 : index
        %swap3A_425 = tpu.vector_load %arg8[%swap3A_422, %swap3A_423, %swap3A_424] {strides = array<i32>} : memref<4x200x64xf32, #tpu.memory_space<vmem>>, vector<1x1x16xf32>,
        %swap3A_426 = vector.shape_cast %swap3A_425 : vector<1x1x16xf32> to vector<16xf32>
        %swap3A_427 = vector.shape_cast %mul3A_420 : vector<16xf32> to vector<1x1x16xf32>
        tpu.vector_store %arg8[%swap3A_422, %swap3A_423, %swap3A_424], %swap3A_427 {strides = array<i32>} : memref<4x200x64xf32, #tpu.memory_space<vmem>>, vector<1x1x16xf32>,
        %get3A_428 = arith.constant 0 : i32
        %get3A_429 = arith.index_cast %get3A_428 : i32 to index
        %get3A_430 = arith.index_cast %add3A_379 : i32 to index
        %get3A_431 = arith.constant 48 : index
        %get3A_432 = tpu.vector_load %arg8[%get3A_429, %get3A_430, %get3A_431] {strides = array<i32>} : memref<4x200x64xf32, #tpu.memory_space<vmem>>, vector<1x1x16xf32>,
        %get3A_433 = vector.shape_cast %get3A_432 : vector<1x1x16xf32> to vector<16xf32>
        %mul3A_434 = arith.constant 8.000000e+00 : f32
        %mul3A_435 = vector.broadcast %mul3A_434 : f32 to vector<16xf32>
        %mul3A_436 = arith.mulf %get3A_433, %mul3A_435 : vector<16xf32>
        %swap3A_437 = arith.constant 0 : i32
        %swap3A_438 = arith.index_cast %swap3A_437 : i32 to index
        %swap3A_439 = arith.index_cast %add3A_379 : i32 to index
        %swap3A_440 = arith.constant 48 : index
        %swap3A_441 = tpu.vector_load %arg8[%swap3A_438, %swap3A_439, %swap3A_440] {strides = array<i32>} : memref<4x200x64xf32, #tpu.memory_space<vmem>>, vector<1x1x16xf32>,
        %swap3A_442 = vector.shape_cast %swap3A_441 : vector<1x1x16xf32> to vector<16xf32>
        %swap3A_443 = vector.shape_cast %mul3A_436 : vector<16xf32> to vector<1x1x16xf32>
        tpu.vector_store %arg8[%swap3A_438, %swap3A_439, %swap3A_440], %swap3A_443 {strides = array<i32>} : memref<4x200x64xf32, #tpu.memory_space<vmem>>, vector<1x1x16xf32>,
        %scan3A_444 = arith.constant 3 : i32
        %scan3A_445 = arith.addi %scan3A_237, %scan3A_444 : i32
        %mul3A_446 = arith.constant 1 : i32
        %mul3A_447 = arith.muli %scan3A_445, %mul3A_446 : i32
        %add3A_448 = arith.constant 0 : i32
        %add3A_449 = arith.addi %add3A_448, %mul3A_447 : i32
        %get3A_450 = arith.constant 0 : i32
        %get3A_451 = arith.index_cast %get3A_450 : i32 to index
        %get3A_452 = arith.index_cast %add3A_449 : i32 to index
        %get3A_453 = arith.constant 0 : index
        %get3A_454 = tpu.vector_load %arg8[%get3A_451, %get3A_452, %get3A_453] {strides = array<i32>} : memref<4x200x64xf32, #tpu.memory_space<vmem>>, vector<1x1x16xf32>,
        %get3A_455 = vector.shape_cast %get3A_454 : vector<1x1x16xf32> to vector<16xf32>
        %mul3A_456 = arith.constant 8.000000e+00 : f32
        %mul3A_457 = vector.broadcast %mul3A_456 : f32 to vector<16xf32>
        %mul3A_458 = arith.mulf %get3A_455, %mul3A_457 : vector<16xf32>
        %swap3A_459 = arith.constant 0 : i32
        %swap3A_460 = arith.index_cast %swap3A_459 : i32 to index
        %swap3A_461 = arith.index_cast %add3A_449 : i32 to index
        %swap3A_462 = arith.constant 0 : index
        %swap3A_463 = tpu.vector_load %arg8[%swap3A_460, %swap3A_461, %swap3A_462] {strides = array<i32>} : memref<4x200x64xf32, #tpu.memory_space<vmem>>, vector<1x1x16xf32>,
        %swap3A_464 = vector.shape_cast %swap3A_463 : vector<1x1x16xf32> to vector<16xf32>
        %swap3A_465 = vector.shape_cast %mul3A_458 : vector<16xf32> to vector<1x1x16xf32>
        tpu.vector_store %arg8[%swap3A_460, %swap3A_461, %swap3A_462], %swap3A_465 {strides = array<i32>} : memref<4x200x64xf32, #tpu.memory_space<vmem>>, vector<1x1x16xf32>,
        %get3A_466 = arith.constant 0 : i32
        %get3A_467 = arith.index_cast %get3A_466 : i32 to index
        %get3A_468 = arith.index_cast %add3A_449 : i32 to index
        %get3A_469 = arith.constant 16 : index
        %get3A_470 = tpu.vector_load %arg8[%get3A_467, %get3A_468, %get3A_469] {strides = array<i32>} : memref<4x200x64xf32, #tpu.memory_space<vmem>>, vector<1x1x16xf32>,
        %get3A_471 = vector.shape_cast %get3A_470 : vector<1x1x16xf32> to vector<16xf32>
        %mul3A_472 = arith.constant 8.000000e+00 : f32
        %mul3A_473 = vector.broadcast %mul3A_472 : f32 to vector<16xf32>
        %mul3A_474 = arith.mulf %get3A_471, %mul3A_473 : vector<16xf32>
        %swap3A_475 = arith.constant 0 : i32
        %swap3A_476 = arith.index_cast %swap3A_475 : i32 to index
        %swap3A_477 = arith.index_cast %add3A_449 : i32 to index
        %swap3A_478 = arith.constant 16 : index
        %swap3A_479 = tpu.vector_load %arg8[%swap3A_476, %swap3A_477, %swap3A_478] {strides = array<i32>} : memref<4x200x64xf32, #tpu.memory_space<vmem>>, vector<1x1x16xf32>,
        %swap3A_480 = vector.shape_cast %swap3A_479 : vector<1x1x16xf32> to vector<16xf32>
        %swap3A_481 = vector.shape_cast %mul3A_474 : vector<16xf32> to vector<1x1x16xf32>
        tpu.vector_store %arg8[%swap3A_476, %swap3A_477, %swap3A_478], %swap3A_481 {strides = array<i32>} : memref<4x200x64xf32, #tpu.memory_space<vmem>>, vector<1x1x16xf32>,
        %get3A_482 = arith.constant 0 : i32
        %get3A_483 = arith.index_cast %get3A_482 : i32 to index
        %get3A_484 = arith.index_cast %add3A_449 : i32 to index
        %get3A_485 = arith.constant 32 : index
        %get3A_486 = tpu.vector_load %arg8[%get3A_483, %get3A_484, %get3A_485] {strides = array<i32>} : memref<4x200x64xf32, #tpu.memory_space<vmem>>, vector<1x1x16xf32>,
        %get3A_487 = vector.shape_cast %get3A_486 : vector<1x1x16xf32> to vector<16xf32>
        %mul3A_488 = arith.constant 8.000000e+00 : f32
        %mul3A_489 = vector.broadcast %mul3A_488 : f32 to vector<16xf32>
        %mul3A_490 = arith.mulf %get3A_487, %mul3A_489 : vector<16xf32>
        %swap3A_491 = arith.constant 0 : i32
        %swap3A_492 = arith.index_cast %swap3A_491 : i32 to index
        %swap3A_493 = arith.index_cast %add3A_449 : i32 to index
        %swap3A_494 = arith.constant 32 : index
        %swap3A_495 = tpu.vector_load %arg8[%swap3A_492, %swap3A_493, %swap3A_494] {strides = array<i32>} : memref<4x200x64xf32, #tpu.memory_space<vmem>>, vector<1x1x16xf32>,
        %swap3A_496 = vector.shape_cast %swap3A_495 : vector<1x1x16xf32> to vector<16xf32>
        %swap3A_497 = vector.shape_cast %mul3A_490 : vector<16xf32> to vector<1x1x16xf32>
        tpu.vector_store %arg8[%swap3A_492, %swap3A_493, %swap3A_494], %swap3A_497 {strides = array<i32>} : memref<4x200x64xf32, #tpu.memory_space<vmem>>, vector<1x1x16xf32>,
        %get3A_498 = arith.constant 0 : i32
        %get3A_499 = arith.index_cast %get3A_498 : i32 to index
        %get3A_500 = arith.index_cast %add3A_449 : i32 to index
        %get3A_501 = arith.constant 48 : index
        %get3A_502 = tpu.vector_load %arg8[%get3A_499, %get3A_500, %get3A_501] {strides = array<i32>} : memref<4x200x64xf32, #tpu.memory_space<vmem>>, vector<1x1x16xf32>,
        %get3A_503 = vector.shape_cast %get3A_502 : vector<1x1x16xf32> to vector<16xf32>
        %mul3A_504 = arith.constant 8.000000e+00 : f32
        %mul3A_505 = vector.broadcast %mul3A_504 : f32 to vector<16xf32>
        %mul3A_506 = arith.mulf %get3A_503, %mul3A_505 : vector<16xf32>
        %swap3A_507 = arith.constant 0 : i32
        %swap3A_508 = arith.index_cast %swap3A_507 : i32 to index
        %swap3A_509 = arith.index_cast %add3A_449 : i32 to index
        %swap3A_510 = arith.constant 48 : index
        %swap3A_511 = tpu.vector_load %arg8[%swap3A_508, %swap3A_509, %swap3A_510] {strides = array<i32>} : memref<4x200x64xf32, #tpu.memory_space<vmem>>, vector<1x1x16xf32>,
        %swap3A_512 = vector.shape_cast %swap3A_511 : vector<1x1x16xf32> to vector<16xf32>
        %swap3A_513 = vector.shape_cast %mul3A_506 : vector<16xf32> to vector<1x1x16xf32>
        tpu.vector_store %arg8[%swap3A_508, %swap3A_509, %swap3A_510], %swap3A_513 {strides = array<i32>} : memref<4x200x64xf32, #tpu.memory_space<vmem>>, vector<1x1x16xf32>,
        %scan3A_514 = arith.constant 4 : i32
        %scan3A_515 = arith.addi %scan3A_237, %scan3A_514 : i32
        %mul3A_516 = arith.constant 1 : i32
        %mul3A_517 = arith.muli %scan3A_515, %mul3A_516 : i32
        %add3A_518 = arith.constant 0 : i32
        %add3A_519 = arith.addi %add3A_518, %mul3A_517 : i32
        %get3A_520 = arith.constant 0 : i32
        %get3A_521 = arith.index_cast %get3A_520 : i32 to index
        %get3A_522 = arith.index_cast %add3A_519 : i32 to index
        %get3A_523 = arith.constant 0 : index
        %get3A_524 = tpu.vector_load %arg8[%get3A_521, %get3A_522, %get3A_523] {strides = array<i32>} : memref<4x200x64xf32, #tpu.memory_space<vmem>>, vector<1x1x16xf32>,
        %get3A_525 = vector.shape_cast %get3A_524 : vector<1x1x16xf32> to vector<16xf32>
        %mul3A_526 = arith.constant 8.000000e+00 : f32
        %mul3A_527 = vector.broadcast %mul3A_526 : f32 to vector<16xf32>
        %mul3A_528 = arith.mulf %get3A_525, %mul3A_527 : vector<16xf32>
        %swap3A_529 = arith.constant 0 : i32
        %swap3A_530 = arith.index_cast %swap3A_529 : i32 to index
        %swap3A_531 = arith.index_cast %add3A_519 : i32 to index
        %swap3A_532 = arith.constant 0 : index
        %swap3A_533 = tpu.vector_load %arg8[%swap3A_530, %swap3A_531, %swap3A_532] {strides = array<i32>} : memref<4x200x64xf32, #tpu.memory_space<vmem>>, vector<1x1x16xf32>,
        %swap3A_534 = vector.shape_cast %swap3A_533 : vector<1x1x16xf32> to vector<16xf32>
        %swap3A_535 = vector.shape_cast %mul3A_528 : vector<16xf32> to vector<1x1x16xf32>
        tpu.vector_store %arg8[%swap3A_530, %swap3A_531, %swap3A_532], %swap3A_535 {strides = array<i32>} : memref<4x200x64xf32, #tpu.memory_space<vmem>>, vector<1x1x16xf32>,
        %get3A_536 = arith.constant 0 : i32
        %get3A_537 = arith.index_cast %get3A_536 : i32 to index
        %get3A_538 = arith.index_cast %add3A_519 : i32 to index
        %get3A_539 = arith.constant 16 : index
        %get3A_540 = tpu.vector_load %arg8[%get3A_537, %get3A_538, %get3A_539] {strides = array<i32>} : memref<4x200x64xf32, #tpu.memory_space<vmem>>, vector<1x1x16xf32>,
        %get3A_541 = vector.shape_cast %get3A_540 : vector<1x1x16xf32> to vector<16xf32>
        %mul3A_542 = arith.constant 8.000000e+00 : f32
        %mul3A_543 = vector.broadcast %mul3A_542 : f32 to vector<16xf32>
        %mul3A_544 = arith.mulf %get3A_541, %mul3A_543 : vector<16xf32>
        %swap3A_545 = arith.constant 0 : i32
        %swap3A_546 = arith.index_cast %swap3A_545 : i32 to index
        %swap3A_547 = arith.index_cast %add3A_519 : i32 to index
        %swap3A_548 = arith.constant 16 : index
        %swap3A_549 = tpu.vector_load %arg8[%swap3A_546, %swap3A_547, %swap3A_548] {strides = array<i32>} : memref<4x200x64xf32, #tpu.memory_space<vmem>>, vector<1x1x16xf32>,
        %swap3A_550 = vector.shape_cast %swap3A_549 : vector<1x1x16xf32> to vector<16xf32>
        %swap3A_551 = vector.shape_cast %mul3A_544 : vector<16xf32> to vector<1x1x16xf32>
        tpu.vector_store %arg8[%swap3A_546, %swap3A_547, %swap3A_548], %swap3A_551 {strides = array<i32>} : memref<4x200x64xf32, #tpu.memory_space<vmem>>, vector<1x1x16xf32>,
        %get3A_552 = arith.constant 0 : i32
        %get3A_553 = arith.index_cast %get3A_552 : i32 to index
        %get3A_554 = arith.index_cast %add3A_519 : i32 to index
        %get3A_555 = arith.constant 32 : index
        %get3A_556 = tpu.vector_load %arg8[%get3A_553, %get3A_554, %get3A_555] {strides = array<i32>} : memref<4x200x64xf32, #tpu.memory_space<vmem>>, vector<1x1x16xf32>,
        %get3A_557 = vector.shape_cast %get3A_556 : vector<1x1x16xf32> to vector<16xf32>
        %mul3A_558 = arith.constant 8.000000e+00 : f32
        %mul3A_559 = vector.broadcast %mul3A_558 : f32 to vector<16xf32>
        %mul3A_560 = arith.mulf %get3A_557, %mul3A_559 : vector<16xf32>
        %swap3A_561 = arith.constant 0 : i32
        %swap3A_562 = arith.index_cast %swap3A_561 : i32 to index
        %swap3A_563 = arith.index_cast %add3A_519 : i32 to index
        %swap3A_564 = arith.constant 32 : index
        %swap3A_565 = tpu.vector_load %arg8[%swap3A_562, %swap3A_563, %swap3A_564] {strides = array<i32>} : memref<4x200x64xf32, #tpu.memory_space<vmem>>, vector<1x1x16xf32>,
        %swap3A_566 = vector.shape_cast %swap3A_565 : vector<1x1x16xf32> to vector<16xf32>
        %swap3A_567 = vector.shape_cast %mul3A_560 : vector<16xf32> to vector<1x1x16xf32>
        tpu.vector_store %arg8[%swap3A_562, %swap3A_563, %swap3A_564], %swap3A_567 {strides = array<i32>} : memref<4x200x64xf32, #tpu.memory_space<vmem>>, vector<1x1x16xf32>,
        %get3A_568 = arith.constant 0 : i32
        %get3A_569 = arith.index_cast %get3A_568 : i32 to index
        %get3A_570 = arith.index_cast %add3A_519 : i32 to index
        %get3A_571 = arith.constant 48 : index
        %get3A_572 = tpu.vector_load %arg8[%get3A_569, %get3A_570, %get3A_571] {strides = array<i32>} : memref<4x200x64xf32, #tpu.memory_space<vmem>>, vector<1x1x16xf32>,
        %get3A_573 = vector.shape_cast %get3A_572 : vector<1x1x16xf32> to vector<16xf32>
        %mul3A_574 = arith.constant 8.000000e+00 : f32
        %mul3A_575 = vector.broadcast %mul3A_574 : f32 to vector<16xf32>
        %mul3A_576 = arith.mulf %get3A_573, %mul3A_575 : vector<16xf32>
        %swap3A_577 = arith.constant 0 : i32
        %swap3A_578 = arith.index_cast %swap3A_577 : i32 to index
        %swap3A_579 = arith.index_cast %add3A_519 : i32 to index
        %swap3A_580 = arith.constant 48 : index
        %swap3A_581 = tpu.vector_load %arg8[%swap3A_578, %swap3A_579, %swap3A_580] {strides = array<i32>} : memref<4x200x64xf32, #tpu.memory_space<vmem>>, vector<1x1x16xf32>,
        %swap3A_582 = vector.shape_cast %swap3A_581 : vector<1x1x16xf32> to vector<16xf32>
        %swap3A_583 = vector.shape_cast %mul3A_576 : vector<16xf32> to vector<1x1x16xf32>
        tpu.vector_store %arg8[%swap3A_578, %swap3A_579, %swap3A_580], %swap3A_583 {strides = array<i32>} : memref<4x200x64xf32, #tpu.memory_space<vmem>>, vector<1x1x16xf32>,
        %scan3A_584 = arith.constant 5 : i32
        %scan3A_585 = arith.addi %scan3A_237, %scan3A_584 : i32
        %mul3A_586 = arith.constant 1 : i32
        %mul3A_587 = arith.muli %scan3A_585, %mul3A_586 : i32
        %add3A_588 = arith.constant 0 : i32
        %add3A_589 = arith.addi %add3A_588, %mul3A_587 : i32
        %get3A_590 = arith.constant 0 : i32
        %get3A_591 = arith.index_cast %get3A_590 : i32 to index
        %get3A_592 = arith.index_cast %add3A_589 : i32 to index
        %get3A_593 = arith.constant 0 : index
        %get3A_594 = tpu.vector_load %arg8[%get3A_591, %get3A_592, %get3A_593] {strides = array<i32>} : memref<4x200x64xf32, #tpu.memory_space<vmem>>, vector<1x1x16xf32>,
        %get3A_595 = vector.shape_cast %get3A_594 : vector<1x1x16xf32> to vector<16xf32>
        %mul3A_596 = arith.constant 8.000000e+00 : f32
        %mul3A_597 = vector.broadcast %mul3A_596 : f32 to vector<16xf32>
        %mul3A_598 = arith.mulf %get3A_595, %mul3A_597 : vector<16xf32>
        %swap3A_599 = arith.constant 0 : i32
        %swap3A_600 = arith.index_cast %swap3A_599 : i32 to index
        %swap3A_601 = arith.index_cast %add3A_589 : i32 to index
        %swap3A_602 = arith.constant 0 : index
        %swap3A_603 = tpu.vector_load %arg8[%swap3A_600, %swap3A_601, %swap3A_602] {strides = array<i32>} : memref<4x200x64xf32, #tpu.memory_space<vmem>>, vector<1x1x16xf32>,
        %swap3A_604 = vector.shape_cast %swap3A_603 : vector<1x1x16xf32> to vector<16xf32>
        %swap3A_605 = vector.shape_cast %mul3A_598 : vector<16xf32> to vector<1x1x16xf32>
        tpu.vector_store %arg8[%swap3A_600, %swap3A_601, %swap3A_602], %swap3A_605 {strides = array<i32>} : memref<4x200x64xf32, #tpu.memory_space<vmem>>, vector<1x1x16xf32>,
        %get3A_606 = arith.constant 0 : i32
        %get3A_607 = arith.index_cast %get3A_606 : i32 to index
        %get3A_608 = arith.index_cast %add3A_589 : i32 to index
        %get3A_609 = arith.constant 16 : index
        %get3A_610 = tpu.vector_load %arg8[%get3A_607, %get3A_608, %get3A_609] {strides = array<i32>} : memref<4x200x64xf32, #tpu.memory_space<vmem>>, vector<1x1x16xf32>,
        %get3A_611 = vector.shape_cast %get3A_610 : vector<1x1x16xf32> to vector<16xf32>
        %mul3A_612 = arith.constant 8.000000e+00 : f32
        %mul3A_613 = vector.broadcast %mul3A_612 : f32 to vector<16xf32>
        %mul3A_614 = arith.mulf %get3A_611, %mul3A_613 : vector<16xf32>
        %swap3A_615 = arith.constant 0 : i32
        %swap3A_616 = arith.index_cast %swap3A_615 : i32 to index
        %swap3A_617 = arith.index_cast %add3A_589 : i32 to index
        %swap3A_618 = arith.constant 16 : index
        %swap3A_619 = tpu.vector_load %arg8[%swap3A_616, %swap3A_617, %swap3A_618] {strides = array<i32>} : memref<4x200x64xf32, #tpu.memory_space<vmem>>, vector<1x1x16xf32>,
        %swap3A_620 = vector.shape_cast %swap3A_619 : vector<1x1x16xf32> to vector<16xf32>
        %swap3A_621 = vector.shape_cast %mul3A_614 : vector<16xf32> to vector<1x1x16xf32>
        tpu.vector_store %arg8[%swap3A_616, %swap3A_617, %swap3A_618], %swap3A_621 {strides = array<i32>} : memref<4x200x64xf32, #tpu.memory_space<vmem>>, vector<1x1x16xf32>,
        %get3A_622 = arith.constant 0 : i32
        %get3A_623 = arith.index_cast %get3A_622 : i32 to index
        %get3A_624 = arith.index_cast %add3A_589 : i32 to index
        %get3A_625 = arith.constant 32 : index
        %get3A_626 = tpu.vector_load %arg8[%get3A_623, %get3A_624, %get3A_625] {strides = array<i32>} : memref<4x200x64xf32, #tpu.memory_space<vmem>>, vector<1x1x16xf32>,
        %get3A_627 = vector.shape_cast %get3A_626 : vector<1x1x16xf32> to vector<16xf32>
        %mul3A_628 = arith.constant 8.000000e+00 : f32
        %mul3A_629 = vector.broadcast %mul3A_628 : f32 to vector<16xf32>
        %mul3A_630 = arith.mulf %get3A_627, %mul3A_629 : vector<16xf32>
        %swap3A_631 = arith.constant 0 : i32
        %swap3A_632 = arith.index_cast %swap3A_631 : i32 to index
        %swap3A_633 = arith.index_cast %add3A_589 : i32 to index
        %swap3A_634 = arith.constant 32 : index
        %swap3A_635 = tpu.vector_load %arg8[%swap3A_632, %swap3A_633, %swap3A_634] {strides = array<i32>} : memref<4x200x64xf32, #tpu.memory_space<vmem>>, vector<1x1x16xf32>,
        %swap3A_636 = vector.shape_cast %swap3A_635 : vector<1x1x16xf32> to vector<16xf32>
        %swap3A_637 = vector.shape_cast %mul3A_630 : vector<16xf32> to vector<1x1x16xf32>
        tpu.vector_store %arg8[%swap3A_632, %swap3A_633, %swap3A_634], %swap3A_637 {strides = array<i32>} : memref<4x200x64xf32, #tpu.memory_space<vmem>>, vector<1x1x16xf32>,
        %get3A_638 = arith.constant 0 : i32
        %get3A_639 = arith.index_cast %get3A_638 : i32 to index
        %get3A_640 = arith.index_cast %add3A_589 : i32 to index
        %get3A_641 = arith.constant 48 : index
        %get3A_642 = tpu.vector_load %arg8[%get3A_639, %get3A_640, %get3A_641] {strides = array<i32>} : memref<4x200x64xf32, #tpu.memory_space<vmem>>, vector<1x1x16xf32>,
        %get3A_643 = vector.shape_cast %get3A_642 : vector<1x1x16xf32> to vector<16xf32>
        %mul3A_644 = arith.constant 8.000000e+00 : f32
        %mul3A_645 = vector.broadcast %mul3A_644 : f32 to vector<16xf32>
        %mul3A_646 = arith.mulf %get3A_643, %mul3A_645 : vector<16xf32>
        %swap3A_647 = arith.constant 0 : i32
        %swap3A_648 = arith.index_cast %swap3A_647 : i32 to index
        %swap3A_649 = arith.index_cast %add3A_589 : i32 to index
        %swap3A_650 = arith.constant 48 : index
        %swap3A_651 = tpu.vector_load %arg8[%swap3A_648, %swap3A_649, %swap3A_650] {strides = array<i32>} : memref<4x200x64xf32, #tpu.memory_space<vmem>>, vector<1x1x16xf32>,
        %swap3A_652 = vector.shape_cast %swap3A_651 : vector<1x1x16xf32> to vector<16xf32>
        %swap3A_653 = vector.shape_cast %mul3A_646 : vector<16xf32> to vector<1x1x16xf32>
        tpu.vector_store %arg8[%swap3A_648, %swap3A_649, %swap3A_650], %swap3A_653 {strides = array<i32>} : memref<4x200x64xf32, #tpu.memory_space<vmem>>, vector<1x1x16xf32>,
        %scan3A_654 = arith.constant 6 : i32
        %scan3A_655 = arith.addi %scan3A_237, %scan3A_654 : i32
        %mul3A_656 = arith.constant 1 : i32
        %mul3A_657 = arith.muli %scan3A_655, %mul3A_656 : i32
        %add3A_658 = arith.constant 0 : i32
        %add3A_659 = arith.addi %add3A_658, %mul3A_657 : i32
        %get3A_660 = arith.constant 0 : i32
        %get3A_661 = arith.index_cast %get3A_660 : i32 to index
        %get3A_662 = arith.index_cast %add3A_659 : i32 to index
        %get3A_663 = arith.constant 0 : index
        %get3A_664 = tpu.vector_load %arg8[%get3A_661, %get3A_662, %get3A_663] {strides = array<i32>} : memref<4x200x64xf32, #tpu.memory_space<vmem>>, vector<1x1x16xf32>,
        %get3A_665 = vector.shape_cast %get3A_664 : vector<1x1x16xf32> to vector<16xf32>
        %mul3A_666 = arith.constant 8.000000e+00 : f32
        %mul3A_667 = vector.broadcast %mul3A_666 : f32 to vector<16xf32>
        %mul3A_668 = arith.mulf %get3A_665, %mul3A_667 : vector<16xf32>
        %swap3A_669 = arith.constant 0 : i32
        %swap3A_670 = arith.index_cast %swap3A_669 : i32 to index
        %swap3A_671 = arith.index_cast %add3A_659 : i32 to index
        %swap3A_672 = arith.constant 0 : index
        %swap3A_673 = tpu.vector_load %arg8[%swap3A_670, %swap3A_671, %swap3A_672] {strides = array<i32>} : memref<4x200x64xf32, #tpu.memory_space<vmem>>, vector<1x1x16xf32>,
        %swap3A_674 = vector.shape_cast %swap3A_673 : vector<1x1x16xf32> to vector<16xf32>
        %swap3A_675 = vector.shape_cast %mul3A_668 : vector<16xf32> to vector<1x1x16xf32>
        tpu.vector_store %arg8[%swap3A_670, %swap3A_671, %swap3A_672], %swap3A_675 {strides = array<i32>} : memref<4x200x64xf32, #tpu.memory_space<vmem>>, vector<1x1x16xf32>,
        %get3A_676 = arith.constant 0 : i32
        %get3A_677 = arith.index_cast %get3A_676 : i32 to index
        %get3A_678 = arith.index_cast %add3A_659 : i32 to index
        %get3A_679 = arith.constant 16 : index
        %get3A_680 = tpu.vector_load %arg8[%get3A_677, %get3A_678, %get3A_679] {strides = array<i32>} : memref<4x200x64xf32, #tpu.memory_space<vmem>>, vector<1x1x16xf32>,
        %get3A_681 = vector.shape_cast %get3A_680 : vector<1x1x16xf32> to vector<16xf32>
        %mul3A_682 = arith.constant 8.000000e+00 : f32
        %mul3A_683 = vector.broadcast %mul3A_682 : f32 to vector<16xf32>
        %mul3A_684 = arith.mulf %get3A_681, %mul3A_683 : vector<16xf32>
        %swap3A_685 = arith.constant 0 : i32
        %swap3A_686 = arith.index_cast %swap3A_685 : i32 to index
        %swap3A_687 = arith.index_cast %add3A_659 : i32 to index
        %swap3A_688 = arith.constant 16 : index
        %swap3A_689 = tpu.vector_load %arg8[%swap3A_686, %swap3A_687, %swap3A_688] {strides = array<i32>} : memref<4x200x64xf32, #tpu.memory_space<vmem>>, vector<1x1x16xf32>,
        %swap3A_690 = vector.shape_cast %swap3A_689 : vector<1x1x16xf32> to vector<16xf32>
        %swap3A_691 = vector.shape_cast %mul3A_684 : vector<16xf32> to vector<1x1x16xf32>
        tpu.vector_store %arg8[%swap3A_686, %swap3A_687, %swap3A_688], %swap3A_691 {strides = array<i32>} : memref<4x200x64xf32, #tpu.memory_space<vmem>>, vector<1x1x16xf32>,
        %get3A_692 = arith.constant 0 : i32
        %get3A_693 = arith.index_cast %get3A_692 : i32 to index
        %get3A_694 = arith.index_cast %add3A_659 : i32 to index
        %get3A_695 = arith.constant 32 : index
        %get3A_696 = tpu.vector_load %arg8[%get3A_693, %get3A_694, %get3A_695] {strides = array<i32>} : memref<4x200x64xf32, #tpu.memory_space<vmem>>, vector<1x1x16xf32>,
        %get3A_697 = vector.shape_cast %get3A_696 : vector<1x1x16xf32> to vector<16xf32>
        %mul3A_698 = arith.constant 8.000000e+00 : f32
        %mul3A_699 = vector.broadcast %mul3A_698 : f32 to vector<16xf32>
        %mul3A_700 = arith.mulf %get3A_697, %mul3A_699 : vector<16xf32>
        %swap3A_701 = arith.constant 0 : i32
        %swap3A_702 = arith.index_cast %swap3A_701 : i32 to index
        %swap3A_703 = arith.index_cast %add3A_659 : i32 to index
        %swap3A_704 = arith.constant 32 : index
        %swap3A_705 = tpu.vector_load %arg8[%swap3A_702, %swap3A_703, %swap3A_704] {strides = array<i32>} : memref<4x200x64xf32, #tpu.memory_space<vmem>>, vector<1x1x16xf32>,
        %swap3A_706 = vector.shape_cast %swap3A_705 : vector<1x1x16xf32> to vector<16xf32>
        %swap3A_707 = vector.shape_cast %mul3A_700 : vector<16xf32> to vector<1x1x16xf32>
        tpu.vector_store %arg8[%swap3A_702, %swap3A_703, %swap3A_704], %swap3A_707 {strides = array<i32>} : memref<4x200x64xf32, #tpu.memory_space<vmem>>, vector<1x1x16xf32>,
        %get3A_708 = arith.constant 0 : i32
        %get3A_709 = arith.index_cast %get3A_708 : i32 to index
        %get3A_710 = arith.index_cast %add3A_659 : i32 to index
        %get3A_711 = arith.constant 48 : index
        %get3A_712 = tpu.vector_load %arg8[%get3A_709, %get3A_710, %get3A_711] {strides = array<i32>} : memref<4x200x64xf32, #tpu.memory_space<vmem>>, vector<1x1x16xf32>,
        %get3A_713 = vector.shape_cast %get3A_712 : vector<1x1x16xf32> to vector<16xf32>
        %mul3A_714 = arith.constant 8.000000e+00 : f32
        %mul3A_715 = vector.broadcast %mul3A_714 : f32 to vector<16xf32>
        %mul3A_716 = arith.mulf %get3A_713, %mul3A_715 : vector<16xf32>
        %swap3A_717 = arith.constant 0 : i32
        %swap3A_718 = arith.index_cast %swap3A_717 : i32 to index
        %swap3A_719 = arith.index_cast %add3A_659 : i32 to index
        %swap3A_720 = arith.constant 48 : index
        %swap3A_721 = tpu.vector_load %arg8[%swap3A_718, %swap3A_719, %swap3A_720] {strides = array<i32>} : memref<4x200x64xf32, #tpu.memory_space<vmem>>, vector<1x1x16xf32>,
        %swap3A_722 = vector.shape_cast %swap3A_721 : vector<1x1x16xf32> to vector<16xf32>
        %swap3A_723 = vector.shape_cast %mul3A_716 : vector<16xf32> to vector<1x1x16xf32>
        tpu.vector_store %arg8[%swap3A_718, %swap3A_719, %swap3A_720], %swap3A_723 {strides = array<i32>} : memref<4x200x64xf32, #tpu.memory_space<vmem>>, vector<1x1x16xf32>,
        %scan3A_724 = arith.constant 7 : i32
        %scan3A_725 = arith.addi %scan3A_237, %scan3A_724 : i32
        %mul3A_726 = arith.constant 1 : i32
        %mul3A_727 = arith.muli %scan3A_725, %mul3A_726 : i32
        %add3A_728 = arith.constant 0 : i32
        %add3A_729 = arith.addi %add3A_728, %mul3A_727 : i32
        %get3A_730 = arith.constant 0 : i32
        %get3A_731 = arith.index_cast %get3A_730 : i32 to index
        %get3A_732 = arith.index_cast %add3A_729 : i32 to index
        %get3A_733 = arith.constant 0 : index
        %get3A_734 = tpu.vector_load %arg8[%get3A_731, %get3A_732, %get3A_733] {strides = array<i32>} : memref<4x200x64xf32, #tpu.memory_space<vmem>>, vector<1x1x16xf32>,
        %get3A_735 = vector.shape_cast %get3A_734 : vector<1x1x16xf32> to vector<16xf32>
        %mul3A_736 = arith.constant 8.000000e+00 : f32
        %mul3A_737 = vector.broadcast %mul3A_736 : f32 to vector<16xf32>
        %mul3A_738 = arith.mulf %get3A_735, %mul3A_737 : vector<16xf32>
        %swap3A_739 = arith.constant 0 : i32
        %swap3A_740 = arith.index_cast %swap3A_739 : i32 to index
        %swap3A_741 = arith.index_cast %add3A_729 : i32 to index
        %swap3A_742 = arith.constant 0 : index
        %swap3A_743 = tpu.vector_load %arg8[%swap3A_740, %swap3A_741, %swap3A_742] {strides = array<i32>} : memref<4x200x64xf32, #tpu.memory_space<vmem>>, vector<1x1x16xf32>,
        %swap3A_744 = vector.shape_cast %swap3A_743 : vector<1x1x16xf32> to vector<16xf32>
        %swap3A_745 = vector.shape_cast %mul3A_738 : vector<16xf32> to vector<1x1x16xf32>
        tpu.vector_store %arg8[%swap3A_740, %swap3A_741, %swap3A_742], %swap3A_745 {strides = array<i32>} : memref<4x200x64xf32, #tpu.memory_space<vmem>>, vector<1x1x16xf32>,
        %get3A_746 = arith.constant 0 : i32
        %get3A_747 = arith.index_cast %get3A_746 : i32 to index
        %get3A_748 = arith.index_cast %add3A_729 : i32 to index
        %get3A_749 = arith.constant 16 : index
        %get3A_750 = tpu.vector_load %arg8[%get3A_747, %get3A_748, %get3A_749] {strides = array<i32>} : memref<4x200x64xf32, #tpu.memory_space<vmem>>, vector<1x1x16xf32>,
        %get3A_751 = vector.shape_cast %get3A_750 : vector<1x1x16xf32> to vector<16xf32>
        %mul3A_752 = arith.constant 8.000000e+00 : f32
        %mul3A_753 = vector.broadcast %mul3A_752 : f32 to vector<16xf32>
        %mul3A_754 = arith.mulf %get3A_751, %mul3A_753 : vector<16xf32>
        %swap3A_755 = arith.constant 0 : i32
        %swap3A_756 = arith.index_cast %swap3A_755 : i32 to index
        %swap3A_757 = arith.index_cast %add3A_729 : i32 to index
        %swap3A_758 = arith.constant 16 : index
        %swap3A_759 = tpu.vector_load %arg8[%swap3A_756, %swap3A_757, %swap3A_758] {strides = array<i32>} : memref<4x200x64xf32, #tpu.memory_space<vmem>>, vector<1x1x16xf32>,
        %swap3A_760 = vector.shape_cast %swap3A_759 : vector<1x1x16xf32> to vector<16xf32>
        %swap3A_761 = vector.shape_cast %mul3A_754 : vector<16xf32> to vector<1x1x16xf32>
        tpu.vector_store %arg8[%swap3A_756, %swap3A_757, %swap3A_758], %swap3A_761 {strides = array<i32>} : memref<4x200x64xf32, #tpu.memory_space<vmem>>, vector<1x1x16xf32>,
        %get3A_762 = arith.constant 0 : i32
        %get3A_763 = arith.index_cast %get3A_762 : i32 to index
        %get3A_764 = arith.index_cast %add3A_729 : i32 to index
        %get3A_765 = arith.constant 32 : index
        %get3A_766 = tpu.vector_load %arg8[%get3A_763, %get3A_764, %get3A_765] {strides = array<i32>} : memref<4x200x64xf32, #tpu.memory_space<vmem>>, vector<1x1x16xf32>,
        %get3A_767 = vector.shape_cast %get3A_766 : vector<1x1x16xf32> to vector<16xf32>
        %mul3A_768 = arith.constant 8.000000e+00 : f32
        %mul3A_769 = vector.broadcast %mul3A_768 : f32 to vector<16xf32>
        %mul3A_770 = arith.mulf %get3A_767, %mul3A_769 : vector<16xf32>
        %swap3A_771 = arith.constant 0 : i32
        %swap3A_772 = arith.index_cast %swap3A_771 : i32 to index
        %swap3A_773 = arith.index_cast %add3A_729 : i32 to index
        %swap3A_774 = arith.constant 32 : index
        %swap3A_775 = tpu.vector_load %arg8[%swap3A_772, %swap3A_773, %swap3A_774] {strides = array<i32>} : memref<4x200x64xf32, #tpu.memory_space<vmem>>, vector<1x1x16xf32>,
        %swap3A_776 = vector.shape_cast %swap3A_775 : vector<1x1x16xf32> to vector<16xf32>
        %swap3A_777 = vector.shape_cast %mul3A_770 : vector<16xf32> to vector<1x1x16xf32>
        tpu.vector_store %arg8[%swap3A_772, %swap3A_773, %swap3A_774], %swap3A_777 {strides = array<i32>} : memref<4x200x64xf32, #tpu.memory_space<vmem>>, vector<1x1x16xf32>,
        %get3A_778 = arith.constant 0 : i32
        %get3A_779 = arith.index_cast %get3A_778 : i32 to index
        %get3A_780 = arith.index_cast %add3A_729 : i32 to index
        %get3A_781 = arith.constant 48 : index
        %get3A_782 = tpu.vector_load %arg8[%get3A_779, %get3A_780, %get3A_781] {strides = array<i32>} : memref<4x200x64xf32, #tpu.memory_space<vmem>>, vector<1x1x16xf32>,
        %get3A_783 = vector.shape_cast %get3A_782 : vector<1x1x16xf32> to vector<16xf32>
        %mul3A_784 = arith.constant 8.000000e+00 : f32
        %mul3A_785 = vector.broadcast %mul3A_784 : f32 to vector<16xf32>
        %mul3A_786 = arith.mulf %get3A_783, %mul3A_785 : vector<16xf32>
        %swap3A_787 = arith.constant 0 : i32
        %swap3A_788 = arith.index_cast %swap3A_787 : i32 to index
        %swap3A_789 = arith.index_cast %add3A_729 : i32 to index
        %swap3A_790 = arith.constant 48 : index
        %swap3A_791 = tpu.vector_load %arg8[%swap3A_788, %swap3A_789, %swap3A_790] {strides = array<i32>} : memref<4x200x64xf32, #tpu.memory_space<vmem>>, vector<1x1x16xf32>,
        %swap3A_792 = vector.shape_cast %swap3A_791 : vector<1x1x16xf32> to vector<16xf32>
        %swap3A_793 = vector.shape_cast %mul3A_786 : vector<16xf32> to vector<1x1x16xf32>
        tpu.vector_store %arg8[%swap3A_788, %swap3A_789, %swap3A_790], %swap3A_793 {strides = array<i32>} : memref<4x200x64xf32, #tpu.memory_space<vmem>>, vector<1x1x16xf32>,
      }
      %scan3A_218 = arith.constant 200 : i32
      %scan3A_219 = arith.constant 0 : i32
      %scan3A_220 = arith.constant 200 : i32
      %scan3A_221 = arith.addi %scan3A_219, %scan3A_220 : i32
      %scan3A_222 = arith.constant 8 : i32
      scf.for %scan3A_237 = %scan3A_219 to %scan3A_221 step %scan3A_222  : i32 {
        %mul3A_238 = arith.constant 1 : i32
        %mul3A_239 = arith.muli %scan3A_237, %mul3A_238 : i32
        %add3A_240 = arith.constant 0 : i32
        %add3A_241 = arith.addi %add3A_240, %mul3A_239 : i32
        %get3A = arith.constant 1 : i32
        %get3A_242 = arith.index_cast %get3A : i32 to index
        %get3A_243 = arith.index_cast %add3A_241 : i32 to index
        %get3A_244 = arith.constant 0 : index
        %get3A_245 = tpu.vector_load %arg8[%get3A_242, %get3A_243, %get3A_244] {strides = array<i32>} : memref<4x200x64xf32, #tpu.memory_space<vmem>>, vector<1x1x16xf32>,
        %get3A_246 = vector.shape_cast %get3A_245 : vector<1x1x16xf32> to vector<16xf32>
        %mul3A_247 = arith.constant 8.000000e+00 : f32
        %mul3A_248 = vector.broadcast %mul3A_247 : f32 to vector<16xf32>
        %mul3A_249 = arith.mulf %get3A_246, %mul3A_248 : vector<16xf32>
        %swap3A = arith.constant 1 : i32
        %swap3A_250 = arith.index_cast %swap3A : i32 to index
        %swap3A_251 = arith.index_cast %add3A_241 : i32 to index
        %swap3A_252 = arith.constant 0 : index
        %swap3A_253 = tpu.vector_load %arg8[%swap3A_250, %swap3A_251, %swap3A_252] {strides = array<i32>} : memref<4x200x64xf32, #tpu.memory_space<vmem>>, vector<1x1x16xf32>,
        %swap3A_254 = vector.shape_cast %swap3A_253 : vector<1x1x16xf32> to vector<16xf32>
        %swap3A_255 = vector.shape_cast %mul3A_249 : vector<16xf32> to vector<1x1x16xf32>
        tpu.vector_store %arg8[%swap3A_250, %swap3A_251, %swap3A_252], %swap3A_255 {strides = array<i32>} : memref<4x200x64xf32, #tpu.memory_space<vmem>>, vector<1x1x16xf32>,
        %get3A_256 = arith.constant 1 : i32
        %get3A_257 = arith.index_cast %get3A_256 : i32 to index
        %get3A_258 = arith.index_cast %add3A_241 : i32 to index
        %get3A_259 = arith.constant 16 : index
        %get3A_260 = tpu.vector_load %arg8[%get3A_257, %get3A_258, %get3A_259] {strides = array<i32>} : memref<4x200x64xf32, #tpu.memory_space<vmem>>, vector<1x1x16xf32>,
        %get3A_261 = vector.shape_cast %get3A_260 : vector<1x1x16xf32> to vector<16xf32>
        %mul3A_262 = arith.constant 8.000000e+00 : f32
        %mul3A_263 = vector.broadcast %mul3A_262 : f32 to vector<16xf32>
        %mul3A_264 = arith.mulf %get3A_261, %mul3A_263 : vector<16xf32>
        %swap3A_265 = arith.constant 1 : i32
        %swap3A_266 = arith.index_cast %swap3A_265 : i32 to index
        %swap3A_267 = arith.index_cast %add3A_241 : i32 to index
        %swap3A_268 = arith.constant 16 : index
        %swap3A_269 = tpu.vector_load %arg8[%swap3A_266, %swap3A_267, %swap3A_268] {strides = array<i32>} : memref<4x200x64xf32, #tpu.memory_space<vmem>>, vector<1x1x16xf32>,
        %swap3A_270 = vector.shape_cast %swap3A_269 : vector<1x1x16xf32> to vector<16xf32>
        %swap3A_271 = vector.shape_cast %mul3A_264 : vector<16xf32> to vector<1x1x16xf32>
        tpu.vector_store %arg8[%swap3A_266, %swap3A_267, %swap3A_268], %swap3A_271 {strides = array<i32>} : memref<4x200x64xf32, #tpu.memory_space<vmem>>, vector<1x1x16xf32>,
        %get3A_272 = arith.constant 1 : i32
        %get3A_273 = arith.index_cast %get3A_272 : i32 to index
        %get3A_274 = arith.index_cast %add3A_241 : i32 to index
        %get3A_275 = arith.constant 32 : index
        %get3A_276 = tpu.vector_load %arg8[%get3A_273, %get3A_274, %get3A_275] {strides = array<i32>} : memref<4x200x64xf32, #tpu.memory_space<vmem>>, vector<1x1x16xf32>,
        %get3A_277 = vector.shape_cast %get3A_276 : vector<1x1x16xf32> to vector<16xf32>
        %mul3A_278 = arith.constant 8.000000e+00 : f32
        %mul3A_279 = vector.broadcast %mul3A_278 : f32 to vector<16xf32>
        %mul3A_280 = arith.mulf %get3A_277, %mul3A_279 : vector<16xf32>
        %swap3A_281 = arith.constant 1 : i32
        %swap3A_282 = arith.index_cast %swap3A_281 : i32 to index
        %swap3A_283 = arith.index_cast %add3A_241 : i32 to index
        %swap3A_284 = arith.constant 32 : index
        %swap3A_285 = tpu.vector_load %arg8[%swap3A_282, %swap3A_283, %swap3A_284] {strides = array<i32>} : memref<4x200x64xf32, #tpu.memory_space<vmem>>, vector<1x1x16xf32>,
        %swap3A_286 = vector.shape_cast %swap3A_285 : vector<1x1x16xf32> to vector<16xf32>
        %swap3A_287 = vector.shape_cast %mul3A_280 : vector<16xf32> to vector<1x1x16xf32>
        tpu.vector_store %arg8[%swap3A_282, %swap3A_283, %swap3A_284], %swap3A_287 {strides = array<i32>} : memref<4x200x64xf32, #tpu.memory_space<vmem>>, vector<1x1x16xf32>,
        %get3A_288 = arith.constant 1 : i32
        %get3A_289 = arith.index_cast %get3A_288 : i32 to index
        %get3A_290 = arith.index_cast %add3A_241 : i32 to index
        %get3A_291 = arith.constant 48 : index
        %get3A_292 = tpu.vector_load %arg8[%get3A_289, %get3A_290, %get3A_291] {strides = array<i32>} : memref<4x200x64xf32, #tpu.memory_space<vmem>>, vector<1x1x16xf32>,
        %get3A_293 = vector.shape_cast %get3A_292 : vector<1x1x16xf32> to vector<16xf32>
        %mul3A_294 = arith.constant 8.000000e+00 : f32
        %mul3A_295 = vector.broadcast %mul3A_294 : f32 to vector<16xf32>
        %mul3A_296 = arith.mulf %get3A_293, %mul3A_295 : vector<16xf32>
        %swap3A_297 = arith.constant 1 : i32
        %swap3A_298 = arith.index_cast %swap3A_297 : i32 to index
        %swap3A_299 = arith.index_cast %add3A_241 : i32 to index
        %swap3A_300 = arith.constant 48 : index
        %swap3A_301 = tpu.vector_load %arg8[%swap3A_298, %swap3A_299, %swap3A_300] {strides = array<i32>} : memref<4x200x64xf32, #tpu.memory_space<vmem>>, vector<1x1x16xf32>,
        %swap3A_302 = vector.shape_cast %swap3A_301 : vector<1x1x16xf32> to vector<16xf32>
        %swap3A_303 = vector.shape_cast %mul3A_296 : vector<16xf32> to vector<1x1x16xf32>
        tpu.vector_store %arg8[%swap3A_298, %swap3A_299, %swap3A_300], %swap3A_303 {strides = array<i32>} : memref<4x200x64xf32, #tpu.memory_space<vmem>>, vector<1x1x16xf32>,
        %scan3A_304 = arith.constant 1 : i32
        %scan3A_305 = arith.addi %scan3A_237, %scan3A_304 : i32
        %mul3A_306 = arith.constant 1 : i32
        %mul3A_307 = arith.muli %scan3A_305, %mul3A_306 : i32
        %add3A_308 = arith.constant 0 : i32
        %add3A_309 = arith.addi %add3A_308, %mul3A_307 : i32
        %get3A_310 = arith.constant 1 : i32
        %get3A_311 = arith.index_cast %get3A_310 : i32 to index
        %get3A_312 = arith.index_cast %add3A_309 : i32 to index
        %get3A_313 = arith.constant 0 : index
        %get3A_314 = tpu.vector_load %arg8[%get3A_311, %get3A_312, %get3A_313] {strides = array<i32>} : memref<4x200x64xf32, #tpu.memory_space<vmem>>, vector<1x1x16xf32>,
        %get3A_315 = vector.shape_cast %get3A_314 : vector<1x1x16xf32> to vector<16xf32>
        %mul3A_316 = arith.constant 8.000000e+00 : f32
        %mul3A_317 = vector.broadcast %mul3A_316 : f32 to vector<16xf32>
        %mul3A_318 = arith.mulf %get3A_315, %mul3A_317 : vector<16xf32>
        %swap3A_319 = arith.constant 1 : i32
        %swap3A_320 = arith.index_cast %swap3A_319 : i32 to index
        %swap3A_321 = arith.index_cast %add3A_309 : i32 to index
        %swap3A_322 = arith.constant 0 : index
        %swap3A_323 = tpu.vector_load %arg8[%swap3A_320, %swap3A_321, %swap3A_322] {strides = array<i32>} : memref<4x200x64xf32, #tpu.memory_space<vmem>>, vector<1x1x16xf32>,
        %swap3A_324 = vector.shape_cast %swap3A_323 : vector<1x1x16xf32> to vector<16xf32>
        %swap3A_325 = vector.shape_cast %mul3A_318 : vector<16xf32> to vector<1x1x16xf32>
        tpu.vector_store %arg8[%swap3A_320, %swap3A_321, %swap3A_322], %swap3A_325 {strides = array<i32>} : memref<4x200x64xf32, #tpu.memory_space<vmem>>, vector<1x1x16xf32>,
        %get3A_326 = arith.constant 1 : i32
        %get3A_327 = arith.index_cast %get3A_326 : i32 to index
        %get3A_328 = arith.index_cast %add3A_309 : i32 to index
        %get3A_329 = arith.constant 16 : index
        %get3A_330 = tpu.vector_load %arg8[%get3A_327, %get3A_328, %get3A_329] {strides = array<i32>} : memref<4x200x64xf32, #tpu.memory_space<vmem>>, vector<1x1x16xf32>,
        %get3A_331 = vector.shape_cast %get3A_330 : vector<1x1x16xf32> to vector<16xf32>
        %mul3A_332 = arith.constant 8.000000e+00 : f32
        %mul3A_333 = vector.broadcast %mul3A_332 : f32 to vector<16xf32>
        %mul3A_334 = arith.mulf %get3A_331, %mul3A_333 : vector<16xf32>
        %swap3A_335 = arith.constant 1 : i32
        %swap3A_336 = arith.index_cast %swap3A_335 : i32 to index
        %swap3A_337 = arith.index_cast %add3A_309 : i32 to index
        %swap3A_338 = arith.constant 16 : index
        %swap3A_339 = tpu.vector_load %arg8[%swap3A_336, %swap3A_337, %swap3A_338] {strides = array<i32>} : memref<4x200x64xf32, #tpu.memory_space<vmem>>, vector<1x1x16xf32>,
        %swap3A_340 = vector.shape_cast %swap3A_339 : vector<1x1x16xf32> to vector<16xf32>
        %swap3A_341 = vector.shape_cast %mul3A_334 : vector<16xf32> to vector<1x1x16xf32>
        tpu.vector_store %arg8[%swap3A_336, %swap3A_337, %swap3A_338], %swap3A_341 {strides = array<i32>} : memref<4x200x64xf32, #tpu.memory_space<vmem>>, vector<1x1x16xf32>,
        %get3A_342 = arith.constant 1 : i32
        %get3A_343 = arith.index_cast %get3A_342 : i32 to index
        %get3A_344 = arith.index_cast %add3A_309 : i32 to index
        %get3A_345 = arith.constant 32 : index
        %get3A_346 = tpu.vector_load %arg8[%get3A_343, %get3A_344, %get3A_345] {strides = array<i32>} : memref<4x200x64xf32, #tpu.memory_space<vmem>>, vector<1x1x16xf32>,
        %get3A_347 = vector.shape_cast %get3A_346 : vector<1x1x16xf32> to vector<16xf32>
        %mul3A_348 = arith.constant 8.000000e+00 : f32
        %mul3A_349 = vector.broadcast %mul3A_348 : f32 to vector<16xf32>
        %mul3A_350 = arith.mulf %get3A_347, %mul3A_349 : vector<16xf32>
        %swap3A_351 = arith.constant 1 : i32
        %swap3A_352 = arith.index_cast %swap3A_351 : i32 to index
        %swap3A_353 = arith.index_cast %add3A_309 : i32 to index
        %swap3A_354 = arith.constant 32 : index
        %swap3A_355 = tpu.vector_load %arg8[%swap3A_352, %swap3A_353, %swap3A_354] {strides = array<i32>} : memref<4x200x64xf32, #tpu.memory_space<vmem>>, vector<1x1x16xf32>,
        %swap3A_356 = vector.shape_cast %swap3A_355 : vector<1x1x16xf32> to vector<16xf32>
        %swap3A_357 = vector.shape_cast %mul3A_350 : vector<16xf32> to vector<1x1x16xf32>
        tpu.vector_store %arg8[%swap3A_352, %swap3A_353, %swap3A_354], %swap3A_357 {strides = array<i32>} : memref<4x200x64xf32, #tpu.memory_space<vmem>>, vector<1x1x16xf32>,
        %get3A_358 = arith.constant 1 : i32
        %get3A_359 = arith.index_cast %get3A_358 : i32 to index
        %get3A_360 = arith.index_cast %add3A_309 : i32 to index
        %get3A_361 = arith.constant 48 : index
        %get3A_362 = tpu.vector_load %arg8[%get3A_359, %get3A_360, %get3A_361] {strides = array<i32>} : memref<4x200x64xf32, #tpu.memory_space<vmem>>, vector<1x1x16xf32>,
        %get3A_363 = vector.shape_cast %get3A_362 : vector<1x1x16xf32> to vector<16xf32>
        %mul3A_364 = arith.constant 8.000000e+00 : f32
        %mul3A_365 = vector.broadcast %mul3A_364 : f32 to vector<16xf32>
        %mul3A_366 = arith.mulf %get3A_363, %mul3A_365 : vector<16xf32>
        %swap3A_367 = arith.constant 1 : i32
        %swap3A_368 = arith.index_cast %swap3A_367 : i32 to index
        %swap3A_369 = arith.index_cast %add3A_309 : i32 to index
        %swap3A_370 = arith.constant 48 : index
        %swap3A_371 = tpu.vector_load %arg8[%swap3A_368, %swap3A_369, %swap3A_370] {strides = array<i32>} : memref<4x200x64xf32, #tpu.memory_space<vmem>>, vector<1x1x16xf32>,
        %swap3A_372 = vector.shape_cast %swap3A_371 : vector<1x1x16xf32> to vector<16xf32>
        %swap3A_373 = vector.shape_cast %mul3A_366 : vector<16xf32> to vector<1x1x16xf32>
        tpu.vector_store %arg8[%swap3A_368, %swap3A_369, %swap3A_370], %swap3A_373 {strides = array<i32>} : memref<4x200x64xf32, #tpu.memory_space<vmem>>, vector<1x1x16xf32>,
        %scan3A_374 = arith.constant 2 : i32
        %scan3A_375 = arith.addi %scan3A_237, %scan3A_374 : i32
        %mul3A_376 = arith.constant 1 : i32
        %mul3A_377 = arith.muli %scan3A_375, %mul3A_376 : i32
        %add3A_378 = arith.constant 0 : i32
        %add3A_379 = arith.addi %add3A_378, %mul3A_377 : i32
        %get3A_380 = arith.constant 1 : i32
        %get3A_381 = arith.index_cast %get3A_380 : i32 to index
        %get3A_382 = arith.index_cast %add3A_379 : i32 to index
        %get3A_383 = arith.constant 0 : index
        %get3A_384 = tpu.vector_load %arg8[%get3A_381, %get3A_382, %get3A_383] {strides = array<i32>} : memref<4x200x64xf32, #tpu.memory_space<vmem>>, vector<1x1x16xf32>,
        %get3A_385 = vector.shape_cast %get3A_384 : vector<1x1x16xf32> to vector<16xf32>
        %mul3A_386 = arith.constant 8.000000e+00 : f32
        %mul3A_387 = vector.broadcast %mul3A_386 : f32 to vector<16xf32>
        %mul3A_388 = arith.mulf %get3A_385, %mul3A_387 : vector<16xf32>
        %swap3A_389 = arith.constant 1 : i32
        %swap3A_390 = arith.index_cast %swap3A_389 : i32 to index
        %swap3A_391 = arith.index_cast %add3A_379 : i32 to index
        %swap3A_392 = arith.constant 0 : index
        %swap3A_393 = tpu.vector_load %arg8[%swap3A_390, %swap3A_391, %swap3A_392] {strides = array<i32>} : memref<4x200x64xf32, #tpu.memory_space<vmem>>, vector<1x1x16xf32>,
        %swap3A_394 = vector.shape_cast %swap3A_393 : vector<1x1x16xf32> to vector<16xf32>
        %swap3A_395 = vector.shape_cast %mul3A_388 : vector<16xf32> to vector<1x1x16xf32>
        tpu.vector_store %arg8[%swap3A_390, %swap3A_391, %swap3A_392], %swap3A_395 {strides = array<i32>} : memref<4x200x64xf32, #tpu.memory_space<vmem>>, vector<1x1x16xf32>,
        %get3A_396 = arith.constant 1 : i32
        %get3A_397 = arith.index_cast %get3A_396 : i32 to index
        %get3A_398 = arith.index_cast %add3A_379 : i32 to index
        %get3A_399 = arith.constant 16 : index
        %get3A_400 = tpu.vector_load %arg8[%get3A_397, %get3A_398, %get3A_399] {strides = array<i32>} : memref<4x200x64xf32, #tpu.memory_space<vmem>>, vector<1x1x16xf32>,
        %get3A_401 = vector.shape_cast %get3A_400 : vector<1x1x16xf32> to vector<16xf32>
        %mul3A_402 = arith.constant 8.000000e+00 : f32
        %mul3A_403 = vector.broadcast %mul3A_402 : f32 to vector<16xf32>
        %mul3A_404 = arith.mulf %get3A_401, %mul3A_403 : vector<16xf32>
        %swap3A_405 = arith.constant 1 : i32
        %swap3A_406 = arith.index_cast %swap3A_405 : i32 to index
        %swap3A_407 = arith.index_cast %add3A_379 : i32 to index
        %swap3A_408 = arith.constant 16 : index
        %swap3A_409 = tpu.vector_load %arg8[%swap3A_406, %swap3A_407, %swap3A_408] {strides = array<i32>} : memref<4x200x64xf32, #tpu.memory_space<vmem>>, vector<1x1x16xf32>,
        %swap3A_410 = vector.shape_cast %swap3A_409 : vector<1x1x16xf32> to vector<16xf32>
        %swap3A_411 = vector.shape_cast %mul3A_404 : vector<16xf32> to vector<1x1x16xf32>
        tpu.vector_store %arg8[%swap3A_406, %swap3A_407, %swap3A_408], %swap3A_411 {strides = array<i32>} : memref<4x200x64xf32, #tpu.memory_space<vmem>>, vector<1x1x16xf32>,
        %get3A_412 = arith.constant 1 : i32
        %get3A_413 = arith.index_cast %get3A_412 : i32 to index
        %get3A_414 = arith.index_cast %add3A_379 : i32 to index
        %get3A_415 = arith.constant 32 : index
        %get3A_416 = tpu.vector_load %arg8[%get3A_413, %get3A_414, %get3A_415] {strides = array<i32>} : memref<4x200x64xf32, #tpu.memory_space<vmem>>, vector<1x1x16xf32>,
        %get3A_417 = vector.shape_cast %get3A_416 : vector<1x1x16xf32> to vector<16xf32>
        %mul3A_418 = arith.constant 8.000000e+00 : f32
        %mul3A_419 = vector.broadcast %mul3A_418 : f32 to vector<16xf32>
        %mul3A_420 = arith.mulf %get3A_417, %mul3A_419 : vector<16xf32>
        %swap3A_421 = arith.constant 1 : i32
        %swap3A_422 = arith.index_cast %swap3A_421 : i32 to index
        %swap3A_423 = arith.index_cast %add3A_379 : i32 to index
        %swap3A_424 = arith.constant 32 : index
        %swap3A_425 = tpu.vector_load %arg8[%swap3A_422, %swap3A_423, %swap3A_424] {strides = array<i32>} : memref<4x200x64xf32, #tpu.memory_space<vmem>>, vector<1x1x16xf32>,
        %swap3A_426 = vector.shape_cast %swap3A_425 : vector<1x1x16xf32> to vector<16xf32>
        %swap3A_427 = vector.shape_cast %mul3A_420 : vector<16xf32> to vector<1x1x16xf32>
        tpu.vector_store %arg8[%swap3A_422, %swap3A_423, %swap3A_424], %swap3A_427 {strides = array<i32>} : memref<4x200x64xf32, #tpu.memory_space<vmem>>, vector<1x1x16xf32>,
        %get3A_428 = arith.constant 1 : i32
        %get3A_429 = arith.index_cast %get3A_428 : i32 to index
        %get3A_430 = arith.index_cast %add3A_379 : i32 to index
        %get3A_431 = arith.constant 48 : index
        %get3A_432 = tpu.vector_load %arg8[%get3A_429, %get3A_430, %get3A_431] {strides = array<i32>} : memref<4x200x64xf32, #tpu.memory_space<vmem>>, vector<1x1x16xf32>,
        %get3A_433 = vector.shape_cast %get3A_432 : vector<1x1x16xf32> to vector<16xf32>
        %mul3A_434 = arith.constant 8.000000e+00 : f32
        %mul3A_435 = vector.broadcast %mul3A_434 : f32 to vector<16xf32>
        %mul3A_436 = arith.mulf %get3A_433, %mul3A_435 : vector<16xf32>
        %swap3A_437 = arith.constant 1 : i32
        %swap3A_438 = arith.index_cast %swap3A_437 : i32 to index
        %swap3A_439 = arith.index_cast %add3A_379 : i32 to index
        %swap3A_440 = arith.constant 48 : index
        %swap3A_441 = tpu.vector_load %arg8[%swap3A_438, %swap3A_439, %swap3A_440] {strides = array<i32>} : memref<4x200x64xf32, #tpu.memory_space<vmem>>, vector<1x1x16xf32>,
        %swap3A_442 = vector.shape_cast %swap3A_441 : vector<1x1x16xf32> to vector<16xf32>
        %swap3A_443 = vector.shape_cast %mul3A_436 : vector<16xf32> to vector<1x1x16xf32>
        tpu.vector_store %arg8[%swap3A_438, %swap3A_439, %swap3A_440], %swap3A_443 {strides = array<i32>} : memref<4x200x64xf32, #tpu.memory_space<vmem>>, vector<1x1x16xf32>,
        %scan3A_444 = arith.constant 3 : i32
        %scan3A_445 = arith.addi %scan3A_237, %scan3A_444 : i32
        %mul3A_446 = arith.constant 1 : i32
        %mul3A_447 = arith.muli %scan3A_445, %mul3A_446 : i32
        %add3A_448 = arith.constant 0 : i32
        %add3A_449 = arith.addi %add3A_448, %mul3A_447 : i32
        %get3A_450 = arith.constant 1 : i32
        %get3A_451 = arith.index_cast %get3A_450 : i32 to index
        %get3A_452 = arith.index_cast %add3A_449 : i32 to index
        %get3A_453 = arith.constant 0 : index
        %get3A_454 = tpu.vector_load %arg8[%get3A_451, %get3A_452, %get3A_453] {strides = array<i32>} : memref<4x200x64xf32, #tpu.memory_space<vmem>>, vector<1x1x16xf32>,
        %get3A_455 = vector.shape_cast %get3A_454 : vector<1x1x16xf32> to vector<16xf32>
        %mul3A_456 = arith.constant 8.000000e+00 : f32
        %mul3A_457 = vector.broadcast %mul3A_456 : f32 to vector<16xf32>
        %mul3A_458 = arith.mulf %get3A_455, %mul3A_457 : vector<16xf32>
        %swap3A_459 = arith.constant 1 : i32
        %swap3A_460 = arith.index_cast %swap3A_459 : i32 to index
        %swap3A_461 = arith.index_cast %add3A_449 : i32 to index
        %swap3A_462 = arith.constant 0 : index
        %swap3A_463 = tpu.vector_load %arg8[%swap3A_460, %swap3A_461, %swap3A_462] {strides = array<i32>} : memref<4x200x64xf32, #tpu.memory_space<vmem>>, vector<1x1x16xf32>,
        %swap3A_464 = vector.shape_cast %swap3A_463 : vector<1x1x16xf32> to vector<16xf32>
        %swap3A_465 = vector.shape_cast %mul3A_458 : vector<16xf32> to vector<1x1x16xf32>
        tpu.vector_store %arg8[%swap3A_460, %swap3A_461, %swap3A_462], %swap3A_465 {strides = array<i32>} : memref<4x200x64xf32, #tpu.memory_space<vmem>>, vector<1x1x16xf32>,
        %get3A_466 = arith.constant 1 : i32
        %get3A_467 = arith.index_cast %get3A_466 : i32 to index
        %get3A_468 = arith.index_cast %add3A_449 : i32 to index
        %get3A_469 = arith.constant 16 : index
        %get3A_470 = tpu.vector_load %arg8[%get3A_467, %get3A_468, %get3A_469] {strides = array<i32>} : memref<4x200x64xf32, #tpu.memory_space<vmem>>, vector<1x1x16xf32>,
        %get3A_471 = vector.shape_cast %get3A_470 : vector<1x1x16xf32> to vector<16xf32>
        %mul3A_472 = arith.constant 8.000000e+00 : f32
        %mul3A_473 = vector.broadcast %mul3A_472 : f32 to vector<16xf32>
        %mul3A_474 = arith.mulf %get3A_471, %mul3A_473 : vector<16xf32>
        %swap3A_475 = arith.constant 1 : i32
        %swap3A_476 = arith.index_cast %swap3A_475 : i32 to index
        %swap3A_477 = arith.index_cast %add3A_449 : i32 to index
        %swap3A_478 = arith.constant 16 : index
        %swap3A_479 = tpu.vector_load %arg8[%swap3A_476, %swap3A_477, %swap3A_478] {strides = array<i32>} : memref<4x200x64xf32, #tpu.memory_space<vmem>>, vector<1x1x16xf32>,
        %swap3A_480 = vector.shape_cast %swap3A_479 : vector<1x1x16xf32> to vector<16xf32>
        %swap3A_481 = vector.shape_cast %mul3A_474 : vector<16xf32> to vector<1x1x16xf32>
        tpu.vector_store %arg8[%swap3A_476, %swap3A_477, %swap3A_478], %swap3A_481 {strides = array<i32>} : memref<4x200x64xf32, #tpu.memory_space<vmem>>, vector<1x1x16xf32>,
        %get3A_482 = arith.constant 1 : i32
        %get3A_483 = arith.index_cast %get3A_482 : i32 to index
        %get3A_484 = arith.index_cast %add3A_449 : i32 to index
        %get3A_485 = arith.constant 32 : index
        %get3A_486 = tpu.vector_load %arg8[%get3A_483, %get3A_484, %get3A_485] {strides = array<i32>} : memref<4x200x64xf32, #tpu.memory_space<vmem>>, vector<1x1x16xf32>,
        %get3A_487 = vector.shape_cast %get3A_486 : vector<1x1x16xf32> to vector<16xf32>
        %mul3A_488 = arith.constant 8.000000e+00 : f32
        %mul3A_489 = vector.broadcast %mul3A_488 : f32 to vector<16xf32>
        %mul3A_490 = arith.mulf %get3A_487, %mul3A_489 : vector<16xf32>
        %swap3A_491 = arith.constant 1 : i32
        %swap3A_492 = arith.index_cast %swap3A_491 : i32 to index
        %swap3A_493 = arith.index_cast %add3A_449 : i32 to index
        %swap3A_494 = arith.constant 32 : index
        %swap3A_495 = tpu.vector_load %arg8[%swap3A_492, %swap3A_493, %swap3A_494] {strides = array<i32>} : memref<4x200x64xf32, #tpu.memory_space<vmem>>, vector<1x1x16xf32>,
        %swap3A_496 = vector.shape_cast %swap3A_495 : vector<1x1x16xf32> to vector<16xf32>
        %swap3A_497 = vector.shape_cast %mul3A_490 : vector<16xf32> to vector<1x1x16xf32>
        tpu.vector_store %arg8[%swap3A_492, %swap3A_493, %swap3A_494], %swap3A_497 {strides = array<i32>} : memref<4x200x64xf32, #tpu.memory_space<vmem>>, vector<1x1x16xf32>,
        %get3A_498 = arith.constant 1 : i32
        %get3A_499 = arith.index_cast %get3A_498 : i32 to index
        %get3A_500 = arith.index_cast %add3A_449 : i32 to index
        %get3A_501 = arith.constant 48 : index
        %get3A_502 = tpu.vector_load %arg8[%get3A_499, %get3A_500, %get3A_501] {strides = array<i32>} : memref<4x200x64xf32, #tpu.memory_space<vmem>>, vector<1x1x16xf32>,
        %get3A_503 = vector.shape_cast %get3A_502 : vector<1x1x16xf32> to vector<16xf32>
        %mul3A_504 = arith.constant 8.000000e+00 : f32
        %mul3A_505 = vector.broadcast %mul3A_504 : f32 to vector<16xf32>
        %mul3A_506 = arith.mulf %get3A_503, %mul3A_505 : vector<16xf32>
        %swap3A_507 = arith.constant 1 : i32
        %swap3A_508 = arith.index_cast %swap3A_507 : i32 to index
        %swap3A_509 = arith.index_cast %add3A_449 : i32 to index
        %swap3A_510 = arith.constant 48 : index
        %swap3A_511 = tpu.vector_load %arg8[%swap3A_508, %swap3A_509, %swap3A_510] {strides = array<i32>} : memref<4x200x64xf32, #tpu.memory_space<vmem>>, vector<1x1x16xf32>,
        %swap3A_512 = vector.shape_cast %swap3A_511 : vector<1x1x16xf32> to vector<16xf32>
        %swap3A_513 = vector.shape_cast %mul3A_506 : vector<16xf32> to vector<1x1x16xf32>
        tpu.vector_store %arg8[%swap3A_508, %swap3A_509, %swap3A_510], %swap3A_513 {strides = array<i32>} : memref<4x200x64xf32, #tpu.memory_space<vmem>>, vector<1x1x16xf32>,
        %scan3A_514 = arith.constant 4 : i32
        %scan3A_515 = arith.addi %scan3A_237, %scan3A_514 : i32
        %mul3A_516 = arith.constant 1 : i32
        %mul3A_517 = arith.muli %scan3A_515, %mul3A_516 : i32
        %add3A_518 = arith.constant 0 : i32
        %add3A_519 = arith.addi %add3A_518, %mul3A_517 : i32
        %get3A_520 = arith.constant 1 : i32
        %get3A_521 = arith.index_cast %get3A_520 : i32 to index
        %get3A_522 = arith.index_cast %add3A_519 : i32 to index
        %get3A_523 = arith.constant 0 : index
        %get3A_524 = tpu.vector_load %arg8[%get3A_521, %get3A_522, %get3A_523] {strides = array<i32>} : memref<4x200x64xf32, #tpu.memory_space<vmem>>, vector<1x1x16xf32>,
        %get3A_525 = vector.shape_cast %get3A_524 : vector<1x1x16xf32> to vector<16xf32>
        %mul3A_526 = arith.constant 8.000000e+00 : f32
        %mul3A_527 = vector.broadcast %mul3A_526 : f32 to vector<16xf32>
        %mul3A_528 = arith.mulf %get3A_525, %mul3A_527 : vector<16xf32>
        %swap3A_529 = arith.constant 1 : i32
        %swap3A_530 = arith.index_cast %swap3A_529 : i32 to index
        %swap3A_531 = arith.index_cast %add3A_519 : i32 to index
        %swap3A_532 = arith.constant 0 : index
        %swap3A_533 = tpu.vector_load %arg8[%swap3A_530, %swap3A_531, %swap3A_532] {strides = array<i32>} : memref<4x200x64xf32, #tpu.memory_space<vmem>>, vector<1x1x16xf32>,
        %swap3A_534 = vector.shape_cast %swap3A_533 : vector<1x1x16xf32> to vector<16xf32>
        %swap3A_535 = vector.shape_cast %mul3A_528 : vector<16xf32> to vector<1x1x16xf32>
        tpu.vector_store %arg8[%swap3A_530, %swap3A_531, %swap3A_532], %swap3A_535 {strides = array<i32>} : memref<4x200x64xf32, #tpu.memory_space<vmem>>, vector<1x1x16xf32>,
        %get3A_536 = arith.constant 1 : i32
        %get3A_537 = arith.index_cast %get3A_536 : i32 to index
        %get3A_538 = arith.index_cast %add3A_519 : i32 to index
        %get3A_539 = arith.constant 16 : index
        %get3A_540 = tpu.vector_load %arg8[%get3A_537, %get3A_538, %get3A_539] {strides = array<i32>} : memref<4x200x64xf32, #tpu.memory_space<vmem>>, vector<1x1x16xf32>,
        %get3A_541 = vector.shape_cast %get3A_540 : vector<1x1x16xf32> to vector<16xf32>
        %mul3A_542 = arith.constant 8.000000e+00 : f32
        %mul3A_543 = vector.broadcast %mul3A_542 : f32 to vector<16xf32>
        %mul3A_544 = arith.mulf %get3A_541, %mul3A_543 : vector<16xf32>
        %swap3A_545 = arith.constant 1 : i32
        %swap3A_546 = arith.index_cast %swap3A_545 : i32 to index
        %swap3A_547 = arith.index_cast %add3A_519 : i32 to index
        %swap3A_548 = arith.constant 16 : index
        %swap3A_549 = tpu.vector_load %arg8[%swap3A_546, %swap3A_547, %swap3A_548] {strides = array<i32>} : memref<4x200x64xf32, #tpu.memory_space<vmem>>, vector<1x1x16xf32>,
        %swap3A_550 = vector.shape_cast %swap3A_549 : vector<1x1x16xf32> to vector<16xf32>
        %swap3A_551 = vector.shape_cast %mul3A_544 : vector<16xf32> to vector<1x1x16xf32>
        tpu.vector_store %arg8[%swap3A_546, %swap3A_547, %swap3A_548], %swap3A_551 {strides = array<i32>} : memref<4x200x64xf32, #tpu.memory_space<vmem>>, vector<1x1x16xf32>,
        %get3A_552 = arith.constant 1 : i32
        %get3A_553 = arith.index_cast %get3A_552 : i32 to index
        %get3A_554 = arith.index_cast %add3A_519 : i32 to index
        %get3A_555 = arith.constant 32 : index
        %get3A_556 = tpu.vector_load %arg8[%get3A_553, %get3A_554, %get3A_555] {strides = array<i32>} : memref<4x200x64xf32, #tpu.memory_space<vmem>>, vector<1x1x16xf32>,
        %get3A_557 = vector.shape_cast %get3A_556 : vector<1x1x16xf32> to vector<16xf32>
        %mul3A_558 = arith.constant 8.000000e+00 : f32
        %mul3A_559 = vector.broadcast %mul3A_558 : f32 to vector<16xf32>
        %mul3A_560 = arith.mulf %get3A_557, %mul3A_559 : vector<16xf32>
        %swap3A_561 = arith.constant 1 : i32
        %swap3A_562 = arith.index_cast %swap3A_561 : i32 to index
        %swap3A_563 = arith.index_cast %add3A_519 : i32 to index
        %swap3A_564 = arith.constant 32 : index
        %swap3A_565 = tpu.vector_load %arg8[%swap3A_562, %swap3A_563, %swap3A_564] {strides = array<i32>} : memref<4x200x64xf32, #tpu.memory_space<vmem>>, vector<1x1x16xf32>,
        %swap3A_566 = vector.shape_cast %swap3A_565 : vector<1x1x16xf32> to vector<16xf32>
        %swap3A_567 = vector.shape_cast %mul3A_560 : vector<16xf32> to vector<1x1x16xf32>
        tpu.vector_store %arg8[%swap3A_562, %swap3A_563, %swap3A_564], %swap3A_567 {strides = array<i32>} : memref<4x200x64xf32, #tpu.memory_space<vmem>>, vector<1x1x16xf32>,
        %get3A_568 = arith.constant 1 : i32
        %get3A_569 = arith.index_cast %get3A_568 : i32 to index
        %get3A_570 = arith.index_cast %add3A_519 : i32 to index
        %get3A_571 = arith.constant 48 : index
        %get3A_572 = tpu.vector_load %arg8[%get3A_569, %get3A_570, %get3A_571] {strides = array<i32>} : memref<4x200x64xf32, #tpu.memory_space<vmem>>, vector<1x1x16xf32>,
        %get3A_573 = vector.shape_cast %get3A_572 : vector<1x1x16xf32> to vector<16xf32>
        %mul3A_574 = arith.constant 8.000000e+00 : f32
        %mul3A_575 = vector.broadcast %mul3A_574 : f32 to vector<16xf32>
        %mul3A_576 = arith.mulf %get3A_573, %mul3A_575 : vector<16xf32>
        %swap3A_577 = arith.constant 1 : i32
        %swap3A_578 = arith.index_cast %swap3A_577 : i32 to index
        %swap3A_579 = arith.index_cast %add3A_519 : i32 to index
        %swap3A_580 = arith.constant 48 : index
        %swap3A_581 = tpu.vector_load %arg8[%swap3A_578, %swap3A_579, %swap3A_580] {strides = array<i32>} : memref<4x200x64xf32, #tpu.memory_space<vmem>>, vector<1x1x16xf32>,
        %swap3A_582 = vector.shape_cast %swap3A_581 : vector<1x1x16xf32> to vector<16xf32>
        %swap3A_583 = vector.shape_cast %mul3A_576 : vector<16xf32> to vector<1x1x16xf32>
        tpu.vector_store %arg8[%swap3A_578, %swap3A_579, %swap3A_580], %swap3A_583 {strides = array<i32>} : memref<4x200x64xf32, #tpu.memory_space<vmem>>, vector<1x1x16xf32>,
        %scan3A_584 = arith.constant 5 : i32
        %scan3A_585 = arith.addi %scan3A_237, %scan3A_584 : i32
        %mul3A_586 = arith.constant 1 : i32
        %mul3A_587 = arith.muli %scan3A_585, %mul3A_586 : i32
        %add3A_588 = arith.constant 0 : i32
        %add3A_589 = arith.addi %add3A_588, %mul3A_587 : i32
        %get3A_590 = arith.constant 1 : i32
        %get3A_591 = arith.index_cast %get3A_590 : i32 to index
        %get3A_592 = arith.index_cast %add3A_589 : i32 to index
        %get3A_593 = arith.constant 0 : index
        %get3A_594 = tpu.vector_load %arg8[%get3A_591, %get3A_592, %get3A_593] {strides = array<i32>} : memref<4x200x64xf32, #tpu.memory_space<vmem>>, vector<1x1x16xf32>,
        %get3A_595 = vector.shape_cast %get3A_594 : vector<1x1x16xf32> to vector<16xf32>
        %mul3A_596 = arith.constant 8.000000e+00 : f32
        %mul3A_597 = vector.broadcast %mul3A_596 : f32 to vector<16xf32>
        %mul3A_598 = arith.mulf %get3A_595, %mul3A_597 : vector<16xf32>
        %swap3A_599 = arith.constant 1 : i32
        %swap3A_600 = arith.index_cast %swap3A_599 : i32 to index
        %swap3A_601 = arith.index_cast %add3A_589 : i32 to index
        %swap3A_602 = arith.constant 0 : index
        %swap3A_603 = tpu.vector_load %arg8[%swap3A_600, %swap3A_601, %swap3A_602] {strides = array<i32>} : memref<4x200x64xf32, #tpu.memory_space<vmem>>, vector<1x1x16xf32>,
        %swap3A_604 = vector.shape_cast %swap3A_603 : vector<1x1x16xf32> to vector<16xf32>
        %swap3A_605 = vector.shape_cast %mul3A_598 : vector<16xf32> to vector<1x1x16xf32>
        tpu.vector_store %arg8[%swap3A_600, %swap3A_601, %swap3A_602], %swap3A_605 {strides = array<i32>} : memref<4x200x64xf32, #tpu.memory_space<vmem>>, vector<1x1x16xf32>,
        %get3A_606 = arith.constant 1 : i32
        %get3A_607 = arith.index_cast %get3A_606 : i32 to index
        %get3A_608 = arith.index_cast %add3A_589 : i32 to index
        %get3A_609 = arith.constant 16 : index
        %get3A_610 = tpu.vector_load %arg8[%get3A_607, %get3A_608, %get3A_609] {strides = array<i32>} : memref<4x200x64xf32, #tpu.memory_space<vmem>>, vector<1x1x16xf32>,
        %get3A_611 = vector.shape_cast %get3A_610 : vector<1x1x16xf32> to vector<16xf32>
        %mul3A_612 = arith.constant 8.000000e+00 : f32
        %mul3A_613 = vector.broadcast %mul3A_612 : f32 to vector<16xf32>
        %mul3A_614 = arith.mulf %get3A_611, %mul3A_613 : vector<16xf32>
        %swap3A_615 = arith.constant 1 : i32
        %swap3A_616 = arith.index_cast %swap3A_615 : i32 to index
        %swap3A_617 = arith.index_cast %add3A_589 : i32 to index
        %swap3A_618 = arith.constant 16 : index
        %swap3A_619 = tpu.vector_load %arg8[%swap3A_616, %swap3A_617, %swap3A_618] {strides = array<i32>} : memref<4x200x64xf32, #tpu.memory_space<vmem>>, vector<1x1x16xf32>,
        %swap3A_620 = vector.shape_cast %swap3A_619 : vector<1x1x16xf32> to vector<16xf32>
        %swap3A_621 = vector.shape_cast %mul3A_614 : vector<16xf32> to vector<1x1x16xf32>
        tpu.vector_store %arg8[%swap3A_616, %swap3A_617, %swap3A_618], %swap3A_621 {strides = array<i32>} : memref<4x200x64xf32, #tpu.memory_space<vmem>>, vector<1x1x16xf32>,
        %get3A_622 = arith.constant 1 : i32
        %get3A_623 = arith.index_cast %get3A_622 : i32 to index
        %get3A_624 = arith.index_cast %add3A_589 : i32 to index
        %get3A_625 = arith.constant 32 : index
        %get3A_626 = tpu.vector_load %arg8[%get3A_623, %get3A_624, %get3A_625] {strides = array<i32>} : memref<4x200x64xf32, #tpu.memory_space<vmem>>, vector<1x1x16xf32>,
        %get3A_627 = vector.shape_cast %get3A_626 : vector<1x1x16xf32> to vector<16xf32>
        %mul3A_628 = arith.constant 8.000000e+00 : f32
        %mul3A_629 = vector.broadcast %mul3A_628 : f32 to vector<16xf32>
        %mul3A_630 = arith.mulf %get3A_627, %mul3A_629 : vector<16xf32>
        %swap3A_631 = arith.constant 1 : i32
        %swap3A_632 = arith.index_cast %swap3A_631 : i32 to index
        %swap3A_633 = arith.index_cast %add3A_589 : i32 to index
        %swap3A_634 = arith.constant 32 : index
        %swap3A_635 = tpu.vector_load %arg8[%swap3A_632, %swap3A_633, %swap3A_634] {strides = array<i32>} : memref<4x200x64xf32, #tpu.memory_space<vmem>>, vector<1x1x16xf32>,
        %swap3A_636 = vector.shape_cast %swap3A_635 : vector<1x1x16xf32> to vector<16xf32>
        %swap3A_637 = vector.shape_cast %mul3A_630 : vector<16xf32> to vector<1x1x16xf32>
        tpu.vector_store %arg8[%swap3A_632, %swap3A_633, %swap3A_634], %swap3A_637 {strides = array<i32>} : memref<4x200x64xf32, #tpu.memory_space<vmem>>, vector<1x1x16xf32>,
        %get3A_638 = arith.constant 1 : i32
        %get3A_639 = arith.index_cast %get3A_638 : i32 to index
        %get3A_640 = arith.index_cast %add3A_589 : i32 to index
        %get3A_641 = arith.constant 48 : index
        %get3A_642 = tpu.vector_load %arg8[%get3A_639, %get3A_640, %get3A_641] {strides = array<i32>} : memref<4x200x64xf32, #tpu.memory_space<vmem>>, vector<1x1x16xf32>,
        %get3A_643 = vector.shape_cast %get3A_642 : vector<1x1x16xf32> to vector<16xf32>
        %mul3A_644 = arith.constant 8.000000e+00 : f32
        %mul3A_645 = vector.broadcast %mul3A_644 : f32 to vector<16xf32>
        %mul3A_646 = arith.mulf %get3A_643, %mul3A_645 : vector<16xf32>
        %swap3A_647 = arith.constant 1 : i32
        %swap3A_648 = arith.index_cast %swap3A_647 : i32 to index
        %swap3A_649 = arith.index_cast %add3A_589 : i32 to index
        %swap3A_650 = arith.constant 48 : index
        %swap3A_651 = tpu.vector_load %arg8[%swap3A_648, %swap3A_649, %swap3A_650] {strides = array<i32>} : memref<4x200x64xf32, #tpu.memory_space<vmem>>, vector<1x1x16xf32>,
        %swap3A_652 = vector.shape_cast %swap3A_651 : vector<1x1x16xf32> to vector<16xf32>
        %swap3A_653 = vector.shape_cast %mul3A_646 : vector<16xf32> to vector<1x1x16xf32>
        tpu.vector_store %arg8[%swap3A_648, %swap3A_649, %swap3A_650], %swap3A_653 {strides = array<i32>} : memref<4x200x64xf32, #tpu.memory_space<vmem>>, vector<1x1x16xf32>,
        %scan3A_654 = arith.constant 6 : i32
        %scan3A_655 = arith.addi %scan3A_237, %scan3A_654 : i32
        %mul3A_656 = arith.constant 1 : i32
        %mul3A_657 = arith.muli %scan3A_655, %mul3A_656 : i32
        %add3A_658 = arith.constant 0 : i32
        %add3A_659 = arith.addi %add3A_658, %mul3A_657 : i32
        %get3A_660 = arith.constant 1 : i32
        %get3A_661 = arith.index_cast %get3A_660 : i32 to index
        %get3A_662 = arith.index_cast %add3A_659 : i32 to index
        %get3A_663 = arith.constant 0 : index
        %get3A_664 = tpu.vector_load %arg8[%get3A_661, %get3A_662, %get3A_663] {strides = array<i32>} : memref<4x200x64xf32, #tpu.memory_space<vmem>>, vector<1x1x16xf32>,
        %get3A_665 = vector.shape_cast %get3A_664 : vector<1x1x16xf32> to vector<16xf32>
        %mul3A_666 = arith.constant 8.000000e+00 : f32
        %mul3A_667 = vector.broadcast %mul3A_666 : f32 to vector<16xf32>
        %mul3A_668 = arith.mulf %get3A_665, %mul3A_667 : vector<16xf32>
        %swap3A_669 = arith.constant 1 : i32
        %swap3A_670 = arith.index_cast %swap3A_669 : i32 to index
        %swap3A_671 = arith.index_cast %add3A_659 : i32 to index
        %swap3A_672 = arith.constant 0 : index
        %swap3A_673 = tpu.vector_load %arg8[%swap3A_670, %swap3A_671, %swap3A_672] {strides = array<i32>} : memref<4x200x64xf32, #tpu.memory_space<vmem>>, vector<1x1x16xf32>,
        %swap3A_674 = vector.shape_cast %swap3A_673 : vector<1x1x16xf32> to vector<16xf32>
        %swap3A_675 = vector.shape_cast %mul3A_668 : vector<16xf32> to vector<1x1x16xf32>
        tpu.vector_store %arg8[%swap3A_670, %swap3A_671, %swap3A_672], %swap3A_675 {strides = array<i32>} : memref<4x200x64xf32, #tpu.memory_space<vmem>>, vector<1x1x16xf32>,
        %get3A_676 = arith.constant 1 : i32
        %get3A_677 = arith.index_cast %get3A_676 : i32 to index
        %get3A_678 = arith.index_cast %add3A_659 : i32 to index
        %get3A_679 = arith.constant 16 : index
        %get3A_680 = tpu.vector_load %arg8[%get3A_677, %get3A_678, %get3A_679] {strides = array<i32>} : memref<4x200x64xf32, #tpu.memory_space<vmem>>, vector<1x1x16xf32>,
        %get3A_681 = vector.shape_cast %get3A_680 : vector<1x1x16xf32> to vector<16xf32>
        %mul3A_682 = arith.constant 8.000000e+00 : f32
        %mul3A_683 = vector.broadcast %mul3A_682 : f32 to vector<16xf32>
        %mul3A_684 = arith.mulf %get3A_681, %mul3A_683 : vector<16xf32>
        %swap3A_685 = arith.constant 1 : i32
        %swap3A_686 = arith.index_cast %swap3A_685 : i32 to index
        %swap3A_687 = arith.index_cast %add3A_659 : i32 to index
        %swap3A_688 = arith.constant 16 : index
        %swap3A_689 = tpu.vector_load %arg8[%swap3A_686, %swap3A_687, %swap3A_688] {strides = array<i32>} : memref<4x200x64xf32, #tpu.memory_space<vmem>>, vector<1x1x16xf32>,
        %swap3A_690 = vector.shape_cast %swap3A_689 : vector<1x1x16xf32> to vector<16xf32>
        %swap3A_691 = vector.shape_cast %mul3A_684 : vector<16xf32> to vector<1x1x16xf32>
        tpu.vector_store %arg8[%swap3A_686, %swap3A_687, %swap3A_688], %swap3A_691 {strides = array<i32>} : memref<4x200x64xf32, #tpu.memory_space<vmem>>, vector<1x1x16xf32>,
        %get3A_692 = arith.constant 1 : i32
        %get3A_693 = arith.index_cast %get3A_692 : i32 to index
        %get3A_694 = arith.index_cast %add3A_659 : i32 to index
        %get3A_695 = arith.constant 32 : index
        %get3A_696 = tpu.vector_load %arg8[%get3A_693, %get3A_694, %get3A_695] {strides = array<i32>} : memref<4x200x64xf32, #tpu.memory_space<vmem>>, vector<1x1x16xf32>,
        %get3A_697 = vector.shape_cast %get3A_696 : vector<1x1x16xf32> to vector<16xf32>
        %mul3A_698 = arith.constant 8.000000e+00 : f32
        %mul3A_699 = vector.broadcast %mul3A_698 : f32 to vector<16xf32>
        %mul3A_700 = arith.mulf %get3A_697, %mul3A_699 : vector<16xf32>
        %swap3A_701 = arith.constant 1 : i32
        %swap3A_702 = arith.index_cast %swap3A_701 : i32 to index
        %swap3A_703 = arith.index_cast %add3A_659 : i32 to index
        %swap3A_704 = arith.constant 32 : index
        %swap3A_705 = tpu.vector_load %arg8[%swap3A_702, %swap3A_703, %swap3A_704] {strides = array<i32>} : memref<4x200x64xf32, #tpu.memory_space<vmem>>, vector<1x1x16xf32>,
        %swap3A_706 = vector.shape_cast %swap3A_705 : vector<1x1x16xf32> to vector<16xf32>
        %swap3A_707 = vector.shape_cast %mul3A_700 : vector<16xf32> to vector<1x1x16xf32>
        tpu.vector_store %arg8[%swap3A_702, %swap3A_703, %swap3A_704], %swap3A_707 {strides = array<i32>} : memref<4x200x64xf32, #tpu.memory_space<vmem>>, vector<1x1x16xf32>,
        %get3A_708 = arith.constant 1 : i32
        %get3A_709 = arith.index_cast %get3A_708 : i32 to index
        %get3A_710 = arith.index_cast %add3A_659 : i32 to index
        %get3A_711 = arith.constant 48 : index
        %get3A_712 = tpu.vector_load %arg8[%get3A_709, %get3A_710, %get3A_711] {strides = array<i32>} : memref<4x200x64xf32, #tpu.memory_space<vmem>>, vector<1x1x16xf32>,
        %get3A_713 = vector.shape_cast %get3A_712 : vector<1x1x16xf32> to vector<16xf32>
        %mul3A_714 = arith.constant 8.000000e+00 : f32
        %mul3A_715 = vector.broadcast %mul3A_714 : f32 to vector<16xf32>
        %mul3A_716 = arith.mulf %get3A_713, %mul3A_715 : vector<16xf32>
        %swap3A_717 = arith.constant 1 : i32
        %swap3A_718 = arith.index_cast %swap3A_717 : i32 to index
        %swap3A_719 = arith.index_cast %add3A_659 : i32 to index
        %swap3A_720 = arith.constant 48 : index
        %swap3A_721 = tpu.vector_load %arg8[%swap3A_718, %swap3A_719, %swap3A_720] {strides = array<i32>} : memref<4x200x64xf32, #tpu.memory_space<vmem>>, vector<1x1x16xf32>,
        %swap3A_722 = vector.shape_cast %swap3A_721 : vector<1x1x16xf32> to vector<16xf32>
        %swap3A_723 = vector.shape_cast %mul3A_716 : vector<16xf32> to vector<1x1x16xf32>
        tpu.vector_store %arg8[%swap3A_718, %swap3A_719, %swap3A_720], %swap3A_723 {strides = array<i32>} : memref<4x200x64xf32, #tpu.memory_space<vmem>>, vector<1x1x16xf32>,
        %scan3A_724 = arith.constant 7 : i32
        %scan3A_725 = arith.addi %scan3A_237, %scan3A_724 : i32
        %mul3A_726 = arith.constant 1 : i32
        %mul3A_727 = arith.muli %scan3A_725, %mul3A_726 : i32
        %add3A_728 = arith.constant 0 : i32
        %add3A_729 = arith.addi %add3A_728, %mul3A_727 : i32
        %get3A_730 = arith.constant 1 : i32
        %get3A_731 = arith.index_cast %get3A_730 : i32 to index
        %get3A_732 = arith.index_cast %add3A_729 : i32 to index
        %get3A_733 = arith.constant 0 : index
        %get3A_734 = tpu.vector_load %arg8[%get3A_731, %get3A_732, %get3A_733] {strides = array<i32>} : memref<4x200x64xf32, #tpu.memory_space<vmem>>, vector<1x1x16xf32>,
        %get3A_735 = vector.shape_cast %get3A_734 : vector<1x1x16xf32> to vector<16xf32>
        %mul3A_736 = arith.constant 8.000000e+00 : f32
        %mul3A_737 = vector.broadcast %mul3A_736 : f32 to vector<16xf32>
        %mul3A_738 = arith.mulf %get3A_735, %mul3A_737 : vector<16xf32>
        %swap3A_739 = arith.constant 1 : i32
        %swap3A_740 = arith.index_cast %swap3A_739 : i32 to index
        %swap3A_741 = arith.index_cast %add3A_729 : i32 to index
        %swap3A_742 = arith.constant 0 : index
        %swap3A_743 = tpu.vector_load %arg8[%swap3A_740, %swap3A_741, %swap3A_742] {strides = array<i32>} : memref<4x200x64xf32, #tpu.memory_space<vmem>>, vector<1x1x16xf32>,
        %swap3A_744 = vector.shape_cast %swap3A_743 : vector<1x1x16xf32> to vector<16xf32>
        %swap3A_745 = vector.shape_cast %mul3A_738 : vector<16xf32> to vector<1x1x16xf32>
        tpu.vector_store %arg8[%swap3A_740, %swap3A_741, %swap3A_742], %swap3A_745 {strides = array<i32>} : memref<4x200x64xf32, #tpu.memory_space<vmem>>, vector<1x1x16xf32>,
        %get3A_746 = arith.constant 1 : i32
        %get3A_747 = arith.index_cast %get3A_746 : i32 to index
        %get3A_748 = arith.index_cast %add3A_729 : i32 to index
        %get3A_749 = arith.constant 16 : index
        %get3A_750 = tpu.vector_load %arg8[%get3A_747, %get3A_748, %get3A_749] {strides = array<i32>} : memref<4x200x64xf32, #tpu.memory_space<vmem>>, vector<1x1x16xf32>,
        %get3A_751 = vector.shape_cast %get3A_750 : vector<1x1x16xf32> to vector<16xf32>
        %mul3A_752 = arith.constant 8.000000e+00 : f32
        %mul3A_753 = vector.broadcast %mul3A_752 : f32 to vector<16xf32>
        %mul3A_754 = arith.mulf %get3A_751, %mul3A_753 : vector<16xf32>
        %swap3A_755 = arith.constant 1 : i32
        %swap3A_756 = arith.index_cast %swap3A_755 : i32 to index
        %swap3A_757 = arith.index_cast %add3A_729 : i32 to index
        %swap3A_758 = arith.constant 16 : index
        %swap3A_759 = tpu.vector_load %arg8[%swap3A_756, %swap3A_757, %swap3A_758] {strides = array<i32>} : memref<4x200x64xf32, #tpu.memory_space<vmem>>, vector<1x1x16xf32>,
        %swap3A_760 = vector.shape_cast %swap3A_759 : vector<1x1x16xf32> to vector<16xf32>
        %swap3A_761 = vector.shape_cast %mul3A_754 : vector<16xf32> to vector<1x1x16xf32>
        tpu.vector_store %arg8[%swap3A_756, %swap3A_757, %swap3A_758], %swap3A_761 {strides = array<i32>} : memref<4x200x64xf32, #tpu.memory_space<vmem>>, vector<1x1x16xf32>,
        %get3A_762 = arith.constant 1 : i32
        %get3A_763 = arith.index_cast %get3A_762 : i32 to index
        %get3A_764 = arith.index_cast %add3A_729 : i32 to index
        %get3A_765 = arith.constant 32 : index
        %get3A_766 = tpu.vector_load %arg8[%get3A_763, %get3A_764, %get3A_765] {strides = array<i32>} : memref<4x200x64xf32, #tpu.memory_space<vmem>>, vector<1x1x16xf32>,
        %get3A_767 = vector.shape_cast %get3A_766 : vector<1x1x16xf32> to vector<16xf32>
        %mul3A_768 = arith.constant 8.000000e+00 : f32
        %mul3A_769 = vector.broadcast %mul3A_768 : f32 to vector<16xf32>
        %mul3A_770 = arith.mulf %get3A_767, %mul3A_769 : vector<16xf32>
        %swap3A_771 = arith.constant 1 : i32
        %swap3A_772 = arith.index_cast %swap3A_771 : i32 to index
        %swap3A_773 = arith.index_cast %add3A_729 : i32 to index
        %swap3A_774 = arith.constant 32 : index
        %swap3A_775 = tpu.vector_load %arg8[%swap3A_772, %swap3A_773, %swap3A_774] {strides = array<i32>} : memref<4x200x64xf32, #tpu.memory_space<vmem>>, vector<1x1x16xf32>,
        %swap3A_776 = vector.shape_cast %swap3A_775 : vector<1x1x16xf32> to vector<16xf32>
        %swap3A_777 = vector.shape_cast %mul3A_770 : vector<16xf32> to vector<1x1x16xf32>
        tpu.vector_store %arg8[%swap3A_772, %swap3A_773, %swap3A_774], %swap3A_777 {strides = array<i32>} : memref<4x200x64xf32, #tpu.memory_space<vmem>>, vector<1x1x16xf32>,
        %get3A_778 = arith.constant 1 : i32
        %get3A_779 = arith.index_cast %get3A_778 : i32 to index
        %get3A_780 = arith.index_cast %add3A_729 : i32 to index
        %get3A_781 = arith.constant 48 : index
        %get3A_782 = tpu.vector_load %arg8[%get3A_779, %get3A_780, %get3A_781] {strides = array<i32>} : memref<4x200x64xf32, #tpu.memory_space<vmem>>, vector<1x1x16xf32>,
        %get3A_783 = vector.shape_cast %get3A_782 : vector<1x1x16xf32> to vector<16xf32>
        %mul3A_784 = arith.constant 8.000000e+00 : f32
        %mul3A_785 = vector.broadcast %mul3A_784 : f32 to vector<16xf32>
        %mul3A_786 = arith.mulf %get3A_783, %mul3A_785 : vector<16xf32>
        %swap3A_787 = arith.constant 1 : i32
        %swap3A_788 = arith.index_cast %swap3A_787 : i32 to index
        %swap3A_789 = arith.index_cast %add3A_729 : i32 to index
        %swap3A_790 = arith.constant 48 : index
        %swap3A_791 = tpu.vector_load %arg8[%swap3A_788, %swap3A_789, %swap3A_790] {strides = array<i32>} : memref<4x200x64xf32, #tpu.memory_space<vmem>>, vector<1x1x16xf32>,
        %swap3A_792 = vector.shape_cast %swap3A_791 : vector<1x1x16xf32> to vector<16xf32>
        %swap3A_793 = vector.shape_cast %mul3A_786 : vector<16xf32> to vector<1x1x16xf32>
        tpu.vector_store %arg8[%swap3A_788, %swap3A_789, %swap3A_790], %swap3A_793 {strides = array<i32>} : memref<4x200x64xf32, #tpu.memory_space<vmem>>, vector<1x1x16xf32>,
      }
      %scan3A_223 = arith.constant 200 : i32
      %scan3A_224 = arith.constant 0 : i32
      %scan3A_225 = arith.constant 200 : i32
      %scan3A_226 = arith.addi %scan3A_224, %scan3A_225 : i32
      %scan3A_227 = arith.constant 8 : i32
      scf.for %scan3A_237 = %scan3A_224 to %scan3A_226 step %scan3A_227  : i32 {
        %mul3A_238 = arith.constant 1 : i32
        %mul3A_239 = arith.muli %scan3A_237, %mul3A_238 : i32
        %add3A_240 = arith.constant 0 : i32
        %add3A_241 = arith.addi %add3A_240, %mul3A_239 : i32
        %get3A = arith.constant 2 : i32
        %get3A_242 = arith.index_cast %get3A : i32 to index
        %get3A_243 = arith.index_cast %add3A_241 : i32 to index
        %get3A_244 = arith.constant 0 : index
        %get3A_245 = tpu.vector_load %arg8[%get3A_242, %get3A_243, %get3A_244] {strides = array<i32>} : memref<4x200x64xf32, #tpu.memory_space<vmem>>, vector<1x1x16xf32>,
        %get3A_246 = vector.shape_cast %get3A_245 : vector<1x1x16xf32> to vector<16xf32>
        %mul3A_247 = arith.constant 8.000000e+00 : f32
        %mul3A_248 = vector.broadcast %mul3A_247 : f32 to vector<16xf32>
        %mul3A_249 = arith.mulf %get3A_246, %mul3A_248 : vector<16xf32>
        %swap3A = arith.constant 2 : i32
        %swap3A_250 = arith.index_cast %swap3A : i32 to index
        %swap3A_251 = arith.index_cast %add3A_241 : i32 to index
        %swap3A_252 = arith.constant 0 : index
        %swap3A_253 = tpu.vector_load %arg8[%swap3A_250, %swap3A_251, %swap3A_252] {strides = array<i32>} : memref<4x200x64xf32, #tpu.memory_space<vmem>>, vector<1x1x16xf32>,
        %swap3A_254 = vector.shape_cast %swap3A_253 : vector<1x1x16xf32> to vector<16xf32>
        %swap3A_255 = vector.shape_cast %mul3A_249 : vector<16xf32> to vector<1x1x16xf32>
        tpu.vector_store %arg8[%swap3A_250, %swap3A_251, %swap3A_252], %swap3A_255 {strides = array<i32>} : memref<4x200x64xf32, #tpu.memory_space<vmem>>, vector<1x1x16xf32>,
        %get3A_256 = arith.constant 2 : i32
        %get3A_257 = arith.index_cast %get3A_256 : i32 to index
        %get3A_258 = arith.index_cast %add3A_241 : i32 to index
        %get3A_259 = arith.constant 16 : index
        %get3A_260 = tpu.vector_load %arg8[%get3A_257, %get3A_258, %get3A_259] {strides = array<i32>} : memref<4x200x64xf32, #tpu.memory_space<vmem>>, vector<1x1x16xf32>,
        %get3A_261 = vector.shape_cast %get3A_260 : vector<1x1x16xf32> to vector<16xf32>
        %mul3A_262 = arith.constant 8.000000e+00 : f32
        %mul3A_263 = vector.broadcast %mul3A_262 : f32 to vector<16xf32>
        %mul3A_264 = arith.mulf %get3A_261, %mul3A_263 : vector<16xf32>
        %swap3A_265 = arith.constant 2 : i32
        %swap3A_266 = arith.index_cast %swap3A_265 : i32 to index
        %swap3A_267 = arith.index_cast %add3A_241 : i32 to index
        %swap3A_268 = arith.constant 16 : index
        %swap3A_269 = tpu.vector_load %arg8[%swap3A_266, %swap3A_267, %swap3A_268] {strides = array<i32>} : memref<4x200x64xf32, #tpu.memory_space<vmem>>, vector<1x1x16xf32>,
        %swap3A_270 = vector.shape_cast %swap3A_269 : vector<1x1x16xf32> to vector<16xf32>
        %swap3A_271 = vector.shape_cast %mul3A_264 : vector<16xf32> to vector<1x1x16xf32>
        tpu.vector_store %arg8[%swap3A_266, %swap3A_267, %swap3A_268], %swap3A_271 {strides = array<i32>} : memref<4x200x64xf32, #tpu.memory_space<vmem>>, vector<1x1x16xf32>,
        %get3A_272 = arith.constant 2 : i32
        %get3A_273 = arith.index_cast %get3A_272 : i32 to index
        %get3A_274 = arith.index_cast %add3A_241 : i32 to index
        %get3A_275 = arith.constant 32 : index
        %get3A_276 = tpu.vector_load %arg8[%get3A_273, %get3A_274, %get3A_275] {strides = array<i32>} : memref<4x200x64xf32, #tpu.memory_space<vmem>>, vector<1x1x16xf32>,
        %get3A_277 = vector.shape_cast %get3A_276 : vector<1x1x16xf32> to vector<16xf32>
        %mul3A_278 = arith.constant 8.000000e+00 : f32
        %mul3A_279 = vector.broadcast %mul3A_278 : f32 to vector<16xf32>
        %mul3A_280 = arith.mulf %get3A_277, %mul3A_279 : vector<16xf32>
        %swap3A_281 = arith.constant 2 : i32
        %swap3A_282 = arith.index_cast %swap3A_281 : i32 to index
        %swap3A_283 = arith.index_cast %add3A_241 : i32 to index
        %swap3A_284 = arith.constant 32 : index
        %swap3A_285 = tpu.vector_load %arg8[%swap3A_282, %swap3A_283, %swap3A_284] {strides = array<i32>} : memref<4x200x64xf32, #tpu.memory_space<vmem>>, vector<1x1x16xf32>,
        %swap3A_286 = vector.shape_cast %swap3A_285 : vector<1x1x16xf32> to vector<16xf32>
        %swap3A_287 = vector.shape_cast %mul3A_280 : vector<16xf32> to vector<1x1x16xf32>
        tpu.vector_store %arg8[%swap3A_282, %swap3A_283, %swap3A_284], %swap3A_287 {strides = array<i32>} : memref<4x200x64xf32, #tpu.memory_space<vmem>>, vector<1x1x16xf32>,
        %get3A_288 = arith.constant 2 : i32
        %get3A_289 = arith.index_cast %get3A_288 : i32 to index
        %get3A_290 = arith.index_cast %add3A_241 : i32 to index
        %get3A_291 = arith.constant 48 : index
        %get3A_292 = tpu.vector_load %arg8[%get3A_289, %get3A_290, %get3A_291] {strides = array<i32>} : memref<4x200x64xf32, #tpu.memory_space<vmem>>, vector<1x1x16xf32>,
        %get3A_293 = vector.shape_cast %get3A_292 : vector<1x1x16xf32> to vector<16xf32>
        %mul3A_294 = arith.constant 8.000000e+00 : f32
        %mul3A_295 = vector.broadcast %mul3A_294 : f32 to vector<16xf32>
        %mul3A_296 = arith.mulf %get3A_293, %mul3A_295 : vector<16xf32>
        %swap3A_297 = arith.constant 2 : i32
        %swap3A_298 = arith.index_cast %swap3A_297 : i32 to index
        %swap3A_299 = arith.index_cast %add3A_241 : i32 to index
        %swap3A_300 = arith.constant 48 : index
        %swap3A_301 = tpu.vector_load %arg8[%swap3A_298, %swap3A_299, %swap3A_300] {strides = array<i32>} : memref<4x200x64xf32, #tpu.memory_space<vmem>>, vector<1x1x16xf32>,
        %swap3A_302 = vector.shape_cast %swap3A_301 : vector<1x1x16xf32> to vector<16xf32>
        %swap3A_303 = vector.shape_cast %mul3A_296 : vector<16xf32> to vector<1x1x16xf32>
        tpu.vector_store %arg8[%swap3A_298, %swap3A_299, %swap3A_300], %swap3A_303 {strides = array<i32>} : memref<4x200x64xf32, #tpu.memory_space<vmem>>, vector<1x1x16xf32>,
        %scan3A_304 = arith.constant 1 : i32
        %scan3A_305 = arith.addi %scan3A_237, %scan3A_304 : i32
        %mul3A_306 = arith.constant 1 : i32
        %mul3A_307 = arith.muli %scan3A_305, %mul3A_306 : i32
        %add3A_308 = arith.constant 0 : i32
        %add3A_309 = arith.addi %add3A_308, %mul3A_307 : i32
        %get3A_310 = arith.constant 2 : i32
        %get3A_311 = arith.index_cast %get3A_310 : i32 to index
        %get3A_312 = arith.index_cast %add3A_309 : i32 to index
        %get3A_313 = arith.constant 0 : index
        %get3A_314 = tpu.vector_load %arg8[%get3A_311, %get3A_312, %get3A_313] {strides = array<i32>} : memref<4x200x64xf32, #tpu.memory_space<vmem>>, vector<1x1x16xf32>,
        %get3A_315 = vector.shape_cast %get3A_314 : vector<1x1x16xf32> to vector<16xf32>
        %mul3A_316 = arith.constant 8.000000e+00 : f32
        %mul3A_317 = vector.broadcast %mul3A_316 : f32 to vector<16xf32>
        %mul3A_318 = arith.mulf %get3A_315, %mul3A_317 : vector<16xf32>
        %swap3A_319 = arith.constant 2 : i32
        %swap3A_320 = arith.index_cast %swap3A_319 : i32 to index
        %swap3A_321 = arith.index_cast %add3A_309 : i32 to index
        %swap3A_322 = arith.constant 0 : index
        %swap3A_323 = tpu.vector_load %arg8[%swap3A_320, %swap3A_321, %swap3A_322] {strides = array<i32>} : memref<4x200x64xf32, #tpu.memory_space<vmem>>, vector<1x1x16xf32>,
        %swap3A_324 = vector.shape_cast %swap3A_323 : vector<1x1x16xf32> to vector<16xf32>
        %swap3A_325 = vector.shape_cast %mul3A_318 : vector<16xf32> to vector<1x1x16xf32>
        tpu.vector_store %arg8[%swap3A_320, %swap3A_321, %swap3A_322], %swap3A_325 {strides = array<i32>} : memref<4x200x64xf32, #tpu.memory_space<vmem>>, vector<1x1x16xf32>,
        %get3A_326 = arith.constant 2 : i32
        %get3A_327 = arith.index_cast %get3A_326 : i32 to index
        %get3A_328 = arith.index_cast %add3A_309 : i32 to index
        %get3A_329 = arith.constant 16 : index
        %get3A_330 = tpu.vector_load %arg8[%get3A_327, %get3A_328, %get3A_329] {strides = array<i32>} : memref<4x200x64xf32, #tpu.memory_space<vmem>>, vector<1x1x16xf32>,
        %get3A_331 = vector.shape_cast %get3A_330 : vector<1x1x16xf32> to vector<16xf32>
        %mul3A_332 = arith.constant 8.000000e+00 : f32
        %mul3A_333 = vector.broadcast %mul3A_332 : f32 to vector<16xf32>
        %mul3A_334 = arith.mulf %get3A_331, %mul3A_333 : vector<16xf32>
        %swap3A_335 = arith.constant 2 : i32
        %swap3A_336 = arith.index_cast %swap3A_335 : i32 to index
        %swap3A_337 = arith.index_cast %add3A_309 : i32 to index
        %swap3A_338 = arith.constant 16 : index
        %swap3A_339 = tpu.vector_load %arg8[%swap3A_336, %swap3A_337, %swap3A_338] {strides = array<i32>} : memref<4x200x64xf32, #tpu.memory_space<vmem>>, vector<1x1x16xf32>,
        %swap3A_340 = vector.shape_cast %swap3A_339 : vector<1x1x16xf32> to vector<16xf32>
        %swap3A_341 = vector.shape_cast %mul3A_334 : vector<16xf32> to vector<1x1x16xf32>
        tpu.vector_store %arg8[%swap3A_336, %swap3A_337, %swap3A_338], %swap3A_341 {strides = array<i32>} : memref<4x200x64xf32, #tpu.memory_space<vmem>>, vector<1x1x16xf32>,
        %get3A_342 = arith.constant 2 : i32
        %get3A_343 = arith.index_cast %get3A_342 : i32 to index
        %get3A_344 = arith.index_cast %add3A_309 : i32 to index
        %get3A_345 = arith.constant 32 : index
        %get3A_346 = tpu.vector_load %arg8[%get3A_343, %get3A_344, %get3A_345] {strides = array<i32>} : memref<4x200x64xf32, #tpu.memory_space<vmem>>, vector<1x1x16xf32>,
        %get3A_347 = vector.shape_cast %get3A_346 : vector<1x1x16xf32> to vector<16xf32>
        %mul3A_348 = arith.constant 8.000000e+00 : f32
        %mul3A_349 = vector.broadcast %mul3A_348 : f32 to vector<16xf32>
        %mul3A_350 = arith.mulf %get3A_347, %mul3A_349 : vector<16xf32>
        %swap3A_351 = arith.constant 2 : i32
        %swap3A_352 = arith.index_cast %swap3A_351 : i32 to index
        %swap3A_353 = arith.index_cast %add3A_309 : i32 to index
        %swap3A_354 = arith.constant 32 : index
        %swap3A_355 = tpu.vector_load %arg8[%swap3A_352, %swap3A_353, %swap3A_354] {strides = array<i32>} : memref<4x200x64xf32, #tpu.memory_space<vmem>>, vector<1x1x16xf32>,
        %swap3A_356 = vector.shape_cast %swap3A_355 : vector<1x1x16xf32> to vector<16xf32>
        %swap3A_357 = vector.shape_cast %mul3A_350 : vector<16xf32> to vector<1x1x16xf32>
        tpu.vector_store %arg8[%swap3A_352, %swap3A_353, %swap3A_354], %swap3A_357 {strides = array<i32>} : memref<4x200x64xf32, #tpu.memory_space<vmem>>, vector<1x1x16xf32>,
        %get3A_358 = arith.constant 2 : i32
        %get3A_359 = arith.index_cast %get3A_358 : i32 to index
        %get3A_360 = arith.index_cast %add3A_309 : i32 to index
        %get3A_361 = arith.constant 48 : index
        %get3A_362 = tpu.vector_load %arg8[%get3A_359, %get3A_360, %get3A_361] {strides = array<i32>} : memref<4x200x64xf32, #tpu.memory_space<vmem>>, vector<1x1x16xf32>,
        %get3A_363 = vector.shape_cast %get3A_362 : vector<1x1x16xf32> to vector<16xf32>
        %mul3A_364 = arith.constant 8.000000e+00 : f32
        %mul3A_365 = vector.broadcast %mul3A_364 : f32 to vector<16xf32>
        %mul3A_366 = arith.mulf %get3A_363, %mul3A_365 : vector<16xf32>
        %swap3A_367 = arith.constant 2 : i32
        %swap3A_368 = arith.index_cast %swap3A_367 : i32 to index
        %swap3A_369 = arith.index_cast %add3A_309 : i32 to index
        %swap3A_370 = arith.constant 48 : index
        %swap3A_371 = tpu.vector_load %arg8[%swap3A_368, %swap3A_369, %swap3A_370] {strides = array<i32>} : memref<4x200x64xf32, #tpu.memory_space<vmem>>, vector<1x1x16xf32>,
        %swap3A_372 = vector.shape_cast %swap3A_371 : vector<1x1x16xf32> to vector<16xf32>
        %swap3A_373 = vector.shape_cast %mul3A_366 : vector<16xf32> to vector<1x1x16xf32>
        tpu.vector_store %arg8[%swap3A_368, %swap3A_369, %swap3A_370], %swap3A_373 {strides = array<i32>} : memref<4x200x64xf32, #tpu.memory_space<vmem>>, vector<1x1x16xf32>,
        %scan3A_374 = arith.constant 2 : i32
        %scan3A_375 = arith.addi %scan3A_237, %scan3A_374 : i32
        %mul3A_376 = arith.constant 1 : i32
        %mul3A_377 = arith.muli %scan3A_375, %mul3A_376 : i32
        %add3A_378 = arith.constant 0 : i32
        %add3A_379 = arith.addi %add3A_378, %mul3A_377 : i32
        %get3A_380 = arith.constant 2 : i32
        %get3A_381 = arith.index_cast %get3A_380 : i32 to index
        %get3A_382 = arith.index_cast %add3A_379 : i32 to index
        %get3A_383 = arith.constant 0 : index
        %get3A_384 = tpu.vector_load %arg8[%get3A_381, %get3A_382, %get3A_383] {strides = array<i32>} : memref<4x200x64xf32, #tpu.memory_space<vmem>>, vector<1x1x16xf32>,
        %get3A_385 = vector.shape_cast %get3A_384 : vector<1x1x16xf32> to vector<16xf32>
        %mul3A_386 = arith.constant 8.000000e+00 : f32
        %mul3A_387 = vector.broadcast %mul3A_386 : f32 to vector<16xf32>
        %mul3A_388 = arith.mulf %get3A_385, %mul3A_387 : vector<16xf32>
        %swap3A_389 = arith.constant 2 : i32
        %swap3A_390 = arith.index_cast %swap3A_389 : i32 to index
        %swap3A_391 = arith.index_cast %add3A_379 : i32 to index
        %swap3A_392 = arith.constant 0 : index
        %swap3A_393 = tpu.vector_load %arg8[%swap3A_390, %swap3A_391, %swap3A_392] {strides = array<i32>} : memref<4x200x64xf32, #tpu.memory_space<vmem>>, vector<1x1x16xf32>,
        %swap3A_394 = vector.shape_cast %swap3A_393 : vector<1x1x16xf32> to vector<16xf32>
        %swap3A_395 = vector.shape_cast %mul3A_388 : vector<16xf32> to vector<1x1x16xf32>
        tpu.vector_store %arg8[%swap3A_390, %swap3A_391, %swap3A_392], %swap3A_395 {strides = array<i32>} : memref<4x200x64xf32, #tpu.memory_space<vmem>>, vector<1x1x16xf32>,
        %get3A_396 = arith.constant 2 : i32
        %get3A_397 = arith.index_cast %get3A_396 : i32 to index
        %get3A_398 = arith.index_cast %add3A_379 : i32 to index
        %get3A_399 = arith.constant 16 : index
        %get3A_400 = tpu.vector_load %arg8[%get3A_397, %get3A_398, %get3A_399] {strides = array<i32>} : memref<4x200x64xf32, #tpu.memory_space<vmem>>, vector<1x1x16xf32>,
        %get3A_401 = vector.shape_cast %get3A_400 : vector<1x1x16xf32> to vector<16xf32>
        %mul3A_402 = arith.constant 8.000000e+00 : f32
        %mul3A_403 = vector.broadcast %mul3A_402 : f32 to vector<16xf32>
        %mul3A_404 = arith.mulf %get3A_401, %mul3A_403 : vector<16xf32>
        %swap3A_405 = arith.constant 2 : i32
        %swap3A_406 = arith.index_cast %swap3A_405 : i32 to index
        %swap3A_407 = arith.index_cast %add3A_379 : i32 to index
        %swap3A_408 = arith.constant 16 : index
        %swap3A_409 = tpu.vector_load %arg8[%swap3A_406, %swap3A_407, %swap3A_408] {strides = array<i32>} : memref<4x200x64xf32, #tpu.memory_space<vmem>>, vector<1x1x16xf32>,
        %swap3A_410 = vector.shape_cast %swap3A_409 : vector<1x1x16xf32> to vector<16xf32>
        %swap3A_411 = vector.shape_cast %mul3A_404 : vector<16xf32> to vector<1x1x16xf32>
        tpu.vector_store %arg8[%swap3A_406, %swap3A_407, %swap3A_408], %swap3A_411 {strides = array<i32>} : memref<4x200x64xf32, #tpu.memory_space<vmem>>, vector<1x1x16xf32>,
        %get3A_412 = arith.constant 2 : i32
        %get3A_413 = arith.index_cast %get3A_412 : i32 to index
        %get3A_414 = arith.index_cast %add3A_379 : i32 to index
        %get3A_415 = arith.constant 32 : index
        %get3A_416 = tpu.vector_load %arg8[%get3A_413, %get3A_414, %get3A_415] {strides = array<i32>} : memref<4x200x64xf32, #tpu.memory_space<vmem>>, vector<1x1x16xf32>,
        %get3A_417 = vector.shape_cast %get3A_416 : vector<1x1x16xf32> to vector<16xf32>
        %mul3A_418 = arith.constant 8.000000e+00 : f32
        %mul3A_419 = vector.broadcast %mul3A_418 : f32 to vector<16xf32>
        %mul3A_420 = arith.mulf %get3A_417, %mul3A_419 : vector<16xf32>
        %swap3A_421 = arith.constant 2 : i32
        %swap3A_422 = arith.index_cast %swap3A_421 : i32 to index
        %swap3A_423 = arith.index_cast %add3A_379 : i32 to index
        %swap3A_424 = arith.constant 32 : index
        %swap3A_425 = tpu.vector_load %arg8[%swap3A_422, %swap3A_423, %swap3A_424] {strides = array<i32>} : memref<4x200x64xf32, #tpu.memory_space<vmem>>, vector<1x1x16xf32>,
        %swap3A_426 = vector.shape_cast %swap3A_425 : vector<1x1x16xf32> to vector<16xf32>
        %swap3A_427 = vector.shape_cast %mul3A_420 : vector<16xf32> to vector<1x1x16xf32>
        tpu.vector_store %arg8[%swap3A_422, %swap3A_423, %swap3A_424], %swap3A_427 {strides = array<i32>} : memref<4x200x64xf32, #tpu.memory_space<vmem>>, vector<1x1x16xf32>,
        %get3A_428 = arith.constant 2 : i32
        %get3A_429 = arith.index_cast %get3A_428 : i32 to index
        %get3A_430 = arith.index_cast %add3A_379 : i32 to index
        %get3A_431 = arith.constant 48 : index
        %get3A_432 = tpu.vector_load %arg8[%get3A_429, %get3A_430, %get3A_431] {strides = array<i32>} : memref<4x200x64xf32, #tpu.memory_space<vmem>>, vector<1x1x16xf32>,
        %get3A_433 = vector.shape_cast %get3A_432 : vector<1x1x16xf32> to vector<16xf32>
        %mul3A_434 = arith.constant 8.000000e+00 : f32
        %mul3A_435 = vector.broadcast %mul3A_434 : f32 to vector<16xf32>
        %mul3A_436 = arith.mulf %get3A_433, %mul3A_435 : vector<16xf32>
        %swap3A_437 = arith.constant 2 : i32
        %swap3A_438 = arith.index_cast %swap3A_437 : i32 to index
        %swap3A_439 = arith.index_cast %add3A_379 : i32 to index
        %swap3A_440 = arith.constant 48 : index
        %swap3A_441 = tpu.vector_load %arg8[%swap3A_438, %swap3A_439, %swap3A_440] {strides = array<i32>} : memref<4x200x64xf32, #tpu.memory_space<vmem>>, vector<1x1x16xf32>,
        %swap3A_442 = vector.shape_cast %swap3A_441 : vector<1x1x16xf32> to vector<16xf32>
        %swap3A_443 = vector.shape_cast %mul3A_436 : vector<16xf32> to vector<1x1x16xf32>
        tpu.vector_store %arg8[%swap3A_438, %swap3A_439, %swap3A_440], %swap3A_443 {strides = array<i32>} : memref<4x200x64xf32, #tpu.memory_space<vmem>>, vector<1x1x16xf32>,
        %scan3A_444 = arith.constant 3 : i32
        %scan3A_445 = arith.addi %scan3A_237, %scan3A_444 : i32
        %mul3A_446 = arith.constant 1 : i32
        %mul3A_447 = arith.muli %scan3A_445, %mul3A_446 : i32
        %add3A_448 = arith.constant 0 : i32
        %add3A_449 = arith.addi %add3A_448, %mul3A_447 : i32
        %get3A_450 = arith.constant 2 : i32
        %get3A_451 = arith.index_cast %get3A_450 : i32 to index
        %get3A_452 = arith.index_cast %add3A_449 : i32 to index
        %get3A_453 = arith.constant 0 : index
        %get3A_454 = tpu.vector_load %arg8[%get3A_451, %get3A_452, %get3A_453] {strides = array<i32>} : memref<4x200x64xf32, #tpu.memory_space<vmem>>, vector<1x1x16xf32>,
        %get3A_455 = vector.shape_cast %get3A_454 : vector<1x1x16xf32> to vector<16xf32>
        %mul3A_456 = arith.constant 8.000000e+00 : f32
        %mul3A_457 = vector.broadcast %mul3A_456 : f32 to vector<16xf32>
        %mul3A_458 = arith.mulf %get3A_455, %mul3A_457 : vector<16xf32>
        %swap3A_459 = arith.constant 2 : i32
        %swap3A_460 = arith.index_cast %swap3A_459 : i32 to index
        %swap3A_461 = arith.index_cast %add3A_449 : i32 to index
        %swap3A_462 = arith.constant 0 : index
        %swap3A_463 = tpu.vector_load %arg8[%swap3A_460, %swap3A_461, %swap3A_462] {strides = array<i32>} : memref<4x200x64xf32, #tpu.memory_space<vmem>>, vector<1x1x16xf32>,
        %swap3A_464 = vector.shape_cast %swap3A_463 : vector<1x1x16xf32> to vector<16xf32>
        %swap3A_465 = vector.shape_cast %mul3A_458 : vector<16xf32> to vector<1x1x16xf32>
        tpu.vector_store %arg8[%swap3A_460, %swap3A_461, %swap3A_462], %swap3A_465 {strides = array<i32>} : memref<4x200x64xf32, #tpu.memory_space<vmem>>, vector<1x1x16xf32>,
        %get3A_466 = arith.constant 2 : i32
        %get3A_467 = arith.index_cast %get3A_466 : i32 to index
        %get3A_468 = arith.index_cast %add3A_449 : i32 to index
        %get3A_469 = arith.constant 16 : index
        %get3A_470 = tpu.vector_load %arg8[%get3A_467, %get3A_468, %get3A_469] {strides = array<i32>} : memref<4x200x64xf32, #tpu.memory_space<vmem>>, vector<1x1x16xf32>,
        %get3A_471 = vector.shape_cast %get3A_470 : vector<1x1x16xf32> to vector<16xf32>
        %mul3A_472 = arith.constant 8.000000e+00 : f32
        %mul3A_473 = vector.broadcast %mul3A_472 : f32 to vector<16xf32>
        %mul3A_474 = arith.mulf %get3A_471, %mul3A_473 : vector<16xf32>
        %swap3A_475 = arith.constant 2 : i32
        %swap3A_476 = arith.index_cast %swap3A_475 : i32 to index
        %swap3A_477 = arith.index_cast %add3A_449 : i32 to index
        %swap3A_478 = arith.constant 16 : index
        %swap3A_479 = tpu.vector_load %arg8[%swap3A_476, %swap3A_477, %swap3A_478] {strides = array<i32>} : memref<4x200x64xf32, #tpu.memory_space<vmem>>, vector<1x1x16xf32>,
        %swap3A_480 = vector.shape_cast %swap3A_479 : vector<1x1x16xf32> to vector<16xf32>
        %swap3A_481 = vector.shape_cast %mul3A_474 : vector<16xf32> to vector<1x1x16xf32>
        tpu.vector_store %arg8[%swap3A_476, %swap3A_477, %swap3A_478], %swap3A_481 {strides = array<i32>} : memref<4x200x64xf32, #tpu.memory_space<vmem>>, vector<1x1x16xf32>,
        %get3A_482 = arith.constant 2 : i32
        %get3A_483 = arith.index_cast %get3A_482 : i32 to index
        %get3A_484 = arith.index_cast %add3A_449 : i32 to index
        %get3A_485 = arith.constant 32 : index
        %get3A_486 = tpu.vector_load %arg8[%get3A_483, %get3A_484, %get3A_485] {strides = array<i32>} : memref<4x200x64xf32, #tpu.memory_space<vmem>>, vector<1x1x16xf32>,
        %get3A_487 = vector.shape_cast %get3A_486 : vector<1x1x16xf32> to vector<16xf32>
        %mul3A_488 = arith.constant 8.000000e+00 : f32
        %mul3A_489 = vector.broadcast %mul3A_488 : f32 to vector<16xf32>
        %mul3A_490 = arith.mulf %get3A_487, %mul3A_489 : vector<16xf32>
        %swap3A_491 = arith.constant 2 : i32
        %swap3A_492 = arith.index_cast %swap3A_491 : i32 to index
        %swap3A_493 = arith.index_cast %add3A_449 : i32 to index
        %swap3A_494 = arith.constant 32 : index
        %swap3A_495 = tpu.vector_load %arg8[%swap3A_492, %swap3A_493, %swap3A_494] {strides = array<i32>} : memref<4x200x64xf32, #tpu.memory_space<vmem>>, vector<1x1x16xf32>,
        %swap3A_496 = vector.shape_cast %swap3A_495 : vector<1x1x16xf32> to vector<16xf32>
        %swap3A_497 = vector.shape_cast %mul3A_490 : vector<16xf32> to vector<1x1x16xf32>
        tpu.vector_store %arg8[%swap3A_492, %swap3A_493, %swap3A_494], %swap3A_497 {strides = array<i32>} : memref<4x200x64xf32, #tpu.memory_space<vmem>>, vector<1x1x16xf32>,
        %get3A_498 = arith.constant 2 : i32
        %get3A_499 = arith.index_cast %get3A_498 : i32 to index
        %get3A_500 = arith.index_cast %add3A_449 : i32 to index
        %get3A_501 = arith.constant 48 : index
        %get3A_502 = tpu.vector_load %arg8[%get3A_499, %get3A_500, %get3A_501] {strides = array<i32>} : memref<4x200x64xf32, #tpu.memory_space<vmem>>, vector<1x1x16xf32>,
        %get3A_503 = vector.shape_cast %get3A_502 : vector<1x1x16xf32> to vector<16xf32>
        %mul3A_504 = arith.constant 8.000000e+00 : f32
        %mul3A_505 = vector.broadcast %mul3A_504 : f32 to vector<16xf32>
        %mul3A_506 = arith.mulf %get3A_503, %mul3A_505 : vector<16xf32>
        %swap3A_507 = arith.constant 2 : i32
        %swap3A_508 = arith.index_cast %swap3A_507 : i32 to index
        %swap3A_509 = arith.index_cast %add3A_449 : i32 to index
        %swap3A_510 = arith.constant 48 : index
        %swap3A_511 = tpu.vector_load %arg8[%swap3A_508, %swap3A_509, %swap3A_510] {strides = array<i32>} : memref<4x200x64xf32, #tpu.memory_space<vmem>>, vector<1x1x16xf32>,
        %swap3A_512 = vector.shape_cast %swap3A_511 : vector<1x1x16xf32> to vector<16xf32>
        %swap3A_513 = vector.shape_cast %mul3A_506 : vector<16xf32> to vector<1x1x16xf32>
        tpu.vector_store %arg8[%swap3A_508, %swap3A_509, %swap3A_510], %swap3A_513 {strides = array<i32>} : memref<4x200x64xf32, #tpu.memory_space<vmem>>, vector<1x1x16xf32>,
        %scan3A_514 = arith.constant 4 : i32
        %scan3A_515 = arith.addi %scan3A_237, %scan3A_514 : i32
        %mul3A_516 = arith.constant 1 : i32
        %mul3A_517 = arith.muli %scan3A_515, %mul3A_516 : i32
        %add3A_518 = arith.constant 0 : i32
        %add3A_519 = arith.addi %add3A_518, %mul3A_517 : i32
        %get3A_520 = arith.constant 2 : i32
        %get3A_521 = arith.index_cast %get3A_520 : i32 to index
        %get3A_522 = arith.index_cast %add3A_519 : i32 to index
        %get3A_523 = arith.constant 0 : index
        %get3A_524 = tpu.vector_load %arg8[%get3A_521, %get3A_522, %get3A_523] {strides = array<i32>} : memref<4x200x64xf32, #tpu.memory_space<vmem>>, vector<1x1x16xf32>,
        %get3A_525 = vector.shape_cast %get3A_524 : vector<1x1x16xf32> to vector<16xf32>
        %mul3A_526 = arith.constant 8.000000e+00 : f32
        %mul3A_527 = vector.broadcast %mul3A_526 : f32 to vector<16xf32>
        %mul3A_528 = arith.mulf %get3A_525, %mul3A_527 : vector<16xf32>
        %swap3A_529 = arith.constant 2 : i32
        %swap3A_530 = arith.index_cast %swap3A_529 : i32 to index
        %swap3A_531 = arith.index_cast %add3A_519 : i32 to index
        %swap3A_532 = arith.constant 0 : index
        %swap3A_533 = tpu.vector_load %arg8[%swap3A_530, %swap3A_531, %swap3A_532] {strides = array<i32>} : memref<4x200x64xf32, #tpu.memory_space<vmem>>, vector<1x1x16xf32>,
        %swap3A_534 = vector.shape_cast %swap3A_533 : vector<1x1x16xf32> to vector<16xf32>
        %swap3A_535 = vector.shape_cast %mul3A_528 : vector<16xf32> to vector<1x1x16xf32>
        tpu.vector_store %arg8[%swap3A_530, %swap3A_531, %swap3A_532], %swap3A_535 {strides = array<i32>} : memref<4x200x64xf32, #tpu.memory_space<vmem>>, vector<1x1x16xf32>,
        %get3A_536 = arith.constant 2 : i32
        %get3A_537 = arith.index_cast %get3A_536 : i32 to index
        %get3A_538 = arith.index_cast %add3A_519 : i32 to index
        %get3A_539 = arith.constant 16 : index
        %get3A_540 = tpu.vector_load %arg8[%get3A_537, %get3A_538, %get3A_539] {strides = array<i32>} : memref<4x200x64xf32, #tpu.memory_space<vmem>>, vector<1x1x16xf32>,
        %get3A_541 = vector.shape_cast %get3A_540 : vector<1x1x16xf32> to vector<16xf32>
        %mul3A_542 = arith.constant 8.000000e+00 : f32
        %mul3A_543 = vector.broadcast %mul3A_542 : f32 to vector<16xf32>
        %mul3A_544 = arith.mulf %get3A_541, %mul3A_543 : vector<16xf32>
        %swap3A_545 = arith.constant 2 : i32
        %swap3A_546 = arith.index_cast %swap3A_545 : i32 to index
        %swap3A_547 = arith.index_cast %add3A_519 : i32 to index
        %swap3A_548 = arith.constant 16 : index
        %swap3A_549 = tpu.vector_load %arg8[%swap3A_546, %swap3A_547, %swap3A_548] {strides = array<i32>} : memref<4x200x64xf32, #tpu.memory_space<vmem>>, vector<1x1x16xf32>,
        %swap3A_550 = vector.shape_cast %swap3A_549 : vector<1x1x16xf32> to vector<16xf32>
        %swap3A_551 = vector.shape_cast %mul3A_544 : vector<16xf32> to vector<1x1x16xf32>
        tpu.vector_store %arg8[%swap3A_546, %swap3A_547, %swap3A_548], %swap3A_551 {strides = array<i32>} : memref<4x200x64xf32, #tpu.memory_space<vmem>>, vector<1x1x16xf32>,
        %get3A_552 = arith.constant 2 : i32
        %get3A_553 = arith.index_cast %get3A_552 : i32 to index
        %get3A_554 = arith.index_cast %add3A_519 : i32 to index
        %get3A_555 = arith.constant 32 : index
        %get3A_556 = tpu.vector_load %arg8[%get3A_553, %get3A_554, %get3A_555] {strides = array<i32>} : memref<4x200x64xf32, #tpu.memory_space<vmem>>, vector<1x1x16xf32>,
        %get3A_557 = vector.shape_cast %get3A_556 : vector<1x1x16xf32> to vector<16xf32>
        %mul3A_558 = arith.constant 8.000000e+00 : f32
        %mul3A_559 = vector.broadcast %mul3A_558 : f32 to vector<16xf32>
        %mul3A_560 = arith.mulf %get3A_557, %mul3A_559 : vector<16xf32>
        %swap3A_561 = arith.constant 2 : i32
        %swap3A_562 = arith.index_cast %swap3A_561 : i32 to index
        %swap3A_563 = arith.index_cast %add3A_519 : i32 to index
        %swap3A_564 = arith.constant 32 : index
        %swap3A_565 = tpu.vector_load %arg8[%swap3A_562, %swap3A_563, %swap3A_564] {strides = array<i32>} : memref<4x200x64xf32, #tpu.memory_space<vmem>>, vector<1x1x16xf32>,
        %swap3A_566 = vector.shape_cast %swap3A_565 : vector<1x1x16xf32> to vector<16xf32>
        %swap3A_567 = vector.shape_cast %mul3A_560 : vector<16xf32> to vector<1x1x16xf32>
        tpu.vector_store %arg8[%swap3A_562, %swap3A_563, %swap3A_564], %swap3A_567 {strides = array<i32>} : memref<4x200x64xf32, #tpu.memory_space<vmem>>, vector<1x1x16xf32>,
        %get3A_568 = arith.constant 2 : i32
        %get3A_569 = arith.index_cast %get3A_568 : i32 to index
        %get3A_570 = arith.index_cast %add3A_519 : i32 to index
        %get3A_571 = arith.constant 48 : index
        %get3A_572 = tpu.vector_load %arg8[%get3A_569, %get3A_570, %get3A_571] {strides = array<i32>} : memref<4x200x64xf32, #tpu.memory_space<vmem>>, vector<1x1x16xf32>,
        %get3A_573 = vector.shape_cast %get3A_572 : vector<1x1x16xf32> to vector<16xf32>
        %mul3A_574 = arith.constant 8.000000e+00 : f32
        %mul3A_575 = vector.broadcast %mul3A_574 : f32 to vector<16xf32>
        %mul3A_576 = arith.mulf %get3A_573, %mul3A_575 : vector<16xf32>
        %swap3A_577 = arith.constant 2 : i32
        %swap3A_578 = arith.index_cast %swap3A_577 : i32 to index
        %swap3A_579 = arith.index_cast %add3A_519 : i32 to index
        %swap3A_580 = arith.constant 48 : index
        %swap3A_581 = tpu.vector_load %arg8[%swap3A_578, %swap3A_579, %swap3A_580] {strides = array<i32>} : memref<4x200x64xf32, #tpu.memory_space<vmem>>, vector<1x1x16xf32>,
        %swap3A_582 = vector.shape_cast %swap3A_581 : vector<1x1x16xf32> to vector<16xf32>
        %swap3A_583 = vector.shape_cast %mul3A_576 : vector<16xf32> to vector<1x1x16xf32>
        tpu.vector_store %arg8[%swap3A_578, %swap3A_579, %swap3A_580], %swap3A_583 {strides = array<i32>} : memref<4x200x64xf32, #tpu.memory_space<vmem>>, vector<1x1x16xf32>,
        %scan3A_584 = arith.constant 5 : i32
        %scan3A_585 = arith.addi %scan3A_237, %scan3A_584 : i32
        %mul3A_586 = arith.constant 1 : i32
        %mul3A_587 = arith.muli %scan3A_585, %mul3A_586 : i32
        %add3A_588 = arith.constant 0 : i32
        %add3A_589 = arith.addi %add3A_588, %mul3A_587 : i32
        %get3A_590 = arith.constant 2 : i32
        %get3A_591 = arith.index_cast %get3A_590 : i32 to index
        %get3A_592 = arith.index_cast %add3A_589 : i32 to index
        %get3A_593 = arith.constant 0 : index
        %get3A_594 = tpu.vector_load %arg8[%get3A_591, %get3A_592, %get3A_593] {strides = array<i32>} : memref<4x200x64xf32, #tpu.memory_space<vmem>>, vector<1x1x16xf32>,
        %get3A_595 = vector.shape_cast %get3A_594 : vector<1x1x16xf32> to vector<16xf32>
        %mul3A_596 = arith.constant 8.000000e+00 : f32
        %mul3A_597 = vector.broadcast %mul3A_596 : f32 to vector<16xf32>
        %mul3A_598 = arith.mulf %get3A_595, %mul3A_597 : vector<16xf32>
        %swap3A_599 = arith.constant 2 : i32
        %swap3A_600 = arith.index_cast %swap3A_599 : i32 to index
        %swap3A_601 = arith.index_cast %add3A_589 : i32 to index
        %swap3A_602 = arith.constant 0 : index
        %swap3A_603 = tpu.vector_load %arg8[%swap3A_600, %swap3A_601, %swap3A_602] {strides = array<i32>} : memref<4x200x64xf32, #tpu.memory_space<vmem>>, vector<1x1x16xf32>,
        %swap3A_604 = vector.shape_cast %swap3A_603 : vector<1x1x16xf32> to vector<16xf32>
        %swap3A_605 = vector.shape_cast %mul3A_598 : vector<16xf32> to vector<1x1x16xf32>
        tpu.vector_store %arg8[%swap3A_600, %swap3A_601, %swap3A_602], %swap3A_605 {strides = array<i32>} : memref<4x200x64xf32, #tpu.memory_space<vmem>>, vector<1x1x16xf32>,
        %get3A_606 = arith.constant 2 : i32
        %get3A_607 = arith.index_cast %get3A_606 : i32 to index
        %get3A_608 = arith.index_cast %add3A_589 : i32 to index
        %get3A_609 = arith.constant 16 : index
        %get3A_610 = tpu.vector_load %arg8[%get3A_607, %get3A_608, %get3A_609] {strides = array<i32>} : memref<4x200x64xf32, #tpu.memory_space<vmem>>, vector<1x1x16xf32>,
        %get3A_611 = vector.shape_cast %get3A_610 : vector<1x1x16xf32> to vector<16xf32>
        %mul3A_612 = arith.constant 8.000000e+00 : f32
        %mul3A_613 = vector.broadcast %mul3A_612 : f32 to vector<16xf32>
        %mul3A_614 = arith.mulf %get3A_611, %mul3A_613 : vector<16xf32>
        %swap3A_615 = arith.constant 2 : i32
        %swap3A_616 = arith.index_cast %swap3A_615 : i32 to index
        %swap3A_617 = arith.index_cast %add3A_589 : i32 to index
        %swap3A_618 = arith.constant 16 : index
        %swap3A_619 = tpu.vector_load %arg8[%swap3A_616, %swap3A_617, %swap3A_618] {strides = array<i32>} : memref<4x200x64xf32, #tpu.memory_space<vmem>>, vector<1x1x16xf32>,
        %swap3A_620 = vector.shape_cast %swap3A_619 : vector<1x1x16xf32> to vector<16xf32>
        %swap3A_621 = vector.shape_cast %mul3A_614 : vector<16xf32> to vector<1x1x16xf32>
        tpu.vector_store %arg8[%swap3A_616, %swap3A_617, %swap3A_618], %swap3A_621 {strides = array<i32>} : memref<4x200x64xf32, #tpu.memory_space<vmem>>, vector<1x1x16xf32>,
        %get3A_622 = arith.constant 2 : i32
        %get3A_623 = arith.index_cast %get3A_622 : i32 to index
        %get3A_624 = arith.index_cast %add3A_589 : i32 to index
        %get3A_625 = arith.constant 32 : index
        %get3A_626 = tpu.vector_load %arg8[%get3A_623, %get3A_624, %get3A_625] {strides = array<i32>} : memref<4x200x64xf32, #tpu.memory_space<vmem>>, vector<1x1x16xf32>,
        %get3A_627 = vector.shape_cast %get3A_626 : vector<1x1x16xf32> to vector<16xf32>
        %mul3A_628 = arith.constant 8.000000e+00 : f32
        %mul3A_629 = vector.broadcast %mul3A_628 : f32 to vector<16xf32>
        %mul3A_630 = arith.mulf %get3A_627, %mul3A_629 : vector<16xf32>
        %swap3A_631 = arith.constant 2 : i32
        %swap3A_632 = arith.index_cast %swap3A_631 : i32 to index
        %swap3A_633 = arith.index_cast %add3A_589 : i32 to index
        %swap3A_634 = arith.constant 32 : index
        %swap3A_635 = tpu.vector_load %arg8[%swap3A_632, %swap3A_633, %swap3A_634] {strides = array<i32>} : memref<4x200x64xf32, #tpu.memory_space<vmem>>, vector<1x1x16xf32>,
        %swap3A_636 = vector.shape_cast %swap3A_635 : vector<1x1x16xf32> to vector<16xf32>
        %swap3A_637 = vector.shape_cast %mul3A_630 : vector<16xf32> to vector<1x1x16xf32>
        tpu.vector_store %arg8[%swap3A_632, %swap3A_633, %swap3A_634], %swap3A_637 {strides = array<i32>} : memref<4x200x64xf32, #tpu.memory_space<vmem>>, vector<1x1x16xf32>,
        %get3A_638 = arith.constant 2 : i32
        %get3A_639 = arith.index_cast %get3A_638 : i32 to index
        %get3A_640 = arith.index_cast %add3A_589 : i32 to index
        %get3A_641 = arith.constant 48 : index
        %get3A_642 = tpu.vector_load %arg8[%get3A_639, %get3A_640, %get3A_641] {strides = array<i32>} : memref<4x200x64xf32, #tpu.memory_space<vmem>>, vector<1x1x16xf32>,
        %get3A_643 = vector.shape_cast %get3A_642 : vector<1x1x16xf32> to vector<16xf32>
        %mul3A_644 = arith.constant 8.000000e+00 : f32
        %mul3A_645 = vector.broadcast %mul3A_644 : f32 to vector<16xf32>
        %mul3A_646 = arith.mulf %get3A_643, %mul3A_645 : vector<16xf32>
        %swap3A_647 = arith.constant 2 : i32
        %swap3A_648 = arith.index_cast %swap3A_647 : i32 to index
        %swap3A_649 = arith.index_cast %add3A_589 : i32 to index
        %swap3A_650 = arith.constant 48 : index
        %swap3A_651 = tpu.vector_load %arg8[%swap3A_648, %swap3A_649, %swap3A_650] {strides = array<i32>} : memref<4x200x64xf32, #tpu.memory_space<vmem>>, vector<1x1x16xf32>,
        %swap3A_652 = vector.shape_cast %swap3A_651 : vector<1x1x16xf32> to vector<16xf32>
        %swap3A_653 = vector.shape_cast %mul3A_646 : vector<16xf32> to vector<1x1x16xf32>
        tpu.vector_store %arg8[%swap3A_648, %swap3A_649, %swap3A_650], %swap3A_653 {strides = array<i32>} : memref<4x200x64xf32, #tpu.memory_space<vmem>>, vector<1x1x16xf32>,
        %scan3A_654 = arith.constant 6 : i32
        %scan3A_655 = arith.addi %scan3A_237, %scan3A_654 : i32
        %mul3A_656 = arith.constant 1 : i32
        %mul3A_657 = arith.muli %scan3A_655, %mul3A_656 : i32
        %add3A_658 = arith.constant 0 : i32
        %add3A_659 = arith.addi %add3A_658, %mul3A_657 : i32
        %get3A_660 = arith.constant 2 : i32
        %get3A_661 = arith.index_cast %get3A_660 : i32 to index
        %get3A_662 = arith.index_cast %add3A_659 : i32 to index
        %get3A_663 = arith.constant 0 : index
        %get3A_664 = tpu.vector_load %arg8[%get3A_661, %get3A_662, %get3A_663] {strides = array<i32>} : memref<4x200x64xf32, #tpu.memory_space<vmem>>, vector<1x1x16xf32>,
        %get3A_665 = vector.shape_cast %get3A_664 : vector<1x1x16xf32> to vector<16xf32>
        %mul3A_666 = arith.constant 8.000000e+00 : f32
        %mul3A_667 = vector.broadcast %mul3A_666 : f32 to vector<16xf32>
        %mul3A_668 = arith.mulf %get3A_665, %mul3A_667 : vector<16xf32>
        %swap3A_669 = arith.constant 2 : i32
        %swap3A_670 = arith.index_cast %swap3A_669 : i32 to index
        %swap3A_671 = arith.index_cast %add3A_659 : i32 to index
        %swap3A_672 = arith.constant 0 : index
        %swap3A_673 = tpu.vector_load %arg8[%swap3A_670, %swap3A_671, %swap3A_672] {strides = array<i32>} : memref<4x200x64xf32, #tpu.memory_space<vmem>>, vector<1x1x16xf32>,
        %swap3A_674 = vector.shape_cast %swap3A_673 : vector<1x1x16xf32> to vector<16xf32>
        %swap3A_675 = vector.shape_cast %mul3A_668 : vector<16xf32> to vector<1x1x16xf32>
        tpu.vector_store %arg8[%swap3A_670, %swap3A_671, %swap3A_672], %swap3A_675 {strides = array<i32>} : memref<4x200x64xf32, #tpu.memory_space<vmem>>, vector<1x1x16xf32>,
        %get3A_676 = arith.constant 2 : i32
        %get3A_677 = arith.index_cast %get3A_676 : i32 to index
        %get3A_678 = arith.index_cast %add3A_659 : i32 to index
        %get3A_679 = arith.constant 16 : index
        %get3A_680 = tpu.vector_load %arg8[%get3A_677, %get3A_678, %get3A_679] {strides = array<i32>} : memref<4x200x64xf32, #tpu.memory_space<vmem>>, vector<1x1x16xf32>,
        %get3A_681 = vector.shape_cast %get3A_680 : vector<1x1x16xf32> to vector<16xf32>
        %mul3A_682 = arith.constant 8.000000e+00 : f32
        %mul3A_683 = vector.broadcast %mul3A_682 : f32 to vector<16xf32>
        %mul3A_684 = arith.mulf %get3A_681, %mul3A_683 : vector<16xf32>
        %swap3A_685 = arith.constant 2 : i32
        %swap3A_686 = arith.index_cast %swap3A_685 : i32 to index
        %swap3A_687 = arith.index_cast %add3A_659 : i32 to index
        %swap3A_688 = arith.constant 16 : index
        %swap3A_689 = tpu.vector_load %arg8[%swap3A_686, %swap3A_687, %swap3A_688] {strides = array<i32>} : memref<4x200x64xf32, #tpu.memory_space<vmem>>, vector<1x1x16xf32>,
        %swap3A_690 = vector.shape_cast %swap3A_689 : vector<1x1x16xf32> to vector<16xf32>
        %swap3A_691 = vector.shape_cast %mul3A_684 : vector<16xf32> to vector<1x1x16xf32>
        tpu.vector_store %arg8[%swap3A_686, %swap3A_687, %swap3A_688], %swap3A_691 {strides = array<i32>} : memref<4x200x64xf32, #tpu.memory_space<vmem>>, vector<1x1x16xf32>,
        %get3A_692 = arith.constant 2 : i32
        %get3A_693 = arith.index_cast %get3A_692 : i32 to index
        %get3A_694 = arith.index_cast %add3A_659 : i32 to index
        %get3A_695 = arith.constant 32 : index
        %get3A_696 = tpu.vector_load %arg8[%get3A_693, %get3A_694, %get3A_695] {strides = array<i32>} : memref<4x200x64xf32, #tpu.memory_space<vmem>>, vector<1x1x16xf32>,
        %get3A_697 = vector.shape_cast %get3A_696 : vector<1x1x16xf32> to vector<16xf32>
        %mul3A_698 = arith.constant 8.000000e+00 : f32
        %mul3A_699 = vector.broadcast %mul3A_698 : f32 to vector<16xf32>
        %mul3A_700 = arith.mulf %get3A_697, %mul3A_699 : vector<16xf32>
        %swap3A_701 = arith.constant 2 : i32
        %swap3A_702 = arith.index_cast %swap3A_701 : i32 to index
        %swap3A_703 = arith.index_cast %add3A_659 : i32 to index
        %swap3A_704 = arith.constant 32 : index
        %swap3A_705 = tpu.vector_load %arg8[%swap3A_702, %swap3A_703, %swap3A_704] {strides = array<i32>} : memref<4x200x64xf32, #tpu.memory_space<vmem>>, vector<1x1x16xf32>,
        %swap3A_706 = vector.shape_cast %swap3A_705 : vector<1x1x16xf32> to vector<16xf32>
        %swap3A_707 = vector.shape_cast %mul3A_700 : vector<16xf32> to vector<1x1x16xf32>
        tpu.vector_store %arg8[%swap3A_702, %swap3A_703, %swap3A_704], %swap3A_707 {strides = array<i32>} : memref<4x200x64xf32, #tpu.memory_space<vmem>>, vector<1x1x16xf32>,
        %get3A_708 = arith.constant 2 : i32
        %get3A_709 = arith.index_cast %get3A_708 : i32 to index
        %get3A_710 = arith.index_cast %add3A_659 : i32 to index
        %get3A_711 = arith.constant 48 : index
        %get3A_712 = tpu.vector_load %arg8[%get3A_709, %get3A_710, %get3A_711] {strides = array<i32>} : memref<4x200x64xf32, #tpu.memory_space<vmem>>, vector<1x1x16xf32>,
        %get3A_713 = vector.shape_cast %get3A_712 : vector<1x1x16xf32> to vector<16xf32>
        %mul3A_714 = arith.constant 8.000000e+00 : f32
        %mul3A_715 = vector.broadcast %mul3A_714 : f32 to vector<16xf32>
        %mul3A_716 = arith.mulf %get3A_713, %mul3A_715 : vector<16xf32>
        %swap3A_717 = arith.constant 2 : i32
        %swap3A_718 = arith.index_cast %swap3A_717 : i32 to index
        %swap3A_719 = arith.index_cast %add3A_659 : i32 to index
        %swap3A_720 = arith.constant 48 : index
        %swap3A_721 = tpu.vector_load %arg8[%swap3A_718, %swap3A_719, %swap3A_720] {strides = array<i32>} : memref<4x200x64xf32, #tpu.memory_space<vmem>>, vector<1x1x16xf32>,
        %swap3A_722 = vector.shape_cast %swap3A_721 : vector<1x1x16xf32> to vector<16xf32>
        %swap3A_723 = vector.shape_cast %mul3A_716 : vector<16xf32> to vector<1x1x16xf32>
        tpu.vector_store %arg8[%swap3A_718, %swap3A_719, %swap3A_720], %swap3A_723 {strides = array<i32>} : memref<4x200x64xf32, #tpu.memory_space<vmem>>, vector<1x1x16xf32>,
        %scan3A_724 = arith.constant 7 : i32
        %scan3A_725 = arith.addi %scan3A_237, %scan3A_724 : i32
        %mul3A_726 = arith.constant 1 : i32
        %mul3A_727 = arith.muli %scan3A_725, %mul3A_726 : i32
        %add3A_728 = arith.constant 0 : i32
        %add3A_729 = arith.addi %add3A_728, %mul3A_727 : i32
        %get3A_730 = arith.constant 2 : i32
        %get3A_731 = arith.index_cast %get3A_730 : i32 to index
        %get3A_732 = arith.index_cast %add3A_729 : i32 to index
        %get3A_733 = arith.constant 0 : index
        %get3A_734 = tpu.vector_load %arg8[%get3A_731, %get3A_732, %get3A_733] {strides = array<i32>} : memref<4x200x64xf32, #tpu.memory_space<vmem>>, vector<1x1x16xf32>,
        %get3A_735 = vector.shape_cast %get3A_734 : vector<1x1x16xf32> to vector<16xf32>
        %mul3A_736 = arith.constant 8.000000e+00 : f32
        %mul3A_737 = vector.broadcast %mul3A_736 : f32 to vector<16xf32>
        %mul3A_738 = arith.mulf %get3A_735, %mul3A_737 : vector<16xf32>
        %swap3A_739 = arith.constant 2 : i32
        %swap3A_740 = arith.index_cast %swap3A_739 : i32 to index
        %swap3A_741 = arith.index_cast %add3A_729 : i32 to index
        %swap3A_742 = arith.constant 0 : index
        %swap3A_743 = tpu.vector_load %arg8[%swap3A_740, %swap3A_741, %swap3A_742] {strides = array<i32>} : memref<4x200x64xf32, #tpu.memory_space<vmem>>, vector<1x1x16xf32>,
        %swap3A_744 = vector.shape_cast %swap3A_743 : vector<1x1x16xf32> to vector<16xf32>
        %swap3A_745 = vector.shape_cast %mul3A_738 : vector<16xf32> to vector<1x1x16xf32>
        tpu.vector_store %arg8[%swap3A_740, %swap3A_741, %swap3A_742], %swap3A_745 {strides = array<i32>} : memref<4x200x64xf32, #tpu.memory_space<vmem>>, vector<1x1x16xf32>,
        %get3A_746 = arith.constant 2 : i32
        %get3A_747 = arith.index_cast %get3A_746 : i32 to index
        %get3A_748 = arith.index_cast %add3A_729 : i32 to index
        %get3A_749 = arith.constant 16 : index
        %get3A_750 = tpu.vector_load %arg8[%get3A_747, %get3A_748, %get3A_749] {strides = array<i32>} : memref<4x200x64xf32, #tpu.memory_space<vmem>>, vector<1x1x16xf32>,
        %get3A_751 = vector.shape_cast %get3A_750 : vector<1x1x16xf32> to vector<16xf32>
        %mul3A_752 = arith.constant 8.000000e+00 : f32
        %mul3A_753 = vector.broadcast %mul3A_752 : f32 to vector<16xf32>
        %mul3A_754 = arith.mulf %get3A_751, %mul3A_753 : vector<16xf32>
        %swap3A_755 = arith.constant 2 : i32
        %swap3A_756 = arith.index_cast %swap3A_755 : i32 to index
        %swap3A_757 = arith.index_cast %add3A_729 : i32 to index
        %swap3A_758 = arith.constant 16 : index
        %swap3A_759 = tpu.vector_load %arg8[%swap3A_756, %swap3A_757, %swap3A_758] {strides = array<i32>} : memref<4x200x64xf32, #tpu.memory_space<vmem>>, vector<1x1x16xf32>,
        %swap3A_760 = vector.shape_cast %swap3A_759 : vector<1x1x16xf32> to vector<16xf32>
        %swap3A_761 = vector.shape_cast %mul3A_754 : vector<16xf32> to vector<1x1x16xf32>
        tpu.vector_store %arg8[%swap3A_756, %swap3A_757, %swap3A_758], %swap3A_761 {strides = array<i32>} : memref<4x200x64xf32, #tpu.memory_space<vmem>>, vector<1x1x16xf32>,
        %get3A_762 = arith.constant 2 : i32
        %get3A_763 = arith.index_cast %get3A_762 : i32 to index
        %get3A_764 = arith.index_cast %add3A_729 : i32 to index
        %get3A_765 = arith.constant 32 : index
        %get3A_766 = tpu.vector_load %arg8[%get3A_763, %get3A_764, %get3A_765] {strides = array<i32>} : memref<4x200x64xf32, #tpu.memory_space<vmem>>, vector<1x1x16xf32>,
        %get3A_767 = vector.shape_cast %get3A_766 : vector<1x1x16xf32> to vector<16xf32>
        %mul3A_768 = arith.constant 8.000000e+00 : f32
        %mul3A_769 = vector.broadcast %mul3A_768 : f32 to vector<16xf32>
        %mul3A_770 = arith.mulf %get3A_767, %mul3A_769 : vector<16xf32>
        %swap3A_771 = arith.constant 2 : i32
        %swap3A_772 = arith.index_cast %swap3A_771 : i32 to index
        %swap3A_773 = arith.index_cast %add3A_729 : i32 to index
        %swap3A_774 = arith.constant 32 : index
        %swap3A_775 = tpu.vector_load %arg8[%swap3A_772, %swap3A_773, %swap3A_774] {strides = array<i32>} : memref<4x200x64xf32, #tpu.memory_space<vmem>>, vector<1x1x16xf32>,
        %swap3A_776 = vector.shape_cast %swap3A_775 : vector<1x1x16xf32> to vector<16xf32>
        %swap3A_777 = vector.shape_cast %mul3A_770 : vector<16xf32> to vector<1x1x16xf32>
        tpu.vector_store %arg8[%swap3A_772, %swap3A_773, %swap3A_774], %swap3A_777 {strides = array<i32>} : memref<4x200x64xf32, #tpu.memory_space<vmem>>, vector<1x1x16xf32>,
        %get3A_778 = arith.constant 2 : i32
        %get3A_779 = arith.index_cast %get3A_778 : i32 to index
        %get3A_780 = arith.index_cast %add3A_729 : i32 to index
        %get3A_781 = arith.constant 48 : index
        %get3A_782 = tpu.vector_load %arg8[%get3A_779, %get3A_780, %get3A_781] {strides = array<i32>} : memref<4x200x64xf32, #tpu.memory_space<vmem>>, vector<1x1x16xf32>,
        %get3A_783 = vector.shape_cast %get3A_782 : vector<1x1x16xf32> to vector<16xf32>
        %mul3A_784 = arith.constant 8.000000e+00 : f32
        %mul3A_785 = vector.broadcast %mul3A_784 : f32 to vector<16xf32>
        %mul3A_786 = arith.mulf %get3A_783, %mul3A_785 : vector<16xf32>
        %swap3A_787 = arith.constant 2 : i32
        %swap3A_788 = arith.index_cast %swap3A_787 : i32 to index
        %swap3A_789 = arith.index_cast %add3A_729 : i32 to index
        %swap3A_790 = arith.constant 48 : index
        %swap3A_791 = tpu.vector_load %arg8[%swap3A_788, %swap3A_789, %swap3A_790] {strides = array<i32>} : memref<4x200x64xf32, #tpu.memory_space<vmem>>, vector<1x1x16xf32>,
        %swap3A_792 = vector.shape_cast %swap3A_791 : vector<1x1x16xf32> to vector<16xf32>
        %swap3A_793 = vector.shape_cast %mul3A_786 : vector<16xf32> to vector<1x1x16xf32>
        tpu.vector_store %arg8[%swap3A_788, %swap3A_789, %swap3A_790], %swap3A_793 {strides = array<i32>} : memref<4x200x64xf32, #tpu.memory_space<vmem>>, vector<1x1x16xf32>,
      }
      %scan3A_228 = arith.constant 200 : i32
      %scan3A_229 = arith.constant 0 : i32
      %scan3A_230 = arith.constant 200 : i32
      %scan3A_231 = arith.addi %scan3A_229, %scan3A_230 : i32
      %scan3A_232 = arith.constant 8 : i32
      scf.for %scan3A_237 = %scan3A_229 to %scan3A_231 step %scan3A_232  : i32 {
        %mul3A_238 = arith.constant 1 : i32
        %mul3A_239 = arith.muli %scan3A_237, %mul3A_238 : i32
        %add3A_240 = arith.constant 0 : i32
        %add3A_241 = arith.addi %add3A_240, %mul3A_239 : i32
        %get3A = arith.constant 3 : i32
        %get3A_242 = arith.index_cast %get3A : i32 to index
        %get3A_243 = arith.index_cast %add3A_241 : i32 to index
        %get3A_244 = arith.constant 0 : index
        %get3A_245 = tpu.vector_load %arg8[%get3A_242, %get3A_243, %get3A_244] {strides = array<i32>} : memref<4x200x64xf32, #tpu.memory_space<vmem>>, vector<1x1x16xf32>,
        %get3A_246 = vector.shape_cast %get3A_245 : vector<1x1x16xf32> to vector<16xf32>
        %mul3A_247 = arith.constant 8.000000e+00 : f32
        %mul3A_248 = vector.broadcast %mul3A_247 : f32 to vector<16xf32>
        %mul3A_249 = arith.mulf %get3A_246, %mul3A_248 : vector<16xf32>
        %swap3A = arith.constant 3 : i32
        %swap3A_250 = arith.index_cast %swap3A : i32 to index
        %swap3A_251 = arith.index_cast %add3A_241 : i32 to index
        %swap3A_252 = arith.constant 0 : index
        %swap3A_253 = tpu.vector_load %arg8[%swap3A_250, %swap3A_251, %swap3A_252] {strides = array<i32>} : memref<4x200x64xf32, #tpu.memory_space<vmem>>, vector<1x1x16xf32>,
        %swap3A_254 = vector.shape_cast %swap3A_253 : vector<1x1x16xf32> to vector<16xf32>
        %swap3A_255 = vector.shape_cast %mul3A_249 : vector<16xf32> to vector<1x1x16xf32>
        tpu.vector_store %arg8[%swap3A_250, %swap3A_251, %swap3A_252], %swap3A_255 {strides = array<i32>} : memref<4x200x64xf32, #tpu.memory_space<vmem>>, vector<1x1x16xf32>,
        %get3A_256 = arith.constant 3 : i32
        %get3A_257 = arith.index_cast %get3A_256 : i32 to index
        %get3A_258 = arith.index_cast %add3A_241 : i32 to index
        %get3A_259 = arith.constant 16 : index
        %get3A_260 = tpu.vector_load %arg8[%get3A_257, %get3A_258, %get3A_259] {strides = array<i32>} : memref<4x200x64xf32, #tpu.memory_space<vmem>>, vector<1x1x16xf32>,
        %get3A_261 = vector.shape_cast %get3A_260 : vector<1x1x16xf32> to vector<16xf32>
        %mul3A_262 = arith.constant 8.000000e+00 : f32
        %mul3A_263 = vector.broadcast %mul3A_262 : f32 to vector<16xf32>
        %mul3A_264 = arith.mulf %get3A_261, %mul3A_263 : vector<16xf32>
        %swap3A_265 = arith.constant 3 : i32
        %swap3A_266 = arith.index_cast %swap3A_265 : i32 to index
        %swap3A_267 = arith.index_cast %add3A_241 : i32 to index
        %swap3A_268 = arith.constant 16 : index
        %swap3A_269 = tpu.vector_load %arg8[%swap3A_266, %swap3A_267, %swap3A_268] {strides = array<i32>} : memref<4x200x64xf32, #tpu.memory_space<vmem>>, vector<1x1x16xf32>,
        %swap3A_270 = vector.shape_cast %swap3A_269 : vector<1x1x16xf32> to vector<16xf32>
        %swap3A_271 = vector.shape_cast %mul3A_264 : vector<16xf32> to vector<1x1x16xf32>
        tpu.vector_store %arg8[%swap3A_266, %swap3A_267, %swap3A_268], %swap3A_271 {strides = array<i32>} : memref<4x200x64xf32, #tpu.memory_space<vmem>>, vector<1x1x16xf32>,
        %get3A_272 = arith.constant 3 : i32
        %get3A_273 = arith.index_cast %get3A_272 : i32 to index
        %get3A_274 = arith.index_cast %add3A_241 : i32 to index
        %get3A_275 = arith.constant 32 : index
        %get3A_276 = tpu.vector_load %arg8[%get3A_273, %get3A_274, %get3A_275] {strides = array<i32>} : memref<4x200x64xf32, #tpu.memory_space<vmem>>, vector<1x1x16xf32>,
        %get3A_277 = vector.shape_cast %get3A_276 : vector<1x1x16xf32> to vector<16xf32>
        %mul3A_278 = arith.constant 8.000000e+00 : f32
        %mul3A_279 = vector.broadcast %mul3A_278 : f32 to vector<16xf32>
        %mul3A_280 = arith.mulf %get3A_277, %mul3A_279 : vector<16xf32>
        %swap3A_281 = arith.constant 3 : i32
        %swap3A_282 = arith.index_cast %swap3A_281 : i32 to index
        %swap3A_283 = arith.index_cast %add3A_241 : i32 to index
        %swap3A_284 = arith.constant 32 : index
        %swap3A_285 = tpu.vector_load %arg8[%swap3A_282, %swap3A_283, %swap3A_284] {strides = array<i32>} : memref<4x200x64xf32, #tpu.memory_space<vmem>>, vector<1x1x16xf32>,
        %swap3A_286 = vector.shape_cast %swap3A_285 : vector<1x1x16xf32> to vector<16xf32>
        %swap3A_287 = vector.shape_cast %mul3A_280 : vector<16xf32> to vector<1x1x16xf32>
        tpu.vector_store %arg8[%swap3A_282, %swap3A_283, %swap3A_284], %swap3A_287 {strides = array<i32>} : memref<4x200x64xf32, #tpu.memory_space<vmem>>, vector<1x1x16xf32>,
        %get3A_288 = arith.constant 3 : i32
        %get3A_289 = arith.index_cast %get3A_288 : i32 to index
        %get3A_290 = arith.index_cast %add3A_241 : i32 to index
        %get3A_291 = arith.constant 48 : index
        %get3A_292 = tpu.vector_load %arg8[%get3A_289, %get3A_290, %get3A_291] {strides = array<i32>} : memref<4x200x64xf32, #tpu.memory_space<vmem>>, vector<1x1x16xf32>,
        %get3A_293 = vector.shape_cast %get3A_292 : vector<1x1x16xf32> to vector<16xf32>
        %mul3A_294 = arith.constant 8.000000e+00 : f32
        %mul3A_295 = vector.broadcast %mul3A_294 : f32 to vector<16xf32>
        %mul3A_296 = arith.mulf %get3A_293, %mul3A_295 : vector<16xf32>
        %swap3A_297 = arith.constant 3 : i32
        %swap3A_298 = arith.index_cast %swap3A_297 : i32 to index
        %swap3A_299 = arith.index_cast %add3A_241 : i32 to index
        %swap3A_300 = arith.constant 48 : index
        %swap3A_301 = tpu.vector_load %arg8[%swap3A_298, %swap3A_299, %swap3A_300] {strides = array<i32>} : memref<4x200x64xf32, #tpu.memory_space<vmem>>, vector<1x1x16xf32>,
        %swap3A_302 = vector.shape_cast %swap3A_301 : vector<1x1x16xf32> to vector<16xf32>
        %swap3A_303 = vector.shape_cast %mul3A_296 : vector<16xf32> to vector<1x1x16xf32>
        tpu.vector_store %arg8[%swap3A_298, %swap3A_299, %swap3A_300], %swap3A_303 {strides = array<i32>} : memref<4x200x64xf32, #tpu.memory_space<vmem>>, vector<1x1x16xf32>,
        %scan3A_304 = arith.constant 1 : i32
        %scan3A_305 = arith.addi %scan3A_237, %scan3A_304 : i32
        %mul3A_306 = arith.constant 1 : i32
        %mul3A_307 = arith.muli %scan3A_305, %mul3A_306 : i32
        %add3A_308 = arith.constant 0 : i32
        %add3A_309 = arith.addi %add3A_308, %mul3A_307 : i32
        %get3A_310 = arith.constant 3 : i32
        %get3A_311 = arith.index_cast %get3A_310 : i32 to index
        %get3A_312 = arith.index_cast %add3A_309 : i32 to index
        %get3A_313 = arith.constant 0 : index
        %get3A_314 = tpu.vector_load %arg8[%get3A_311, %get3A_312, %get3A_313] {strides = array<i32>} : memref<4x200x64xf32, #tpu.memory_space<vmem>>, vector<1x1x16xf32>,
        %get3A_315 = vector.shape_cast %get3A_314 : vector<1x1x16xf32> to vector<16xf32>
        %mul3A_316 = arith.constant 8.000000e+00 : f32
        %mul3A_317 = vector.broadcast %mul3A_316 : f32 to vector<16xf32>
        %mul3A_318 = arith.mulf %get3A_315, %mul3A_317 : vector<16xf32>
        %swap3A_319 = arith.constant 3 : i32
        %swap3A_320 = arith.index_cast %swap3A_319 : i32 to index
        %swap3A_321 = arith.index_cast %add3A_309 : i32 to index
        %swap3A_322 = arith.constant 0 : index
        %swap3A_323 = tpu.vector_load %arg8[%swap3A_320, %swap3A_321, %swap3A_322] {strides = array<i32>} : memref<4x200x64xf32, #tpu.memory_space<vmem>>, vector<1x1x16xf32>,
        %swap3A_324 = vector.shape_cast %swap3A_323 : vector<1x1x16xf32> to vector<16xf32>
        %swap3A_325 = vector.shape_cast %mul3A_318 : vector<16xf32> to vector<1x1x16xf32>
        tpu.vector_store %arg8[%swap3A_320, %swap3A_321, %swap3A_322], %swap3A_325 {strides = array<i32>} : memref<4x200x64xf32, #tpu.memory_space<vmem>>, vector<1x1x16xf32>,
        %get3A_326 = arith.constant 3 : i32
        %get3A_327 = arith.index_cast %get3A_326 : i32 to index
        %get3A_328 = arith.index_cast %add3A_309 : i32 to index
        %get3A_329 = arith.constant 16 : index
        %get3A_330 = tpu.vector_load %arg8[%get3A_327, %get3A_328, %get3A_329] {strides = array<i32>} : memref<4x200x64xf32, #tpu.memory_space<vmem>>, vector<1x1x16xf32>,
        %get3A_331 = vector.shape_cast %get3A_330 : vector<1x1x16xf32> to vector<16xf32>
        %mul3A_332 = arith.constant 8.000000e+00 : f32
        %mul3A_333 = vector.broadcast %mul3A_332 : f32 to vector<16xf32>
        %mul3A_334 = arith.mulf %get3A_331, %mul3A_333 : vector<16xf32>
        %swap3A_335 = arith.constant 3 : i32
        %swap3A_336 = arith.index_cast %swap3A_335 : i32 to index
        %swap3A_337 = arith.index_cast %add3A_309 : i32 to index
        %swap3A_338 = arith.constant 16 : index
        %swap3A_339 = tpu.vector_load %arg8[%swap3A_336, %swap3A_337, %swap3A_338] {strides = array<i32>} : memref<4x200x64xf32, #tpu.memory_space<vmem>>, vector<1x1x16xf32>,
        %swap3A_340 = vector.shape_cast %swap3A_339 : vector<1x1x16xf32> to vector<16xf32>
        %swap3A_341 = vector.shape_cast %mul3A_334 : vector<16xf32> to vector<1x1x16xf32>
        tpu.vector_store %arg8[%swap3A_336, %swap3A_337, %swap3A_338], %swap3A_341 {strides = array<i32>} : memref<4x200x64xf32, #tpu.memory_space<vmem>>, vector<1x1x16xf32>,
        %get3A_342 = arith.constant 3 : i32
        %get3A_343 = arith.index_cast %get3A_342 : i32 to index
        %get3A_344 = arith.index_cast %add3A_309 : i32 to index
        %get3A_345 = arith.constant 32 : index
        %get3A_346 = tpu.vector_load %arg8[%get3A_343, %get3A_344, %get3A_345] {strides = array<i32>} : memref<4x200x64xf32, #tpu.memory_space<vmem>>, vector<1x1x16xf32>,
        %get3A_347 = vector.shape_cast %get3A_346 : vector<1x1x16xf32> to vector<16xf32>
        %mul3A_348 = arith.constant 8.000000e+00 : f32
        %mul3A_349 = vector.broadcast %mul3A_348 : f32 to vector<16xf32>
        %mul3A_350 = arith.mulf %get3A_347, %mul3A_349 : vector<16xf32>
        %swap3A_351 = arith.constant 3 : i32
        %swap3A_352 = arith.index_cast %swap3A_351 : i32 to index
        %swap3A_353 = arith.index_cast %add3A_309 : i32 to index
        %swap3A_354 = arith.constant 32 : index
        %swap3A_355 = tpu.vector_load %arg8[%swap3A_352, %swap3A_353, %swap3A_354] {strides = array<i32>} : memref<4x200x64xf32, #tpu.memory_space<vmem>>, vector<1x1x16xf32>,
        %swap3A_356 = vector.shape_cast %swap3A_355 : vector<1x1x16xf32> to vector<16xf32>
        %swap3A_357 = vector.shape_cast %mul3A_350 : vector<16xf32> to vector<1x1x16xf32>
        tpu.vector_store %arg8[%swap3A_352, %swap3A_353, %swap3A_354], %swap3A_357 {strides = array<i32>} : memref<4x200x64xf32, #tpu.memory_space<vmem>>, vector<1x1x16xf32>,
        %get3A_358 = arith.constant 3 : i32
        %get3A_359 = arith.index_cast %get3A_358 : i32 to index
        %get3A_360 = arith.index_cast %add3A_309 : i32 to index
        %get3A_361 = arith.constant 48 : index
        %get3A_362 = tpu.vector_load %arg8[%get3A_359, %get3A_360, %get3A_361] {strides = array<i32>} : memref<4x200x64xf32, #tpu.memory_space<vmem>>, vector<1x1x16xf32>,
        %get3A_363 = vector.shape_cast %get3A_362 : vector<1x1x16xf32> to vector<16xf32>
        %mul3A_364 = arith.constant 8.000000e+00 : f32
        %mul3A_365 = vector.broadcast %mul3A_364 : f32 to vector<16xf32>
        %mul3A_366 = arith.mulf %get3A_363, %mul3A_365 : vector<16xf32>
        %swap3A_367 = arith.constant 3 : i32
        %swap3A_368 = arith.index_cast %swap3A_367 : i32 to index
        %swap3A_369 = arith.index_cast %add3A_309 : i32 to index
        %swap3A_370 = arith.constant 48 : index
        %swap3A_371 = tpu.vector_load %arg8[%swap3A_368, %swap3A_369, %swap3A_370] {strides = array<i32>} : memref<4x200x64xf32, #tpu.memory_space<vmem>>, vector<1x1x16xf32>,
        %swap3A_372 = vector.shape_cast %swap3A_371 : vector<1x1x16xf32> to vector<16xf32>
        %swap3A_373 = vector.shape_cast %mul3A_366 : vector<16xf32> to vector<1x1x16xf32>
        tpu.vector_store %arg8[%swap3A_368, %swap3A_369, %swap3A_370], %swap3A_373 {strides = array<i32>} : memref<4x200x64xf32, #tpu.memory_space<vmem>>, vector<1x1x16xf32>,
        %scan3A_374 = arith.constant 2 : i32
        %scan3A_375 = arith.addi %scan3A_237, %scan3A_374 : i32
        %mul3A_376 = arith.constant 1 : i32
        %mul3A_377 = arith.muli %scan3A_375, %mul3A_376 : i32
        %add3A_378 = arith.constant 0 : i32
        %add3A_379 = arith.addi %add3A_378, %mul3A_377 : i32
        %get3A_380 = arith.constant 3 : i32
        %get3A_381 = arith.index_cast %get3A_380 : i32 to index
        %get3A_382 = arith.index_cast %add3A_379 : i32 to index
        %get3A_383 = arith.constant 0 : index
        %get3A_384 = tpu.vector_load %arg8[%get3A_381, %get3A_382, %get3A_383] {strides = array<i32>} : memref<4x200x64xf32, #tpu.memory_space<vmem>>, vector<1x1x16xf32>,
        %get3A_385 = vector.shape_cast %get3A_384 : vector<1x1x16xf32> to vector<16xf32>
        %mul3A_386 = arith.constant 8.000000e+00 : f32
        %mul3A_387 = vector.broadcast %mul3A_386 : f32 to vector<16xf32>
        %mul3A_388 = arith.mulf %get3A_385, %mul3A_387 : vector<16xf32>
        %swap3A_389 = arith.constant 3 : i32
        %swap3A_390 = arith.index_cast %swap3A_389 : i32 to index
        %swap3A_391 = arith.index_cast %add3A_379 : i32 to index
        %swap3A_392 = arith.constant 0 : index
        %swap3A_393 = tpu.vector_load %arg8[%swap3A_390, %swap3A_391, %swap3A_392] {strides = array<i32>} : memref<4x200x64xf32, #tpu.memory_space<vmem>>, vector<1x1x16xf32>,
        %swap3A_394 = vector.shape_cast %swap3A_393 : vector<1x1x16xf32> to vector<16xf32>
        %swap3A_395 = vector.shape_cast %mul3A_388 : vector<16xf32> to vector<1x1x16xf32>
        tpu.vector_store %arg8[%swap3A_390, %swap3A_391, %swap3A_392], %swap3A_395 {strides = array<i32>} : memref<4x200x64xf32, #tpu.memory_space<vmem>>, vector<1x1x16xf32>,
        %get3A_396 = arith.constant 3 : i32
        %get3A_397 = arith.index_cast %get3A_396 : i32 to index
        %get3A_398 = arith.index_cast %add3A_379 : i32 to index
        %get3A_399 = arith.constant 16 : index
        %get3A_400 = tpu.vector_load %arg8[%get3A_397, %get3A_398, %get3A_399] {strides = array<i32>} : memref<4x200x64xf32, #tpu.memory_space<vmem>>, vector<1x1x16xf32>,
        %get3A_401 = vector.shape_cast %get3A_400 : vector<1x1x16xf32> to vector<16xf32>
        %mul3A_402 = arith.constant 8.000000e+00 : f32
        %mul3A_403 = vector.broadcast %mul3A_402 : f32 to vector<16xf32>
        %mul3A_404 = arith.mulf %get3A_401, %mul3A_403 : vector<16xf32>
        %swap3A_405 = arith.constant 3 : i32
        %swap3A_406 = arith.index_cast %swap3A_405 : i32 to index
        %swap3A_407 = arith.index_cast %add3A_379 : i32 to index
        %swap3A_408 = arith.constant 16 : index
        %swap3A_409 = tpu.vector_load %arg8[%swap3A_406, %swap3A_407, %swap3A_408] {strides = array<i32>} : memref<4x200x64xf32, #tpu.memory_space<vmem>>, vector<1x1x16xf32>,
        %swap3A_410 = vector.shape_cast %swap3A_409 : vector<1x1x16xf32> to vector<16xf32>
        %swap3A_411 = vector.shape_cast %mul3A_404 : vector<16xf32> to vector<1x1x16xf32>
        tpu.vector_store %arg8[%swap3A_406, %swap3A_407, %swap3A_408], %swap3A_411 {strides = array<i32>} : memref<4x200x64xf32, #tpu.memory_space<vmem>>, vector<1x1x16xf32>,
        %get3A_412 = arith.constant 3 : i32
        %get3A_413 = arith.index_cast %get3A_412 : i32 to index
        %get3A_414 = arith.index_cast %add3A_379 : i32 to index
        %get3A_415 = arith.constant 32 : index
        %get3A_416 = tpu.vector_load %arg8[%get3A_413, %get3A_414, %get3A_415] {strides = array<i32>} : memref<4x200x64xf32, #tpu.memory_space<vmem>>, vector<1x1x16xf32>,
        %get3A_417 = vector.shape_cast %get3A_416 : vector<1x1x16xf32> to vector<16xf32>
        %mul3A_418 = arith.constant 8.000000e+00 : f32
        %mul3A_419 = vector.broadcast %mul3A_418 : f32 to vector<16xf32>
        %mul3A_420 = arith.mulf %get3A_417, %mul3A_419 : vector<16xf32>
        %swap3A_421 = arith.constant 3 : i32
        %swap3A_422 = arith.index_cast %swap3A_421 : i32 to index
        %swap3A_423 = arith.index_cast %add3A_379 : i32 to index
        %swap3A_424 = arith.constant 32 : index
        %swap3A_425 = tpu.vector_load %arg8[%swap3A_422, %swap3A_423, %swap3A_424] {strides = array<i32>} : memref<4x200x64xf32, #tpu.memory_space<vmem>>, vector<1x1x16xf32>,
        %swap3A_426 = vector.shape_cast %swap3A_425 : vector<1x1x16xf32> to vector<16xf32>
        %swap3A_427 = vector.shape_cast %mul3A_420 : vector<16xf32> to vector<1x1x16xf32>
        tpu.vector_store %arg8[%swap3A_422, %swap3A_423, %swap3A_424], %swap3A_427 {strides = array<i32>} : memref<4x200x64xf32, #tpu.memory_space<vmem>>, vector<1x1x16xf32>,
        %get3A_428 = arith.constant 3 : i32
        %get3A_429 = arith.index_cast %get3A_428 : i32 to index
        %get3A_430 = arith.index_cast %add3A_379 : i32 to index
        %get3A_431 = arith.constant 48 : index
        %get3A_432 = tpu.vector_load %arg8[%get3A_429, %get3A_430, %get3A_431] {strides = array<i32>} : memref<4x200x64xf32, #tpu.memory_space<vmem>>, vector<1x1x16xf32>,
        %get3A_433 = vector.shape_cast %get3A_432 : vector<1x1x16xf32> to vector<16xf32>
        %mul3A_434 = arith.constant 8.000000e+00 : f32
        %mul3A_435 = vector.broadcast %mul3A_434 : f32 to vector<16xf32>
        %mul3A_436 = arith.mulf %get3A_433, %mul3A_435 : vector<16xf32>
        %swap3A_437 = arith.constant 3 : i32
        %swap3A_438 = arith.index_cast %swap3A_437 : i32 to index
        %swap3A_439 = arith.index_cast %add3A_379 : i32 to index
        %swap3A_440 = arith.constant 48 : index
        %swap3A_441 = tpu.vector_load %arg8[%swap3A_438, %swap3A_439, %swap3A_440] {strides = array<i32>} : memref<4x200x64xf32, #tpu.memory_space<vmem>>, vector<1x1x16xf32>,
        %swap3A_442 = vector.shape_cast %swap3A_441 : vector<1x1x16xf32> to vector<16xf32>
        %swap3A_443 = vector.shape_cast %mul3A_436 : vector<16xf32> to vector<1x1x16xf32>
        tpu.vector_store %arg8[%swap3A_438, %swap3A_439, %swap3A_440], %swap3A_443 {strides = array<i32>} : memref<4x200x64xf32, #tpu.memory_space<vmem>>, vector<1x1x16xf32>,
        %scan3A_444 = arith.constant 3 : i32
        %scan3A_445 = arith.addi %scan3A_237, %scan3A_444 : i32
        %mul3A_446 = arith.constant 1 : i32
        %mul3A_447 = arith.muli %scan3A_445, %mul3A_446 : i32
        %add3A_448 = arith.constant 0 : i32
        %add3A_449 = arith.addi %add3A_448, %mul3A_447 : i32
        %get3A_450 = arith.constant 3 : i32
        %get3A_451 = arith.index_cast %get3A_450 : i32 to index
        %get3A_452 = arith.index_cast %add3A_449 : i32 to index
        %get3A_453 = arith.constant 0 : index
        %get3A_454 = tpu.vector_load %arg8[%get3A_451, %get3A_452, %get3A_453] {strides = array<i32>} : memref<4x200x64xf32, #tpu.memory_space<vmem>>, vector<1x1x16xf32>,
        %get3A_455 = vector.shape_cast %get3A_454 : vector<1x1x16xf32> to vector<16xf32>
        %mul3A_456 = arith.constant 8.000000e+00 : f32
        %mul3A_457 = vector.broadcast %mul3A_456 : f32 to vector<16xf32>
        %mul3A_458 = arith.mulf %get3A_455, %mul3A_457 : vector<16xf32>
        %swap3A_459 = arith.constant 3 : i32
        %swap3A_460 = arith.index_cast %swap3A_459 : i32 to index
        %swap3A_461 = arith.index_cast %add3A_449 : i32 to index
        %swap3A_462 = arith.constant 0 : index
        %swap3A_463 = tpu.vector_load %arg8[%swap3A_460, %swap3A_461, %swap3A_462] {strides = array<i32>} : memref<4x200x64xf32, #tpu.memory_space<vmem>>, vector<1x1x16xf32>,
        %swap3A_464 = vector.shape_cast %swap3A_463 : vector<1x1x16xf32> to vector<16xf32>
        %swap3A_465 = vector.shape_cast %mul3A_458 : vector<16xf32> to vector<1x1x16xf32>
        tpu.vector_store %arg8[%swap3A_460, %swap3A_461, %swap3A_462], %swap3A_465 {strides = array<i32>} : memref<4x200x64xf32, #tpu.memory_space<vmem>>, vector<1x1x16xf32>,
        %get3A_466 = arith.constant 3 : i32
        %get3A_467 = arith.index_cast %get3A_466 : i32 to index
        %get3A_468 = arith.index_cast %add3A_449 : i32 to index
        %get3A_469 = arith.constant 16 : index
        %get3A_470 = tpu.vector_load %arg8[%get3A_467, %get3A_468, %get3A_469] {strides = array<i32>} : memref<4x200x64xf32, #tpu.memory_space<vmem>>, vector<1x1x16xf32>,
        %get3A_471 = vector.shape_cast %get3A_470 : vector<1x1x16xf32> to vector<16xf32>
        %mul3A_472 = arith.constant 8.000000e+00 : f32
        %mul3A_473 = vector.broadcast %mul3A_472 : f32 to vector<16xf32>
        %mul3A_474 = arith.mulf %get3A_471, %mul3A_473 : vector<16xf32>
        %swap3A_475 = arith.constant 3 : i32
        %swap3A_476 = arith.index_cast %swap3A_475 : i32 to index
        %swap3A_477 = arith.index_cast %add3A_449 : i32 to index
        %swap3A_478 = arith.constant 16 : index
        %swap3A_479 = tpu.vector_load %arg8[%swap3A_476, %swap3A_477, %swap3A_478] {strides = array<i32>} : memref<4x200x64xf32, #tpu.memory_space<vmem>>, vector<1x1x16xf32>,
        %swap3A_480 = vector.shape_cast %swap3A_479 : vector<1x1x16xf32> to vector<16xf32>
        %swap3A_481 = vector.shape_cast %mul3A_474 : vector<16xf32> to vector<1x1x16xf32>
        tpu.vector_store %arg8[%swap3A_476, %swap3A_477, %swap3A_478], %swap3A_481 {strides = array<i32>} : memref<4x200x64xf32, #tpu.memory_space<vmem>>, vector<1x1x16xf32>,
        %get3A_482 = arith.constant 3 : i32
        %get3A_483 = arith.index_cast %get3A_482 : i32 to index
        %get3A_484 = arith.index_cast %add3A_449 : i32 to index
        %get3A_485 = arith.constant 32 : index
        %get3A_486 = tpu.vector_load %arg8[%get3A_483, %get3A_484, %get3A_485] {strides = array<i32>} : memref<4x200x64xf32, #tpu.memory_space<vmem>>, vector<1x1x16xf32>,
        %get3A_487 = vector.shape_cast %get3A_486 : vector<1x1x16xf32> to vector<16xf32>
        %mul3A_488 = arith.constant 8.000000e+00 : f32
        %mul3A_489 = vector.broadcast %mul3A_488 : f32 to vector<16xf32>
        %mul3A_490 = arith.mulf %get3A_487, %mul3A_489 : vector<16xf32>
        %swap3A_491 = arith.constant 3 : i32
        %swap3A_492 = arith.index_cast %swap3A_491 : i32 to index
        %swap3A_493 = arith.index_cast %add3A_449 : i32 to index
        %swap3A_494 = arith.constant 32 : index
        %swap3A_495 = tpu.vector_load %arg8[%swap3A_492, %swap3A_493, %swap3A_494] {strides = array<i32>} : memref<4x200x64xf32, #tpu.memory_space<vmem>>, vector<1x1x16xf32>,
        %swap3A_496 = vector.shape_cast %swap3A_495 : vector<1x1x16xf32> to vector<16xf32>
        %swap3A_497 = vector.shape_cast %mul3A_490 : vector<16xf32> to vector<1x1x16xf32>
        tpu.vector_store %arg8[%swap3A_492, %swap3A_493, %swap3A_494], %swap3A_497 {strides = array<i32>} : memref<4x200x64xf32, #tpu.memory_space<vmem>>, vector<1x1x16xf32>,
        %get3A_498 = arith.constant 3 : i32
        %get3A_499 = arith.index_cast %get3A_498 : i32 to index
        %get3A_500 = arith.index_cast %add3A_449 : i32 to index
        %get3A_501 = arith.constant 48 : index
        %get3A_502 = tpu.vector_load %arg8[%get3A_499, %get3A_500, %get3A_501] {strides = array<i32>} : memref<4x200x64xf32, #tpu.memory_space<vmem>>, vector<1x1x16xf32>,
        %get3A_503 = vector.shape_cast %get3A_502 : vector<1x1x16xf32> to vector<16xf32>
        %mul3A_504 = arith.constant 8.000000e+00 : f32
        %mul3A_505 = vector.broadcast %mul3A_504 : f32 to vector<16xf32>
        %mul3A_506 = arith.mulf %get3A_503, %mul3A_505 : vector<16xf32>
        %swap3A_507 = arith.constant 3 : i32
        %swap3A_508 = arith.index_cast %swap3A_507 : i32 to index
        %swap3A_509 = arith.index_cast %add3A_449 : i32 to index
        %swap3A_510 = arith.constant 48 : index
        %swap3A_511 = tpu.vector_load %arg8[%swap3A_508, %swap3A_509, %swap3A_510] {strides = array<i32>} : memref<4x200x64xf32, #tpu.memory_space<vmem>>, vector<1x1x16xf32>,
        %swap3A_512 = vector.shape_cast %swap3A_511 : vector<1x1x16xf32> to vector<16xf32>
        %swap3A_513 = vector.shape_cast %mul3A_506 : vector<16xf32> to vector<1x1x16xf32>
        tpu.vector_store %arg8[%swap3A_508, %swap3A_509, %swap3A_510], %swap3A_513 {strides = array<i32>} : memref<4x200x64xf32, #tpu.memory_space<vmem>>, vector<1x1x16xf32>,
        %scan3A_514 = arith.constant 4 : i32
        %scan3A_515 = arith.addi %scan3A_237, %scan3A_514 : i32
        %mul3A_516 = arith.constant 1 : i32
        %mul3A_517 = arith.muli %scan3A_515, %mul3A_516 : i32
        %add3A_518 = arith.constant 0 : i32
        %add3A_519 = arith.addi %add3A_518, %mul3A_517 : i32
        %get3A_520 = arith.constant 3 : i32
        %get3A_521 = arith.index_cast %get3A_520 : i32 to index
        %get3A_522 = arith.index_cast %add3A_519 : i32 to index
        %get3A_523 = arith.constant 0 : index
        %get3A_524 = tpu.vector_load %arg8[%get3A_521, %get3A_522, %get3A_523] {strides = array<i32>} : memref<4x200x64xf32, #tpu.memory_space<vmem>>, vector<1x1x16xf32>,
        %get3A_525 = vector.shape_cast %get3A_524 : vector<1x1x16xf32> to vector<16xf32>
        %mul3A_526 = arith.constant 8.000000e+00 : f32
        %mul3A_527 = vector.broadcast %mul3A_526 : f32 to vector<16xf32>
        %mul3A_528 = arith.mulf %get3A_525, %mul3A_527 : vector<16xf32>
        %swap3A_529 = arith.constant 3 : i32
        %swap3A_530 = arith.index_cast %swap3A_529 : i32 to index
        %swap3A_531 = arith.index_cast %add3A_519 : i32 to index
        %swap3A_532 = arith.constant 0 : index
        %swap3A_533 = tpu.vector_load %arg8[%swap3A_530, %swap3A_531, %swap3A_532] {strides = array<i32>} : memref<4x200x64xf32, #tpu.memory_space<vmem>>, vector<1x1x16xf32>,
        %swap3A_534 = vector.shape_cast %swap3A_533 : vector<1x1x16xf32> to vector<16xf32>
        %swap3A_535 = vector.shape_cast %mul3A_528 : vector<16xf32> to vector<1x1x16xf32>
        tpu.vector_store %arg8[%swap3A_530, %swap3A_531, %swap3A_532], %swap3A_535 {strides = array<i32>} : memref<4x200x64xf32, #tpu.memory_space<vmem>>, vector<1x1x16xf32>,
        %get3A_536 = arith.constant 3 : i32
        %get3A_537 = arith.index_cast %get3A_536 : i32 to index
        %get3A_538 = arith.index_cast %add3A_519 : i32 to index
        %get3A_539 = arith.constant 16 : index
        %get3A_540 = tpu.vector_load %arg8[%get3A_537, %get3A_538, %get3A_539] {strides = array<i32>} : memref<4x200x64xf32, #tpu.memory_space<vmem>>, vector<1x1x16xf32>,
        %get3A_541 = vector.shape_cast %get3A_540 : vector<1x1x16xf32> to vector<16xf32>
        %mul3A_542 = arith.constant 8.000000e+00 : f32
        %mul3A_543 = vector.broadcast %mul3A_542 : f32 to vector<16xf32>
        %mul3A_544 = arith.mulf %get3A_541, %mul3A_543 : vector<16xf32>
        %swap3A_545 = arith.constant 3 : i32
        %swap3A_546 = arith.index_cast %swap3A_545 : i32 to index
        %swap3A_547 = arith.index_cast %add3A_519 : i32 to index
        %swap3A_548 = arith.constant 16 : index
        %swap3A_549 = tpu.vector_load %arg8[%swap3A_546, %swap3A_547, %swap3A_548] {strides = array<i32>} : memref<4x200x64xf32, #tpu.memory_space<vmem>>, vector<1x1x16xf32>,
        %swap3A_550 = vector.shape_cast %swap3A_549 : vector<1x1x16xf32> to vector<16xf32>
        %swap3A_551 = vector.shape_cast %mul3A_544 : vector<16xf32> to vector<1x1x16xf32>
        tpu.vector_store %arg8[%swap3A_546, %swap3A_547, %swap3A_548], %swap3A_551 {strides = array<i32>} : memref<4x200x64xf32, #tpu.memory_space<vmem>>, vector<1x1x16xf32>,
        %get3A_552 = arith.constant 3 : i32
        %get3A_553 = arith.index_cast %get3A_552 : i32 to index
        %get3A_554 = arith.index_cast %add3A_519 : i32 to index
        %get3A_555 = arith.constant 32 : index
        %get3A_556 = tpu.vector_load %arg8[%get3A_553, %get3A_554, %get3A_555] {strides = array<i32>} : memref<4x200x64xf32, #tpu.memory_space<vmem>>, vector<1x1x16xf32>,
        %get3A_557 = vector.shape_cast %get3A_556 : vector<1x1x16xf32> to vector<16xf32>
        %mul3A_558 = arith.constant 8.000000e+00 : f32
        %mul3A_559 = vector.broadcast %mul3A_558 : f32 to vector<16xf32>
        %mul3A_560 = arith.mulf %get3A_557, %mul3A_559 : vector<16xf32>
        %swap3A_561 = arith.constant 3 : i32
        %swap3A_562 = arith.index_cast %swap3A_561 : i32 to index
        %swap3A_563 = arith.index_cast %add3A_519 : i32 to index
        %swap3A_564 = arith.constant 32 : index
        %swap3A_565 = tpu.vector_load %arg8[%swap3A_562, %swap3A_563, %swap3A_564] {strides = array<i32>} : memref<4x200x64xf32, #tpu.memory_space<vmem>>, vector<1x1x16xf32>,
        %swap3A_566 = vector.shape_cast %swap3A_565 : vector<1x1x16xf32> to vector<16xf32>
        %swap3A_567 = vector.shape_cast %mul3A_560 : vector<16xf32> to vector<1x1x16xf32>
        tpu.vector_store %arg8[%swap3A_562, %swap3A_563, %swap3A_564], %swap3A_567 {strides = array<i32>} : memref<4x200x64xf32, #tpu.memory_space<vmem>>, vector<1x1x16xf32>,
        %get3A_568 = arith.constant 3 : i32
        %get3A_569 = arith.index_cast %get3A_568 : i32 to index
        %get3A_570 = arith.index_cast %add3A_519 : i32 to index
        %get3A_571 = arith.constant 48 : index
        %get3A_572 = tpu.vector_load %arg8[%get3A_569, %get3A_570, %get3A_571] {strides = array<i32>} : memref<4x200x64xf32, #tpu.memory_space<vmem>>, vector<1x1x16xf32>,
        %get3A_573 = vector.shape_cast %get3A_572 : vector<1x1x16xf32> to vector<16xf32>
        %mul3A_574 = arith.constant 8.000000e+00 : f32
        %mul3A_575 = vector.broadcast %mul3A_574 : f32 to vector<16xf32>
        %mul3A_576 = arith.mulf %get3A_573, %mul3A_575 : vector<16xf32>
        %swap3A_577 = arith.constant 3 : i32
        %swap3A_578 = arith.index_cast %swap3A_577 : i32 to index
        %swap3A_579 = arith.index_cast %add3A_519 : i32 to index
        %swap3A_580 = arith.constant 48 : index
        %swap3A_581 = tpu.vector_load %arg8[%swap3A_578, %swap3A_579, %swap3A_580] {strides = array<i32>} : memref<4x200x64xf32, #tpu.memory_space<vmem>>, vector<1x1x16xf32>,
        %swap3A_582 = vector.shape_cast %swap3A_581 : vector<1x1x16xf32> to vector<16xf32>
        %swap3A_583 = vector.shape_cast %mul3A_576 : vector<16xf32> to vector<1x1x16xf32>
        tpu.vector_store %arg8[%swap3A_578, %swap3A_579, %swap3A_580], %swap3A_583 {strides = array<i32>} : memref<4x200x64xf32, #tpu.memory_space<vmem>>, vector<1x1x16xf32>,
        %scan3A_584 = arith.constant 5 : i32
        %scan3A_585 = arith.addi %scan3A_237, %scan3A_584 : i32
        %mul3A_586 = arith.constant 1 : i32
        %mul3A_587 = arith.muli %scan3A_585, %mul3A_586 : i32
        %add3A_588 = arith.constant 0 : i32
        %add3A_589 = arith.addi %add3A_588, %mul3A_587 : i32
        %get3A_590 = arith.constant 3 : i32
        %get3A_591 = arith.index_cast %get3A_590 : i32 to index
        %get3A_592 = arith.index_cast %add3A_589 : i32 to index
        %get3A_593 = arith.constant 0 : index
        %get3A_594 = tpu.vector_load %arg8[%get3A_591, %get3A_592, %get3A_593] {strides = array<i32>} : memref<4x200x64xf32, #tpu.memory_space<vmem>>, vector<1x1x16xf32>,
        %get3A_595 = vector.shape_cast %get3A_594 : vector<1x1x16xf32> to vector<16xf32>
        %mul3A_596 = arith.constant 8.000000e+00 : f32
        %mul3A_597 = vector.broadcast %mul3A_596 : f32 to vector<16xf32>
        %mul3A_598 = arith.mulf %get3A_595, %mul3A_597 : vector<16xf32>
        %swap3A_599 = arith.constant 3 : i32
        %swap3A_600 = arith.index_cast %swap3A_599 : i32 to index
        %swap3A_601 = arith.index_cast %add3A_589 : i32 to index
        %swap3A_602 = arith.constant 0 : index
        %swap3A_603 = tpu.vector_load %arg8[%swap3A_600, %swap3A_601, %swap3A_602] {strides = array<i32>} : memref<4x200x64xf32, #tpu.memory_space<vmem>>, vector<1x1x16xf32>,
        %swap3A_604 = vector.shape_cast %swap3A_603 : vector<1x1x16xf32> to vector<16xf32>
        %swap3A_605 = vector.shape_cast %mul3A_598 : vector<16xf32> to vector<1x1x16xf32>
        tpu.vector_store %arg8[%swap3A_600, %swap3A_601, %swap3A_602], %swap3A_605 {strides = array<i32>} : memref<4x200x64xf32, #tpu.memory_space<vmem>>, vector<1x1x16xf32>,
        %get3A_606 = arith.constant 3 : i32
        %get3A_607 = arith.index_cast %get3A_606 : i32 to index
        %get3A_608 = arith.index_cast %add3A_589 : i32 to index
        %get3A_609 = arith.constant 16 : index
        %get3A_610 = tpu.vector_load %arg8[%get3A_607, %get3A_608, %get3A_609] {strides = array<i32>} : memref<4x200x64xf32, #tpu.memory_space<vmem>>, vector<1x1x16xf32>,
        %get3A_611 = vector.shape_cast %get3A_610 : vector<1x1x16xf32> to vector<16xf32>
        %mul3A_612 = arith.constant 8.000000e+00 : f32
        %mul3A_613 = vector.broadcast %mul3A_612 : f32 to vector<16xf32>
        %mul3A_614 = arith.mulf %get3A_611, %mul3A_613 : vector<16xf32>
        %swap3A_615 = arith.constant 3 : i32
        %swap3A_616 = arith.index_cast %swap3A_615 : i32 to index
        %swap3A_617 = arith.index_cast %add3A_589 : i32 to index
        %swap3A_618 = arith.constant 16 : index
        %swap3A_619 = tpu.vector_load %arg8[%swap3A_616, %swap3A_617, %swap3A_618] {strides = array<i32>} : memref<4x200x64xf32, #tpu.memory_space<vmem>>, vector<1x1x16xf32>,
        %swap3A_620 = vector.shape_cast %swap3A_619 : vector<1x1x16xf32> to vector<16xf32>
        %swap3A_621 = vector.shape_cast %mul3A_614 : vector<16xf32> to vector<1x1x16xf32>
        tpu.vector_store %arg8[%swap3A_616, %swap3A_617, %swap3A_618], %swap3A_621 {strides = array<i32>} : memref<4x200x64xf32, #tpu.memory_space<vmem>>, vector<1x1x16xf32>,
        %get3A_622 = arith.constant 3 : i32
        %get3A_623 = arith.index_cast %get3A_622 : i32 to index
        %get3A_624 = arith.index_cast %add3A_589 : i32 to index
        %get3A_625 = arith.constant 32 : index
        %get3A_626 = tpu.vector_load %arg8[%get3A_623, %get3A_624, %get3A_625] {strides = array<i32>} : memref<4x200x64xf32, #tpu.memory_space<vmem>>, vector<1x1x16xf32>,
        %get3A_627 = vector.shape_cast %get3A_626 : vector<1x1x16xf32> to vector<16xf32>
        %mul3A_628 = arith.constant 8.000000e+00 : f32
        %mul3A_629 = vector.broadcast %mul3A_628 : f32 to vector<16xf32>
        %mul3A_630 = arith.mulf %get3A_627, %mul3A_629 : vector<16xf32>
        %swap3A_631 = arith.constant 3 : i32
        %swap3A_632 = arith.index_cast %swap3A_631 : i32 to index
        %swap3A_633 = arith.index_cast %add3A_589 : i32 to index
        %swap3A_634 = arith.constant 32 : index
        %swap3A_635 = tpu.vector_load %arg8[%swap3A_632, %swap3A_633, %swap3A_634] {strides = array<i32>} : memref<4x200x64xf32, #tpu.memory_space<vmem>>, vector<1x1x16xf32>,
        %swap3A_636 = vector.shape_cast %swap3A_635 : vector<1x1x16xf32> to vector<16xf32>
        %swap3A_637 = vector.shape_cast %mul3A_630 : vector<16xf32> to vector<1x1x16xf32>
        tpu.vector_store %arg8[%swap3A_632, %swap3A_633, %swap3A_634], %swap3A_637 {strides = array<i32>} : memref<4x200x64xf32, #tpu.memory_space<vmem>>, vector<1x1x16xf32>,
        %get3A_638 = arith.constant 3 : i32
        %get3A_639 = arith.index_cast %get3A_638 : i32 to index
        %get3A_640 = arith.index_cast %add3A_589 : i32 to index
        %get3A_641 = arith.constant 48 : index
        %get3A_642 = tpu.vector_load %arg8[%get3A_639, %get3A_640, %get3A_641] {strides = array<i32>} : memref<4x200x64xf32, #tpu.memory_space<vmem>>, vector<1x1x16xf32>,
        %get3A_643 = vector.shape_cast %get3A_642 : vector<1x1x16xf32> to vector<16xf32>
        %mul3A_644 = arith.constant 8.000000e+00 : f32
        %mul3A_645 = vector.broadcast %mul3A_644 : f32 to vector<16xf32>
        %mul3A_646 = arith.mulf %get3A_643, %mul3A_645 : vector<16xf32>
        %swap3A_647 = arith.constant 3 : i32
        %swap3A_648 = arith.index_cast %swap3A_647 : i32 to index
        %swap3A_649 = arith.index_cast %add3A_589 : i32 to index
        %swap3A_650 = arith.constant 48 : index
        %swap3A_651 = tpu.vector_load %arg8[%swap3A_648, %swap3A_649, %swap3A_650] {strides = array<i32>} : memref<4x200x64xf32, #tpu.memory_space<vmem>>, vector<1x1x16xf32>,
        %swap3A_652 = vector.shape_cast %swap3A_651 : vector<1x1x16xf32> to vector<16xf32>
        %swap3A_653 = vector.shape_cast %mul3A_646 : vector<16xf32> to vector<1x1x16xf32>
        tpu.vector_store %arg8[%swap3A_648, %swap3A_649, %swap3A_650], %swap3A_653 {strides = array<i32>} : memref<4x200x64xf32, #tpu.memory_space<vmem>>, vector<1x1x16xf32>,
        %scan3A_654 = arith.constant 6 : i32
        %scan3A_655 = arith.addi %scan3A_237, %scan3A_654 : i32
        %mul3A_656 = arith.constant 1 : i32
        %mul3A_657 = arith.muli %scan3A_655, %mul3A_656 : i32
        %add3A_658 = arith.constant 0 : i32
        %add3A_659 = arith.addi %add3A_658, %mul3A_657 : i32
        %get3A_660 = arith.constant 3 : i32
        %get3A_661 = arith.index_cast %get3A_660 : i32 to index
        %get3A_662 = arith.index_cast %add3A_659 : i32 to index
        %get3A_663 = arith.constant 0 : index
        %get3A_664 = tpu.vector_load %arg8[%get3A_661, %get3A_662, %get3A_663] {strides = array<i32>} : memref<4x200x64xf32, #tpu.memory_space<vmem>>, vector<1x1x16xf32>,
        %get3A_665 = vector.shape_cast %get3A_664 : vector<1x1x16xf32> to vector<16xf32>
        %mul3A_666 = arith.constant 8.000000e+00 : f32
        %mul3A_667 = vector.broadcast %mul3A_666 : f32 to vector<16xf32>
        %mul3A_668 = arith.mulf %get3A_665, %mul3A_667 : vector<16xf32>
        %swap3A_669 = arith.constant 3 : i32
        %swap3A_670 = arith.index_cast %swap3A_669 : i32 to index
        %swap3A_671 = arith.index_cast %add3A_659 : i32 to index
        %swap3A_672 = arith.constant 0 : index
        %swap3A_673 = tpu.vector_load %arg8[%swap3A_670, %swap3A_671, %swap3A_672] {strides = array<i32>} : memref<4x200x64xf32, #tpu.memory_space<vmem>>, vector<1x1x16xf32>,
        %swap3A_674 = vector.shape_cast %swap3A_673 : vector<1x1x16xf32> to vector<16xf32>
        %swap3A_675 = vector.shape_cast %mul3A_668 : vector<16xf32> to vector<1x1x16xf32>
        tpu.vector_store %arg8[%swap3A_670, %swap3A_671, %swap3A_672], %swap3A_675 {strides = array<i32>} : memref<4x200x64xf32, #tpu.memory_space<vmem>>, vector<1x1x16xf32>,
        %get3A_676 = arith.constant 3 : i32
        %get3A_677 = arith.index_cast %get3A_676 : i32 to index
        %get3A_678 = arith.index_cast %add3A_659 : i32 to index
        %get3A_679 = arith.constant 16 : index
        %get3A_680 = tpu.vector_load %arg8[%get3A_677, %get3A_678, %get3A_679] {strides = array<i32>} : memref<4x200x64xf32, #tpu.memory_space<vmem>>, vector<1x1x16xf32>,
        %get3A_681 = vector.shape_cast %get3A_680 : vector<1x1x16xf32> to vector<16xf32>
        %mul3A_682 = arith.constant 8.000000e+00 : f32
        %mul3A_683 = vector.broadcast %mul3A_682 : f32 to vector<16xf32>
        %mul3A_684 = arith.mulf %get3A_681, %mul3A_683 : vector<16xf32>
        %swap3A_685 = arith.constant 3 : i32
        %swap3A_686 = arith.index_cast %swap3A_685 : i32 to index
        %swap3A_687 = arith.index_cast %add3A_659 : i32 to index
        %swap3A_688 = arith.constant 16 : index
        %swap3A_689 = tpu.vector_load %arg8[%swap3A_686, %swap3A_687, %swap3A_688] {strides = array<i32>} : memref<4x200x64xf32, #tpu.memory_space<vmem>>, vector<1x1x16xf32>,
        %swap3A_690 = vector.shape_cast %swap3A_689 : vector<1x1x16xf32> to vector<16xf32>
        %swap3A_691 = vector.shape_cast %mul3A_684 : vector<16xf32> to vector<1x1x16xf32>
        tpu.vector_store %arg8[%swap3A_686, %swap3A_687, %swap3A_688], %swap3A_691 {strides = array<i32>} : memref<4x200x64xf32, #tpu.memory_space<vmem>>, vector<1x1x16xf32>,
        %get3A_692 = arith.constant 3 : i32
        %get3A_693 = arith.index_cast %get3A_692 : i32 to index
        %get3A_694 = arith.index_cast %add3A_659 : i32 to index
        %get3A_695 = arith.constant 32 : index
        %get3A_696 = tpu.vector_load %arg8[%get3A_693, %get3A_694, %get3A_695] {strides = array<i32>} : memref<4x200x64xf32, #tpu.memory_space<vmem>>, vector<1x1x16xf32>,
        %get3A_697 = vector.shape_cast %get3A_696 : vector<1x1x16xf32> to vector<16xf32>
        %mul3A_698 = arith.constant 8.000000e+00 : f32
        %mul3A_699 = vector.broadcast %mul3A_698 : f32 to vector<16xf32>
        %mul3A_700 = arith.mulf %get3A_697, %mul3A_699 : vector<16xf32>
        %swap3A_701 = arith.constant 3 : i32
        %swap3A_702 = arith.index_cast %swap3A_701 : i32 to index
        %swap3A_703 = arith.index_cast %add3A_659 : i32 to index
        %swap3A_704 = arith.constant 32 : index
        %swap3A_705 = tpu.vector_load %arg8[%swap3A_702, %swap3A_703, %swap3A_704] {strides = array<i32>} : memref<4x200x64xf32, #tpu.memory_space<vmem>>, vector<1x1x16xf32>,
        %swap3A_706 = vector.shape_cast %swap3A_705 : vector<1x1x16xf32> to vector<16xf32>
        %swap3A_707 = vector.shape_cast %mul3A_700 : vector<16xf32> to vector<1x1x16xf32>
        tpu.vector_store %arg8[%swap3A_702, %swap3A_703, %swap3A_704], %swap3A_707 {strides = array<i32>} : memref<4x200x64xf32, #tpu.memory_space<vmem>>, vector<1x1x16xf32>,
        %get3A_708 = arith.constant 3 : i32
        %get3A_709 = arith.index_cast %get3A_708 : i32 to index
        %get3A_710 = arith.index_cast %add3A_659 : i32 to index
        %get3A_711 = arith.constant 48 : index
        %get3A_712 = tpu.vector_load %arg8[%get3A_709, %get3A_710, %get3A_711] {strides = array<i32>} : memref<4x200x64xf32, #tpu.memory_space<vmem>>, vector<1x1x16xf32>,
        %get3A_713 = vector.shape_cast %get3A_712 : vector<1x1x16xf32> to vector<16xf32>
        %mul3A_714 = arith.constant 8.000000e+00 : f32
        %mul3A_715 = vector.broadcast %mul3A_714 : f32 to vector<16xf32>
        %mul3A_716 = arith.mulf %get3A_713, %mul3A_715 : vector<16xf32>
        %swap3A_717 = arith.constant 3 : i32
        %swap3A_718 = arith.index_cast %swap3A_717 : i32 to index
        %swap3A_719 = arith.index_cast %add3A_659 : i32 to index
        %swap3A_720 = arith.constant 48 : index
        %swap3A_721 = tpu.vector_load %arg8[%swap3A_718, %swap3A_719, %swap3A_720] {strides = array<i32>} : memref<4x200x64xf32, #tpu.memory_space<vmem>>, vector<1x1x16xf32>,
        %swap3A_722 = vector.shape_cast %swap3A_721 : vector<1x1x16xf32> to vector<16xf32>
        %swap3A_723 = vector.shape_cast %mul3A_716 : vector<16xf32> to vector<1x1x16xf32>
        tpu.vector_store %arg8[%swap3A_718, %swap3A_719, %swap3A_720], %swap3A_723 {strides = array<i32>} : memref<4x200x64xf32, #tpu.memory_space<vmem>>, vector<1x1x16xf32>,
        %scan3A_724 = arith.constant 7 : i32
        %scan3A_725 = arith.addi %scan3A_237, %scan3A_724 : i32
        %mul3A_726 = arith.constant 1 : i32
        %mul3A_727 = arith.muli %scan3A_725, %mul3A_726 : i32
        %add3A_728 = arith.constant 0 : i32
        %add3A_729 = arith.addi %add3A_728, %mul3A_727 : i32
        %get3A_730 = arith.constant 3 : i32
        %get3A_731 = arith.index_cast %get3A_730 : i32 to index
        %get3A_732 = arith.index_cast %add3A_729 : i32 to index
        %get3A_733 = arith.constant 0 : index
        %get3A_734 = tpu.vector_load %arg8[%get3A_731, %get3A_732, %get3A_733] {strides = array<i32>} : memref<4x200x64xf32, #tpu.memory_space<vmem>>, vector<1x1x16xf32>,
        %get3A_735 = vector.shape_cast %get3A_734 : vector<1x1x16xf32> to vector<16xf32>
        %mul3A_736 = arith.constant 8.000000e+00 : f32
        %mul3A_737 = vector.broadcast %mul3A_736 : f32 to vector<16xf32>
        %mul3A_738 = arith.mulf %get3A_735, %mul3A_737 : vector<16xf32>
        %swap3A_739 = arith.constant 3 : i32
        %swap3A_740 = arith.index_cast %swap3A_739 : i32 to index
        %swap3A_741 = arith.index_cast %add3A_729 : i32 to index
        %swap3A_742 = arith.constant 0 : index
        %swap3A_743 = tpu.vector_load %arg8[%swap3A_740, %swap3A_741, %swap3A_742] {strides = array<i32>} : memref<4x200x64xf32, #tpu.memory_space<vmem>>, vector<1x1x16xf32>,
        %swap3A_744 = vector.shape_cast %swap3A_743 : vector<1x1x16xf32> to vector<16xf32>
        %swap3A_745 = vector.shape_cast %mul3A_738 : vector<16xf32> to vector<1x1x16xf32>
        tpu.vector_store %arg8[%swap3A_740, %swap3A_741, %swap3A_742], %swap3A_745 {strides = array<i32>} : memref<4x200x64xf32, #tpu.memory_space<vmem>>, vector<1x1x16xf32>,
        %get3A_746 = arith.constant 3 : i32
        %get3A_747 = arith.index_cast %get3A_746 : i32 to index
        %get3A_748 = arith.index_cast %add3A_729 : i32 to index
        %get3A_749 = arith.constant 16 : index
        %get3A_750 = tpu.vector_load %arg8[%get3A_747, %get3A_748, %get3A_749] {strides = array<i32>} : memref<4x200x64xf32, #tpu.memory_space<vmem>>, vector<1x1x16xf32>,
        %get3A_751 = vector.shape_cast %get3A_750 : vector<1x1x16xf32> to vector<16xf32>
        %mul3A_752 = arith.constant 8.000000e+00 : f32
        %mul3A_753 = vector.broadcast %mul3A_752 : f32 to vector<16xf32>
        %mul3A_754 = arith.mulf %get3A_751, %mul3A_753 : vector<16xf32>
        %swap3A_755 = arith.constant 3 : i32
        %swap3A_756 = arith.index_cast %swap3A_755 : i32 to index
        %swap3A_757 = arith.index_cast %add3A_729 : i32 to index
        %swap3A_758 = arith.constant 16 : index
        %swap3A_759 = tpu.vector_load %arg8[%swap3A_756, %swap3A_757, %swap3A_758] {strides = array<i32>} : memref<4x200x64xf32, #tpu.memory_space<vmem>>, vector<1x1x16xf32>,
        %swap3A_760 = vector.shape_cast %swap3A_759 : vector<1x1x16xf32> to vector<16xf32>
        %swap3A_761 = vector.shape_cast %mul3A_754 : vector<16xf32> to vector<1x1x16xf32>
        tpu.vector_store %arg8[%swap3A_756, %swap3A_757, %swap3A_758], %swap3A_761 {strides = array<i32>} : memref<4x200x64xf32, #tpu.memory_space<vmem>>, vector<1x1x16xf32>,
        %get3A_762 = arith.constant 3 : i32
        %get3A_763 = arith.index_cast %get3A_762 : i32 to index
        %get3A_764 = arith.index_cast %add3A_729 : i32 to index
        %get3A_765 = arith.constant 32 : index
        %get3A_766 = tpu.vector_load %arg8[%get3A_763, %get3A_764, %get3A_765] {strides = array<i32>} : memref<4x200x64xf32, #tpu.memory_space<vmem>>, vector<1x1x16xf32>,
        %get3A_767 = vector.shape_cast %get3A_766 : vector<1x1x16xf32> to vector<16xf32>
        %mul3A_768 = arith.constant 8.000000e+00 : f32
        %mul3A_769 = vector.broadcast %mul3A_768 : f32 to vector<16xf32>
        %mul3A_770 = arith.mulf %get3A_767, %mul3A_769 : vector<16xf32>
        %swap3A_771 = arith.constant 3 : i32
        %swap3A_772 = arith.index_cast %swap3A_771 : i32 to index
        %swap3A_773 = arith.index_cast %add3A_729 : i32 to index
        %swap3A_774 = arith.constant 32 : index
        %swap3A_775 = tpu.vector_load %arg8[%swap3A_772, %swap3A_773, %swap3A_774] {strides = array<i32>} : memref<4x200x64xf32, #tpu.memory_space<vmem>>, vector<1x1x16xf32>,
        %swap3A_776 = vector.shape_cast %swap3A_775 : vector<1x1x16xf32> to vector<16xf32>
        %swap3A_777 = vector.shape_cast %mul3A_770 : vector<16xf32> to vector<1x1x16xf32>
        tpu.vector_store %arg8[%swap3A_772, %swap3A_773, %swap3A_774], %swap3A_777 {strides = array<i32>} : memref<4x200x64xf32, #tpu.memory_space<vmem>>, vector<1x1x16xf32>,
        %get3A_778 = arith.constant 3 : i32
        %get3A_779 = arith.index_cast %get3A_778 : i32 to index
        %get3A_780 = arith.index_cast %add3A_729 : i32 to index
        %get3A_781 = arith.constant 48 : index
        %get3A_782 = tpu.vector_load %arg8[%get3A_779, %get3A_780, %get3A_781] {strides = array<i32>} : memref<4x200x64xf32, #tpu.memory_space<vmem>>, vector<1x1x16xf32>,
        %get3A_783 = vector.shape_cast %get3A_782 : vector<1x1x16xf32> to vector<16xf32>
        %mul3A_784 = arith.constant 8.000000e+00 : f32
        %mul3A_785 = vector.broadcast %mul3A_784 : f32 to vector<16xf32>
        %mul3A_786 = arith.mulf %get3A_783, %mul3A_785 : vector<16xf32>
        %swap3A_787 = arith.constant 3 : i32
        %swap3A_788 = arith.index_cast %swap3A_787 : i32 to index
        %swap3A_789 = arith.index_cast %add3A_729 : i32 to index
        %swap3A_790 = arith.constant 48 : index
        %swap3A_791 = tpu.vector_load %arg8[%swap3A_788, %swap3A_789, %swap3A_790] {strides = array<i32>} : memref<4x200x64xf32, #tpu.memory_space<vmem>>, vector<1x1x16xf32>,
        %swap3A_792 = vector.shape_cast %swap3A_791 : vector<1x1x16xf32> to vector<16xf32>
        %swap3A_793 = vector.shape_cast %mul3A_786 : vector<16xf32> to vector<1x1x16xf32>
        tpu.vector_store %arg8[%swap3A_788, %swap3A_789, %swap3A_790], %swap3A_793 {strides = array<i32>} : memref<4x200x64xf32, #tpu.memory_space<vmem>>, vector<1x1x16xf32>,
      }
      %scan3A_233 = arith.constant 200 : i32
      %mul3A_234 = arith.constant 4 : i32
      %mul3A_235 = arith.muli %add3A_151, %mul3A_234 : i32
      %add3A_236 = arith.addi %mul3A_2, %mul3A_235 : i32
      "tpu.region"() ({
        %run_scoped3A = tpu.sem_alloc : memref<!tpu.dma_semaphore, #tpu.memory_space<semaphore_mem>>
        %dma_start3A_237 = arith.constant 0 : i32
        %dma_start3A_238 = arith.constant 0 : i32
        %dma_start3A_239 = tpu.memref_slice %arg4[%add3A_236, %dma_start3A_237, %dma_start3A_238] : memref<16384x200x64xf32, #tpu.memory_space<hbm>> -> memref<4x200x64xf32, #tpu.memory_space<hbm>>
        %dma_start3A_240 = arith.constant 0 : i32
        %dma_start3A_241 = arith.constant 0 : i32
        %dma_start3A_242 = tpu.memref_slice %arg4[%add3A_236, %dma_start3A_240, %dma_start3A_241] : memref<16384x200x64xf32, #tpu.memory_space<hbm>> -> memref<4x200x64xf32, #tpu.memory_space<hbm>>
        tpu.enqueue_dma source(%arg8 : memref<4x200x64xf32, #tpu.memory_space<vmem>>) target(%dma_start3A_242 : memref<4x200x64xf32, #tpu.memory_space<hbm>>) target_semaphore(%run_scoped3A : memref<!tpu.dma_semaphore, #tpu.memory_space<semaphore_mem>>)
        %dma_wait3A_243 = arith.constant 0 : i32
        %dma_wait3A_244 = arith.constant 0 : i32
        %dma_wait3A_245 = tpu.memref_slice %arg4[%add3A_236, %dma_wait3A_243, %dma_wait3A_244] : memref<16384x200x64xf32, #tpu.memory_space<hbm>> -> memref<4x200x64xf32, #tpu.memory_space<hbm>>
        %dma_wait3A_246 = arith.constant 0 : i32
        %dma_wait3A_247 = arith.constant 0 : i32
        %dma_wait3A_248 = tpu.memref_slice %arg4[%add3A_236, %dma_wait3A_246, %dma_wait3A_247] : memref<16384x200x64xf32, #tpu.memory_space<hbm>> -> memref<4x200x64xf32, #tpu.memory_space<hbm>>
        tpu.wait_dma2 semaphore(%run_scoped3A : memref<!tpu.dma_semaphore, #tpu.memory_space<semaphore_mem>>) src(%arg8 : memref<4x200x64xf32, #tpu.memory_space<vmem>>) dst(%dma_wait3A_248 : memref<4x200x64xf32, #tpu.memory_space<hbm>>)
        tpu.yield
      }) : () -> ()
    }
    %scan3A_61 = arith.constant 64 : i32
    return
  }
}

</mosaic_0001>

<sc_bundles>
// kernel: kernel.3.cloned.1.call-start
scs
__scs_entry_jumppad:
0x0: {  	(pc) =	sbr.rel $0x88, $3  }
0x1: {  	(tag) =	ssettag $0x0;
	lr =	simm.s32 $0x1  }
0x2: {  	[smem:$0x3F9F] =	sst lr;
	_ =	strace $0xD0000000  }
0x3: {  	_ = 	snop  }
0x4: {  	_ = 	snop  }
0x5: {  	_ = 	snop  }
0x6: {  	_ = 	snop  }
0x7: {  	_ = 	snop  }
__scs_overlays_trampoline_lowered:
0x8: {  	[smem:$0x3FAE] =	sst s0  }
0x9: {  	[smem:$0x3FAF] =	sst s1  }
0xa: {  	[smem:$0x3FB0] =	sst s2  }
0xb: {  	[smem:$0x3FB1] =	sst s3  }
0xc: {  	[smem:$0x3FB2] =	sst s4  }
0xd: {  	[smem:$0x3FB3] =	sst s5  }
0xe: {  	[smem:$0x3FB4] =	sst s6  }
0xf: {  	[smem:$0x3FB5] =	sst s7  }
0x10: {  	[smem:$0x3FB6] =	sst s8  }
0x11: {  	[smem:$0x3FB7] =	sst s9;
	s0 =	simm.s32 @!p0 $0x0  }
0x12: {  	s1 =	sld [smem:$0x3F9D];
	s0 =	simm.s32 @p0 $0x1  }
0x13: {  	[smem:$0x3FB8] =	sst s0;
	s0 =	simm.s32 @!p1 $0x0  }
0x14: {  	s2 =	sld [smem:$0x3F9C];
	s0 =	simm.s32 @p1 $0x1  }
0x15: {  	[smem:$0x3FB9] =	sst s0;
	s0 =	simm.s32 @!p2 $0x0  }
0x16: {  	s3 =	sld [smem:$0x3FDB];
	s0 =	simm.s32 @p2 $0x1  }
0x17: {  	s4 =	simm.s32 $0x1BF5;
	[smem:$0x3FBB] =	sst s0  }
0x18: {  	s0 =	sld [smem:$0x3F9E];
	_ =	swait.ge [sflag:s4], $0x0  }
0x19: {  	s7 =	sld [smem:$0x3F9F]  }
0x1a: {  	s8 =	sadd.s32 $0xFFFFE003, lr  }
0x1b: {  	s9 =	sadd.s32 $0xFFFFFEF7, lr;
	s5 =	simm.s32 $0xFFFFFFFF;
	p2 =	slt.u32 s8, $0xFFFFF086  }
0x1c: {  	p1 =	slt.u32 s9, $0xF7A;
	s5 =	simm.s32 @!p2 $0x0  }
0x1d: {  	s5 =	simm.s32 @p1 $0x1;
	p0 =	seq.s32 s7, s2  }
0x1e: {  	s7 =	smul.u32 @!p0 $0xF7A, s2;
	p2 =	seq.s32 @!p0 s5, $0x0  }
0x1f: {  	s9 =	smul.u32 $0xF7A, s1;
	s8 =	simm.s32 @!p0 $0x1BF5;
	p2 =	por !p2, p0  }
0x20: {  	[sflag:s8] =	ssyncset.s32 @!p0 $0xFFFFF086;
	s6 =	sadd.s32 @!p0 s3, s7;
	s7 =	simm.s32 @!p0 $0x108  }
0x21: {  	s3 =	sadd.s32 s3, s9;
	s6 =	sadd.s32 @!p0 $0x88, s6;
	s7 =	simm.s32 @p2 $0x1082  }
0x22: {  	[simem:s7], [sflag:s8] =	dma.local @!p0 [hbm:s6], $0xF7A  }
0x23: {  	s9 =	sor.u32 $0xD0000000, s2;
	s6 =	simm.s32 $0x108;
	_ =	swait.ge @!p0 [sflag:s8], $0x0  }
0x24: {  	s3 =	sadd.s32 $0x88, s3;
	s6 =	simm.s32 @!p1 $0x1082;
	[sflag:s4] =	ssyncset.s32 $0xFFFFF086  }
0x25: {  	[simem:s6], [sflag:s4] =	dma.local [hbm:s3], $0xF7A  }
0x26: {  	[smem:$0x3F9F] =	sst s1;
	(tag) =	ssettag s2;
	_ =	strace s9  }
0x27: {  	s1 =	sld [smem:$0x3FAF]  }
0x28: {  	s2 =	sld [smem:$0x3FB0]  }
0x29: {  	s4 =	sld [smem:$0x3FB2]  }
0x2a: {  	p0 =	seq.s32 s5, $0x0;
	s5 =	sld [smem:$0x3FB3]  }
0x2b: {  	s6 =	sld [smem:$0x3FB4]  }
0x2c: {  	s7 =	sld [smem:$0x3FB5]  }
0x2d: {  	s3 =	simm.s32 $0x108;
	s8 =	sld [smem:$0x3FB6]  }
0x2e: {  	s3 =	simm.s32 @!p0 $0x1082;
	s9 =	sld [smem:$0x3FB7]  }
0x2f: {  	lr =	sadd.s32 s0, s3;
	s0 =	sld [smem:$0x3FAE]  }
0x30: {  	s3 =	sld [smem:$0x3FB1]  }
0x31: {  	[smem:$0x3FBA] =	sst s10  }
0x32: {  	s10 =	sld [smem:$0x3FB8];
	_ =	sdelay $0x3  }
0x33: {  	p0 =	seq.s32 s10, $0x1;
	s10 =	sld [smem:$0x3FBA];
	_ =	sdelay $0x3  }
0x34: {  	[smem:$0x3FBA] =	sst s10  }
0x35: {  	s10 =	sld [smem:$0x3FB9];
	_ =	sdelay $0x3  }
0x36: {  	p1 =	seq.s32 s10, $0x1;
	s10 =	sld [smem:$0x3FBA];
	_ =	sdelay $0x3  }
0x37: {  	[smem:$0x3FBA] =	sst s10  }
0x38: {  	s10 =	sld [smem:$0x3FBB]  }
0x39: {  	_ = 	snop;
	(pc) =	sbr.ind lr, $3  }
0x3a: {  	_ = 	snop  }
0x3b: {  	_ = 	snop  }
0x3c: {  	p2 =	seq.s32 s10, $0x1;
	s10 =	sld [smem:$0x3FBA]  }
0x3d: {  	_ =	shalt  }
0x3e: {  	_ =	shalt  }
0x3f: {  	_ =	shalt  }
0x40: {  	_ =	shalt  }
0x41: {  	_ =	shalt  }
0x42: {  	_ =	shalt  }
0x43: {  	_ =	shalt  }
0x44: {  	_ =	shalt  }
0x45: {  	_ =	shalt  }
0x46: {  	_ =	shalt  }
0x47: {  	_ =	shalt  }
0x48: {  	_ =	shalt  }
0x49: {  	_ =	shalt  }
0x4a: {  	_ =	shalt  }
0x4b: {  	_ =	shalt  }
0x4c: {  	_ =	shalt  }
0x4d: {  	_ =	shalt  }
0x4e: {  	_ =	shalt  }
0x4f: {  	_ =	shalt  }
0x50: {  	_ =	shalt  }
0x51: {  	_ =	shalt  }
0x52: {  	_ =	shalt  }
0x53: {  	_ =	shalt  }
0x54: {  	_ =	shalt  }
0x55: {  	_ =	shalt  }
0x56: {  	_ =	shalt  }
0x57: {  	_ =	shalt  }
0x58: {  	_ =	shalt  }
0x59: {  	_ =	shalt  }
0x5a: {  	_ =	shalt  }
0x5b: {  	_ =	shalt  }
0x5c: {  	_ =	shalt  }
0x5d: {  	_ =	shalt  }
0x5e: {  	_ =	shalt  }
0x5f: {  	_ =	shalt  }
0x60: {  	_ =	shalt  }
0x61: {  	_ =	shalt  }
0x62: {  	_ =	shalt  }
0x63: {  	_ =	shalt  }
0x64: {  	_ =	shalt  }
0x65: {  	_ =	shalt  }
0x66: {  	_ =	shalt  }
0x67: {  	_ =	shalt  }
0x68: {  	_ =	shalt  }
0x69: {  	_ =	shalt  }
0x6a: {  	_ =	shalt  }
0x6b: {  	_ =	shalt  }
0x6c: {  	_ =	shalt  }
0x6d: {  	_ =	shalt  }
0x6e: {  	_ =	shalt  }
0x6f: {  	_ =	shalt  }
0x70: {  	_ =	shalt  }
0x71: {  	_ =	shalt  }
0x72: {  	_ =	shalt  }
0x73: {  	_ =	shalt  }
0x74: {  	_ =	shalt  }
0x75: {  	_ =	shalt  }
0x76: {  	_ =	shalt  }
0x77: {  	_ =	shalt  }
0x78: {  	_ =	shalt  }
0x79: {  	_ =	shalt  }
0x7a: {  	_ =	shalt  }
0x7b: {  	_ =	shalt  }
0x7c: {  	_ =	shalt  }
0x7d: {  	_ =	shalt  }
0x7e: {  	_ =	shalt  }
0x7f: {  	_ =	shalt  }
0x80: {  	_ =	shalt  }
0x81: {  	_ =	shalt  }
0x82: {  	_ =	shalt  }
0x83: {  	_ =	shalt  }
0x84: {  	_ =	shalt  }
0x85: {  	_ =	shalt  }
0x86: {  	_ =	shalt  }
0x87: {  	_ =	shalt  }
.Lfunc_end0:
.L_simem_size_0:
called_computation.1_lowered:
.L_overlay_start_0:
0x88: {  	s2 =	sld [smem:$0x3FD9]  }
0x89: {  	s3 =	sld [smem:$0x3FFE];
	_ =	sdelay $0x1  }
0x8a: {  	s1 =	srdreg.scid  }
0x8b: {  	s0 =	sand.u32 $0x1, s1  }
0x8c: {  	s17 =	sshll.u32 s0, $0xA;
	s2 =	sadd.s32 s3, s2  }
0x8d: {  	s2 =	sadd.s32 s2, s17  }
0x8e: {  	[smem:$0x3FC6] =	sst s2  }
0x8f: {  	_ = 	snop  }
0x90: {  	s2 =	sld [smem:$0x3FD0];
	(tm) =	ssettm $0x1  }
0x91: {  	s18 =	sld [smem:$0x3FFB];
	_ =	sdelay $0x3  }
0x92: {  	_ =	strace s18  }
0x93: {  	s3 =	sld [smem:$0x3FFC];
	_ =	sdelay $0x3  }
0x94: {  	_ =	strace s3  }
0x95: {  	s3 =	sld [smem:$0x3FFD];
	_ =	sdelay $0x3  }
0x96: {  	_ =	strace s3  }
0x97: {  	_ =	strace $0x8FFFFFFF  }
0x98: {  	s19 =	sld [smem:$0x3FDB];
	_ =	sdelay $0x1  }
0x99: {  	s4 =	simm.s32 $_scs_section_size  }
0x9a: {  	s5 =	simm.s32 $_size__tile_overlayer_lowered;
	s6 =	simm.s32 $_tile_overlayer_lowered  }
0x9b: {  	s22 =	simm.s32 $0x1BFF;
	s21 =	sshll.u32 s6, $0x1;
	s3 =	sadd.s32 s4, s19  }
0x9c: {  	s7 =	simm.s32 $0x0;
	s20 =	sshll.u32 s5, $0x1;
	s5 =	sadd.s32 s21, s3  }
0x9d: {  	[timem:s7], [sflag:s22] =	dma.local [hbm:s5], s20  }
0x9e: {  	_ =	swait.ge [sflag:s22], s20  }
0x9f: {  	s4 =	ssub.s32 $0x0, s20;
	[sflag:s22] =	ssyncset.done $0x0  }
0xa0: {  	[sflag:s22] =	ssyncadd.s32 s4;
	_ =	sdelay $0x1  }
0xa1: {  	s23 =	simm.s32 $0x1B8B  }
0xa2: {  	_ =	swait.ge [sflag:s23], $0x1  }
0xa3: {  	[sflag:s23] =	ssyncset.done $0x0  }
0xa4: {  	s25 =	simm.s32 $0x1B8E;
	s24 =	sld [smem:$0x3FFE];
	[sflag:s23] =	ssyncadd.s32 $0xFFFFFFFF  }
0xa5: {  	s26 =	simm.s32 $execute0_lowered;
	[smem:$0x3FD2] =	sst s25  }
0xa6: {  	s5 =	sshll.u32 s26, $0x1;
	_ =	strace $0x80000046;
	[dreg:$0x1] =	wrdreg $0xFFFFFFFF  }
0xa7: {  	s28 =	simm.s32 $_size_execute0_lowered;
	s3 =	sadd.s32 s3, s5;
	[dreg:$0x0] =	wrdreg $0x0  }
0xa8: {  	s5 =	sshll.u32 s28, $0x1;
	[dreg:$0x2] =	wrdreg s3  }
0xa9: {  	[dreg:$0x3] =	wrdreg s5  }
0xaa: {  	[dreg:$0x4] =	wrdreg $0xC0  }
0xab: {  	_ =	task [dreg:s7], $0x5FFFF  }
0xac: {  	[dreg:$0x1] =	wrdreg $0xFFFFFFFF  }
0xad: {  	[dreg:$0x0] =	wrdreg $0x60  }
0xae: {  	[dreg:$0x2] =	wrdreg s24  }
0xaf: {  	[dreg:$0x3] =	wrdreg s2  }
0xb0: {  	[dreg:$0x4] =	wrdreg $0x9  }
0xb1: {  	_ =	task.clear_ibuf [dreg:s7], $0x5FFFF;
	_ =	strace $0x90000046  }
0xb2: {  	s29 =	simm.s32 $0x9;
	_ =	strace $0x80000048  }
0xb3: {  	_ =	swait.ge [sflag:s29], $0x1  }
0xb4: {  	[sflag:s29] =	ssyncadd.s32 $0xFFFFFFFF  }
0xb5: {  	_ =	strace $0x90000048  }
0xb6: {  	_ =	sfence  }
0xb7: {  	s30 =	sld [smem:$0x0];
	_ =	sdelay $0x2  }
0xb8: {  	s31 =	sshll.u32 s1, $0xD;
	s1 =	sshrl.u32 s1, $0x2  }
0xb9: {  	s3 =	sand.u32 $0x4000, s31;
	s1 =	sadd.s32 s1, s30  }
0xba: {  	s0 =	sor.u32 s3, s0;
	s1 =	sshll.u32 s1, $0x11  }
0xbb: {  	s0 =	sor.u32 s1, s0  }
0xbc: {  	s0 =	sadd.s32 $0x8F2B, s0  }
0xbd: {  	[sflag:s0] =	ssyncadd.remote.s32 $0x1  }
0xbe: {  	_ =	sfence.sel $0xFFFF  }
0xbf: {  	[dreg:$0x0] =	wrdreg $0xFFFFFFFF;
	(pc) =	sbr.abs _section_cstart, $3  }
0xc0: {  	[dreg:$0x1] =	wrdreg $0xFFFFFFFF  }
0xc1: {  	_ =	task.clear_ibuf [dreg:s7], $0x2FFFF;
	_ =	strace $0x9FFFFFFF  }
0xc2: {  	(tm) =	ssettm $0x7FFFFFFF  }
0xc3: {  	_ =	shalt  }
tec
execute0_lowered:
.L_overlay_start_1:
0x0: {  	(tag) =	ssettag $0x1  }
0x1: {  	s0 =	srdreg.scid;
	s1 =	rddreg [dreg:$0x0]  }
0x2: {  	s3 =	stileid.u32;
	s2 =	rddreg [dreg:$0x1]  }
0x3: {  	s12 =	simm.s32 $0x5;
	s13 =	simm.s32 $0xC8;
	s14 =	simm.s32 $0x640  }
0x4: {  	s20 =	simm.s32 $0x320;
	s21 =	simm.s32 $0x1;
	s22 =	simm.s32 $0x4  }
0x5: {  	s23 =	simm.s32 $0xCE40;
	s24 =	simm.s32 $0x3E8;
	s25 =	simm.s32 $0x10040  }
0x6: {  	s26 =	simm.s32 $0x4B0;
	s28 =	simm.s32 $0x13240;
	s29 =	simm.s32 $0x578  }
0x7: {  	s30 =	simm.s32 $0x16440;
	s31 =	simm.s32 $0x2;
	s0 =	sand.u32 $0x1, s0  }
0x8: {  	s4 =	sshll.u32 s3, $0xA;
	s3 =	simm.s32 $0x0;
	s5 =	sshll.u32 s0, $0x9  }
0x9: {  	s6 =	sadd.s32 $0x64800, s1;
	[smem:$0x7FF] =	sst s3;
	s4 =	sor.u32 s5, s4  }
0xa: {  	s0 =	ssub.s32 $0x2, s0;
	_ =	strace $0x80000047;
	s7 =	smul.u32 $0x19, s4  }
0xb: {  	s5 =	sadd.s32 $0x800, s1;
	s8 =	sshrl.u32 s0, $0x1;
	s1 =	simm.s32 $0x0  }
0xc: {  	s0 =	ssub.s32 s0, s8;
	s9 =	sor.u32 $0x8, s4;
	s7 =	sadd.s32 s5, s7  }
0xd: {  	s10 =	sor.u32 $0xC, s4;
	s11 =	smax.u32 s0, $0x1;
	s8 =	sadd.s32 $0x64, s7  }
.LBB2_1:
0xe: {  	[tilespmem:s3], [sflag:$0x5] =	stream.linear.gather [hbm4b:s7+s3], $0x320, $0x38;
	[tilespmem:$0x19640] =	vst v63  }
0xf: {  	_ =	swait.ge [sflag:s12], $0x320  }
0x10: {  	[sflag:s12] =	ssyncset.done $0x0  }
0x11: {  	[sflag:s12] =	ssyncadd.s32 $0xFFFFFCE0  }
0x12: {  	[tilespmem:s14], [sflag:$0x1] =	stream.indirect.gather [hbm4b:s6+s13], $0x40, s3, s13, $0xb8;
	[tilespmem:$0x19640] =	vst v63  }
0x13: {  	s0 =	simm.s32 $0x3840  }
0x14: {  	[tilespmem:s0], [sflag:$0x1] =	stream.indirect.gather [hbm4b:s6+s13], $0x40, s13, s13, $0xb8;
	[tilespmem:$0x19640] =	vst v63  }
0x15: {  	s17 =	simm.s32 $0x190;
	s15 =	simm.s32 $0x6A40  }
0x16: {  	[tilespmem:s15], [sflag:$0x1] =	stream.indirect.gather [hbm4b:s6+s13], $0x40, s17, s13, $0xb8;
	[tilespmem:$0x19640] =	vst v63  }
0x17: {  	s18 =	simm.s32 $0x258;
	s19 =	simm.s32 $0x9C40  }
0x18: {  	[tilespmem:s19], [sflag:$0x1] =	stream.indirect.gather [hbm4b:s6+s13], $0x40, s18, s13, $0xb8;
	[tilespmem:$0x19640] =	vst v63  }
0x19: {  	s0 =	simm.s32 $0x0  }
0x1a: {  	[tilespmem:s20], [sflag:$0x4] =	stream.linear.gather [hbm4b:s8+s3], $0x320, $0x38;
	[tilespmem:$0x19640] =	vst v63  }
.LBB2_2:
0x1b: {  	_ =	swait.ge [sflag:s21], $0x3200  }
0x1c: {  	[sflag:s21] =	ssyncset.done $0x0  }
0x1d: {  	[sflag:s21] =	ssyncadd.s32 $0xFFFFCE00  }
0x1e: {  	_ =	swait.ge [sflag:s21], $0x3200  }
0x1f: {  	[sflag:s21] =	ssyncset.done $0x0  }
0x20: {  	[sflag:s21] =	ssyncadd.s32 $0xFFFFCE00  }
0x21: {  	_ =	swait.ge [sflag:s21], $0x3200  }
0x22: {  	s15 =	sshll.u32 s0, $0x3;
	p0 =	seq.s32 s0, $0x3F;
	[sflag:s21] =	ssyncset.done $0x0  }
0x23: {  	s16 =	sadd.s32 @!p0 s15, s9;
	[sflag:s21] =	ssyncadd.s32 $0xFFFFCE00  }
0x24: {  	s16 =	smul.u32 @!p0 $0x19, s16;
	_ =	swait.ge [sflag:s21], $0x3200  }
0x25: {  	[sflag:s21] =	ssyncset.done $0x0  }
0x26: {  	s17 =	simm.s32 @!p0 $0x0;
	s16 =	sadd.s32 @!p0 s5, s16;
	[sflag:s21] =	ssyncadd.s32 $0xFFFFCE00  }
0x27: {  	[tilespmem:s17], [sflag:$0x3] =	stream.linear.gather @!p0 [hbm4b:s16+s17], $0x320, $0x38;
	[tilespmem:$0x19640] =	vst v63  }
0x28: {  	_ =	swait.ge [sflag:s22], $0x320  }
0x29: {  	[sflag:s22] =	ssyncset.done $0x0  }
0x2a: {  	[sflag:s22] =	ssyncadd.s32 $0xFFFFFCE0  }
0x2b: {  	[tilespmem:s23], [sflag:$0x2] =	stream.indirect.gather [hbm4b:s6+s13], $0x40, s20, s13, $0xb8;
	[tilespmem:$0x19640] =	vst v63  }
0x2c: {  	_ = 	snop  }
0x2d: {  	[tilespmem:s25], [sflag:$0x2] =	stream.indirect.gather [hbm4b:s6+s13], $0x40, s24, s13, $0xb8;
	[tilespmem:$0x19640] =	vst v63  }
0x2e: {  	_ = 	snop  }
0x2f: {  	[tilespmem:s28], [sflag:$0x2] =	stream.indirect.gather [hbm4b:s6+s13], $0x40, s26, s13, $0xb8;
	[tilespmem:$0x19640] =	vst v63  }
0x30: {  	s17 =	simm.s32 $0x740  }
0x31: {  	[tilespmem:s30], [sflag:$0x2] =	stream.indirect.gather [hbm4b:s6+s13], $0x40, s29, s13, $0xb8;
	[tilespmem:$0x19640] =	vst v63  }
0x32: {  	v0 =	vld [tilespmem:s17+$0xFFFFFF00]  }
0x33: {  	v1 =	vld [tilespmem:s17+$0xFFFFFF10]  }
0x34: {  	v2 =	vld [tilespmem:s17+$0xFFFFFF20]  }
0x35: {  	v3 =	vld [tilespmem:s17+$0xFFFFFF30]  }
0x36: {  	v4 =	vld [tilespmem:s17+$0xFFFFFF40]  }
0x37: {  	v5 =	vld [tilespmem:s17+$0xFFFFFF50];
	v0 =	vmul.f32 $8.000000000e+00, v0  }
0x38: {  	v6 =	vld [tilespmem:s17+$0xFFFFFF60];
	v1 =	vmul.f32 $8.000000000e+00, v1  }
0x39: {  	[tilespmem:s17+$0xFFFFFF00] =	vst v0;
	v0 =	vmul.f32 $8.000000000e+00, v2;
	v2 =	vld [tilespmem:s17+$0xFFFFFF70]  }
0x3a: {  	[tilespmem:s17+$0xFFFFFF10] =	vst v1;
	v1 =	vmul.f32 $8.000000000e+00, v3;
	v3 =	vld [tilespmem:s17+$0xFFFFFF80]  }
0x3b: {  	[tilespmem:s17+$0xFFFFFF20] =	vst v0;
	v0 =	vmul.f32 $8.000000000e+00, v4;
	v4 =	vld [tilespmem:s17+$0xFFFFFF90]  }
0x3c: {  	[tilespmem:s17+$0xFFFFFF30] =	vst v1;
	v1 =	vmul.f32 $8.000000000e+00, v5;
	v5 =	vld [tilespmem:s17+$0xFFFFFFA0]  }
0x3d: {  	[tilespmem:s17+$0xFFFFFF40] =	vst v0;
	v0 =	vmul.f32 $8.000000000e+00, v6;
	v6 =	vld [tilespmem:s17+$0xFFFFFFB0]  }
0x3e: {  	[tilespmem:s17+$0xFFFFFF50] =	vst v1;
	v1 =	vmul.f32 $8.000000000e+00, v2;
	v2 =	vld [tilespmem:s17+$0xFFFFFFC0]  }
0x3f: {  	[tilespmem:s17+$0xFFFFFF60] =	vst v0;
	v0 =	vmul.f32 $8.000000000e+00, v3;
	v3 =	vld [tilespmem:s17+$0xFFFFFFD0]  }
0x40: {  	[tilespmem:s17+$0xFFFFFF70] =	vst v1;
	v1 =	vmul.f32 $8.000000000e+00, v4;
	v4 =	vld [tilespmem:s17+$0xFFFFFFE0]  }
0x41: {  	[tilespmem:s17+$0xFFFFFF80] =	vst v0;
	v0 =	vmul.f32 $8.000000000e+00, v5;
	v5 =	vld [tilespmem:s17+$0x0]  }
0x42: {  	[tilespmem:s17+$0xFFFFFF90] =	vst v1;
	v1 =	vmul.f32 $8.000000000e+00, v6;
	v6 =	vld [tilespmem:s17+$0x10]  }
0x43: {  	[tilespmem:s17+$0xFFFFFFA0] =	vst v0;
	v0 =	vmul.f32 $8.000000000e+00, v2;
	v2 =	vld [tilespmem:s17+$0x20]  }
0x44: {  	[tilespmem:s17+$0xFFFFFFB0] =	vst v1;
	v1 =	vmul.f32 $8.000000000e+00, v3;
	v3 =	vld [tilespmem:s17+$0x30]  }
0x45: {  	[tilespmem:s17+$0xFFFFFFC0] =	vst v0;
	v0 =	vmul.f32 $8.000000000e+00, v4;
	v4 =	vld [tilespmem:s17+$0x40]  }
0x46: {  	[tilespmem:s17+$0xFFFFFFD0] =	vst v1;
	v1 =	vmul.f32 $8.000000000e+00, v5;
	v5 =	vld [tilespmem:s17+$0x50]  }
0x47: {  	[tilespmem:s17+$0xFFFFFFE0] =	vst v0;
	v0 =	vmul.f32 $8.000000000e+00, v6;
	v6 =	vld [tilespmem:s17+$0x60]  }
0x48: {  	[tilespmem:s17+$0x0] =	vst v1;
	v1 =	vmul.f32 $8.000000000e+00, v2;
	v2 =	vld [tilespmem:s17+$0x70]  }
0x49: {  	[tilespmem:s17+$0x10] =	vst v0;
	v0 =	vmul.f32 $8.000000000e+00, v3;
	v3 =	vld [tilespmem:s17+$0x80]  }
0x4a: {  	[tilespmem:s17+$0x20] =	vst v1;
	v1 =	vmul.f32 $8.000000000e+00, v4;
	v4 =	vld [tilespmem:s17+$0x90]  }
0x4b: {  	[tilespmem:s17+$0x30] =	vst v0;
	v0 =	vmul.f32 $8.000000000e+00, v5;
	v5 =	vld [tilespmem:s17+$0xA0]  }
0x4c: {  	[tilespmem:s17+$0x40] =	vst v1;
	v1 =	vmul.f32 $8.000000000e+00, v6;
	v6 =	vld [tilespmem:s17+$0xB0]  }
0x4d: {  	[tilespmem:s17+$0x50] =	vst v0;
	v2 =	vmul.f32 $8.000000000e+00, v2;
	v0 =	vld [tilespmem:s17+$0xC0]  }
0x4e: {  	[tilespmem:s17+$0x60] =	vst v1;
	v3 =	vmul.f32 $8.000000000e+00, v3;
	v1 =	vld [tilespmem:s17+$0xD0]  }
0x4f: {  	[tilespmem:s17+$0x70] =	vst v2;
	v7 =	vmul.f32 $8.000000000e+00, v4;
	v2 =	vld [tilespmem:s17+$0xE0]  }
0x50: {  	[tilespmem:s17+$0x80] =	vst v3;
	v3 =	vld [tilespmem:s17+$0xF0];
	v5 =	vmul.f32 $8.000000000e+00, v5  }
0x51: {  	s18 =	simm.s32 $0x0;
	s19 =	simm.s32 $0x940;
	v4 =	vld [tilespmem:s17+$0xFFFFFFF0];
	[tilespmem:s17+$0x90] =	vst v7;
	v6 =	vmul.f32 $8.000000000e+00, v6  }
.LBB2_3:
0x52: {  	v7 =	vld [tilespmem:s19+$0xFFFFFF00];
	[tilespmem:s17+$0xA0] =	vst v5;
	v0 =	vmul.f32 $8.000000000e+00, v0  }
0x53: {  	v5 =	vld [tilespmem:s19+$0xFFFFFF10];
	[tilespmem:s17+$0xB0] =	vst v6;
	v1 =	vmul.f32 $8.000000000e+00, v1  }
0x54: {  	v6 =	vld [tilespmem:s19+$0xFFFFFF20];
	[tilespmem:s17+$0xC0] =	vst v0;
	v0 =	vmul.f32 $8.000000000e+00, v2  }
0x55: {  	v2 =	vld [tilespmem:s19+$0xFFFFFF30];
	[tilespmem:s17+$0xD0] =	vst v1;
	v1 =	vmul.f32 $8.000000000e+00, v3  }
0x56: {  	v3 =	vld [tilespmem:s19+$0xFFFFFF40];
	v4 =	vmul.f32 $8.000000000e+00, v4;
	[tilespmem:s17+$0xE0] =	vst v0  }
0x57: {  	s16 =	simm.s32 $0x3A30;
	v0 =	vmul.f32 $8.000000000e+00, v7;
	v7 =	vld [tilespmem:s19+$0xFFFFFF50];
	[tilespmem:s17+$0xF0] =	vst v1  }
0x58: {  	v1 =	vmul.f32 $8.000000000e+00, v5;
	v5 =	vld [tilespmem:s19+$0xFFFFFF60];
	[tilespmem:s17+$0xFFFFFFF0] =	vst v4;
	s17 =	smov.u32 s19  }
0x59: {  	[tilespmem:s19+$0xFFFFFF00] =	vst v0;
	v0 =	vmul.f32 $8.000000000e+00, v6;
	v4 =	vld [tilespmem:s19+$0xFFFFFF70]  }
0x5a: {  	[tilespmem:s19+$0xFFFFFF10] =	vst v1;
	v1 =	vmul.f32 $8.000000000e+00, v2;
	v2 =	vld [tilespmem:s19+$0xFFFFFF80]  }
0x5b: {  	[tilespmem:s19+$0xFFFFFF20] =	vst v0;
	v0 =	vmul.f32 $8.000000000e+00, v3;
	v3 =	vld [tilespmem:s19+$0xFFFFFF90]  }
0x5c: {  	[tilespmem:s19+$0xFFFFFF30] =	vst v1;
	v1 =	vmul.f32 $8.000000000e+00, v7;
	v6 =	vld [tilespmem:s19+$0xFFFFFFA0]  }
0x5d: {  	[tilespmem:s19+$0xFFFFFF40] =	vst v0;
	v0 =	vmul.f32 $8.000000000e+00, v5;
	v5 =	vld [tilespmem:s19+$0xFFFFFFB0]  }
0x5e: {  	[tilespmem:s19+$0xFFFFFF50] =	vst v1;
	v1 =	vmul.f32 $8.000000000e+00, v4;
	v4 =	vld [tilespmem:s19+$0xFFFFFFC0]  }
0x5f: {  	[tilespmem:s19+$0xFFFFFF60] =	vst v0;
	v0 =	vmul.f32 $8.000000000e+00, v2;
	v2 =	vld [tilespmem:s19+$0xFFFFFFD0]  }
0x60: {  	[tilespmem:s19+$0xFFFFFF70] =	vst v1;
	v1 =	vmul.f32 $8.000000000e+00, v3;
	v3 =	vld [tilespmem:s19+$0xFFFFFFE0]  }
0x61: {  	[tilespmem:s19+$0xFFFFFF80] =	vst v0;
	v0 =	vmul.f32 $8.000000000e+00, v6;
	v6 =	vld [tilespmem:s19+$0x0]  }
0x62: {  	[tilespmem:s19+$0xFFFFFF90] =	vst v1;
	v1 =	vmul.f32 $8.000000000e+00, v5;
	v5 =	vld [tilespmem:s19+$0x10]  }
0x63: {  	[tilespmem:s19+$0xFFFFFFA0] =	vst v0;
	v0 =	vmul.f32 $8.000000000e+00, v4;
	v4 =	vld [tilespmem:s19+$0x20]  }
0x64: {  	[tilespmem:s19+$0xFFFFFFB0] =	vst v1;
	v1 =	vmul.f32 $8.000000000e+00, v2;
	v2 =	vld [tilespmem:s19+$0x30]  }
0x65: {  	[tilespmem:s19+$0xFFFFFFC0] =	vst v0;
	v0 =	vmul.f32 $8.000000000e+00, v3;
	v3 =	vld [tilespmem:s19+$0x40]  }
0x66: {  	[tilespmem:s19+$0xFFFFFFD0] =	vst v1;
	v1 =	vmul.f32 $8.000000000e+00, v6;
	v6 =	vld [tilespmem:s19+$0x50]  }
0x67: {  	[tilespmem:s19+$0xFFFFFFE0] =	vst v0;
	v0 =	vmul.f32 $8.000000000e+00, v5;
	v5 =	vld [tilespmem:s19+$0x60]  }
0x68: {  	[tilespmem:s19+$0x0] =	vst v1;
	v1 =	vmul.f32 $8.000000000e+00, v4;
	v4 =	vld [tilespmem:s19+$0x70]  }
0x69: {  	[tilespmem:s19+$0x10] =	vst v0;
	v0 =	vmul.f32 $8.000000000e+00, v2;
	v2 =	vld [tilespmem:s19+$0x80]  }
0x6a: {  	[tilespmem:s19+$0x20] =	vst v1;
	v1 =	vmul.f32 $8.000000000e+00, v3;
	v3 =	vld [tilespmem:s19+$0x90]  }
0x6b: {  	s18 =	sadd.s32 $0x8, s18;
	[tilespmem:s19+$0x30] =	vst v0;
	v0 =	vmul.f32 $8.000000000e+00, v6;
	v6 =	vld [tilespmem:s19+$0xA0]  }
0x6c: {  	p1 =	slt.u32 s18, $0xC0;
	[tilespmem:s19+$0x40] =	vst v1;
	v1 =	vmul.f32 $8.000000000e+00, v5;
	v7 =	vld [tilespmem:s19+$0xB0]  }
.Ltmp0:
0x6d: {  	[tilespmem:s19+$0x50] =	vst v0;
	v4 =	vmul.f32 $8.000000000e+00, v4;
	v0 =	vld [tilespmem:s19+$0xC0];
	(pc) =	sbr.rel @p1 .LBB2_3-.Ltmp0, $4  }
0x6e: {  	[tilespmem:s19+$0x60] =	vst v1;
	v5 =	vmul.f32 $8.000000000e+00, v2;
	v1 =	vld [tilespmem:s19+$0xD0]  }
0x6f: {  	[tilespmem:s19+$0x70] =	vst v4;
	v8 =	vmul.f32 $8.000000000e+00, v3;
	v2 =	vld [tilespmem:s19+$0xE0]  }
0x70: {  	[tilespmem:s19+$0x80] =	vst v5;
	v5 =	vmul.f32 $8.000000000e+00, v6;
	v3 =	vld [tilespmem:s19+$0xF0]  }
0x71: {  	s19 =	sadd.s32 $0x200, s19;
	v4 =	vld [tilespmem:s17+$0xFFFFFFF0];
	[tilespmem:s17+$0x90] =	vst v8;
	v6 =	vmul.f32 $8.000000000e+00, v7  }
0x72: {  	[tilespmem:s17+$0xA0] =	vst v5;
	v0 =	vmul.f32 $8.000000000e+00, v0  }
0x73: {  	[tilespmem:s17+$0xB0] =	vst v6;
	v1 =	vmul.f32 $8.000000000e+00, v1  }
0x74: {  	[tilespmem:s17+$0xC0] =	vst v0;
	v0 =	vmul.f32 $8.000000000e+00, v2  }
0x75: {  	[tilespmem:s17+$0xD0] =	vst v1;
	v1 =	vmul.f32 $8.000000000e+00, v3  }
0x76: {  	v2 =	vmul.f32 $8.000000000e+00, v4;
	[tilespmem:s17+$0xE0] =	vst v0  }
0x77: {  	[tilespmem:s17+$0xF0] =	vst v1  }
0x78: {  	[tilespmem:s17+$0xFFFFFFF0] =	vst v2  }
0x79: {  	v0 =	vld [tilespmem:s16+$0xFFFFFE10]  }
0x7a: {  	v1 =	vld [tilespmem:s16+$0xFFFFFE20]  }
0x7b: {  	v2 =	vld [tilespmem:s16+$0xFFFFFE30]  }
0x7c: {  	v3 =	vld [tilespmem:s16+$0xFFFFFE40]  }
0x7d: {  	v4 =	vld [tilespmem:s16+$0xFFFFFE50]  }
0x7e: {  	v5 =	vld [tilespmem:s16+$0xFFFFFE60];
	v0 =	vmul.f32 $8.000000000e+00, v0  }
0x7f: {  	v6 =	vld [tilespmem:s16+$0xFFFFFE70];
	v1 =	vmul.f32 $8.000000000e+00, v1  }
0x80: {  	[tilespmem:s16+$0xFFFFFE10] =	vst v0;
	v0 =	vmul.f32 $8.000000000e+00, v2;
	v2 =	vld [tilespmem:s16+$0xFFFFFE80]  }
0x81: {  	[tilespmem:s16+$0xFFFFFE20] =	vst v1;
	v1 =	vmul.f32 $8.000000000e+00, v3;
	v3 =	vld [tilespmem:s16+$0xFFFFFE90]  }
0x82: {  	[tilespmem:s16+$0xFFFFFE30] =	vst v0;
	v0 =	vmul.f32 $8.000000000e+00, v4;
	v4 =	vld [tilespmem:s16+$0xFFFFFEA0]  }
0x83: {  	[tilespmem:s16+$0xFFFFFE40] =	vst v1;
	v1 =	vmul.f32 $8.000000000e+00, v5;
	v5 =	vld [tilespmem:s16+$0xFFFFFEB0]  }
0x84: {  	[tilespmem:s16+$0xFFFFFE50] =	vst v0;
	v0 =	vmul.f32 $8.000000000e+00, v6;
	v6 =	vld [tilespmem:s16+$0xFFFFFEC0]  }
0x85: {  	[tilespmem:s16+$0xFFFFFE60] =	vst v1;
	v1 =	vmul.f32 $8.000000000e+00, v2;
	v2 =	vld [tilespmem:s16+$0xFFFFFED0]  }
0x86: {  	[tilespmem:s16+$0xFFFFFE70] =	vst v0;
	v0 =	vmul.f32 $8.000000000e+00, v3;
	v3 =	vld [tilespmem:s16+$0xFFFFFEE0]  }
0x87: {  	[tilespmem:s16+$0xFFFFFE80] =	vst v1;
	v1 =	vmul.f32 $8.000000000e+00, v4;
	v4 =	vld [tilespmem:s16+$0xFFFFFEF0]  }
0x88: {  	[tilespmem:s16+$0xFFFFFE90] =	vst v0;
	v0 =	vmul.f32 $8.000000000e+00, v5;
	v5 =	vld [tilespmem:s16+$0xFFFFFF00]  }
0x89: {  	[tilespmem:s16+$0xFFFFFEA0] =	vst v1;
	v1 =	vmul.f32 $8.000000000e+00, v6;
	v6 =	vld [tilespmem:s16+$0xFFFFFF10]  }
0x8a: {  	[tilespmem:s16+$0xFFFFFEB0] =	vst v0;
	v0 =	vmul.f32 $8.000000000e+00, v2;
	v2 =	vld [tilespmem:s16+$0xFFFFFF20]  }
0x8b: {  	[tilespmem:s16+$0xFFFFFEC0] =	vst v1;
	v1 =	vmul.f32 $8.000000000e+00, v3;
	v3 =	vld [tilespmem:s16+$0xFFFFFF30]  }
0x8c: {  	[tilespmem:s16+$0xFFFFFED0] =	vst v0;
	v0 =	vmul.f32 $8.000000000e+00, v4;
	v4 =	vld [tilespmem:s16+$0xFFFFFF40]  }
0x8d: {  	[tilespmem:s16+$0xFFFFFEE0] =	vst v1;
	v1 =	vmul.f32 $8.000000000e+00, v5;
	v5 =	vld [tilespmem:s16+$0xFFFFFF50]  }
0x8e: {  	[tilespmem:s16+$0xFFFFFEF0] =	vst v0;
	v0 =	vmul.f32 $8.000000000e+00, v6;
	v6 =	vld [tilespmem:s16+$0xFFFFFF60]  }
0x8f: {  	[tilespmem:s16+$0xFFFFFF00] =	vst v1;
	v1 =	vmul.f32 $8.000000000e+00, v2;
	v2 =	vld [tilespmem:s16+$0xFFFFFF70]  }
0x90: {  	[tilespmem:s16+$0xFFFFFF10] =	vst v0;
	v0 =	vmul.f32 $8.000000000e+00, v3;
	v3 =	vld [tilespmem:s16+$0xFFFFFF80]  }
0x91: {  	[tilespmem:s16+$0xFFFFFF20] =	vst v1;
	v1 =	vmul.f32 $8.000000000e+00, v4;
	v4 =	vld [tilespmem:s16+$0xFFFFFF90]  }
0x92: {  	[tilespmem:s16+$0xFFFFFF30] =	vst v0;
	v0 =	vmul.f32 $8.000000000e+00, v5;
	v5 =	vld [tilespmem:s16+$0xFFFFFFA0]  }
0x93: {  	[tilespmem:s16+$0xFFFFFF40] =	vst v1;
	v1 =	vmul.f32 $8.000000000e+00, v6;
	v6 =	vld [tilespmem:s16+$0xFFFFFFB0]  }
0x94: {  	[tilespmem:s16+$0xFFFFFF50] =	vst v0;
	v2 =	vmul.f32 $8.000000000e+00, v2;
	v0 =	vld [tilespmem:s16+$0xFFFFFFC0]  }
0x95: {  	[tilespmem:s16+$0xFFFFFF60] =	vst v1;
	v3 =	vmul.f32 $8.000000000e+00, v3;
	v1 =	vld [tilespmem:s16+$0xFFFFFFD0]  }
0x96: {  	[tilespmem:s16+$0xFFFFFF70] =	vst v2;
	v4 =	vmul.f32 $8.000000000e+00, v4;
	v2 =	vld [tilespmem:s16+$0xFFFFFFE0]  }
0x97: {  	[tilespmem:s16+$0xFFFFFF80] =	vst v3;
	v3 =	vld [tilespmem:s16+$0x0];
	v5 =	vmul.f32 $8.000000000e+00, v5  }
0x98: {  	s18 =	simm.s32 $0x3C30;
	s17 =	simm.s32 $0x0;
	[tilespmem:s16+$0xFFFFFF90] =	vst v4;
	v6 =	vmul.f32 $8.000000000e+00, v6;
	v4 =	vld [tilespmem:s16+$0xFFFFFFF0]  }
.LBB2_5:
0x99: {  	v7 =	vld [tilespmem:s18+$0xFFFFFE10];
	[tilespmem:s16+$0xFFFFFFA0] =	vst v5;
	v0 =	vmul.f32 $8.000000000e+00, v0  }
0x9a: {  	v5 =	vld [tilespmem:s18+$0xFFFFFE20];
	[tilespmem:s16+$0xFFFFFFB0] =	vst v6;
	v1 =	vmul.f32 $8.000000000e+00, v1  }
0x9b: {  	v6 =	vld [tilespmem:s18+$0xFFFFFE30];
	[tilespmem:s16+$0xFFFFFFC0] =	vst v0;
	v0 =	vmul.f32 $8.000000000e+00, v2  }
0x9c: {  	v2 =	vld [tilespmem:s18+$0xFFFFFE40];
	[tilespmem:s16+$0xFFFFFFD0] =	vst v1;
	v1 =	vmul.f32 $8.000000000e+00, v3  }
0x9d: {  	v3 =	vld [tilespmem:s18+$0xFFFFFE50];
	[tilespmem:s16+$0xFFFFFFE0] =	vst v0;
	v0 =	vmul.f32 $8.000000000e+00, v4  }
0x9e: {  	v4 =	vmul.f32 $8.000000000e+00, v7;
	v7 =	vld [tilespmem:s18+$0xFFFFFE60];
	[tilespmem:s16+$0x0] =	vst v1  }
0x9f: {  	v1 =	vmul.f32 $8.000000000e+00, v5;
	v5 =	vld [tilespmem:s18+$0xFFFFFE70];
	[tilespmem:s16+$0xFFFFFFF0] =	vst v0;
	s16 =	smov.u32 s18  }
0xa0: {  	[tilespmem:s18+$0xFFFFFE10] =	vst v4;
	v0 =	vmul.f32 $8.000000000e+00, v6;
	v4 =	vld [tilespmem:s18+$0xFFFFFE80]  }
0xa1: {  	[tilespmem:s18+$0xFFFFFE20] =	vst v1;
	v1 =	vmul.f32 $8.000000000e+00, v2;
	v2 =	vld [tilespmem:s18+$0xFFFFFE90]  }
0xa2: {  	[tilespmem:s18+$0xFFFFFE30] =	vst v0;
	v0 =	vmul.f32 $8.000000000e+00, v3;
	v3 =	vld [tilespmem:s18+$0xFFFFFEA0]  }
0xa3: {  	[tilespmem:s18+$0xFFFFFE40] =	vst v1;
	v1 =	vmul.f32 $8.000000000e+00, v7;
	v6 =	vld [tilespmem:s18+$0xFFFFFEB0]  }
0xa4: {  	[tilespmem:s18+$0xFFFFFE50] =	vst v0;
	v0 =	vmul.f32 $8.000000000e+00, v5;
	v5 =	vld [tilespmem:s18+$0xFFFFFEC0]  }
0xa5: {  	[tilespmem:s18+$0xFFFFFE60] =	vst v1;
	v1 =	vmul.f32 $8.000000000e+00, v4;
	v4 =	vld [tilespmem:s18+$0xFFFFFED0]  }
0xa6: {  	[tilespmem:s18+$0xFFFFFE70] =	vst v0;
	v0 =	vmul.f32 $8.000000000e+00, v2;
	v2 =	vld [tilespmem:s18+$0xFFFFFEE0]  }
0xa7: {  	[tilespmem:s18+$0xFFFFFE80] =	vst v1;
	v1 =	vmul.f32 $8.000000000e+00, v3;
	v3 =	vld [tilespmem:s18+$0xFFFFFEF0]  }
0xa8: {  	[tilespmem:s18+$0xFFFFFE90] =	vst v0;
	v0 =	vmul.f32 $8.000000000e+00, v6;
	v6 =	vld [tilespmem:s18+$0xFFFFFF00]  }
0xa9: {  	[tilespmem:s18+$0xFFFFFEA0] =	vst v1;
	v1 =	vmul.f32 $8.000000000e+00, v5;
	v5 =	vld [tilespmem:s18+$0xFFFFFF10]  }
0xaa: {  	[tilespmem:s18+$0xFFFFFEB0] =	vst v0;
	v0 =	vmul.f32 $8.000000000e+00, v4;
	v4 =	vld [tilespmem:s18+$0xFFFFFF20]  }
0xab: {  	[tilespmem:s18+$0xFFFFFEC0] =	vst v1;
	v1 =	vmul.f32 $8.000000000e+00, v2;
	v2 =	vld [tilespmem:s18+$0xFFFFFF30]  }
0xac: {  	[tilespmem:s18+$0xFFFFFED0] =	vst v0;
	v0 =	vmul.f32 $8.000000000e+00, v3;
	v3 =	vld [tilespmem:s18+$0xFFFFFF40]  }
0xad: {  	[tilespmem:s18+$0xFFFFFEE0] =	vst v1;
	v1 =	vmul.f32 $8.000000000e+00, v6;
	v6 =	vld [tilespmem:s18+$0xFFFFFF50]  }
0xae: {  	[tilespmem:s18+$0xFFFFFEF0] =	vst v0;
	v0 =	vmul.f32 $8.000000000e+00, v5;
	v5 =	vld [tilespmem:s18+$0xFFFFFF60]  }
0xaf: {  	[tilespmem:s18+$0xFFFFFF00] =	vst v1;
	v1 =	vmul.f32 $8.000000000e+00, v4;
	v4 =	vld [tilespmem:s18+$0xFFFFFF70]  }
0xb0: {  	[tilespmem:s18+$0xFFFFFF10] =	vst v0;
	v0 =	vmul.f32 $8.000000000e+00, v2;
	v2 =	vld [tilespmem:s18+$0xFFFFFF80]  }
0xb1: {  	[tilespmem:s18+$0xFFFFFF20] =	vst v1;
	v1 =	vmul.f32 $8.000000000e+00, v3;
	v3 =	vld [tilespmem:s18+$0xFFFFFF90]  }
0xb2: {  	s17 =	sadd.s32 $0x8, s17;
	[tilespmem:s18+$0xFFFFFF30] =	vst v0;
	v0 =	vmul.f32 $8.000000000e+00, v6;
	v6 =	vld [tilespmem:s18+$0xFFFFFFA0]  }
0xb3: {  	p1 =	slt.u32 s17, $0xC0;
	[tilespmem:s18+$0xFFFFFF40] =	vst v1;
	v1 =	vmul.f32 $8.000000000e+00, v5;
	v7 =	vld [tilespmem:s18+$0xFFFFFFB0]  }
.Ltmp1:
0xb4: {  	[tilespmem:s18+$0xFFFFFF50] =	vst v0;
	v4 =	vmul.f32 $8.000000000e+00, v4;
	v0 =	vld [tilespmem:s18+$0xFFFFFFC0];
	(pc) =	sbr.rel @p1 .LBB2_5-.Ltmp1, $4  }
0xb5: {  	[tilespmem:s18+$0xFFFFFF60] =	vst v1;
	v5 =	vmul.f32 $8.000000000e+00, v2;
	v1 =	vld [tilespmem:s18+$0xFFFFFFD0]  }
0xb6: {  	[tilespmem:s18+$0xFFFFFF70] =	vst v4;
	v4 =	vmul.f32 $8.000000000e+00, v3;
	v2 =	vld [tilespmem:s18+$0xFFFFFFE0]  }
0xb7: {  	[tilespmem:s18+$0xFFFFFF80] =	vst v5;
	v5 =	vmul.f32 $8.000000000e+00, v6;
	v3 =	vld [tilespmem:s18+$0x0]  }
0xb8: {  	s18 =	sadd.s32 $0x200, s18;
	[tilespmem:s16+$0xFFFFFF90] =	vst v4;
	v6 =	vmul.f32 $8.000000000e+00, v7;
	v4 =	vld [tilespmem:s16+$0xFFFFFFF0]  }
0xb9: {  	[tilespmem:s16+$0xFFFFFFA0] =	vst v5;
	v0 =	vmul.f32 $8.000000000e+00, v0  }
0xba: {  	[tilespmem:s16+$0xFFFFFFB0] =	vst v6;
	v1 =	vmul.f32 $8.000000000e+00, v1  }
0xbb: {  	[tilespmem:s16+$0xFFFFFFC0] =	vst v0;
	v0 =	vmul.f32 $8.000000000e+00, v2  }
0xbc: {  	[tilespmem:s16+$0xFFFFFFD0] =	vst v1;
	v1 =	vmul.f32 $8.000000000e+00, v3  }
0xbd: {  	[tilespmem:s16+$0xFFFFFFE0] =	vst v0;
	v0 =	vmul.f32 $8.000000000e+00, v4  }
0xbe: {  	[tilespmem:s16+$0x0] =	vst v1  }
0xbf: {  	s17 =	simm.s32 $0x6A40;
	[tilespmem:s16+$0xFFFFFFF0] =	vst v0  }
0xc0: {  	v0 =	vld [tilespmem:s17+$0x1A0]  }
0xc1: {  	v1 =	vld [tilespmem:s17+$0xA0]  }
0xc2: {  	v2 =	vld [tilespmem:s17+$0x90]  }
0xc3: {  	v3 =	vld [tilespmem:s17+$0x80]  }
0xc4: {  	v4 =	vld [tilespmem:s17+$0xB0]  }
0xc5: {  	v5 =	vld [tilespmem:s17+$0x70]  }
0xc6: {  	v6 =	vld [tilespmem:s17+$0xC0]  }
0xc7: {  	v7 =	vld [tilespmem:s17+$0xD0]  }
0xc8: {  	v8 =	vld [tilespmem:s17+$0x60]  }
0xc9: {  	v9 =	vld [tilespmem:s17+$0xE0]  }
0xca: {  	v10 =	vld [tilespmem:s17+$0x1E0]  }
0xcb: {  	v12 =	vld [tilespmem:s17+$0x1C0]  }
0xcc: {  	v11 =	vld [tilespmem:s17+$0x1D0]  }
0xcd: {  	v13 =	vld [tilespmem:s17+$0x0]  }
0xce: {  	v14 =	vld [tilespmem:s17+$0xF0];
	v0 =	vmul.f32 $8.000000000e+00, v0  }
0xcf: {  	v15 =	vld [tilespmem:s17+$0x100];
	v10 =	vmul.f32 $8.000000000e+00, v10  }
0xd0: {  	v16 =	vld [tilespmem:s17+$0x110];
	v12 =	vmul.f32 $8.000000000e+00, v12;
	[tilespmem:s17+$0x1A0] =	vst v0  }
0xd1: {  	v18 =	vld [tilespmem:s17+$0x30];
	v17 =	vmul.f32 $8.000000000e+00, v9;
	[tilespmem:s17+$0x1E0] =	vst v10  }
0xd2: {  	v0 =	vmul.f32 $8.000000000e+00, v11;
	v11 =	vld [tilespmem:s17+$0x120];
	[tilespmem:s17+$0x1C0] =	vst v12  }
0xd3: {  	v10 =	vmul.f32 $8.000000000e+00, v13;
	v13 =	vld [tilespmem:s17+$0x130];
	[tilespmem:s17+$0xE0] =	vst v17  }
0xd4: {  	v19 =	vld [tilespmem:s17+$0x20];
	[tilespmem:s17+$0x1D0] =	vst v0;
	v0 =	vmul.f32 $8.000000000e+00, v14  }
0xd5: {  	v14 =	vld [tilespmem:s17+$0x140];
	[tilespmem:s17+$0x0] =	vst v10;
	v10 =	vmul.f32 $8.000000000e+00, v15  }
0xd6: {  	v20 =	vld [tilespmem:s17+$0x10];
	[tilespmem:s17+$0xF0] =	vst v0;
	v0 =	vmul.f32 $8.000000000e+00, v16  }
0xd7: {  	v21 =	vmul.f32 $8.000000000e+00, v4;
	v12 =	vld [tilespmem:s17+$0x1F0];
	[tilespmem:s17+$0x100] =	vst v10;
	v10 =	vmul.f32 $8.000000000e+00, v11  }
0xd8: {  	v22 =	vld [tilespmem:s17+$0x1B0];
	[tilespmem:s17+$0x110] =	vst v0;
	v0 =	vmul.f32 $8.000000000e+00, v13;
	v13 =	vmul.f32 $8.000000000e+00, v7  }
0xd9: {  	[tilespmem:s17+$0xB0] =	vst v21;
	v15 =	vld [tilespmem:s17+$0x50];
	v7 =	vmul.f32 $8.000000000e+00, v1;
	v1 =	vmul.f32 $8.000000000e+00, v18  }
0xda: {  	v16 =	vld [tilespmem:s17+$0x40];
	[tilespmem:s17+$0x120] =	vst v10;
	v9 =	vmul.f32 $8.000000000e+00, v14;
	v14 =	vmul.f32 $8.000000000e+00, v6  }
0xdb: {  	v11 =	vld [tilespmem:s17+$0x190];
	v10 =	vmul.f32 $8.000000000e+00, v3;
	v6 =	vmul.f32 $8.000000000e+00, v5;
	[tilespmem:s17+$0x130] =	vst v0  }
0xdc: {  	v3 =	vmul.f32 $8.000000000e+00, v20;
	v0 =	vmul.f32 $8.000000000e+00, v12;
	v12 =	vld [tilespmem:s17+$0x180];
	[tilespmem:s17+$0xD0] =	vst v13  }
0xdd: {  	v5 =	vmul.f32 $8.000000000e+00, v22;
	v13 =	vld [tilespmem:s17+$0x170];
	[tilespmem:s17+$0x140] =	vst v9;
	v9 =	vmul.f32 $8.000000000e+00, v2  }
0xde: {  	[tilespmem:s17+$0x1F0] =	vst v0;
	v0 =	vmul.f32 $8.000000000e+00, v8;
	v8 =	vmul.f32 $8.000000000e+00, v15;
	v15 =	vld [tilespmem:s17+$0x160]  }
0xdf: {  	s18 =	simm.s32 $0x6C40;
	s16 =	simm.s32 $0x0;
	v4 =	vmul.f32 $8.000000000e+00, v16;
	v2 =	vmul.f32 $8.000000000e+00, v19;
	[tilespmem:s17+$0xC0] =	vst v14;
	v14 =	vld [tilespmem:s17+$0x150]  }
.LBB2_7:
0xe0: {  	v16 =	vld [tilespmem:s18+$0x1A0];
	s16 =	sadd.s32 $0x8, s16;
	[tilespmem:s17+$0xA0] =	vst v7;
	v7 =	vmul.f32 $8.000000000e+00, v11  }
0xe1: {  	v11 =	vld [tilespmem:s18+$0xA0];
	p1 =	slt.u32 s16, $0xC0;
	[tilespmem:s17+$0x90] =	vst v9;
	v9 =	vmul.f32 $8.000000000e+00, v12  }
0xe2: {  	v12 =	vld [tilespmem:s18+$0x90];
	[tilespmem:s17+$0x80] =	vst v10;
	v10 =	vmul.f32 $8.000000000e+00, v13  }
0xe3: {  	v13 =	vld [tilespmem:s18+$0x80];
	v15 =	vmul.f32 $8.000000000e+00, v15;
	[tilespmem:s17+$0x180] =	vst v9  }
0xe4: {  	v9 =	vld [tilespmem:s18+$0xB0];
	[tilespmem:s17+$0x70] =	vst v6;
	v6 =	vmul.f32 $8.000000000e+00, v14  }
0xe5: {  	v14 =	vld [tilespmem:s18+$0x70];
	v16 =	vmul.f32 $8.000000000e+00, v16;
	[tilespmem:s17+$0x170] =	vst v10  }
0xe6: {  	v10 =	vld [tilespmem:s18+$0xC0];
	[tilespmem:s17+$0x50] =	vst v8  }
0xe7: {  	v8 =	vld [tilespmem:s18+$0xD0];
	[tilespmem:s17+$0x60] =	vst v0  }
0xe8: {  	v0 =	vld [tilespmem:s18+$0x60];
	[tilespmem:s17+$0x160] =	vst v15  }
0xe9: {  	v15 =	vld [tilespmem:s18+$0xE0];
	[tilespmem:s17+$0x40] =	vst v4  }
0xea: {  	v4 =	vld [tilespmem:s18+$0x1E0];
	[tilespmem:s17+$0x150] =	vst v6  }
0xeb: {  	v6 =	vld [tilespmem:s18+$0x1D0];
	[tilespmem:s17+$0x30] =	vst v1  }
0xec: {  	v1 =	vld [tilespmem:s18+$0x1C0];
	[tilespmem:s17+$0x20] =	vst v2  }
0xed: {  	v2 =	vld [tilespmem:s18+$0x0];
	[tilespmem:s17+$0x190] =	vst v7  }
0xee: {  	v7 =	vld [tilespmem:s18+$0xF0];
	[tilespmem:s17+$0x10] =	vst v3  }
0xef: {  	v3 =	vld [tilespmem:s18+$0x100];
	v4 =	vmul.f32 $8.000000000e+00, v4;
	[tilespmem:s17+$0x1B0] =	vst v5;
	s17 =	smov.u32 s18  }
0xf0: {  	v5 =	vld [tilespmem:s18+$0x110];
	[tilespmem:s18+$0x1A0] =	vst v16;
	v6 =	vmul.f32 $8.000000000e+00, v6  }
0xf1: {  	v15 =	vmul.f32 $8.000000000e+00, v15;
	v16 =	vld [tilespmem:s18+$0x120];
	v1 =	vmul.f32 $8.000000000e+00, v1;
	[tilespmem:s18+$0x1E0] =	vst v4  }
0xf2: {  	v17 =	vmul.f32 $8.000000000e+00, v8;
	v2 =	vmul.f32 $8.000000000e+00, v2;
	v4 =	vld [tilespmem:s18+$0x130];
	[tilespmem:s18+$0x1D0] =	vst v6  }
0xf3: {  	v18 =	vmul.f32 $8.000000000e+00, v10;
	v6 =	vmul.f32 $8.000000000e+00, v7;
	v8 =	vld [tilespmem:s18+$0x140];
	[tilespmem:s18+$0x1C0] =	vst v1  }
0xf4: {  	v19 =	vmul.f32 $8.000000000e+00, v9;
	[tilespmem:s18+$0x0] =	vst v2;
	v1 =	vmul.f32 $8.000000000e+00, v3;
	v2 =	vld [tilespmem:s18+$0x1F0]  }
0xf5: {  	v7 =	vmul.f32 $8.000000000e+00, v11;
	v3 =	vld [tilespmem:s18+$0x50];
	[tilespmem:s18+$0xF0] =	vst v6;
	v5 =	vmul.f32 $8.000000000e+00, v5  }
0xf6: {  	v9 =	vmul.f32 $8.000000000e+00, v12;
	v11 =	vld [tilespmem:s18+$0x40];
	[tilespmem:s18+$0x100] =	vst v1;
	v1 =	vmul.f32 $8.000000000e+00, v16  }
0xf7: {  	v10 =	vmul.f32 $8.000000000e+00, v13;
	v12 =	vld [tilespmem:s18+$0x30];
	[tilespmem:s18+$0x110] =	vst v5;
	v4 =	vmul.f32 $8.000000000e+00, v4  }
0xf8: {  	v6 =	vmul.f32 $8.000000000e+00, v14;
	v5 =	vld [tilespmem:s18+$0x20];
	[tilespmem:s18+$0x120] =	vst v1;
	v1 =	vmul.f32 $8.000000000e+00, v8  }
0xf9: {  	v0 =	vmul.f32 $8.000000000e+00, v0;
	v14 =	vld [tilespmem:s18+$0x10];
	[tilespmem:s18+$0x130] =	vst v4;
	v2 =	vmul.f32 $8.000000000e+00, v2  }
0xfa: {  	v8 =	vmul.f32 $8.000000000e+00, v3;
	[tilespmem:s18+$0x140] =	vst v1;
	v16 =	vld [tilespmem:s18+$0x1B0]  }
.Ltmp2:
0xfb: {  	v4 =	vmul.f32 $8.000000000e+00, v11;
	v11 =	vld [tilespmem:s18+$0x190];
	[tilespmem:s18+$0x1F0] =	vst v2;
	(pc) =	sbr.rel @p1 .LBB2_7-.Ltmp2, $4  }
0xfc: {  	v1 =	vmul.f32 $8.000000000e+00, v12;
	[tilespmem:s18+$0xE0] =	vst v15;
	v12 =	vld [tilespmem:s18+$0x180]  }
0xfd: {  	v2 =	vmul.f32 $8.000000000e+00, v5;
	[tilespmem:s18+$0xD0] =	vst v17;
	v13 =	vld [tilespmem:s18+$0x170]  }
0xfe: {  	v3 =	vmul.f32 $8.000000000e+00, v14;
	[tilespmem:s18+$0xC0] =	vst v18;
	v15 =	vld [tilespmem:s18+$0x160]  }
0xff: {  	s18 =	sadd.s32 $0x200, s18;
	[tilespmem:s17+$0xB0] =	vst v19;
	v14 =	vld [tilespmem:s17+$0x150];
	v5 =	vmul.f32 $8.000000000e+00, v16  }
0x100: {  	[tilespmem:s17+$0xA0] =	vst v7  }
0x101: {  	[tilespmem:s17+$0x90] =	vst v9  }
0x102: {  	[tilespmem:s17+$0x80] =	vst v10  }
0x103: {  	[tilespmem:s17+$0x70] =	vst v6  }
0x104: {  	[tilespmem:s17+$0x50] =	vst v8  }
0x105: {  	[tilespmem:s17+$0x60] =	vst v0  }
0x106: {  	[tilespmem:s17+$0x40] =	vst v4  }
0x107: {  	[tilespmem:s17+$0x30] =	vst v1  }
0x108: {  	[tilespmem:s17+$0x20] =	vst v2  }
0x109: {  	[tilespmem:s17+$0x10] =	vst v3;
	v7 =	vmul.f32 $8.000000000e+00, v12  }
0x10a: {  	[tilespmem:s17+$0x1B0] =	vst v5;
	v9 =	vmul.f32 $8.000000000e+00, v13  }
0x10b: {  	[tilespmem:s17+$0x180] =	vst v7;
	v0 =	vmul.f32 $8.000000000e+00, v14  }
0x10c: {  	v6 =	vmul.f32 $8.000000000e+00, v15;
	[tilespmem:s17+$0x170] =	vst v9  }
0x10d: {  	[tilespmem:s17+$0x150] =	vst v0;
	v0 =	vmul.f32 $8.000000000e+00, v11  }
0x10e: {  	[tilespmem:s17+$0x160] =	vst v6  }
0x10f: {  	s16 =	simm.s32 $0x9C40;
	[tilespmem:s17+$0x190] =	vst v0  }
0x110: {  	v0 =	vld [tilespmem:s16+$0x1A0]  }
0x111: {  	v1 =	vld [tilespmem:s16+$0xA0]  }
0x112: {  	v2 =	vld [tilespmem:s16+$0x90]  }
0x113: {  	v3 =	vld [tilespmem:s16+$0x80]  }
0x114: {  	v4 =	vld [tilespmem:s16+$0xB0]  }
0x115: {  	v5 =	vld [tilespmem:s16+$0x70]  }
0x116: {  	v6 =	vld [tilespmem:s16+$0xC0]  }
0x117: {  	v12 =	vld [tilespmem:s16+$0x60]  }
0x118: {  	v7 =	vld [tilespmem:s16+$0xD0]  }
0x119: {  	v8 =	vld [tilespmem:s16+$0xE0]  }
0x11a: {  	v9 =	vld [tilespmem:s16+$0x1D0]  }
0x11b: {  	v10 =	vld [tilespmem:s16+$0x1E0]  }
0x11c: {  	v11 =	vld [tilespmem:s16+$0x0]  }
0x11d: {  	v13 =	vld [tilespmem:s16+$0xF0]  }
0x11e: {  	v14 =	vld [tilespmem:s16+$0x100];
	v0 =	vmul.f32 $8.000000000e+00, v0  }
0x11f: {  	v15 =	vld [tilespmem:s16+$0x110];
	v9 =	vmul.f32 $8.000000000e+00, v9  }
0x120: {  	v16 =	vld [tilespmem:s16+$0x120];
	v17 =	vmul.f32 $8.000000000e+00, v8;
	[tilespmem:s16+$0x1A0] =	vst v0  }
0x121: {  	v20 =	vld [tilespmem:s16+$0x10];
	v6 =	vmul.f32 $8.000000000e+00, v6;
	[tilespmem:s16+$0x1D0] =	vst v9  }
0x122: {  	v21 =	vld [tilespmem:s16+$0x1B0];
	v0 =	vmul.f32 $8.000000000e+00, v10;
	[tilespmem:s16+$0xE0] =	vst v17  }
0x123: {  	v10 =	vmul.f32 $8.000000000e+00, v11;
	v11 =	vld [tilespmem:s16+$0x130];
	[tilespmem:s16+$0xC0] =	vst v6  }
0x124: {  	v9 =	vmul.f32 $8.000000000e+00, v13;
	v13 =	vld [tilespmem:s16+$0x140];
	[tilespmem:s16+$0x1E0] =	vst v0  }
0x125: {  	[tilespmem:s16+$0x0] =	vst v10;
	v0 =	vmul.f32 $8.000000000e+00, v14;
	v10 =	vld [tilespmem:s16+$0x150]  }
0x126: {  	[tilespmem:s16+$0xF0] =	vst v9;
	v9 =	vmul.f32 $8.000000000e+00, v15;
	v14 =	vld [tilespmem:s16+$0x1F0]  }
0x127: {  	v18 =	vld [tilespmem:s16+$0x30];
	v8 =	vmul.f32 $8.000000000e+00, v1;
	[tilespmem:s16+$0x100] =	vst v0;
	v0 =	vmul.f32 $8.000000000e+00, v16  }
0x128: {  	v19 =	vld [tilespmem:s16+$0x20];
	v1 =	vmul.f32 $8.000000000e+00, v20;
	[tilespmem:s16+$0x110] =	vst v9;
	v9 =	vmul.f32 $8.000000000e+00, v11  }
0x129: {  	v6 =	vmul.f32 $8.000000000e+00, v21;
	v15 =	vld [tilespmem:s16+$0x50];
	[tilespmem:s16+$0x120] =	vst v0;
	v0 =	vmul.f32 $8.000000000e+00, v13  }
0x12a: {  	v16 =	vld [tilespmem:s16+$0x40];
	v13 =	vmul.f32 $8.000000000e+00, v7;
	[tilespmem:s16+$0x130] =	vst v9;
	v7 =	vmul.f32 $8.000000000e+00, v10  }
0x12b: {  	v11 =	vld [tilespmem:s16+$0x190];
	v9 =	vmul.f32 $8.000000000e+00, v2;
	[tilespmem:s16+$0x140] =	vst v0;
	v0 =	vmul.f32 $8.000000000e+00, v14  }
0x12c: {  	[tilespmem:s16+$0x150] =	vst v7;
	v7 =	vmul.f32 $8.000000000e+00, v5;
	v5 =	vmul.f32 $8.000000000e+00, v12;
	v12 =	vld [tilespmem:s16+$0x1C0]  }
0x12d: {  	v10 =	vmul.f32 $8.000000000e+00, v3;
	v14 =	vmul.f32 $8.000000000e+00, v4;
	[tilespmem:s16+$0xD0] =	vst v13;
	v13 =	vld [tilespmem:s16+$0x180]  }
0x12e: {  	v3 =	vmul.f32 $8.000000000e+00, v15;
	v2 =	vmul.f32 $8.000000000e+00, v18;
	v15 =	vld [tilespmem:s16+$0x170];
	[tilespmem:s16+$0x1F0] =	vst v0  }
0x12f: {  	s18 =	simm.s32 $0x9E40;
	s17 =	simm.s32 $0x0;
	v4 =	vmul.f32 $8.000000000e+00, v19;
	v0 =	vmul.f32 $8.000000000e+00, v16;
	[tilespmem:s16+$0xB0] =	vst v14;
	v14 =	vld [tilespmem:s16+$0x160]  }
.LBB2_9:
0x130: {  	v16 =	vld [tilespmem:s18+$0x1A0];
	s17 =	sadd.s32 $0x8, s17;
	[tilespmem:s16+$0xA0] =	vst v8;
	v8 =	vmul.f32 $8.000000000e+00, v11  }
0x131: {  	v11 =	vld [tilespmem:s18+$0xA0];
	p1 =	slt.u32 s17, $0xC0;
	[tilespmem:s16+$0x90] =	vst v9;
	v9 =	vmul.f32 $8.000000000e+00, v12  }
0x132: {  	v12 =	vld [tilespmem:s18+$0x90];
	[tilespmem:s16+$0x80] =	vst v10;
	v10 =	vmul.f32 $8.000000000e+00, v13  }
0x133: {  	v13 =	vld [tilespmem:s18+$0x80];
	v15 =	vmul.f32 $8.000000000e+00, v15;
	[tilespmem:s16+$0x1C0] =	vst v9  }
0x134: {  	v9 =	vld [tilespmem:s18+$0xB0];
	[tilespmem:s16+$0x70] =	vst v7;
	v7 =	vmul.f32 $8.000000000e+00, v14  }
0x135: {  	v14 =	vld [tilespmem:s18+$0x70];
	v16 =	vmul.f32 $8.000000000e+00, v16;
	[tilespmem:s16+$0x180] =	vst v10  }
0x136: {  	v10 =	vld [tilespmem:s18+$0xC0];
	[tilespmem:s16+$0x60] =	vst v5  }
0x137: {  	v5 =	vld [tilespmem:s18+$0x60];
	[tilespmem:s16+$0x170] =	vst v15  }
0x138: {  	v15 =	vld [tilespmem:s18+$0xD0];
	[tilespmem:s16+$0x50] =	vst v3  }
0x139: {  	v3 =	vld [tilespmem:s18+$0xE0];
	[tilespmem:s16+$0x160] =	vst v7  }
0x13a: {  	v7 =	vld [tilespmem:s18+$0x1D0];
	[tilespmem:s16+$0x40] =	vst v0  }
0x13b: {  	v0 =	vld [tilespmem:s18+$0x1E0];
	[tilespmem:s16+$0x30] =	vst v2  }
0x13c: {  	v2 =	vld [tilespmem:s18+$0x0];
	[tilespmem:s16+$0x20] =	vst v4  }
0x13d: {  	v4 =	vld [tilespmem:s18+$0xF0];
	[tilespmem:s16+$0x190] =	vst v8  }
0x13e: {  	v8 =	vld [tilespmem:s18+$0x100];
	[tilespmem:s16+$0x10] =	vst v1  }
0x13f: {  	v1 =	vld [tilespmem:s18+$0x110];
	v7 =	vmul.f32 $8.000000000e+00, v7;
	[tilespmem:s16+$0x1B0] =	vst v6;
	s16 =	smov.u32 s18  }
0x140: {  	v6 =	vld [tilespmem:s18+$0x120];
	[tilespmem:s18+$0x1A0] =	vst v16;
	v0 =	vmul.f32 $8.000000000e+00, v0  }
0x141: {  	v16 =	vmul.f32 $8.000000000e+00, v3;
	v2 =	vmul.f32 $8.000000000e+00, v2;
	v3 =	vld [tilespmem:s18+$0x130];
	[tilespmem:s18+$0x1D0] =	vst v7  }
0x142: {  	v15 =	vmul.f32 $8.000000000e+00, v15;
	v4 =	vmul.f32 $8.000000000e+00, v4;
	v7 =	vld [tilespmem:s18+$0x140];
	[tilespmem:s18+$0x1E0] =	vst v0  }
0x143: {  	v17 =	vmul.f32 $8.000000000e+00, v10;
	[tilespmem:s18+$0x0] =	vst v2;
	v0 =	vmul.f32 $8.000000000e+00, v8;
	v2 =	vld [tilespmem:s18+$0x150]  }
0x144: {  	v18 =	vmul.f32 $8.000000000e+00, v9;
	[tilespmem:s18+$0xF0] =	vst v4;
	v1 =	vmul.f32 $8.000000000e+00, v1;
	v4 =	vld [tilespmem:s18+$0x1F0]  }
0x145: {  	v8 =	vmul.f32 $8.000000000e+00, v11;
	v19 =	vld [tilespmem:s18+$0x50];
	[tilespmem:s18+$0x100] =	vst v0;
	v0 =	vmul.f32 $8.000000000e+00, v6  }
0x146: {  	v9 =	vmul.f32 $8.000000000e+00, v12;
	v6 =	vld [tilespmem:s18+$0x40];
	[tilespmem:s18+$0x110] =	vst v1;
	v1 =	vmul.f32 $8.000000000e+00, v3  }
0x147: {  	v10 =	vmul.f32 $8.000000000e+00, v13;
	v12 =	vld [tilespmem:s18+$0x30];
	[tilespmem:s18+$0x120] =	vst v0;
	v0 =	vmul.f32 $8.000000000e+00, v7  }
0x148: {  	v7 =	vmul.f32 $8.000000000e+00, v14;
	v13 =	vld [tilespmem:s18+$0x20];
	[tilespmem:s18+$0x130] =	vst v1;
	v1 =	vmul.f32 $8.000000000e+00, v2  }
0x149: {  	v5 =	vmul.f32 $8.000000000e+00, v5;
	v14 =	vld [tilespmem:s18+$0x10];
	[tilespmem:s18+$0x140] =	vst v0;
	v2 =	vmul.f32 $8.000000000e+00, v4  }
0x14a: {  	v3 =	vmul.f32 $8.000000000e+00, v19;
	[tilespmem:s18+$0x150] =	vst v1;
	v19 =	vld [tilespmem:s18+$0x1B0]  }
.Ltmp3:
0x14b: {  	v0 =	vmul.f32 $8.000000000e+00, v6;
	v11 =	vld [tilespmem:s18+$0x190];
	[tilespmem:s18+$0x1F0] =	vst v2;
	(pc) =	sbr.rel @p1 .LBB2_9-.Ltmp3, $4  }
0x14c: {  	v2 =	vmul.f32 $8.000000000e+00, v12;
	[tilespmem:s18+$0xE0] =	vst v16;
	v12 =	vld [tilespmem:s18+$0x1C0]  }
0x14d: {  	v4 =	vmul.f32 $8.000000000e+00, v13;
	[tilespmem:s18+$0xD0] =	vst v15;
	v13 =	vld [tilespmem:s18+$0x180]  }
0x14e: {  	v1 =	vmul.f32 $8.000000000e+00, v14;
	[tilespmem:s18+$0xC0] =	vst v17;
	v15 =	vld [tilespmem:s18+$0x170]  }
0x14f: {  	s18 =	sadd.s32 $0x200, s18;
	[tilespmem:s16+$0xB0] =	vst v18;
	v14 =	vld [tilespmem:s16+$0x160];
	v6 =	vmul.f32 $8.000000000e+00, v19  }
0x150: {  	[tilespmem:s16+$0xA0] =	vst v8  }
0x151: {  	[tilespmem:s16+$0x90] =	vst v9  }
0x152: {  	[tilespmem:s16+$0x80] =	vst v10  }
0x153: {  	[tilespmem:s16+$0x70] =	vst v7  }
0x154: {  	[tilespmem:s16+$0x60] =	vst v5  }
0x155: {  	[tilespmem:s16+$0x50] =	vst v3  }
0x156: {  	[tilespmem:s16+$0x40] =	vst v0  }
0x157: {  	[tilespmem:s16+$0x30] =	vst v2  }
0x158: {  	[tilespmem:s16+$0x20] =	vst v4  }
0x159: {  	v0 =	vmul.f32 $8.000000000e+00, v11;
	[tilespmem:s16+$0x10] =	vst v1  }
0x15a: {  	v8 =	vmul.f32 $8.000000000e+00, v12;
	[tilespmem:s16+$0x1B0] =	vst v6  }
0x15b: {  	v63 =	vmul.f32 $8.000000000e+00, v13;
	[tilespmem:s16+$0x190] =	vst v0  }
0x15c: {  	s17 =	sadd.s32 s4, s15;
	[tilespmem:s16+$0x1C0] =	vst v8;
	v7 =	vmul.f32 $8.000000000e+00, v15  }
0x15d: {  	s17 =	smul.u32 $0x640, s17;
	[tilespmem:s16+$0x180] =	vst v63;
	v5 =	vmul.f32 $8.000000000e+00, v14  }
0x15e: {  	[tilespmem:s16+$0x170] =	vst v7  }
0x15f: {  	s19 =	sadd.s32 s2, s17;
	[tilespmem:s16+$0x160] =	vst v5  }
0x160: {  	[hbm4b:s19+s3] =	stream.linear.scatter [tilespmem:s14], [sflag:$0x5], $0xC800, $0x38;
	[tilespmem:$0x19640] =	vst v63  }
0x161: {  	_ =	swait.ge [sflag:s12], $0xC800  }
0x162: {  	[sflag:s12] =	ssyncset.done $0x0  }
0x163: {  	[sflag:s12] =	ssyncadd.s32 $0xFFFF3800  }
0x164: {  	_ =	swait.ge [sflag:s31], $0x3200  }
0x165: {  	[sflag:s31] =	ssyncset.done $0x0  }
0x166: {  	[sflag:s31] =	ssyncadd.s32 $0xFFFFCE00  }
0x167: {  	_ =	swait.ge [sflag:s31], $0x3200  }
0x168: {  	[sflag:s31] =	ssyncset.done $0x0  }
0x169: {  	[sflag:s31] =	ssyncadd.s32 $0xFFFFCE00  }
0x16a: {  	_ =	swait.ge [sflag:s31], $0x3200  }
0x16b: {  	[sflag:s31] =	ssyncset.done $0x0  }
0x16c: {  	s16 =	sadd.s32 @!p0 s15, s10;
	[sflag:s31] =	ssyncadd.s32 $0xFFFFCE00  }
0x16d: {  	s16 =	smul.u32 @!p0 $0x19, s16;
	_ =	swait.ge [sflag:s31], $0x3200  }
0x16e: {  	s18 =	simm.s32 @!p0 $0x320;
	[sflag:s31] =	ssyncset.done $0x0  }
0x16f: {  	s17 =	simm.s32 @!p0 $0x0;
	s16 =	sadd.s32 @!p0 s5, s16;
	[sflag:s31] =	ssyncadd.s32 $0xFFFFCE00  }
0x170: {  	[tilespmem:s18], [sflag:$0x4] =	stream.linear.gather @!p0 [hbm4b:s16+s17], $0x320, $0x38;
	[tilespmem:$0x19640] =	vst v63  }
0x171: {  	s16 =	simm.s32 @!p0 $0x3  }
0x172: {  	_ =	swait.ge @!p0 [sflag:s16], $0x320  }
0x173: {  	[sflag:s16] =	ssyncset.done @!p0 $0x0  }
0x174: {  	s18 =	simm.s32 @!p0 $0x640;
	[sflag:s16] =	ssyncadd.s32 @!p0 $0xFFFFFCE0;
	s16 =	simm.s32 @!p0 $0xC8  }
0x175: {  	[tilespmem:s18], [sflag:$0x1] =	stream.indirect.gather @!p0 [hbm4b:s6+s16], $0x40, s17, s16, $0xb8;
	[tilespmem:$0x19640] =	vst v63  }
0x176: {  	s17 =	simm.s32 @!p0 $0x3840  }
0x177: {  	[tilespmem:s17], [sflag:$0x1] =	stream.indirect.gather @!p0 [hbm4b:s6+s16], $0x40, s16, s16, $0xb8;
	[tilespmem:$0x19640] =	vst v63  }
0x178: {  	s18 =	simm.s32 @!p0 $0x6A40;
	s17 =	simm.s32 @!p0 $0x190  }
0x179: {  	[tilespmem:s18], [sflag:$0x1] =	stream.indirect.gather @!p0 [hbm4b:s6+s16], $0x40, s17, s16, $0xb8;
	[tilespmem:$0x19640] =	vst v63  }
0x17a: {  	s17 =	simm.s32 @!p0 $0x258;
	s18 =	simm.s32 @!p0 $0x9C40  }
0x17b: {  	[tilespmem:s18], [sflag:$0x1] =	stream.indirect.gather @!p0 [hbm4b:s6+s16], $0x40, s17, s16, $0xb8;
	[tilespmem:$0x19640] =	vst v63  }
0x17c: {  	s17 =	simm.s32 $0xCF40  }
0x17d: {  	v0 =	vld [tilespmem:s17+$0xFFFFFF00]  }
0x17e: {  	v1 =	vld [tilespmem:s17+$0xFFFFFF10]  }
0x17f: {  	v2 =	vld [tilespmem:s17+$0xFFFFFF20]  }
0x180: {  	v3 =	vld [tilespmem:s17+$0xFFFFFF30]  }
0x181: {  	v4 =	vld [tilespmem:s17+$0xFFFFFF40]  }
0x182: {  	v5 =	vld [tilespmem:s17+$0xFFFFFF50];
	v0 =	vmul.f32 $8.000000000e+00, v0  }
0x183: {  	v6 =	vld [tilespmem:s17+$0xFFFFFF60];
	v1 =	vmul.f32 $8.000000000e+00, v1  }
0x184: {  	[tilespmem:s17+$0xFFFFFF00] =	vst v0;
	v0 =	vmul.f32 $8.000000000e+00, v2;
	v2 =	vld [tilespmem:s17+$0xFFFFFF70]  }
0x185: {  	[tilespmem:s17+$0xFFFFFF10] =	vst v1;
	v1 =	vmul.f32 $8.000000000e+00, v3;
	v3 =	vld [tilespmem:s17+$0xFFFFFF80]  }
0x186: {  	[tilespmem:s17+$0xFFFFFF20] =	vst v0;
	v0 =	vmul.f32 $8.000000000e+00, v4;
	v4 =	vld [tilespmem:s17+$0xFFFFFF90]  }
0x187: {  	[tilespmem:s17+$0xFFFFFF30] =	vst v1;
	v1 =	vmul.f32 $8.000000000e+00, v5;
	v5 =	vld [tilespmem:s17+$0xFFFFFFA0]  }
0x188: {  	[tilespmem:s17+$0xFFFFFF40] =	vst v0;
	v0 =	vmul.f32 $8.000000000e+00, v6;
	v6 =	vld [tilespmem:s17+$0xFFFFFFB0]  }
0x189: {  	[tilespmem:s17+$0xFFFFFF50] =	vst v1;
	v1 =	vmul.f32 $8.000000000e+00, v2;
	v2 =	vld [tilespmem:s17+$0xFFFFFFC0]  }
0x18a: {  	[tilespmem:s17+$0xFFFFFF60] =	vst v0;
	v0 =	vmul.f32 $8.000000000e+00, v3;
	v3 =	vld [tilespmem:s17+$0xFFFFFFD0]  }
0x18b: {  	[tilespmem:s17+$0xFFFFFF70] =	vst v1;
	v1 =	vmul.f32 $8.000000000e+00, v4;
	v4 =	vld [tilespmem:s17+$0xFFFFFFE0]  }
0x18c: {  	[tilespmem:s17+$0xFFFFFF80] =	vst v0;
	v0 =	vmul.f32 $8.000000000e+00, v5;
	v5 =	vld [tilespmem:s17+$0x0]  }
0x18d: {  	[tilespmem:s17+$0xFFFFFF90] =	vst v1;
	v1 =	vmul.f32 $8.000000000e+00, v6;
	v6 =	vld [tilespmem:s17+$0x10]  }
0x18e: {  	[tilespmem:s17+$0xFFFFFFA0] =	vst v0;
	v0 =	vmul.f32 $8.000000000e+00, v2;
	v2 =	vld [tilespmem:s17+$0x20]  }
0x18f: {  	[tilespmem:s17+$0xFFFFFFB0] =	vst v1;
	v1 =	vmul.f32 $8.000000000e+00, v3;
	v3 =	vld [tilespmem:s17+$0x30]  }
0x190: {  	[tilespmem:s17+$0xFFFFFFC0] =	vst v0;
	v0 =	vmul.f32 $8.000000000e+00, v4;
	v4 =	vld [tilespmem:s17+$0x40]  }
0x191: {  	[tilespmem:s17+$0xFFFFFFD0] =	vst v1;
	v1 =	vmul.f32 $8.000000000e+00, v5;
	v5 =	vld [tilespmem:s17+$0x50]  }
0x192: {  	[tilespmem:s17+$0xFFFFFFE0] =	vst v0;
	v0 =	vmul.f32 $8.000000000e+00, v6;
	v6 =	vld [tilespmem:s17+$0x60]  }
0x193: {  	[tilespmem:s17+$0x0] =	vst v1;
	v1 =	vmul.f32 $8.000000000e+00, v2;
	v2 =	vld [tilespmem:s17+$0x70]  }
0x194: {  	[tilespmem:s17+$0x10] =	vst v0;
	v0 =	vmul.f32 $8.000000000e+00, v3;
	v3 =	vld [tilespmem:s17+$0x80]  }
0x195: {  	[tilespmem:s17+$0x20] =	vst v1;
	v1 =	vmul.f32 $8.000000000e+00, v4;
	v4 =	vld [tilespmem:s17+$0x90]  }
0x196: {  	[tilespmem:s17+$0x30] =	vst v0;
	v0 =	vmul.f32 $8.000000000e+00, v5;
	v5 =	vld [tilespmem:s17+$0xA0]  }
0x197: {  	[tilespmem:s17+$0x40] =	vst v1;
	v1 =	vmul.f32 $8.000000000e+00, v6;
	v6 =	vld [tilespmem:s17+$0xB0]  }
0x198: {  	[tilespmem:s17+$0x50] =	vst v0;
	v2 =	vmul.f32 $8.000000000e+00, v2;
	v0 =	vld [tilespmem:s17+$0xC0]  }
0x199: {  	[tilespmem:s17+$0x60] =	vst v1;
	v3 =	vmul.f32 $8.000000000e+00, v3;
	v1 =	vld [tilespmem:s17+$0xD0]  }
0x19a: {  	[tilespmem:s17+$0x70] =	vst v2;
	v7 =	vmul.f32 $8.000000000e+00, v4;
	v2 =	vld [tilespmem:s17+$0xE0]  }
0x19b: {  	[tilespmem:s17+$0x80] =	vst v3;
	v3 =	vld [tilespmem:s17+$0xF0];
	v5 =	vmul.f32 $8.000000000e+00, v5  }
0x19c: {  	s15 =	sor.u32 $0x4, s15;
	s19 =	simm.s32 $0xD140;
	s18 =	simm.s32 $0x0;
	v4 =	vld [tilespmem:s17+$0xFFFFFFF0];
	[tilespmem:s17+$0x90] =	vst v7;
	v6 =	vmul.f32 $8.000000000e+00, v6  }
.LBB2_11:
0x19d: {  	v7 =	vld [tilespmem:s19+$0xFFFFFF00];
	[tilespmem:s17+$0xA0] =	vst v5;
	v0 =	vmul.f32 $8.000000000e+00, v0  }
0x19e: {  	v5 =	vld [tilespmem:s19+$0xFFFFFF10];
	[tilespmem:s17+$0xB0] =	vst v6;
	v1 =	vmul.f32 $8.000000000e+00, v1  }
0x19f: {  	v6 =	vld [tilespmem:s19+$0xFFFFFF20];
	[tilespmem:s17+$0xC0] =	vst v0;
	v0 =	vmul.f32 $8.000000000e+00, v2  }
0x1a0: {  	v2 =	vld [tilespmem:s19+$0xFFFFFF30];
	[tilespmem:s17+$0xD0] =	vst v1;
	v1 =	vmul.f32 $8.000000000e+00, v3  }
0x1a1: {  	v3 =	vld [tilespmem:s19+$0xFFFFFF40];
	v4 =	vmul.f32 $8.000000000e+00, v4;
	[tilespmem:s17+$0xE0] =	vst v0  }
0x1a2: {  	s16 =	simm.s32 $0x10230;
	v0 =	vmul.f32 $8.000000000e+00, v7;
	v7 =	vld [tilespmem:s19+$0xFFFFFF50];
	[tilespmem:s17+$0xF0] =	vst v1  }
0x1a3: {  	v1 =	vmul.f32 $8.000000000e+00, v5;
	v5 =	vld [tilespmem:s19+$0xFFFFFF60];
	[tilespmem:s17+$0xFFFFFFF0] =	vst v4;
	s17 =	smov.u32 s19  }
0x1a4: {  	[tilespmem:s19+$0xFFFFFF00] =	vst v0;
	v0 =	vmul.f32 $8.000000000e+00, v6;
	v4 =	vld [tilespmem:s19+$0xFFFFFF70]  }
0x1a5: {  	[tilespmem:s19+$0xFFFFFF10] =	vst v1;
	v1 =	vmul.f32 $8.000000000e+00, v2;
	v2 =	vld [tilespmem:s19+$0xFFFFFF80]  }
0x1a6: {  	[tilespmem:s19+$0xFFFFFF20] =	vst v0;
	v0 =	vmul.f32 $8.000000000e+00, v3;
	v3 =	vld [tilespmem:s19+$0xFFFFFF90]  }
0x1a7: {  	[tilespmem:s19+$0xFFFFFF30] =	vst v1;
	v1 =	vmul.f32 $8.000000000e+00, v7;
	v6 =	vld [tilespmem:s19+$0xFFFFFFA0]  }
0x1a8: {  	[tilespmem:s19+$0xFFFFFF40] =	vst v0;
	v0 =	vmul.f32 $8.000000000e+00, v5;
	v5 =	vld [tilespmem:s19+$0xFFFFFFB0]  }
0x1a9: {  	[tilespmem:s19+$0xFFFFFF50] =	vst v1;
	v1 =	vmul.f32 $8.000000000e+00, v4;
	v4 =	vld [tilespmem:s19+$0xFFFFFFC0]  }
0x1aa: {  	[tilespmem:s19+$0xFFFFFF60] =	vst v0;
	v0 =	vmul.f32 $8.000000000e+00, v2;
	v2 =	vld [tilespmem:s19+$0xFFFFFFD0]  }
0x1ab: {  	[tilespmem:s19+$0xFFFFFF70] =	vst v1;
	v1 =	vmul.f32 $8.000000000e+00, v3;
	v3 =	vld [tilespmem:s19+$0xFFFFFFE0]  }
0x1ac: {  	[tilespmem:s19+$0xFFFFFF80] =	vst v0;
	v0 =	vmul.f32 $8.000000000e+00, v6;
	v6 =	vld [tilespmem:s19+$0x0]  }
0x1ad: {  	[tilespmem:s19+$0xFFFFFF90] =	vst v1;
	v1 =	vmul.f32 $8.000000000e+00, v5;
	v5 =	vld [tilespmem:s19+$0x10]  }
0x1ae: {  	[tilespmem:s19+$0xFFFFFFA0] =	vst v0;
	v0 =	vmul.f32 $8.000000000e+00, v4;
	v4 =	vld [tilespmem:s19+$0x20]  }
0x1af: {  	[tilespmem:s19+$0xFFFFFFB0] =	vst v1;
	v1 =	vmul.f32 $8.000000000e+00, v2;
	v2 =	vld [tilespmem:s19+$0x30]  }
0x1b0: {  	[tilespmem:s19+$0xFFFFFFC0] =	vst v0;
	v0 =	vmul.f32 $8.000000000e+00, v3;
	v3 =	vld [tilespmem:s19+$0x40]  }
0x1b1: {  	[tilespmem:s19+$0xFFFFFFD0] =	vst v1;
	v1 =	vmul.f32 $8.000000000e+00, v6;
	v6 =	vld [tilespmem:s19+$0x50]  }
0x1b2: {  	[tilespmem:s19+$0xFFFFFFE0] =	vst v0;
	v0 =	vmul.f32 $8.000000000e+00, v5;
	v5 =	vld [tilespmem:s19+$0x60]  }
0x1b3: {  	[tilespmem:s19+$0x0] =	vst v1;
	v1 =	vmul.f32 $8.000000000e+00, v4;
	v4 =	vld [tilespmem:s19+$0x70]  }
0x1b4: {  	[tilespmem:s19+$0x10] =	vst v0;
	v0 =	vmul.f32 $8.000000000e+00, v2;
	v2 =	vld [tilespmem:s19+$0x80]  }
0x1b5: {  	[tilespmem:s19+$0x20] =	vst v1;
	v1 =	vmul.f32 $8.000000000e+00, v3;
	v3 =	vld [tilespmem:s19+$0x90]  }
0x1b6: {  	s18 =	sadd.s32 $0x8, s18;
	[tilespmem:s19+$0x30] =	vst v0;
	v0 =	vmul.f32 $8.000000000e+00, v6;
	v6 =	vld [tilespmem:s19+$0xA0]  }
0x1b7: {  	p0 =	slt.u32 s18, $0xC0;
	[tilespmem:s19+$0x40] =	vst v1;
	v1 =	vmul.f32 $8.000000000e+00, v5;
	v7 =	vld [tilespmem:s19+$0xB0]  }
.Ltmp4:
0x1b8: {  	[tilespmem:s19+$0x50] =	vst v0;
	v4 =	vmul.f32 $8.000000000e+00, v4;
	v0 =	vld [tilespmem:s19+$0xC0];
	(pc) =	sbr.rel @p0 .LBB2_11-.Ltmp4, $4  }
0x1b9: {  	[tilespmem:s19+$0x60] =	vst v1;
	v5 =	vmul.f32 $8.000000000e+00, v2;
	v1 =	vld [tilespmem:s19+$0xD0]  }
0x1ba: {  	[tilespmem:s19+$0x70] =	vst v4;
	v8 =	vmul.f32 $8.000000000e+00, v3;
	v2 =	vld [tilespmem:s19+$0xE0]  }
0x1bb: {  	[tilespmem:s19+$0x80] =	vst v5;
	v5 =	vmul.f32 $8.000000000e+00, v6;
	v3 =	vld [tilespmem:s19+$0xF0]  }
0x1bc: {  	s19 =	sadd.s32 $0x200, s19;
	v4 =	vld [tilespmem:s17+$0xFFFFFFF0];
	[tilespmem:s17+$0x90] =	vst v8;
	v6 =	vmul.f32 $8.000000000e+00, v7  }
0x1bd: {  	[tilespmem:s17+$0xA0] =	vst v5;
	v0 =	vmul.f32 $8.000000000e+00, v0  }
0x1be: {  	[tilespmem:s17+$0xB0] =	vst v6;
	v1 =	vmul.f32 $8.000000000e+00, v1  }
0x1bf: {  	[tilespmem:s17+$0xC0] =	vst v0;
	v0 =	vmul.f32 $8.000000000e+00, v2  }
0x1c0: {  	[tilespmem:s17+$0xD0] =	vst v1;
	v1 =	vmul.f32 $8.000000000e+00, v3  }
0x1c1: {  	v2 =	vmul.f32 $8.000000000e+00, v4;
	[tilespmem:s17+$0xE0] =	vst v0  }
0x1c2: {  	[tilespmem:s17+$0xF0] =	vst v1  }
0x1c3: {  	[tilespmem:s17+$0xFFFFFFF0] =	vst v2  }
0x1c4: {  	v0 =	vld [tilespmem:s16+$0xFFFFFE10]  }
0x1c5: {  	v1 =	vld [tilespmem:s16+$0xFFFFFE20]  }
0x1c6: {  	v2 =	vld [tilespmem:s16+$0xFFFFFE30]  }
0x1c7: {  	v3 =	vld [tilespmem:s16+$0xFFFFFE40]  }
0x1c8: {  	v4 =	vld [tilespmem:s16+$0xFFFFFE50]  }
0x1c9: {  	v5 =	vld [tilespmem:s16+$0xFFFFFE60];
	v0 =	vmul.f32 $8.000000000e+00, v0  }
0x1ca: {  	v6 =	vld [tilespmem:s16+$0xFFFFFE70];
	v1 =	vmul.f32 $8.000000000e+00, v1  }
0x1cb: {  	[tilespmem:s16+$0xFFFFFE10] =	vst v0;
	v0 =	vmul.f32 $8.000000000e+00, v2;
	v2 =	vld [tilespmem:s16+$0xFFFFFE80]  }
0x1cc: {  	[tilespmem:s16+$0xFFFFFE20] =	vst v1;
	v1 =	vmul.f32 $8.000000000e+00, v3;
	v3 =	vld [tilespmem:s16+$0xFFFFFE90]  }
0x1cd: {  	[tilespmem:s16+$0xFFFFFE30] =	vst v0;
	v0 =	vmul.f32 $8.000000000e+00, v4;
	v4 =	vld [tilespmem:s16+$0xFFFFFEA0]  }
0x1ce: {  	[tilespmem:s16+$0xFFFFFE40] =	vst v1;
	v1 =	vmul.f32 $8.000000000e+00, v5;
	v5 =	vld [tilespmem:s16+$0xFFFFFEB0]  }
0x1cf: {  	[tilespmem:s16+$0xFFFFFE50] =	vst v0;
	v0 =	vmul.f32 $8.000000000e+00, v6;
	v6 =	vld [tilespmem:s16+$0xFFFFFEC0]  }
0x1d0: {  	[tilespmem:s16+$0xFFFFFE60] =	vst v1;
	v1 =	vmul.f32 $8.000000000e+00, v2;
	v2 =	vld [tilespmem:s16+$0xFFFFFED0]  }
0x1d1: {  	[tilespmem:s16+$0xFFFFFE70] =	vst v0;
	v0 =	vmul.f32 $8.000000000e+00, v3;
	v3 =	vld [tilespmem:s16+$0xFFFFFEE0]  }
0x1d2: {  	[tilespmem:s16+$0xFFFFFE80] =	vst v1;
	v1 =	vmul.f32 $8.000000000e+00, v4;
	v4 =	vld [tilespmem:s16+$0xFFFFFEF0]  }
0x1d3: {  	[tilespmem:s16+$0xFFFFFE90] =	vst v0;
	v0 =	vmul.f32 $8.000000000e+00, v5;
	v5 =	vld [tilespmem:s16+$0xFFFFFF00]  }
0x1d4: {  	[tilespmem:s16+$0xFFFFFEA0] =	vst v1;
	v1 =	vmul.f32 $8.000000000e+00, v6;
	v6 =	vld [tilespmem:s16+$0xFFFFFF10]  }
0x1d5: {  	[tilespmem:s16+$0xFFFFFEB0] =	vst v0;
	v0 =	vmul.f32 $8.000000000e+00, v2;
	v2 =	vld [tilespmem:s16+$0xFFFFFF20]  }
0x1d6: {  	[tilespmem:s16+$0xFFFFFEC0] =	vst v1;
	v1 =	vmul.f32 $8.000000000e+00, v3;
	v3 =	vld [tilespmem:s16+$0xFFFFFF30]  }
0x1d7: {  	[tilespmem:s16+$0xFFFFFED0] =	vst v0;
	v0 =	vmul.f32 $8.000000000e+00, v4;
	v4 =	vld [tilespmem:s16+$0xFFFFFF40]  }
0x1d8: {  	[tilespmem:s16+$0xFFFFFEE0] =	vst v1;
	v1 =	vmul.f32 $8.000000000e+00, v5;
	v5 =	vld [tilespmem:s16+$0xFFFFFF50]  }
0x1d9: {  	[tilespmem:s16+$0xFFFFFEF0] =	vst v0;
	v0 =	vmul.f32 $8.000000000e+00, v6;
	v6 =	vld [tilespmem:s16+$0xFFFFFF60]  }
0x1da: {  	[tilespmem:s16+$0xFFFFFF00] =	vst v1;
	v1 =	vmul.f32 $8.000000000e+00, v2;
	v2 =	vld [tilespmem:s16+$0xFFFFFF70]  }
0x1db: {  	[tilespmem:s16+$0xFFFFFF10] =	vst v0;
	v0 =	vmul.f32 $8.000000000e+00, v3;
	v3 =	vld [tilespmem:s16+$0xFFFFFF80]  }
0x1dc: {  	[tilespmem:s16+$0xFFFFFF20] =	vst v1;
	v1 =	vmul.f32 $8.000000000e+00, v4;
	v4 =	vld [tilespmem:s16+$0xFFFFFF90]  }
0x1dd: {  	[tilespmem:s16+$0xFFFFFF30] =	vst v0;
	v0 =	vmul.f32 $8.000000000e+00, v5;
	v5 =	vld [tilespmem:s16+$0xFFFFFFA0]  }
0x1de: {  	[tilespmem:s16+$0xFFFFFF40] =	vst v1;
	v1 =	vmul.f32 $8.000000000e+00, v6;
	v6 =	vld [tilespmem:s16+$0xFFFFFFB0]  }
0x1df: {  	[tilespmem:s16+$0xFFFFFF50] =	vst v0;
	v2 =	vmul.f32 $8.000000000e+00, v2;
	v0 =	vld [tilespmem:s16+$0xFFFFFFC0]  }
0x1e0: {  	[tilespmem:s16+$0xFFFFFF60] =	vst v1;
	v3 =	vmul.f32 $8.000000000e+00, v3;
	v1 =	vld [tilespmem:s16+$0xFFFFFFD0]  }
0x1e1: {  	[tilespmem:s16+$0xFFFFFF70] =	vst v2;
	v4 =	vmul.f32 $8.000000000e+00, v4;
	v2 =	vld [tilespmem:s16+$0xFFFFFFE0]  }
0x1e2: {  	[tilespmem:s16+$0xFFFFFF80] =	vst v3;
	v3 =	vld [tilespmem:s16+$0x0];
	v5 =	vmul.f32 $8.000000000e+00, v5  }
0x1e3: {  	s18 =	simm.s32 $0x10430;
	s17 =	simm.s32 $0x0;
	[tilespmem:s16+$0xFFFFFF90] =	vst v4;
	v6 =	vmul.f32 $8.000000000e+00, v6;
	v4 =	vld [tilespmem:s16+$0xFFFFFFF0]  }
.LBB2_13:
0x1e4: {  	v7 =	vld [tilespmem:s18+$0xFFFFFE10];
	[tilespmem:s16+$0xFFFFFFA0] =	vst v5;
	v0 =	vmul.f32 $8.000000000e+00, v0  }
0x1e5: {  	v5 =	vld [tilespmem:s18+$0xFFFFFE20];
	[tilespmem:s16+$0xFFFFFFB0] =	vst v6;
	v1 =	vmul.f32 $8.000000000e+00, v1  }
0x1e6: {  	v6 =	vld [tilespmem:s18+$0xFFFFFE30];
	[tilespmem:s16+$0xFFFFFFC0] =	vst v0;
	v0 =	vmul.f32 $8.000000000e+00, v2  }
0x1e7: {  	v2 =	vld [tilespmem:s18+$0xFFFFFE40];
	[tilespmem:s16+$0xFFFFFFD0] =	vst v1;
	v1 =	vmul.f32 $8.000000000e+00, v3  }
0x1e8: {  	v3 =	vld [tilespmem:s18+$0xFFFFFE50];
	[tilespmem:s16+$0xFFFFFFE0] =	vst v0;
	v0 =	vmul.f32 $8.000000000e+00, v4  }
0x1e9: {  	v4 =	vmul.f32 $8.000000000e+00, v7;
	v7 =	vld [tilespmem:s18+$0xFFFFFE60];
	[tilespmem:s16+$0x0] =	vst v1  }
0x1ea: {  	v1 =	vmul.f32 $8.000000000e+00, v5;
	v5 =	vld [tilespmem:s18+$0xFFFFFE70];
	[tilespmem:s16+$0xFFFFFFF0] =	vst v0;
	s16 =	smov.u32 s18  }
0x1eb: {  	[tilespmem:s18+$0xFFFFFE10] =	vst v4;
	v0 =	vmul.f32 $8.000000000e+00, v6;
	v4 =	vld [tilespmem:s18+$0xFFFFFE80]  }
0x1ec: {  	[tilespmem:s18+$0xFFFFFE20] =	vst v1;
	v1 =	vmul.f32 $8.000000000e+00, v2;
	v2 =	vld [tilespmem:s18+$0xFFFFFE90]  }
0x1ed: {  	[tilespmem:s18+$0xFFFFFE30] =	vst v0;
	v0 =	vmul.f32 $8.000000000e+00, v3;
	v3 =	vld [tilespmem:s18+$0xFFFFFEA0]  }
0x1ee: {  	[tilespmem:s18+$0xFFFFFE40] =	vst v1;
	v1 =	vmul.f32 $8.000000000e+00, v7;
	v6 =	vld [tilespmem:s18+$0xFFFFFEB0]  }
0x1ef: {  	[tilespmem:s18+$0xFFFFFE50] =	vst v0;
	v0 =	vmul.f32 $8.000000000e+00, v5;
	v5 =	vld [tilespmem:s18+$0xFFFFFEC0]  }
0x1f0: {  	[tilespmem:s18+$0xFFFFFE60] =	vst v1;
	v1 =	vmul.f32 $8.000000000e+00, v4;
	v4 =	vld [tilespmem:s18+$0xFFFFFED0]  }
0x1f1: {  	[tilespmem:s18+$0xFFFFFE70] =	vst v0;
	v0 =	vmul.f32 $8.000000000e+00, v2;
	v2 =	vld [tilespmem:s18+$0xFFFFFEE0]  }
0x1f2: {  	[tilespmem:s18+$0xFFFFFE80] =	vst v1;
	v1 =	vmul.f32 $8.000000000e+00, v3;
	v3 =	vld [tilespmem:s18+$0xFFFFFEF0]  }
0x1f3: {  	[tilespmem:s18+$0xFFFFFE90] =	vst v0;
	v0 =	vmul.f32 $8.000000000e+00, v6;
	v6 =	vld [tilespmem:s18+$0xFFFFFF00]  }
0x1f4: {  	[tilespmem:s18+$0xFFFFFEA0] =	vst v1;
	v1 =	vmul.f32 $8.000000000e+00, v5;
	v5 =	vld [tilespmem:s18+$0xFFFFFF10]  }
0x1f5: {  	[tilespmem:s18+$0xFFFFFEB0] =	vst v0;
	v0 =	vmul.f32 $8.000000000e+00, v4;
	v4 =	vld [tilespmem:s18+$0xFFFFFF20]  }
0x1f6: {  	[tilespmem:s18+$0xFFFFFEC0] =	vst v1;
	v1 =	vmul.f32 $8.000000000e+00, v2;
	v2 =	vld [tilespmem:s18+$0xFFFFFF30]  }
0x1f7: {  	[tilespmem:s18+$0xFFFFFED0] =	vst v0;
	v0 =	vmul.f32 $8.000000000e+00, v3;
	v3 =	vld [tilespmem:s18+$0xFFFFFF40]  }
0x1f8: {  	[tilespmem:s18+$0xFFFFFEE0] =	vst v1;
	v1 =	vmul.f32 $8.000000000e+00, v6;
	v6 =	vld [tilespmem:s18+$0xFFFFFF50]  }
0x1f9: {  	[tilespmem:s18+$0xFFFFFEF0] =	vst v0;
	v0 =	vmul.f32 $8.000000000e+00, v5;
	v5 =	vld [tilespmem:s18+$0xFFFFFF60]  }
0x1fa: {  	[tilespmem:s18+$0xFFFFFF00] =	vst v1;
	v1 =	vmul.f32 $8.000000000e+00, v4;
	v4 =	vld [tilespmem:s18+$0xFFFFFF70]  }
0x1fb: {  	[tilespmem:s18+$0xFFFFFF10] =	vst v0;
	v0 =	vmul.f32 $8.000000000e+00, v2;
	v2 =	vld [tilespmem:s18+$0xFFFFFF80]  }
0x1fc: {  	[tilespmem:s18+$0xFFFFFF20] =	vst v1;
	v1 =	vmul.f32 $8.000000000e+00, v3;
	v3 =	vld [tilespmem:s18+$0xFFFFFF90]  }
0x1fd: {  	s17 =	sadd.s32 $0x8, s17;
	[tilespmem:s18+$0xFFFFFF30] =	vst v0;
	v0 =	vmul.f32 $8.000000000e+00, v6;
	v6 =	vld [tilespmem:s18+$0xFFFFFFA0]  }
0x1fe: {  	p0 =	slt.u32 s17, $0xC0;
	[tilespmem:s18+$0xFFFFFF40] =	vst v1;
	v1 =	vmul.f32 $8.000000000e+00, v5;
	v7 =	vld [tilespmem:s18+$0xFFFFFFB0]  }
.Ltmp5:
0x1ff: {  	[tilespmem:s18+$0xFFFFFF50] =	vst v0;
	v4 =	vmul.f32 $8.000000000e+00, v4;
	v0 =	vld [tilespmem:s18+$0xFFFFFFC0];
	(pc) =	sbr.rel @p0 .LBB2_13-.Ltmp5, $4  }
0x200: {  	[tilespmem:s18+$0xFFFFFF60] =	vst v1;
	v5 =	vmul.f32 $8.000000000e+00, v2;
	v1 =	vld [tilespmem:s18+$0xFFFFFFD0]  }
0x201: {  	[tilespmem:s18+$0xFFFFFF70] =	vst v4;
	v4 =	vmul.f32 $8.000000000e+00, v3;
	v2 =	vld [tilespmem:s18+$0xFFFFFFE0]  }
0x202: {  	[tilespmem:s18+$0xFFFFFF80] =	vst v5;
	v5 =	vmul.f32 $8.000000000e+00, v6;
	v3 =	vld [tilespmem:s18+$0x0]  }
0x203: {  	s18 =	sadd.s32 $0x200, s18;
	[tilespmem:s16+$0xFFFFFF90] =	vst v4;
	v6 =	vmul.f32 $8.000000000e+00, v7;
	v4 =	vld [tilespmem:s16+$0xFFFFFFF0]  }
0x204: {  	[tilespmem:s16+$0xFFFFFFA0] =	vst v5;
	v0 =	vmul.f32 $8.000000000e+00, v0  }
0x205: {  	[tilespmem:s16+$0xFFFFFFB0] =	vst v6;
	v1 =	vmul.f32 $8.000000000e+00, v1  }
0x206: {  	[tilespmem:s16+$0xFFFFFFC0] =	vst v0;
	v0 =	vmul.f32 $8.000000000e+00, v2  }
0x207: {  	[tilespmem:s16+$0xFFFFFFD0] =	vst v1;
	v1 =	vmul.f32 $8.000000000e+00, v3  }
0x208: {  	[tilespmem:s16+$0xFFFFFFE0] =	vst v0;
	v0 =	vmul.f32 $8.000000000e+00, v4  }
0x209: {  	[tilespmem:s16+$0x0] =	vst v1  }
0x20a: {  	s17 =	simm.s32 $0x13240;
	[tilespmem:s16+$0xFFFFFFF0] =	vst v0  }
0x20b: {  	v0 =	vld [tilespmem:s17+$0x1A0]  }
0x20c: {  	v1 =	vld [tilespmem:s17+$0xA0]  }
0x20d: {  	v2 =	vld [tilespmem:s17+$0x90]  }
0x20e: {  	v3 =	vld [tilespmem:s17+$0x80]  }
0x20f: {  	v4 =	vld [tilespmem:s17+$0xB0]  }
0x210: {  	v5 =	vld [tilespmem:s17+$0x70]  }
0x211: {  	v6 =	vld [tilespmem:s17+$0xC0]  }
0x212: {  	v7 =	vld [tilespmem:s17+$0xD0]  }
0x213: {  	v8 =	vld [tilespmem:s17+$0x60]  }
0x214: {  	v9 =	vld [tilespmem:s17+$0xE0]  }
0x215: {  	v10 =	vld [tilespmem:s17+$0x1E0]  }
0x216: {  	v12 =	vld [tilespmem:s17+$0x1C0]  }
0x217: {  	v11 =	vld [tilespmem:s17+$0x1D0]  }
0x218: {  	v13 =	vld [tilespmem:s17+$0x0]  }
0x219: {  	v14 =	vld [tilespmem:s17+$0xF0];
	v0 =	vmul.f32 $8.000000000e+00, v0  }
0x21a: {  	v15 =	vld [tilespmem:s17+$0x100];
	v10 =	vmul.f32 $8.000000000e+00, v10  }
0x21b: {  	v16 =	vld [tilespmem:s17+$0x110];
	v12 =	vmul.f32 $8.000000000e+00, v12;
	[tilespmem:s17+$0x1A0] =	vst v0  }
0x21c: {  	v18 =	vld [tilespmem:s17+$0x30];
	v17 =	vmul.f32 $8.000000000e+00, v9;
	[tilespmem:s17+$0x1E0] =	vst v10  }
0x21d: {  	v0 =	vmul.f32 $8.000000000e+00, v11;
	v11 =	vld [tilespmem:s17+$0x120];
	[tilespmem:s17+$0x1C0] =	vst v12  }
0x21e: {  	v10 =	vmul.f32 $8.000000000e+00, v13;
	v13 =	vld [tilespmem:s17+$0x130];
	[tilespmem:s17+$0xE0] =	vst v17  }
0x21f: {  	v19 =	vld [tilespmem:s17+$0x20];
	[tilespmem:s17+$0x1D0] =	vst v0;
	v0 =	vmul.f32 $8.000000000e+00, v14  }
0x220: {  	v14 =	vld [tilespmem:s17+$0x140];
	[tilespmem:s17+$0x0] =	vst v10;
	v10 =	vmul.f32 $8.000000000e+00, v15  }
0x221: {  	v20 =	vld [tilespmem:s17+$0x10];
	[tilespmem:s17+$0xF0] =	vst v0;
	v0 =	vmul.f32 $8.000000000e+00, v16  }
0x222: {  	v21 =	vmul.f32 $8.000000000e+00, v4;
	v12 =	vld [tilespmem:s17+$0x1F0];
	[tilespmem:s17+$0x100] =	vst v10;
	v10 =	vmul.f32 $8.000000000e+00, v11  }
0x223: {  	v22 =	vld [tilespmem:s17+$0x1B0];
	[tilespmem:s17+$0x110] =	vst v0;
	v0 =	vmul.f32 $8.000000000e+00, v13;
	v13 =	vmul.f32 $8.000000000e+00, v7  }
0x224: {  	[tilespmem:s17+$0xB0] =	vst v21;
	v15 =	vld [tilespmem:s17+$0x50];
	v7 =	vmul.f32 $8.000000000e+00, v1;
	v1 =	vmul.f32 $8.000000000e+00, v18  }
0x225: {  	v16 =	vld [tilespmem:s17+$0x40];
	[tilespmem:s17+$0x120] =	vst v10;
	v9 =	vmul.f32 $8.000000000e+00, v14;
	v14 =	vmul.f32 $8.000000000e+00, v6  }
0x226: {  	v11 =	vld [tilespmem:s17+$0x190];
	v10 =	vmul.f32 $8.000000000e+00, v3;
	v6 =	vmul.f32 $8.000000000e+00, v5;
	[tilespmem:s17+$0x130] =	vst v0  }
0x227: {  	v3 =	vmul.f32 $8.000000000e+00, v20;
	v0 =	vmul.f32 $8.000000000e+00, v12;
	v12 =	vld [tilespmem:s17+$0x180];
	[tilespmem:s17+$0xD0] =	vst v13  }
0x228: {  	v5 =	vmul.f32 $8.000000000e+00, v22;
	v13 =	vld [tilespmem:s17+$0x170];
	[tilespmem:s17+$0x140] =	vst v9;
	v9 =	vmul.f32 $8.000000000e+00, v2  }
0x229: {  	[tilespmem:s17+$0x1F0] =	vst v0;
	v0 =	vmul.f32 $8.000000000e+00, v8;
	v8 =	vmul.f32 $8.000000000e+00, v15;
	v15 =	vld [tilespmem:s17+$0x160]  }
0x22a: {  	s18 =	simm.s32 $0x13440;
	s16 =	simm.s32 $0x0;
	v4 =	vmul.f32 $8.000000000e+00, v16;
	v2 =	vmul.f32 $8.000000000e+00, v19;
	[tilespmem:s17+$0xC0] =	vst v14;
	v14 =	vld [tilespmem:s17+$0x150]  }
.LBB2_15:
0x22b: {  	v16 =	vld [tilespmem:s18+$0x1A0];
	s16 =	sadd.s32 $0x8, s16;
	[tilespmem:s17+$0xA0] =	vst v7;
	v7 =	vmul.f32 $8.000000000e+00, v11  }
0x22c: {  	v11 =	vld [tilespmem:s18+$0xA0];
	p0 =	slt.u32 s16, $0xC0;
	[tilespmem:s17+$0x90] =	vst v9;
	v9 =	vmul.f32 $8.000000000e+00, v12  }
0x22d: {  	v12 =	vld [tilespmem:s18+$0x90];
	[tilespmem:s17+$0x80] =	vst v10;
	v10 =	vmul.f32 $8.000000000e+00, v13  }
0x22e: {  	v13 =	vld [tilespmem:s18+$0x80];
	v15 =	vmul.f32 $8.000000000e+00, v15;
	[tilespmem:s17+$0x180] =	vst v9  }
0x22f: {  	v9 =	vld [tilespmem:s18+$0xB0];
	[tilespmem:s17+$0x70] =	vst v6;
	v6 =	vmul.f32 $8.000000000e+00, v14  }
0x230: {  	v14 =	vld [tilespmem:s18+$0x70];
	v16 =	vmul.f32 $8.000000000e+00, v16;
	[tilespmem:s17+$0x170] =	vst v10  }
0x231: {  	v10 =	vld [tilespmem:s18+$0xC0];
	[tilespmem:s17+$0x50] =	vst v8  }
0x232: {  	v8 =	vld [tilespmem:s18+$0xD0];
	[tilespmem:s17+$0x60] =	vst v0  }
0x233: {  	v0 =	vld [tilespmem:s18+$0x60];
	[tilespmem:s17+$0x160] =	vst v15  }
0x234: {  	v15 =	vld [tilespmem:s18+$0xE0];
	[tilespmem:s17+$0x40] =	vst v4  }
0x235: {  	v4 =	vld [tilespmem:s18+$0x1E0];
	[tilespmem:s17+$0x150] =	vst v6  }
0x236: {  	v6 =	vld [tilespmem:s18+$0x1D0];
	[tilespmem:s17+$0x30] =	vst v1  }
0x237: {  	v1 =	vld [tilespmem:s18+$0x1C0];
	[tilespmem:s17+$0x20] =	vst v2  }
0x238: {  	v2 =	vld [tilespmem:s18+$0x0];
	[tilespmem:s17+$0x190] =	vst v7  }
0x239: {  	v7 =	vld [tilespmem:s18+$0xF0];
	[tilespmem:s17+$0x10] =	vst v3  }
0x23a: {  	v3 =	vld [tilespmem:s18+$0x100];
	v4 =	vmul.f32 $8.000000000e+00, v4;
	[tilespmem:s17+$0x1B0] =	vst v5;
	s17 =	smov.u32 s18  }
0x23b: {  	v5 =	vld [tilespmem:s18+$0x110];
	[tilespmem:s18+$0x1A0] =	vst v16;
	v6 =	vmul.f32 $8.000000000e+00, v6  }
0x23c: {  	v15 =	vmul.f32 $8.000000000e+00, v15;
	v16 =	vld [tilespmem:s18+$0x120];
	v1 =	vmul.f32 $8.000000000e+00, v1;
	[tilespmem:s18+$0x1E0] =	vst v4  }
0x23d: {  	v17 =	vmul.f32 $8.000000000e+00, v8;
	v2 =	vmul.f32 $8.000000000e+00, v2;
	v4 =	vld [tilespmem:s18+$0x130];
	[tilespmem:s18+$0x1D0] =	vst v6  }
0x23e: {  	v18 =	vmul.f32 $8.000000000e+00, v10;
	v6 =	vmul.f32 $8.000000000e+00, v7;
	v8 =	vld [tilespmem:s18+$0x140];
	[tilespmem:s18+$0x1C0] =	vst v1  }
0x23f: {  	v19 =	vmul.f32 $8.000000000e+00, v9;
	[tilespmem:s18+$0x0] =	vst v2;
	v1 =	vmul.f32 $8.000000000e+00, v3;
	v2 =	vld [tilespmem:s18+$0x1F0]  }
0x240: {  	v7 =	vmul.f32 $8.000000000e+00, v11;
	v3 =	vld [tilespmem:s18+$0x50];
	[tilespmem:s18+$0xF0] =	vst v6;
	v5 =	vmul.f32 $8.000000000e+00, v5  }
0x241: {  	v9 =	vmul.f32 $8.000000000e+00, v12;
	v11 =	vld [tilespmem:s18+$0x40];
	[tilespmem:s18+$0x100] =	vst v1;
	v1 =	vmul.f32 $8.000000000e+00, v16  }
0x242: {  	v10 =	vmul.f32 $8.000000000e+00, v13;
	v12 =	vld [tilespmem:s18+$0x30];
	[tilespmem:s18+$0x110] =	vst v5;
	v4 =	vmul.f32 $8.000000000e+00, v4  }
0x243: {  	v6 =	vmul.f32 $8.000000000e+00, v14;
	v5 =	vld [tilespmem:s18+$0x20];
	[tilespmem:s18+$0x120] =	vst v1;
	v1 =	vmul.f32 $8.000000000e+00, v8  }
0x244: {  	v0 =	vmul.f32 $8.000000000e+00, v0;
	v14 =	vld [tilespmem:s18+$0x10];
	[tilespmem:s18+$0x130] =	vst v4;
	v2 =	vmul.f32 $8.000000000e+00, v2  }
0x245: {  	v8 =	vmul.f32 $8.000000000e+00, v3;
	[tilespmem:s18+$0x140] =	vst v1;
	v16 =	vld [tilespmem:s18+$0x1B0]  }
.Ltmp6:
0x246: {  	v4 =	vmul.f32 $8.000000000e+00, v11;
	v11 =	vld [tilespmem:s18+$0x190];
	[tilespmem:s18+$0x1F0] =	vst v2;
	(pc) =	sbr.rel @p0 .LBB2_15-.Ltmp6, $4  }
0x247: {  	v1 =	vmul.f32 $8.000000000e+00, v12;
	[tilespmem:s18+$0xE0] =	vst v15;
	v12 =	vld [tilespmem:s18+$0x180]  }
0x248: {  	v2 =	vmul.f32 $8.000000000e+00, v5;
	[tilespmem:s18+$0xD0] =	vst v17;
	v13 =	vld [tilespmem:s18+$0x170]  }
0x249: {  	v3 =	vmul.f32 $8.000000000e+00, v14;
	[tilespmem:s18+$0xC0] =	vst v18;
	v15 =	vld [tilespmem:s18+$0x160]  }
0x24a: {  	s18 =	sadd.s32 $0x200, s18;
	[tilespmem:s17+$0xB0] =	vst v19;
	v14 =	vld [tilespmem:s17+$0x150];
	v5 =	vmul.f32 $8.000000000e+00, v16  }
0x24b: {  	[tilespmem:s17+$0xA0] =	vst v7  }
0x24c: {  	[tilespmem:s17+$0x90] =	vst v9  }
0x24d: {  	[tilespmem:s17+$0x80] =	vst v10  }
0x24e: {  	[tilespmem:s17+$0x70] =	vst v6  }
0x24f: {  	[tilespmem:s17+$0x50] =	vst v8  }
0x250: {  	[tilespmem:s17+$0x60] =	vst v0  }
0x251: {  	[tilespmem:s17+$0x40] =	vst v4  }
0x252: {  	[tilespmem:s17+$0x30] =	vst v1  }
0x253: {  	[tilespmem:s17+$0x20] =	vst v2  }
0x254: {  	[tilespmem:s17+$0x10] =	vst v3;
	v7 =	vmul.f32 $8.000000000e+00, v12  }
0x255: {  	[tilespmem:s17+$0x1B0] =	vst v5;
	v9 =	vmul.f32 $8.000000000e+00, v13  }
0x256: {  	[tilespmem:s17+$0x180] =	vst v7;
	v0 =	vmul.f32 $8.000000000e+00, v14  }
0x257: {  	v6 =	vmul.f32 $8.000000000e+00, v15;
	[tilespmem:s17+$0x170] =	vst v9  }
0x258: {  	[tilespmem:s17+$0x150] =	vst v0;
	v0 =	vmul.f32 $8.000000000e+00, v11  }
0x259: {  	[tilespmem:s17+$0x160] =	vst v6  }
0x25a: {  	s16 =	simm.s32 $0x16440;
	[tilespmem:s17+$0x190] =	vst v0  }
0x25b: {  	v0 =	vld [tilespmem:s16+$0x1A0]  }
0x25c: {  	v1 =	vld [tilespmem:s16+$0xA0]  }
0x25d: {  	v2 =	vld [tilespmem:s16+$0x90]  }
0x25e: {  	v3 =	vld [tilespmem:s16+$0x80]  }
0x25f: {  	v4 =	vld [tilespmem:s16+$0xB0]  }
0x260: {  	v5 =	vld [tilespmem:s16+$0x70]  }
0x261: {  	v6 =	vld [tilespmem:s16+$0xC0]  }
0x262: {  	v12 =	vld [tilespmem:s16+$0x60]  }
0x263: {  	v7 =	vld [tilespmem:s16+$0xD0]  }
0x264: {  	v8 =	vld [tilespmem:s16+$0xE0]  }
0x265: {  	v9 =	vld [tilespmem:s16+$0x1D0]  }
0x266: {  	v10 =	vld [tilespmem:s16+$0x1E0]  }
0x267: {  	v11 =	vld [tilespmem:s16+$0x0]  }
0x268: {  	v13 =	vld [tilespmem:s16+$0xF0]  }
0x269: {  	v14 =	vld [tilespmem:s16+$0x100];
	v0 =	vmul.f32 $8.000000000e+00, v0  }
0x26a: {  	v15 =	vld [tilespmem:s16+$0x110];
	v9 =	vmul.f32 $8.000000000e+00, v9  }
0x26b: {  	v16 =	vld [tilespmem:s16+$0x120];
	v17 =	vmul.f32 $8.000000000e+00, v8;
	[tilespmem:s16+$0x1A0] =	vst v0  }
0x26c: {  	v20 =	vld [tilespmem:s16+$0x10];
	v6 =	vmul.f32 $8.000000000e+00, v6;
	[tilespmem:s16+$0x1D0] =	vst v9  }
0x26d: {  	v21 =	vld [tilespmem:s16+$0x1B0];
	v0 =	vmul.f32 $8.000000000e+00, v10;
	[tilespmem:s16+$0xE0] =	vst v17  }
0x26e: {  	v10 =	vmul.f32 $8.000000000e+00, v11;
	v11 =	vld [tilespmem:s16+$0x130];
	[tilespmem:s16+$0xC0] =	vst v6  }
0x26f: {  	v9 =	vmul.f32 $8.000000000e+00, v13;
	v13 =	vld [tilespmem:s16+$0x140];
	[tilespmem:s16+$0x1E0] =	vst v0  }
0x270: {  	[tilespmem:s16+$0x0] =	vst v10;
	v0 =	vmul.f32 $8.000000000e+00, v14;
	v10 =	vld [tilespmem:s16+$0x150]  }
0x271: {  	[tilespmem:s16+$0xF0] =	vst v9;
	v9 =	vmul.f32 $8.000000000e+00, v15;
	v14 =	vld [tilespmem:s16+$0x1F0]  }
0x272: {  	v18 =	vld [tilespmem:s16+$0x30];
	v8 =	vmul.f32 $8.000000000e+00, v1;
	[tilespmem:s16+$0x100] =	vst v0;
	v0 =	vmul.f32 $8.000000000e+00, v16  }
0x273: {  	v19 =	vld [tilespmem:s16+$0x20];
	v1 =	vmul.f32 $8.000000000e+00, v20;
	[tilespmem:s16+$0x110] =	vst v9;
	v9 =	vmul.f32 $8.000000000e+00, v11  }
0x274: {  	v6 =	vmul.f32 $8.000000000e+00, v21;
	v15 =	vld [tilespmem:s16+$0x50];
	[tilespmem:s16+$0x120] =	vst v0;
	v0 =	vmul.f32 $8.000000000e+00, v13  }
0x275: {  	v16 =	vld [tilespmem:s16+$0x40];
	v13 =	vmul.f32 $8.000000000e+00, v7;
	[tilespmem:s16+$0x130] =	vst v9;
	v7 =	vmul.f32 $8.000000000e+00, v10  }
0x276: {  	v11 =	vld [tilespmem:s16+$0x190];
	v9 =	vmul.f32 $8.000000000e+00, v2;
	[tilespmem:s16+$0x140] =	vst v0;
	v0 =	vmul.f32 $8.000000000e+00, v14  }
0x277: {  	[tilespmem:s16+$0x150] =	vst v7;
	v7 =	vmul.f32 $8.000000000e+00, v5;
	v5 =	vmul.f32 $8.000000000e+00, v12;
	v12 =	vld [tilespmem:s16+$0x1C0]  }
0x278: {  	v10 =	vmul.f32 $8.000000000e+00, v3;
	v14 =	vmul.f32 $8.000000000e+00, v4;
	[tilespmem:s16+$0xD0] =	vst v13;
	v13 =	vld [tilespmem:s16+$0x180]  }
0x279: {  	v3 =	vmul.f32 $8.000000000e+00, v15;
	v2 =	vmul.f32 $8.000000000e+00, v18;
	v15 =	vld [tilespmem:s16+$0x170];
	[tilespmem:s16+$0x1F0] =	vst v0  }
0x27a: {  	s18 =	simm.s32 $0x16640;
	s17 =	simm.s32 $0x0;
	v4 =	vmul.f32 $8.000000000e+00, v19;
	v0 =	vmul.f32 $8.000000000e+00, v16;
	[tilespmem:s16+$0xB0] =	vst v14;
	v14 =	vld [tilespmem:s16+$0x160]  }
.LBB2_17:
0x27b: {  	v16 =	vld [tilespmem:s18+$0x1A0];
	s17 =	sadd.s32 $0x8, s17;
	[tilespmem:s16+$0xA0] =	vst v8;
	v8 =	vmul.f32 $8.000000000e+00, v11  }
0x27c: {  	v11 =	vld [tilespmem:s18+$0xA0];
	p0 =	slt.u32 s17, $0xC0;
	[tilespmem:s16+$0x90] =	vst v9;
	v9 =	vmul.f32 $8.000000000e+00, v12  }
0x27d: {  	v12 =	vld [tilespmem:s18+$0x90];
	[tilespmem:s16+$0x80] =	vst v10;
	v10 =	vmul.f32 $8.000000000e+00, v13  }
0x27e: {  	v13 =	vld [tilespmem:s18+$0x80];
	v15 =	vmul.f32 $8.000000000e+00, v15;
	[tilespmem:s16+$0x1C0] =	vst v9  }
0x27f: {  	v9 =	vld [tilespmem:s18+$0xB0];
	[tilespmem:s16+$0x70] =	vst v7;
	v7 =	vmul.f32 $8.000000000e+00, v14  }
0x280: {  	v14 =	vld [tilespmem:s18+$0x70];
	v16 =	vmul.f32 $8.000000000e+00, v16;
	[tilespmem:s16+$0x180] =	vst v10  }
0x281: {  	v10 =	vld [tilespmem:s18+$0xC0];
	[tilespmem:s16+$0x60] =	vst v5  }
0x282: {  	v5 =	vld [tilespmem:s18+$0x60];
	[tilespmem:s16+$0x170] =	vst v15  }
0x283: {  	v15 =	vld [tilespmem:s18+$0xD0];
	[tilespmem:s16+$0x50] =	vst v3  }
0x284: {  	v3 =	vld [tilespmem:s18+$0xE0];
	[tilespmem:s16+$0x160] =	vst v7  }
0x285: {  	v7 =	vld [tilespmem:s18+$0x1D0];
	[tilespmem:s16+$0x40] =	vst v0  }
0x286: {  	v0 =	vld [tilespmem:s18+$0x1E0];
	[tilespmem:s16+$0x30] =	vst v2  }
0x287: {  	v2 =	vld [tilespmem:s18+$0x0];
	[tilespmem:s16+$0x20] =	vst v4  }
0x288: {  	v4 =	vld [tilespmem:s18+$0xF0];
	[tilespmem:s16+$0x190] =	vst v8  }
0x289: {  	v8 =	vld [tilespmem:s18+$0x100];
	[tilespmem:s16+$0x10] =	vst v1  }
0x28a: {  	v1 =	vld [tilespmem:s18+$0x110];
	v7 =	vmul.f32 $8.000000000e+00, v7;
	[tilespmem:s16+$0x1B0] =	vst v6;
	s16 =	smov.u32 s18  }
0x28b: {  	v6 =	vld [tilespmem:s18+$0x120];
	[tilespmem:s18+$0x1A0] =	vst v16;
	v0 =	vmul.f32 $8.000000000e+00, v0  }
0x28c: {  	v16 =	vmul.f32 $8.000000000e+00, v3;
	v2 =	vmul.f32 $8.000000000e+00, v2;
	v3 =	vld [tilespmem:s18+$0x130];
	[tilespmem:s18+$0x1D0] =	vst v7  }
0x28d: {  	v15 =	vmul.f32 $8.000000000e+00, v15;
	v4 =	vmul.f32 $8.000000000e+00, v4;
	v7 =	vld [tilespmem:s18+$0x140];
	[tilespmem:s18+$0x1E0] =	vst v0  }
0x28e: {  	v17 =	vmul.f32 $8.000000000e+00, v10;
	[tilespmem:s18+$0x0] =	vst v2;
	v0 =	vmul.f32 $8.000000000e+00, v8;
	v2 =	vld [tilespmem:s18+$0x150]  }
0x28f: {  	v18 =	vmul.f32 $8.000000000e+00, v9;
	[tilespmem:s18+$0xF0] =	vst v4;
	v1 =	vmul.f32 $8.000000000e+00, v1;
	v4 =	vld [tilespmem:s18+$0x1F0]  }
0x290: {  	v8 =	vmul.f32 $8.000000000e+00, v11;
	v19 =	vld [tilespmem:s18+$0x50];
	[tilespmem:s18+$0x100] =	vst v0;
	v0 =	vmul.f32 $8.000000000e+00, v6  }
0x291: {  	v9 =	vmul.f32 $8.000000000e+00, v12;
	v6 =	vld [tilespmem:s18+$0x40];
	[tilespmem:s18+$0x110] =	vst v1;
	v1 =	vmul.f32 $8.000000000e+00, v3  }
0x292: {  	v10 =	vmul.f32 $8.000000000e+00, v13;
	v12 =	vld [tilespmem:s18+$0x30];
	[tilespmem:s18+$0x120] =	vst v0;
	v0 =	vmul.f32 $8.000000000e+00, v7  }
0x293: {  	v7 =	vmul.f32 $8.000000000e+00, v14;
	v13 =	vld [tilespmem:s18+$0x20];
	[tilespmem:s18+$0x130] =	vst v1;
	v1 =	vmul.f32 $8.000000000e+00, v2  }
0x294: {  	v5 =	vmul.f32 $8.000000000e+00, v5;
	v14 =	vld [tilespmem:s18+$0x10];
	[tilespmem:s18+$0x140] =	vst v0;
	v2 =	vmul.f32 $8.000000000e+00, v4  }
0x295: {  	v3 =	vmul.f32 $8.000000000e+00, v19;
	[tilespmem:s18+$0x150] =	vst v1;
	v19 =	vld [tilespmem:s18+$0x1B0]  }
.Ltmp7:
0x296: {  	v0 =	vmul.f32 $8.000000000e+00, v6;
	v11 =	vld [tilespmem:s18+$0x190];
	[tilespmem:s18+$0x1F0] =	vst v2;
	(pc) =	sbr.rel @p0 .LBB2_17-.Ltmp7, $4  }
0x297: {  	v2 =	vmul.f32 $8.000000000e+00, v12;
	[tilespmem:s18+$0xE0] =	vst v16;
	v12 =	vld [tilespmem:s18+$0x1C0]  }
0x298: {  	v4 =	vmul.f32 $8.000000000e+00, v13;
	[tilespmem:s18+$0xD0] =	vst v15;
	v13 =	vld [tilespmem:s18+$0x180]  }
0x299: {  	v1 =	vmul.f32 $8.000000000e+00, v14;
	[tilespmem:s18+$0xC0] =	vst v17;
	v15 =	vld [tilespmem:s18+$0x170]  }
0x29a: {  	s18 =	sadd.s32 $0x200, s18;
	[tilespmem:s16+$0xB0] =	vst v18;
	v14 =	vld [tilespmem:s16+$0x160];
	v6 =	vmul.f32 $8.000000000e+00, v19  }
0x29b: {  	[tilespmem:s16+$0xA0] =	vst v8  }
0x29c: {  	[tilespmem:s16+$0x90] =	vst v9  }
0x29d: {  	[tilespmem:s16+$0x80] =	vst v10  }
0x29e: {  	[tilespmem:s16+$0x70] =	vst v7  }
0x29f: {  	[tilespmem:s16+$0x60] =	vst v5  }
0x2a0: {  	[tilespmem:s16+$0x50] =	vst v3  }
0x2a1: {  	[tilespmem:s16+$0x40] =	vst v0  }
0x2a2: {  	[tilespmem:s16+$0x30] =	vst v2  }
0x2a3: {  	[tilespmem:s16+$0x20] =	vst v4  }
0x2a4: {  	v63 =	vmul.f32 $8.000000000e+00, v11;
	[tilespmem:s16+$0x10] =	vst v1  }
0x2a5: {  	v59 =	vmul.f32 $8.000000000e+00, v12;
	[tilespmem:s16+$0x1B0] =	vst v6  }
0x2a6: {  	v60 =	vmul.f32 $8.000000000e+00, v13;
	[tilespmem:s16+$0x190] =	vst v63  }
0x2a7: {  	s15 =	sadd.s32 s4, s15;
	[tilespmem:s16+$0x1C0] =	vst v59;
	v61 =	vmul.f32 $8.000000000e+00, v15  }
0x2a8: {  	s0 =	sadd.s32 $0x1, s0;
	s15 =	smul.u32 $0x640, s15;
	[tilespmem:s16+$0x180] =	vst v60;
	v62 =	vmul.f32 $8.000000000e+00, v14  }
0x2a9: {  	p0 =	sne.s32 s0, $0x40;
	[tilespmem:s16+$0x170] =	vst v61  }
.Ltmp8:
0x2aa: {  	s15 =	sadd.s32 s2, s15;
	[tilespmem:s16+$0x160] =	vst v62;
	(pc) =	sbr.rel @p0 .LBB2_2-.Ltmp8, $4  }
0x2ab: {  	[hbm4b:s15+s3] =	stream.linear.scatter [tilespmem:s23], [sflag:$0x5], $0xC800, $0x38;
	[tilespmem:$0x19640] =	vst v63  }
0x2ac: {  	_ =	swait.ge [sflag:s12], $0xC800  }
0x2ad: {  	[sflag:s12] =	ssyncset.done $0x0  }
0x2ae: {  	[sflag:s12] =	ssyncadd.s32 $0xFFFF3800  }
0x2af: {  	s1 =	sadd.s32 $0x1, s1  }
0x2b0: {  	p0 =	sne.s32 s1, s11  }
.Ltmp9:
0x2b1: {  	_ = 	snop;
	(pc) =	sbr.rel @p0 .LBB2_1-.Ltmp9, $1  }
0x2b2: {  	_ =	sdelay $0x3  }
0x2b3: {  	_ =	sfence.sel $0x180000  }
0x2b4: {  	[bflag:$0x0] =	sbarrier.arrive $0xFFFF  }
0x2b5: {  	_ =	strace $0x90000047  }
0x2b6: {  	s0 =	stileid.u32;
	[bflag:$0x2] =	sbarrier.arrive $0xFFFF  }
0x2b7: {  	p0 =	sne.s32 s0, $0x0;
	s0 =	rddreg [dreg:$0x2]  }
0x2b8: {  	s0 =	sadd.s32 @!p0 $0x100000, s0  }
0x2b9: {  	[sflag:s0] =	ssyncadd.tile.s32 @!p0 $0x1;
	_ =	shalt  }
.Lfunc_end2:
_tile_overlayer_lowered:
.L_overlay_start_2:
0x2ba: {  	(tag) =	ssettag $0x2  }
0x2bb: {  	s0 =	rddreg [dreg:$0x0];
	s2 =	stileid.u32  }
0x2bc: {  	s1 =	rddreg [dreg:$0x1];
	p0 =	sne.s32 s2, $0x0  }
0x2bd: {  	s3 =	rddreg [dreg:$0x2];
	[bflag:$0x3] =	sbarrier.arrive $0xFFFF;
	s2 =	simm.s32 @!p0 $0x1C05  }
0x2be: {  	[timem:s3], [sflag:s2] =	dma.local @!p0 [hbm:s0], s1  }
0x2bf: {  	s0 =	simm.s32 @!p0 $0x5  }
0x2c0: {  	_ =	swait.ge @!p0 [sflag:s0], s1  }
0x2c1: {  	s1 =	ssub.s32 @!p0 $0x0, s1;
	[sflag:s0] =	ssyncset.done @!p0 $0x0  }
0x2c2: {  	[sflag:s0] =	ssyncadd.s32 @!p0 s1  }
0x2c3: {  	[bflag:$0x3] =	sbarrier.arrive $0xFFFF  }
0x2c4: {  	_ =	shalt  }

// kernel: sparse-core-data-format-call.cloned.1.call-start
scs
called_computation_lowered:
.L_overlay_start_0:
0x0: {  	s2 =	sld [smem:$0x3FD9]  }
0x1: {  	s3 =	sld [smem:$0x3FFE];
	_ =	sdelay $0x1  }
0x2: {  	s1 =	srdreg.scid  }
0x3: {  	s0 =	sand.u32 $0x1, s1  }
0x4: {  	s18 =	sshll.u32 s0, $0xA;
	s2 =	sadd.s32 s3, s2  }
0x5: {  	s2 =	sadd.s32 s2, s18  }
0x6: {  	[smem:$0x3FC6] =	sst s2  }
0x7: {  	_ = 	snop  }
0x8: {  	s2 =	sld [smem:$0x3FD0];
	(tm) =	ssettm $0x1  }
0x9: {  	s19 =	sld [smem:$0x3FFB];
	_ =	sdelay $0x3  }
0xa: {  	_ =	strace s19  }
0xb: {  	s3 =	sld [smem:$0x3FFC];
	_ =	sdelay $0x3  }
0xc: {  	_ =	strace s3  }
0xd: {  	s3 =	sld [smem:$0x3FFD];
	_ =	sdelay $0x3  }
0xe: {  	_ =	strace s3  }
0xf: {  	_ =	strace $0x8FFFFFFF  }
0x10: {  	s20 =	sld [smem:$0x3FDB];
	_ =	sdelay $0x1  }
0x11: {  	s4 =	simm.s32 $_scs_section_size  }
0x12: {  	s5 =	simm.s32 $_size__tile_overlayer_lowered;
	s6 =	simm.s32 $_tile_overlayer_lowered  }
0x13: {  	s23 =	simm.s32 $0x1BFF;
	s22 =	sshll.u32 s6, $0x1;
	s3 =	sadd.s32 s4, s20  }
0x14: {  	s7 =	simm.s32 $0x0;
	s21 =	sshll.u32 s5, $0x1;
	s5 =	sadd.s32 s22, s3  }
0x15: {  	[timem:s7], [sflag:s23] =	dma.local [hbm:s5], s21  }
0x16: {  	_ =	swait.ge [sflag:s23], s21  }
0x17: {  	s4 =	ssub.s32 $0x0, s21;
	[sflag:s23] =	ssyncset.done $0x0  }
0x18: {  	[sflag:s23] =	ssyncadd.s32 s4;
	_ =	sdelay $0x1  }
0x19: {  	s24 =	simm.s32 $0x1B8B  }
0x1a: {  	_ =	swait.ge [sflag:s24], $0x1  }
0x1b: {  	[sflag:s24] =	ssyncset.done $0x0  }
0x1c: {  	s26 =	simm.s32 $0x1B8E;
	s25 =	sld [smem:$0x3FFE];
	[sflag:s24] =	ssyncadd.s32 $0xFFFFFFFF  }
0x1d: {  	s27 =	simm.s32 $execute0_lowered;
	[smem:$0x3FD2] =	sst s26  }
0x1e: {  	s5 =	sshll.u32 s27, $0x1;
	_ =	strace $0x80000049;
	[dreg:$0x1] =	wrdreg $0xFFFFFFFF  }
0x1f: {  	s28 =	simm.s32 $_size_execute0_lowered;
	s3 =	sadd.s32 s3, s5;
	[dreg:$0x0] =	wrdreg $0x0  }
0x20: {  	s5 =	sshll.u32 s28, $0x1;
	[dreg:$0x2] =	wrdreg s3  }
0x21: {  	[dreg:$0x3] =	wrdreg s5  }
0x22: {  	[dreg:$0x4] =	wrdreg $0xC0  }
0x23: {  	_ =	task [dreg:s7], $0x5FFFF  }
0x24: {  	[dreg:$0x1] =	wrdreg $0xFFFFFFFF  }
0x25: {  	[dreg:$0x0] =	wrdreg $0x60  }
0x26: {  	[dreg:$0x2] =	wrdreg s25  }
0x27: {  	[dreg:$0x3] =	wrdreg s2  }
0x28: {  	[dreg:$0x4] =	wrdreg $0x9  }
0x29: {  	_ =	task.clear_ibuf [dreg:s7], $0x5FFFF;
	_ =	strace $0x90000049  }
0x2a: {  	s29 =	simm.s32 $0x9;
	_ =	strace $0x8000004B  }
0x2b: {  	_ =	swait.ge [sflag:s29], $0x1  }
0x2c: {  	[sflag:s29] =	ssyncadd.s32 $0xFFFFFFFF  }
0x2d: {  	_ =	strace $0x9000004B  }
0x2e: {  	_ =	sfence  }
0x2f: {  	s30 =	sld [smem:$0x0];
	_ =	sdelay $0x2  }
0x30: {  	s31 =	sshll.u32 s1, $0xD;
	s1 =	sshrl.u32 s1, $0x2  }
0x31: {  	s3 =	sand.u32 $0x4000, s31;
	s1 =	sadd.s32 s1, s30  }
0x32: {  	s0 =	sor.u32 s3, s0;
	s1 =	sshll.u32 s1, $0x11  }
0x33: {  	s0 =	sor.u32 s1, s0  }
0x34: {  	s0 =	sadd.s32 $0x8F2B, s0  }
0x35: {  	[sflag:s0] =	ssyncadd.remote.s32 $0x1  }
0x36: {  	_ =	sfence.sel $0xFFFF  }
0x37: {  	[dreg:$0x0] =	wrdreg $0xFFFFFFFF;
	(pc) =	sbr.abs _section_cstart, $3  }
0x38: {  	[dreg:$0x1] =	wrdreg $0xFFFFFFFF  }
0x39: {  	_ =	task.clear_ibuf [dreg:s7], $0x2FFFF;
	_ =	strace $0x9FFFFFFF  }
0x3a: {  	(tm) =	ssettm $0x7FFFFFFF  }
0x3b: {  	_ =	shalt  }
tec
execute0_lowered:
.L_overlay_start_1:
0x0: {  	(tag) =	ssettag $0x1  }
0x1: {  	s0 =	srdreg.scid  }
0x2: {  	s1 =	sshll.u32 s0, $0x4  }
0x3: {  	s0 =	stileid.u32;
	s1 =	sand.u32 $0x10, s1  }
0x4: {  	s1 =	sor.u32 s0, s1  }
0x5: {  	s6 =	rddreg [dreg:$0x0];
	s4 =	simm.s32 $0x1;
	s2 =	sshll.u32 s1, $0x7  }
0x6: {  	s7 =	simm.s32 $0x2;
	s12 =	simm.s32 $0x0;
	s1 =	ssub.s32 $0x4000, s2  }
0x7: {  	s8 =	simm.s32 $0x20000;
	s13 =	simm.s32 $0x0;
	s3 =	sand.u32 $0xF80, s1  }
0x8: {  	s9 =	simm.s32 $0x0;
	s5 =	sshrl.u32 s1, $0xC;
	p0 =	sne.s32 s3, $0x0  }
.Ltmp0:
0x9: {  	s1 =	rddreg [dreg:$0x2];
	s4 =	simm.s32 @!p0 $0x0;
	(pc) =	sbr.rel .LBB1_1-.Ltmp0, $4  }
0xa: {  	s11 =	simm.s32 $0x0;
	s3 =	rddreg [dreg:$0x1];
	s5 =	sadd.s32 s4, s5  }
0xb: {  	_ =	strace $0x8000004A;
	s4 =	simm.s32 $0x1;
	s5 =	smul.u32 $0xC8, s5  }
0xc: {  	s6 =	sadd.s32 $0x800, s6;
	s10 =	smov.u32 s2;
	[sflag:s4] =	ssyncpa.u1 $0x0  }
0xd: {  	p0 =	por $0x0, $0x0;
	[sflag:s7] =	ssyncpa.u1 $0x0;
	s7 =	sor.u32 $0x1, s5  }
.LBB1_4:
0xe: {  	s16 =	sshll.u32 s13, $0x3;
	s17 =	sand.u32 $0x78, s13  }
0xf: {  	s30 =	sand.u32 $0x1F800, s13;
	s12 =	sshll.u32 s12, $0x11;
	s16 =	sand.u32 $0x3C00, s16  }
0x10: {  	[tilespmem:s15+$0x810 ss:$0x81] =	vst.msk $0xffff, v2;
	s31 =	sand.u32 $0x7, s13;
	s16 =	sor.u32 s17, s16;
	s17 =	sadd.s32 s3, s30  }
0x11: {  	[tilespmem:s15+$0x1020 ss:$0x81] =	vst.msk $0xffff, v0;
	s13 =	sshll.u32 s31, $0x12;
	s12 =	sadd.s32 s12, s17;
	s16 =	sshrl.u32 s16, $0x3  }
0x12: {  	[tilespmem:s15+$0x0 ss:$0x81] =	vst.msk $0xffff, v1;
	s13 =	sor.u32 $0x400, s13;
	s12 =	sadd.s32 s16, s12  }
0x13: {  	[hbm4b:s12+s13] =	stream.strided.scatter [tilespmem:s14], [sflag:$0x2], $0x2000, s8, s13, $0x20;
	[tilespmem:$0x8080] =	vst v63  }
.LBB1_5:
0x14: {  	s14 =	sadd.s32 $0x1, s9  }
0x15: {  	s12 =	sadd.s32 $0x1000, s10;
	s16 =	smov.u32 s10;
	p2 =	sgt.s32 s14, $0xC7  }
0x16: {  	s16 =	smov.u32 @p2 s12  }
0x17: {  	s14 =	simm.s32 @p2 $0x0;
	p2 =	sgt.s32 s16, $0x3FFF  }
0x18: {  	s16 =	smov.u32 @p2 s2;
	p2 =	sne.s32 s11, s7  }
.Ltmp1:
0x19: {  	p1 =	slt.u32 s11, $0x2;
	(pc) =	sbr.rel @!p2 .LBB1_6-.Ltmp1, $4  }
0x1a: {  	s15 =	simm.s32 @!p1 $0x2  }
0x1b: {  	s13 =	smov.u32 s10;
	p0 =	por !p0, !p0;
	_ =	swait.ge @!p1 [sflag:s15], $0x2000  }
0x1c: {  	s12 =	smov.u32 s9;
	[sflag:s15] =	ssyncset.done @!p1 $0x0;
	s9 =	smov.u32 s14  }
0x1d: {  	s11 =	sadd.s32 $0x1, s11;
	[sflag:s15] =	ssyncadd.s32 @!p1 $0xFFFFE000;
	s10 =	smov.u32 s16  }
.LBB1_1:
0x1e: {  	p1 =	sge.u32 s11, s5  }
0x1f: {  	s14 =	sand.u32 @!p1 $0x1FFFFFF, s9  }
0x20: {  	s15 =	smulhi.u32 @!p1 $0x147AE15, s14;
	_ =	sdelay $0x1  }
0x21: {  	s15 =	smul.u32 @!p1 $0xC8, s15  }
0x22: {  	s16 =	sxor.u32 @!p1 $0xFFFFFFFF, s11;
	s17 =	smul.u32 @!p1 $0xC80, s10  }
0x23: {  	s31 =	sadd.s32 $0xFFFFFFFF, s11;
	s16 =	sshll.u32 @!p1 s16, $0xD;
	s14 =	ssub.s32 @!p1 s14, s15  }
0x24: {  	s15 =	sand.u32 @!p1 $0x2000, s16;
	s16 =	sadd.s32 @!p1 s6, s17;
	s14 =	sshll.u32 @!p1 s14, $0x4  }
0x25: {  	s17 =	simm.s32 @!p1 $0x6400;
	s14 =	sadd.s32 @!p1 s14, s16;
	s16 =	simm.s32 @!p1 $0x40  }
0x26: {  	[tilespmem:s15], [sflag:$0x1] =	stream.strided.gather @!p1 [hbm4b:s14+s16], $0x2000, s17, s16, $0x38;
	[tilespmem:$0x8080] =	vst v63  }
0x27: {  	p1 =	sge.u32 s31, s5  }
.Ltmp2:
0x28: {  	_ = 	snop;
	(pc) =	sbr.rel @p1 .LBB1_5-.Ltmp2, $1  }
0x29: {  	_ =	sdelay $0x3  }
0x2a: {  	s14 =	simm.s32 $0x1  }
0x2b: {  	_ =	swait.ge [sflag:s4], $0x2000;
	s14 =	simm.s32 @!p0 $0x0  }
0x2c: {  	[sflag:s4] =	ssyncset.done $0x0;
	s15 =	sshll.u32 s14, $0xD  }
0x2d: {  	[sflag:s4] =	ssyncadd.s32 $0xFFFFE000;
	s18 =	sor.u32 $0x20, s15  }
0x2e: {  	s14 =	smul.u32 $0x8100, s14;
	v3 =	vld [tilespmem:s18+$0x10]  }
0x2f: {  	s30 =	sand.u32 $0x1, s11;
	v2 =	vld [tilespmem:s18+$0xFFFFFFF0]  }
0x30: {  	s15 =	smul.u32 $0x8100, s30;
	s14 =	sshrl.u32 s14, $0x2;
	v0 =	vld [tilespmem:s18+$0x0]  }
0x31: {  	v1 =	vld [tilespmem:s18+$0xFFFFFFE0];
	s16 =	sor.u32 $0x4000, s14  }
0x32: {  	s31 =	sshrl.u32 s15, $0x2;
	s15 =	sadd.s32 $0x0, s16  }
0x33: {  	s17 =	simm.s32 $0x4;
	s18 =	sadd.s32 $0x40, s18;
	s14 =	sor.u32 $0x4000, s31;
	[tilespmem:s15+$0x1830 ss:$0x81] =	vst.msk $0xffff, v3  }
.LBB1_3:
0x34: {  	v3 =	vld [tilespmem:s18+$0x10];
	p1 =	sne.s32 s17, $0x1FC;
	[tilespmem:s15+$0x810 ss:$0x81] =	vst.msk $0xffff, v2;
	s19 =	smov.u32 s17;
	s17 =	sadd.s32 $0x4, s17  }
.Ltmp3:
0x35: {  	v2 =	vld [tilespmem:s18+$0xFFFFFFF0];
	[tilespmem:s15+$0x1020 ss:$0x81] =	vst.msk $0xffff, v0;
	(pc) =	sbr.rel @p1 .LBB1_3-.Ltmp3, $4  }
0x36: {  	v0 =	vld [tilespmem:s18+$0x0];
	[tilespmem:s15+$0x0 ss:$0x81] =	vst.msk $0xffff, v1  }
0x37: {  	s15 =	sshra.s32 s19, $0x2;
	v1 =	vld [tilespmem:s18+$0xFFFFFFE0]  }
0x38: {  	s15 =	sadd.s32 s15, s16  }
0x39: {  	s18 =	sadd.s32 $0x40, s18;
	[tilespmem:s15+$0x1830 ss:$0x81] =	vst.msk $0xffff, v3  }
.Ltmp4:
0x3a: {  	_ = 	snop;
	(pc) =	sbr.rel .LBB1_4-.Ltmp4, $1  }
0x3b: {  	_ =	sdelay $0x3  }
.LBB1_6:
0x3c: {  	_ =	sfence.sel $0x180000  }
0x3d: {  	s2 =	simm.s32 $0x1;
	[bflag:$0x0] =	sbarrier.arrive $0xFFFF  }
0x3e: {  	s31 =	simm.s32 $0x2;
	[sflag:s2] =	ssyncpa.u1 $0x1  }
0x3f: {  	[sflag:s31] =	ssyncpa.u1 $0x1  }
0x40: {  	p0 =	sne.s32 s0, $0x0;
	_ =	strace $0x9000004A  }
0x41: {  	s0 =	sadd.s32 @!p0 $0x100000, s1;
	[bflag:$0x2] =	sbarrier.arrive $0xFFFF  }
0x42: {  	[sflag:s0] =	ssyncadd.tile.s32 @!p0 $0x1;
	_ =	shalt  }
.Lfunc_end1:
_tile_overlayer_lowered:
.L_overlay_start_2:
0x43: {  	(tag) =	ssettag $0x2  }
0x44: {  	s0 =	rddreg [dreg:$0x0];
	s2 =	stileid.u32  }
0x45: {  	s1 =	rddreg [dreg:$0x1];
	p0 =	sne.s32 s2, $0x0  }
0x46: {  	s3 =	rddreg [dreg:$0x2];
	[bflag:$0x3] =	sbarrier.arrive $0xFFFF;
	s2 =	simm.s32 @!p0 $0x1C01  }
0x47: {  	[timem:s3], [sflag:s2] =	dma.local @!p0 [hbm:s0], s1  }
0x48: {  	s0 =	simm.s32 @!p0 $0x1  }
0x49: {  	_ =	swait.ge @!p0 [sflag:s0], s1  }
0x4a: {  	s1 =	ssub.s32 @!p0 $0x0, s1;
	[sflag:s0] =	ssyncset.done @!p0 $0x0  }
0x4b: {  	[sflag:s0] =	ssyncadd.s32 @!p0 s1  }
0x4c: {  	[bflag:$0x3] =	sbarrier.arrive $0xFFFF  }
0x4d: {  	_ =	shalt  }

</sc_bundles>
